<compile_context>
chip_gen: v7x
topology: tpu7x:2x2x1
jax: 0.10.2.dev20260603
libtpu: 0.0.44.dev20260713+nightly
codegen_flags: <defaults>
</compile_context>

<pallas_src>
import functools

import jax
import jax.numpy as jnp
from jax import lax
from jax.experimental import pallas as pl
from jax.experimental.pallas import tpu as pltpu
from jax.experimental.pallas import tpu_sc as plsc

NTX = 4
NSC = 12
NSYM = 14
NPRB = 273
NRE = NPRB * NSC
NRX = 16
NB = 8
NW = NB * NTX
ROWS_W = NPRB * NSC * NSYM
CHUNK = 2048
NFULL = ROWS_W // CHUNK
TAIL = ROWS_W - NFULL * CHUNK
GSUB = 128


def _focc_body(h_ref, hq_ref):
    row = lax.broadcasted_iota(jnp.int32, (NRE, NRX), 0)
    even = (row % 2) == 0
    for tx in range(NTX):
        x = h_ref[0, :, tx, :]
        up = pltpu.roll(x, NRE - 1, 0)
        dn = pltpu.roll(x, 1, 0)
        partner = jnp.where(even, up, dn)
        hq_ref[0, tx, :, :] = (x + partner) * 0.5


def _idx_pe_body(ofdm_ref, scp_ref, idx_ref, pe_ref):
    b = pl.program_id(0)
    tx = pl.program_id(1)

    j = lax.broadcasted_iota(jnp.int32, (NPRB, NSC * NSYM), 1)
    s = j // NSYM
    y = j % NSYM
    r = y * NSC + s
    sc_r = r // NSYM
    sym_r = r % NSYM
    best = None
    arg = None
    for p in range(12):
        scp = scp_ref[tx, p // 2]
        symp = ofdm_ref[tx, p % 2]
        d = jnp.abs(sc_r - scp) + jnp.abs(sym_r - symp)
        if p == 0:
            best = d
            arg = jnp.zeros_like(d)
        else:
            take = d < best
            best = jnp.where(take, d, best)
            arg = jnp.where(take, p, arg)

    grp = lax.broadcasted_iota(jnp.int32, (NPRB, NSC * NSYM), 0)
    g = grp * NSC + arg
    pg = g // (2 * NPRB)
    dg = (g // NPRB) % 2
    prb = g % NPRB
    mval = dg * (6 * NPRB) + pg * NPRB + prb
    base = (b * NTX + tx) * NRE
    idx_ref[0, 0, :, :] = base + mval

    t_i = lax.broadcasted_iota(jnp.int32, (NRE, NSYM), 0)
    a2 = lax.broadcasted_iota(jnp.int32, (NRE, NSYM), 1)
    b2 = t_i % NSC
    r2 = a2 * NSC + b2
    sc2 = r2 // NSYM
    sym2 = r2 % NSYM
    m0 = None
    m1 = None
    for p in range(12):
        d0 = jnp.abs(sc2 - scp_ref[tx, p // 2])
        d1 = jnp.abs(sym2 - ofdm_ref[tx, p % 2])
        m0 = d0 if m0 is None else jnp.minimum(m0, d0)
        m1 = d1 if m1 is None else jnp.minimum(m1, d1)

    def norm(m):
        mf = m.astype(jnp.float32)
        mean = jnp.sum(mf) / float(NRE * NSYM)
        ctr = mf - mean
        var = jnp.sum(ctr * ctr) / float(NPRB) / float(NSC * NSYM - 1)
        std = jnp.sqrt(var)
        return jnp.where(std > 0.0, ctr / std, ctr)

    pe_ref[0, 0, :, :] = norm(m1)
    pe_ref[0, 1, :, :] = norm(m0)


def _gather_body(hq_ref, idx_ref, out_ref, idx_v, rows0, rows1,
                 gs0, gs1, ss0, ss1, isem):
    cid = lax.axis_index("c")
    sid = lax.axis_index("s")
    w = sid * 2 + cid
    row0 = w * ROWS_W

    pltpu.async_copy(idx_ref.at[pl.ds(row0, ROWS_W)], idx_v, isem).wait()

    def gather_chunk(t, buf, gsem):
        cps = []
        for gsub in range(CHUNK // GSUB):
            off = t * CHUNK + gsub * GSUB
            cps.append(pltpu.async_copy(
                hq_ref.at[idx_v.at[pl.ds(off, GSUB)]],
                buf.at[pl.ds(gsub * GSUB, GSUB)],
                gsem))
        for cp in cps:
            cp.wait()

    def start_store(t, buf, ssem):
        pltpu.async_copy(buf, out_ref.at[pl.ds(row0 + t * CHUNK, CHUNK)], ssem)

    def drain_store(buf, ssem):
        pltpu.make_async_copy(buf, out_ref.at[pl.ds(row0, CHUNK)], ssem).wait()

    def pair(i, _):
        t = i * 2

        @pl.when(t >= 2)
        def _():
            drain_store(rows0, ss0)

        gather_chunk(t, rows0, gs0)
        start_store(t, rows0, ss0)

        @pl.when(t >= 2)
        def _():
            drain_store(rows1, ss1)

        gather_chunk(t + 1, rows1, gs1)
        start_store(t + 1, rows1, ss1)
        return 0

    lax.fori_loop(0, NFULL // 2, pair, 0)

    drain_store(rows0, ss0)
    toff = NFULL * CHUNK
    cps = []
    for gsub in range(TAIL // GSUB):
        cps.append(pltpu.async_copy(
            hq_ref.at[idx_v.at[pl.ds(toff + gsub * GSUB, GSUB)]],
            rows0.at[pl.ds(gsub * GSUB, GSUB)],
            gs0))
    rem = TAIL % GSUB
    cps.append(pltpu.async_copy(
        hq_ref.at[idx_v.at[pl.ds(toff + (TAIL // GSUB) * GSUB, rem)]],
        rows0.at[pl.ds((TAIL // GSUB) * GSUB, rem)],
        gs0))
    for cp in cps:
        cp.wait()
    st = pltpu.async_copy(rows0.at[pl.ds(0, TAIL)],
                          out_ref.at[pl.ds(row0 + toff, TAIL)], ss0)
    st.wait()
    drain_store(rows1, ss1)


def _focc(h_hat_ls, interpret=False):
    return pl.pallas_call(
        _focc_body,
        grid=(NB,),
        in_specs=[pl.BlockSpec((1, NRE, NTX, NRX), lambda b: (b, 0, 0, 0))],
        out_specs=pl.BlockSpec((1, NTX, NRE, NRX), lambda b: (b, 0, 0, 0)),
        out_shape=jax.ShapeDtypeStruct((NB, NTX, NRE, NRX), jnp.float32),
        interpret=interpret,
    )(h_hat_ls)


def _idx_pe(ofdm, scp, interpret=False):
    return pl.pallas_call(
        _idx_pe_body,
        grid=(NB, NTX),
        in_specs=[
            pl.BlockSpec(memory_space=pltpu.SMEM),
            pl.BlockSpec(memory_space=pltpu.SMEM),
        ],
        out_specs=[
            pl.BlockSpec((1, 1, NPRB, NSC * NSYM), lambda b, tx: (b, tx, 0, 0)),
            pl.BlockSpec((1, 2, NRE, NSYM), lambda b, tx: (tx, 0, 0, 0)),
        ],
        out_shape=[
            jax.ShapeDtypeStruct((NB, NTX, NPRB, NSC * NSYM), jnp.int32),
            jax.ShapeDtypeStruct((NTX, 2, NRE, NSYM), jnp.float32),
        ],
        interpret=interpret,
    )(ofdm, scp)


def _gather(hq_flat, idx_flat):
    mesh = plsc.VectorSubcoreMesh(
        core_axis_name="c", subcore_axis_name="s",
        num_cores=2, num_subcores=16)
    run = functools.partial(
        pl.kernel,
        out_type=jax.ShapeDtypeStruct((NW * ROWS_W, NRX), jnp.float32),
        mesh=mesh,
        scratch_types=[
            pltpu.VMEM((ROWS_W,), jnp.int32),
            pltpu.VMEM((CHUNK, NRX), jnp.float32),
            pltpu.VMEM((CHUNK, NRX), jnp.float32),
            pltpu.SemaphoreType.DMA,
            pltpu.SemaphoreType.DMA,
            pltpu.SemaphoreType.DMA,
            pltpu.SemaphoreType.DMA,
            pltpu.SemaphoreType.DMA,
        ],
        compiler_params=pltpu.CompilerParams(use_tc_tiling_on_sc=False),
    )(_gather_body)
    return run(hq_flat, idx_flat)


def kernel(y, h_hat_ls, dmrs_ofdm_pos, dmrs_subcarrier_pos):
    del y
    hq = _focc(h_hat_ls)
    idx, pe_raw = _idx_pe(dmrs_ofdm_pos.astype(jnp.int32),
                          dmrs_subcarrier_pos.astype(jnp.int32))
    out_flat = _gather(hq.reshape(NW * NRE, NRX), idx.reshape(NW * ROWS_W))
    h_hat = out_flat.reshape(NB, NTX, NRE, NSYM, NRX)
    pe = jnp.transpose(pe_raw, (0, 2, 3, 1))
    return (h_hat, pe)

# --- scband reference (transcript-rebuilt; emitter-appended) ---
"""Pipeline reference for scband-nrpreprocessing-7962869366838 (READ-ONLY COPY).

The authoritative reference and input builder live on the scoring server;
editing this copy changes nothing except your own understanding.
"""

import jax, jax.numpy as jnp
import numpy as np

NUM_TX = 4
NUM_RES_PER_PRB = 12

def _focc_removal(h_hat):
    s = h_hat.shape
    h = h_hat.reshape(s[0], s[1], s[2], -1, 2)
    h = jnp.sum(h, axis=-1, keepdims=True) / 2.0
    h = jnp.repeat(h, 2, axis=-1)
    return h.reshape(s[0], s[1], s[2], -1)

def _calculate_nn_indices(dmrs_ofdm_pos, dmrs_subcarrier_pos, num_ofdm_symbols, num_prbs):
    g0, g1 = jnp.meshgrid(jnp.arange(NUM_RES_PER_PRB), jnp.arange(num_ofdm_symbols), indexing='ij')
    re_pos = jnp.stack([g0, g1], axis=-1).reshape(-1, 1, 2)
    pes = []
    nn_idxs = []
    for tx in range(NUM_TX):
        p0, p1 = jnp.meshgrid(dmrs_subcarrier_pos[tx], dmrs_ofdm_pos[tx], indexing='ij')
        pilot_pos = jnp.stack([p0, p1], axis=-1).reshape(1, -1, 2)
        diff = jnp.abs(re_pos - pilot_pos)
        dist = jnp.sum(diff, axis=-1)
        nn_idx = jnp.argmin(dist, axis=1).reshape(1, 1, num_ofdm_symbols, NUM_RES_PER_PRB)
        pe = jnp.min(diff, axis=1).reshape(1, num_ofdm_symbols, NUM_RES_PER_PRB, 2)
        pe = jnp.transpose(pe, (0, 2, 1, 3)).astype(jnp.float32)
        comps = []
        for c in (1, 0):
            pc = pe[..., c:c + 1]
            pc = pc - jnp.mean(pc)
            std = jnp.std(pc, ddof=1)
            pc = jnp.where(std > 0.0, pc / std, pc)
            comps.append(pc)
        pe = jnp.concatenate(comps, axis=-1)
        pes.append(pe)
        nn_idxs.append(nn_idx)
    pe = jnp.concatenate(pes, axis=0)
    pe = jnp.tile(pe, (1, num_prbs, 1, 1))
    nn_idx = jnp.concatenate(nn_idxs, axis=0)
    return nn_idx, pe

def _nn_interpolation(h_hat, num_ofdm_symbols, dmrs_ofdm_pos, dmrs_subcarrier_pos):
    num_pilots_per_dmrs = dmrs_subcarrier_pos.shape[1]
    num_prbs = h_hat.shape[-1] // (num_pilots_per_dmrs * dmrs_ofdm_pos.shape[-1])
    s = h_hat.shape
    h = h_hat.reshape(s[0], s[1], s[2], -1, num_pilots_per_dmrs, num_prbs)
    h = jnp.transpose(h, (0, 1, 2, 4, 3, 5)).reshape(s)
    h = h[:, None, :, :, None, :]
    h = jnp.transpose(h, (3, 4, 5, 0, 1, 2))
    nn_idx, pe = _calculate_nn_indices(dmrs_ofdm_pos, dmrs_subcarrier_pos, num_ofdm_symbols, num_prbs)
    s2 = h.shape
    h_prb = h.reshape(s2[0], s2[1], num_prbs, -1, s2[3], s2[4], s2[5])
    h_prb = jnp.transpose(h_prb, (0, 1, 3, 2, 4, 5, 6))
    idx = nn_idx.reshape(s2[0], s2[1], -1)[:, :, :, None, None, None, None]
    idx = jnp.broadcast_to(idx, (s2[0], s2[1], num_ofdm_symbols * NUM_RES_PER_PRB) + h_prb.shape[3:])
    outputs = jnp.take_along_axis(h_prb, idx, axis=2)
    outputs = outputs.reshape((s2[0], s2[1], num_ofdm_symbols, NUM_RES_PER_PRB) + h_prb.shape[3:])
    outputs = jnp.transpose(outputs, (0, 1, 2, 4, 3, 5, 6, 7))
    so = outputs.shape
    outputs = outputs.reshape(so[0], so[1], so[2], num_prbs * NUM_RES_PER_PRB, so[5], so[6], so[7])
    h_out = jnp.transpose(outputs, (4, 5, 6, 0, 1, 2, 3))
    return h_out, pe

def setup_inputs(seed: int = 0) -> dict:
    key = jax.random.key(seed)
    k1, k2, k3, k4 = jax.random.split(key, 4)
    y = jax.random.normal(k1, (8, 16, 14, 3276), dtype=jnp.float32)
    h_hat_ls = jax.random.normal(k2, (8, 3276, 4, 16), dtype=jnp.float32)
    dmrs_ofdm_pos = jnp.sort(jax.random.randint(k3, (4, 2), 0, 14), axis=-1)
    dmrs_subcarrier_pos = jnp.sort(jax.random.randint(k4, (4, 6), 0, 12), axis=-1)
    return {"y": y, "h_hat_ls": h_hat_ls, "dmrs_ofdm_pos": dmrs_ofdm_pos, "dmrs_subcarrier_pos": dmrs_subcarrier_pos}

def reference(y, h_hat_ls, dmrs_ofdm_pos, dmrs_subcarrier_pos):
    num_ofdm_symbols = y.shape[2]
    h = jnp.transpose(h_hat_ls, (0, 3, 2, 1))
    h = _focc_removal(h)
    h_hat, pe = _nn_interpolation(h, num_ofdm_symbols, dmrs_ofdm_pos, dmrs_subcarrier_pos)
    h_hat = h_hat[:, 0, :, :NUM_TX, 0]
    h_hat = jnp.transpose(h_hat, (0, 2, 4, 3, 1))
    return (h_hat, pe)

if __name__ == "__main__":
    import jax
    _d = setup_inputs()
    print(jax.jit(kernel)(*tuple(_d.values())))

</pallas_src>

<mosaic_0001>
#map = affine_map<(d0, d1) -> (0, 0)>
#map1 = affine_map<(d0, d1) -> (0)>
module attributes {stable_mosaic.version = 14 : i64} {
  func.func @_gather_body(%arg0: i32, %arg1: i32, %arg2: memref<104832x16xf32, #tpu.memory_space<hbm>>, %arg3: memref<1467648xi32, #tpu.memory_space<hbm>>, %arg4: memref<1467648x16xf32, #tpu.memory_space<hbm>>, %arg5: memref<45864xi32, #tpu.memory_space<vmem>>, %arg6: memref<2048x16xf32, #tpu.memory_space<vmem>>, %arg7: memref<2048x16xf32, #tpu.memory_space<vmem>>, %arg8: memref<!tpu.dma_semaphore, #tpu.memory_space<semaphore_mem>>, %arg9: memref<!tpu.dma_semaphore, #tpu.memory_space<semaphore_mem>>, %arg10: memref<!tpu.dma_semaphore, #tpu.memory_space<semaphore_mem>>, %arg11: memref<!tpu.dma_semaphore, #tpu.memory_space<semaphore_mem>>, %arg12: memref<!tpu.dma_semaphore, #tpu.memory_space<semaphore_mem>>) attributes {dimension_semantics = [#tpu.dimension_semantics<core_parallel>, #tpu.dimension_semantics<subcore_parallel>], iteration_bounds = array<i64: 2, 16>, scalar_prefetch = 0 : i64, scratch_operands = 8 : i64, tpu.core_type = #tpu.core_type<sc_vector_subcore>, window_params = [{transform_indices = #map}, {transform_indices = #map1}, {transform_indices = #map}]} {
    %mul3A = arith.constant 2 : i32
    %mul3A_0 = arith.muli %arg1, %mul3A : i32
    %add3A = arith.addi %mul3A_0, %arg0 : i32
    %mul3A_1 = arith.constant 45864 : i32
    %mul3A_2 = arith.muli %add3A, %mul3A_1 : i32
    %dma_start3A = tpu.memref_slice %arg3[%mul3A_2] : memref<1467648xi32, #tpu.memory_space<hbm>> -> memref<45864xi32, #tpu.memory_space<hbm>>
    %dma_start3A_3 = tpu.memref_slice %arg3[%mul3A_2] : memref<1467648xi32, #tpu.memory_space<hbm>> -> memref<45864xi32, #tpu.memory_space<hbm>>
    tpu.enqueue_dma source(%dma_start3A_3 : memref<45864xi32, #tpu.memory_space<hbm>>) target(%arg5 : memref<45864xi32, #tpu.memory_space<vmem>>) target_semaphore(%arg12 : memref<!tpu.dma_semaphore, #tpu.memory_space<semaphore_mem>>)
    %dma_wait3A = tpu.memref_slice %arg3[%mul3A_2] : memref<1467648xi32, #tpu.memory_space<hbm>> -> memref<45864xi32, #tpu.memory_space<hbm>>
    %dma_wait3A_4 = tpu.memref_slice %arg3[%mul3A_2] : memref<1467648xi32, #tpu.memory_space<hbm>> -> memref<45864xi32, #tpu.memory_space<hbm>>
    tpu.wait_dma2 semaphore(%arg12 : memref<!tpu.dma_semaphore, #tpu.memory_space<semaphore_mem>>) src(%dma_wait3A_4 : memref<45864xi32, #tpu.memory_space<hbm>>) dst(%arg5 : memref<45864xi32, #tpu.memory_space<vmem>>)
    %scan3A = arith.constant 0 : i32
    %scan3A_5 = arith.constant 0 : i32
    %scan3A_6 = arith.constant 11 : i32
    %scan3A_7 = arith.addi %scan3A_5, %scan3A_6 : i32
    %scan3A_8 = arith.constant 1 : i32
    %scan3A_9 = scf.for %scan3A_153 = %scan3A_5 to %scan3A_7 step %scan3A_8 iter_args(%scan3A_154 = %scan3A) -> (i32)  : i32 {
      %mul3A_155 = arith.constant 2 : i32
      %mul3A_156 = arith.muli %scan3A_153, %mul3A_155 : i32
      %ge3A = arith.constant 2 : i32
      %ge3A_157 = arith.cmpi sge, %mul3A_156, %ge3A : i32
      %convert_element_type3A = arith.extui %ge3A_157 : i1 to i32
      %cond3A = arith.constant 0 : i32
      %cond3A_158 = arith.cmpi ne, %convert_element_type3A, %cond3A : i32
      scf.if %cond3A_158 {
        %dma_wait3A_759 = arith.constant 0 : i32
        %dma_wait3A_760 = tpu.memref_slice %arg4[%mul3A_2, %dma_wait3A_759] : memref<1467648x16xf32, #tpu.memory_space<hbm>> -> memref<2048x16xf32, #tpu.memory_space<hbm>>
        %dma_wait3A_761 = arith.constant 0 : i32
        %dma_wait3A_762 = tpu.memref_slice %arg4[%mul3A_2, %dma_wait3A_761] : memref<1467648x16xf32, #tpu.memory_space<hbm>> -> memref<2048x16xf32, #tpu.memory_space<hbm>>
        tpu.wait_dma2 semaphore(%arg10 : memref<!tpu.dma_semaphore, #tpu.memory_space<semaphore_mem>>) src(%arg6 : memref<2048x16xf32, #tpu.memory_space<vmem>>) dst(%dma_wait3A_762 : memref<2048x16xf32, #tpu.memory_space<hbm>>)
      } else {
      }
      %mul3A_159 = arith.constant 2048 : i32
      %mul3A_160 = arith.muli %mul3A_156, %mul3A_159 : i32
      %add3A_161 = arith.constant 0 : i32
      %add3A_162 = arith.addi %mul3A_160, %add3A_161 : i32
      %dma_start3A_163 = arith.constant 0 : i32
      %dma_start3A_164 = arith.constant 0 : i32
      %dma_start3A_165 = tpu.memref_slice %arg6[%dma_start3A_163, %dma_start3A_164] : memref<2048x16xf32, #tpu.memory_space<vmem>> -> memref<128x16xf32, #tpu.memory_space<vmem>>
      %dma_start3A_166 = tpu.memref_slice %arg5[%add3A_162] : memref<45864xi32, #tpu.memory_space<vmem>> -> memref<128xi32, #tpu.memory_space<vmem>>
      %dma_start3A_167 = arith.constant 0 : i32
      %dma_start3A_168 = arith.constant 0 : i32
      %dma_start3A_169 = tpu.memref_slice %arg2[%dma_start3A_167, %dma_start3A_168] : memref<104832x16xf32, #tpu.memory_space<hbm>> -> memref<104832x16xf32, #tpu.memory_space<hbm>>
      tpu.enqueue_indirect_dma source(%dma_start3A_169 : memref<104832x16xf32, #tpu.memory_space<hbm>>) target(%dma_start3A_165 : memref<128x16xf32, #tpu.memory_space<vmem>>) offsets(%dma_start3A_166 : memref<128xi32, #tpu.memory_space<vmem>>) semaphore(%arg8 : memref<!tpu.dma_semaphore, #tpu.memory_space<semaphore_mem>>)
      %mul3A_170 = arith.constant 2048 : i32
      %mul3A_171 = arith.muli %mul3A_156, %mul3A_170 : i32
      %add3A_172 = arith.constant 128 : i32
      %add3A_173 = arith.addi %mul3A_171, %add3A_172 : i32
      %dma_start3A_174 = arith.constant 128 : i32
      %dma_start3A_175 = arith.constant 0 : i32
      %dma_start3A_176 = tpu.memref_slice %arg6[%dma_start3A_174, %dma_start3A_175] : memref<2048x16xf32, #tpu.memory_space<vmem>> -> memref<128x16xf32, #tpu.memory_space<vmem>>
      %dma_start3A_177 = tpu.memref_slice %arg5[%add3A_173] : memref<45864xi32, #tpu.memory_space<vmem>> -> memref<128xi32, #tpu.memory_space<vmem>>
      %dma_start3A_178 = arith.constant 0 : i32
      %dma_start3A_179 = arith.constant 0 : i32
      %dma_start3A_180 = tpu.memref_slice %arg2[%dma_start3A_178, %dma_start3A_179] : memref<104832x16xf32, #tpu.memory_space<hbm>> -> memref<104832x16xf32, #tpu.memory_space<hbm>>
      tpu.enqueue_indirect_dma source(%dma_start3A_180 : memref<104832x16xf32, #tpu.memory_space<hbm>>) target(%dma_start3A_176 : memref<128x16xf32, #tpu.memory_space<vmem>>) offsets(%dma_start3A_177 : memref<128xi32, #tpu.memory_space<vmem>>) semaphore(%arg8 : memref<!tpu.dma_semaphore, #tpu.memory_space<semaphore_mem>>)
      %mul3A_181 = arith.constant 2048 : i32
      %mul3A_182 = arith.muli %mul3A_156, %mul3A_181 : i32
      %add3A_183 = arith.constant 256 : i32
      %add3A_184 = arith.addi %mul3A_182, %add3A_183 : i32
      %dma_start3A_185 = arith.constant 256 : i32
      %dma_start3A_186 = arith.constant 0 : i32
      %dma_start3A_187 = tpu.memref_slice %arg6[%dma_start3A_185, %dma_start3A_186] : memref<2048x16xf32, #tpu.memory_space<vmem>> -> memref<128x16xf32, #tpu.memory_space<vmem>>
      %dma_start3A_188 = tpu.memref_slice %arg5[%add3A_184] : memref<45864xi32, #tpu.memory_space<vmem>> -> memref<128xi32, #tpu.memory_space<vmem>>
      %dma_start3A_189 = arith.constant 0 : i32
      %dma_start3A_190 = arith.constant 0 : i32
      %dma_start3A_191 = tpu.memref_slice %arg2[%dma_start3A_189, %dma_start3A_190] : memref<104832x16xf32, #tpu.memory_space<hbm>> -> memref<104832x16xf32, #tpu.memory_space<hbm>>
      tpu.enqueue_indirect_dma source(%dma_start3A_191 : memref<104832x16xf32, #tpu.memory_space<hbm>>) target(%dma_start3A_187 : memref<128x16xf32, #tpu.memory_space<vmem>>) offsets(%dma_start3A_188 : memref<128xi32, #tpu.memory_space<vmem>>) semaphore(%arg8 : memref<!tpu.dma_semaphore, #tpu.memory_space<semaphore_mem>>)
      %mul3A_192 = arith.constant 2048 : i32
      %mul3A_193 = arith.muli %mul3A_156, %mul3A_192 : i32
      %add3A_194 = arith.constant 384 : i32
      %add3A_195 = arith.addi %mul3A_193, %add3A_194 : i32
      %dma_start3A_196 = arith.constant 384 : i32
      %dma_start3A_197 = arith.constant 0 : i32
      %dma_start3A_198 = tpu.memref_slice %arg6[%dma_start3A_196, %dma_start3A_197] : memref<2048x16xf32, #tpu.memory_space<vmem>> -> memref<128x16xf32, #tpu.memory_space<vmem>>
      %dma_start3A_199 = tpu.memref_slice %arg5[%add3A_195] : memref<45864xi32, #tpu.memory_space<vmem>> -> memref<128xi32, #tpu.memory_space<vmem>>
      %dma_start3A_200 = arith.constant 0 : i32
      %dma_start3A_201 = arith.constant 0 : i32
      %dma_start3A_202 = tpu.memref_slice %arg2[%dma_start3A_200, %dma_start3A_201] : memref<104832x16xf32, #tpu.memory_space<hbm>> -> memref<104832x16xf32, #tpu.memory_space<hbm>>
      tpu.enqueue_indirect_dma source(%dma_start3A_202 : memref<104832x16xf32, #tpu.memory_space<hbm>>) target(%dma_start3A_198 : memref<128x16xf32, #tpu.memory_space<vmem>>) offsets(%dma_start3A_199 : memref<128xi32, #tpu.memory_space<vmem>>) semaphore(%arg8 : memref<!tpu.dma_semaphore, #tpu.memory_space<semaphore_mem>>)
      %mul3A_203 = arith.constant 2048 : i32
      %mul3A_204 = arith.muli %mul3A_156, %mul3A_203 : i32
      %add3A_205 = arith.constant 512 : i32
      %add3A_206 = arith.addi %mul3A_204, %add3A_205 : i32
      %dma_start3A_207 = arith.constant 512 : i32
      %dma_start3A_208 = arith.constant 0 : i32
      %dma_start3A_209 = tpu.memref_slice %arg6[%dma_start3A_207, %dma_start3A_208] : memref<2048x16xf32, #tpu.memory_space<vmem>> -> memref<128x16xf32, #tpu.memory_space<vmem>>
      %dma_start3A_210 = tpu.memref_slice %arg5[%add3A_206] : memref<45864xi32, #tpu.memory_space<vmem>> -> memref<128xi32, #tpu.memory_space<vmem>>
      %dma_start3A_211 = arith.constant 0 : i32
      %dma_start3A_212 = arith.constant 0 : i32
      %dma_start3A_213 = tpu.memref_slice %arg2[%dma_start3A_211, %dma_start3A_212] : memref<104832x16xf32, #tpu.memory_space<hbm>> -> memref<104832x16xf32, #tpu.memory_space<hbm>>
      tpu.enqueue_indirect_dma source(%dma_start3A_213 : memref<104832x16xf32, #tpu.memory_space<hbm>>) target(%dma_start3A_209 : memref<128x16xf32, #tpu.memory_space<vmem>>) offsets(%dma_start3A_210 : memref<128xi32, #tpu.memory_space<vmem>>) semaphore(%arg8 : memref<!tpu.dma_semaphore, #tpu.memory_space<semaphore_mem>>)
      %mul3A_214 = arith.constant 2048 : i32
      %mul3A_215 = arith.muli %mul3A_156, %mul3A_214 : i32
      %add3A_216 = arith.constant 640 : i32
      %add3A_217 = arith.addi %mul3A_215, %add3A_216 : i32
      %dma_start3A_218 = arith.constant 640 : i32
      %dma_start3A_219 = arith.constant 0 : i32
      %dma_start3A_220 = tpu.memref_slice %arg6[%dma_start3A_218, %dma_start3A_219] : memref<2048x16xf32, #tpu.memory_space<vmem>> -> memref<128x16xf32, #tpu.memory_space<vmem>>
      %dma_start3A_221 = tpu.memref_slice %arg5[%add3A_217] : memref<45864xi32, #tpu.memory_space<vmem>> -> memref<128xi32, #tpu.memory_space<vmem>>
      %dma_start3A_222 = arith.constant 0 : i32
      %dma_start3A_223 = arith.constant 0 : i32
      %dma_start3A_224 = tpu.memref_slice %arg2[%dma_start3A_222, %dma_start3A_223] : memref<104832x16xf32, #tpu.memory_space<hbm>> -> memref<104832x16xf32, #tpu.memory_space<hbm>>
      tpu.enqueue_indirect_dma source(%dma_start3A_224 : memref<104832x16xf32, #tpu.memory_space<hbm>>) target(%dma_start3A_220 : memref<128x16xf32, #tpu.memory_space<vmem>>) offsets(%dma_start3A_221 : memref<128xi32, #tpu.memory_space<vmem>>) semaphore(%arg8 : memref<!tpu.dma_semaphore, #tpu.memory_space<semaphore_mem>>)
      %mul3A_225 = arith.constant 2048 : i32
      %mul3A_226 = arith.muli %mul3A_156, %mul3A_225 : i32
      %add3A_227 = arith.constant 768 : i32
      %add3A_228 = arith.addi %mul3A_226, %add3A_227 : i32
      %dma_start3A_229 = arith.constant 768 : i32
      %dma_start3A_230 = arith.constant 0 : i32
      %dma_start3A_231 = tpu.memref_slice %arg6[%dma_start3A_229, %dma_start3A_230] : memref<2048x16xf32, #tpu.memory_space<vmem>> -> memref<128x16xf32, #tpu.memory_space<vmem>>
      %dma_start3A_232 = tpu.memref_slice %arg5[%add3A_228] : memref<45864xi32, #tpu.memory_space<vmem>> -> memref<128xi32, #tpu.memory_space<vmem>>
      %dma_start3A_233 = arith.constant 0 : i32
      %dma_start3A_234 = arith.constant 0 : i32
      %dma_start3A_235 = tpu.memref_slice %arg2[%dma_start3A_233, %dma_start3A_234] : memref<104832x16xf32, #tpu.memory_space<hbm>> -> memref<104832x16xf32, #tpu.memory_space<hbm>>
      tpu.enqueue_indirect_dma source(%dma_start3A_235 : memref<104832x16xf32, #tpu.memory_space<hbm>>) target(%dma_start3A_231 : memref<128x16xf32, #tpu.memory_space<vmem>>) offsets(%dma_start3A_232 : memref<128xi32, #tpu.memory_space<vmem>>) semaphore(%arg8 : memref<!tpu.dma_semaphore, #tpu.memory_space<semaphore_mem>>)
      %mul3A_236 = arith.constant 2048 : i32
      %mul3A_237 = arith.muli %mul3A_156, %mul3A_236 : i32
      %add3A_238 = arith.constant 896 : i32
      %add3A_239 = arith.addi %mul3A_237, %add3A_238 : i32
      %dma_start3A_240 = arith.constant 896 : i32
      %dma_start3A_241 = arith.constant 0 : i32
      %dma_start3A_242 = tpu.memref_slice %arg6[%dma_start3A_240, %dma_start3A_241] : memref<2048x16xf32, #tpu.memory_space<vmem>> -> memref<128x16xf32, #tpu.memory_space<vmem>>
      %dma_start3A_243 = tpu.memref_slice %arg5[%add3A_239] : memref<45864xi32, #tpu.memory_space<vmem>> -> memref<128xi32, #tpu.memory_space<vmem>>
      %dma_start3A_244 = arith.constant 0 : i32
      %dma_start3A_245 = arith.constant 0 : i32
      %dma_start3A_246 = tpu.memref_slice %arg2[%dma_start3A_244, %dma_start3A_245] : memref<104832x16xf32, #tpu.memory_space<hbm>> -> memref<104832x16xf32, #tpu.memory_space<hbm>>
      tpu.enqueue_indirect_dma source(%dma_start3A_246 : memref<104832x16xf32, #tpu.memory_space<hbm>>) target(%dma_start3A_242 : memref<128x16xf32, #tpu.memory_space<vmem>>) offsets(%dma_start3A_243 : memref<128xi32, #tpu.memory_space<vmem>>) semaphore(%arg8 : memref<!tpu.dma_semaphore, #tpu.memory_space<semaphore_mem>>)
      %mul3A_247 = arith.constant 2048 : i32
      %mul3A_248 = arith.muli %mul3A_156, %mul3A_247 : i32
      %add3A_249 = arith.constant 1024 : i32
      %add3A_250 = arith.addi %mul3A_248, %add3A_249 : i32
      %dma_start3A_251 = arith.constant 1024 : i32
      %dma_start3A_252 = arith.constant 0 : i32
      %dma_start3A_253 = tpu.memref_slice %arg6[%dma_start3A_251, %dma_start3A_252] : memref<2048x16xf32, #tpu.memory_space<vmem>> -> memref<128x16xf32, #tpu.memory_space<vmem>>
      %dma_start3A_254 = tpu.memref_slice %arg5[%add3A_250] : memref<45864xi32, #tpu.memory_space<vmem>> -> memref<128xi32, #tpu.memory_space<vmem>>
      %dma_start3A_255 = arith.constant 0 : i32
      %dma_start3A_256 = arith.constant 0 : i32
      %dma_start3A_257 = tpu.memref_slice %arg2[%dma_start3A_255, %dma_start3A_256] : memref<104832x16xf32, #tpu.memory_space<hbm>> -> memref<104832x16xf32, #tpu.memory_space<hbm>>
      tpu.enqueue_indirect_dma source(%dma_start3A_257 : memref<104832x16xf32, #tpu.memory_space<hbm>>) target(%dma_start3A_253 : memref<128x16xf32, #tpu.memory_space<vmem>>) offsets(%dma_start3A_254 : memref<128xi32, #tpu.memory_space<vmem>>) semaphore(%arg8 : memref<!tpu.dma_semaphore, #tpu.memory_space<semaphore_mem>>)
      %mul3A_258 = arith.constant 2048 : i32
      %mul3A_259 = arith.muli %mul3A_156, %mul3A_258 : i32
      %add3A_260 = arith.constant 1152 : i32
      %add3A_261 = arith.addi %mul3A_259, %add3A_260 : i32
      %dma_start3A_262 = arith.constant 1152 : i32
      %dma_start3A_263 = arith.constant 0 : i32
      %dma_start3A_264 = tpu.memref_slice %arg6[%dma_start3A_262, %dma_start3A_263] : memref<2048x16xf32, #tpu.memory_space<vmem>> -> memref<128x16xf32, #tpu.memory_space<vmem>>
      %dma_start3A_265 = tpu.memref_slice %arg5[%add3A_261] : memref<45864xi32, #tpu.memory_space<vmem>> -> memref<128xi32, #tpu.memory_space<vmem>>
      %dma_start3A_266 = arith.constant 0 : i32
      %dma_start3A_267 = arith.constant 0 : i32
      %dma_start3A_268 = tpu.memref_slice %arg2[%dma_start3A_266, %dma_start3A_267] : memref<104832x16xf32, #tpu.memory_space<hbm>> -> memref<104832x16xf32, #tpu.memory_space<hbm>>
      tpu.enqueue_indirect_dma source(%dma_start3A_268 : memref<104832x16xf32, #tpu.memory_space<hbm>>) target(%dma_start3A_264 : memref<128x16xf32, #tpu.memory_space<vmem>>) offsets(%dma_start3A_265 : memref<128xi32, #tpu.memory_space<vmem>>) semaphore(%arg8 : memref<!tpu.dma_semaphore, #tpu.memory_space<semaphore_mem>>)
      %mul3A_269 = arith.constant 2048 : i32
      %mul3A_270 = arith.muli %mul3A_156, %mul3A_269 : i32
      %add3A_271 = arith.constant 1280 : i32
      %add3A_272 = arith.addi %mul3A_270, %add3A_271 : i32
      %dma_start3A_273 = arith.constant 1280 : i32
      %dma_start3A_274 = arith.constant 0 : i32
      %dma_start3A_275 = tpu.memref_slice %arg6[%dma_start3A_273, %dma_start3A_274] : memref<2048x16xf32, #tpu.memory_space<vmem>> -> memref<128x16xf32, #tpu.memory_space<vmem>>
      %dma_start3A_276 = tpu.memref_slice %arg5[%add3A_272] : memref<45864xi32, #tpu.memory_space<vmem>> -> memref<128xi32, #tpu.memory_space<vmem>>
      %dma_start3A_277 = arith.constant 0 : i32
      %dma_start3A_278 = arith.constant 0 : i32
      %dma_start3A_279 = tpu.memref_slice %arg2[%dma_start3A_277, %dma_start3A_278] : memref<104832x16xf32, #tpu.memory_space<hbm>> -> memref<104832x16xf32, #tpu.memory_space<hbm>>
      tpu.enqueue_indirect_dma source(%dma_start3A_279 : memref<104832x16xf32, #tpu.memory_space<hbm>>) target(%dma_start3A_275 : memref<128x16xf32, #tpu.memory_space<vmem>>) offsets(%dma_start3A_276 : memref<128xi32, #tpu.memory_space<vmem>>) semaphore(%arg8 : memref<!tpu.dma_semaphore, #tpu.memory_space<semaphore_mem>>)
      %mul3A_280 = arith.constant 2048 : i32
      %mul3A_281 = arith.muli %mul3A_156, %mul3A_280 : i32
      %add3A_282 = arith.constant 1408 : i32
      %add3A_283 = arith.addi %mul3A_281, %add3A_282 : i32
      %dma_start3A_284 = arith.constant 1408 : i32
      %dma_start3A_285 = arith.constant 0 : i32
      %dma_start3A_286 = tpu.memref_slice %arg6[%dma_start3A_284, %dma_start3A_285] : memref<2048x16xf32, #tpu.memory_space<vmem>> -> memref<128x16xf32, #tpu.memory_space<vmem>>
      %dma_start3A_287 = tpu.memref_slice %arg5[%add3A_283] : memref<45864xi32, #tpu.memory_space<vmem>> -> memref<128xi32, #tpu.memory_space<vmem>>
      %dma_start3A_288 = arith.constant 0 : i32
      %dma_start3A_289 = arith.constant 0 : i32
      %dma_start3A_290 = tpu.memref_slice %arg2[%dma_start3A_288, %dma_start3A_289] : memref<104832x16xf32, #tpu.memory_space<hbm>> -> memref<104832x16xf32, #tpu.memory_space<hbm>>
      tpu.enqueue_indirect_dma source(%dma_start3A_290 : memref<104832x16xf32, #tpu.memory_space<hbm>>) target(%dma_start3A_286 : memref<128x16xf32, #tpu.memory_space<vmem>>) offsets(%dma_start3A_287 : memref<128xi32, #tpu.memory_space<vmem>>) semaphore(%arg8 : memref<!tpu.dma_semaphore, #tpu.memory_space<semaphore_mem>>)
      %mul3A_291 = arith.constant 2048 : i32
      %mul3A_292 = arith.muli %mul3A_156, %mul3A_291 : i32
      %add3A_293 = arith.constant 1536 : i32
      %add3A_294 = arith.addi %mul3A_292, %add3A_293 : i32
      %dma_start3A_295 = arith.constant 1536 : i32
      %dma_start3A_296 = arith.constant 0 : i32
      %dma_start3A_297 = tpu.memref_slice %arg6[%dma_start3A_295, %dma_start3A_296] : memref<2048x16xf32, #tpu.memory_space<vmem>> -> memref<128x16xf32, #tpu.memory_space<vmem>>
      %dma_start3A_298 = tpu.memref_slice %arg5[%add3A_294] : memref<45864xi32, #tpu.memory_space<vmem>> -> memref<128xi32, #tpu.memory_space<vmem>>
      %dma_start3A_299 = arith.constant 0 : i32
      %dma_start3A_300 = arith.constant 0 : i32
      %dma_start3A_301 = tpu.memref_slice %arg2[%dma_start3A_299, %dma_start3A_300] : memref<104832x16xf32, #tpu.memory_space<hbm>> -> memref<104832x16xf32, #tpu.memory_space<hbm>>
      tpu.enqueue_indirect_dma source(%dma_start3A_301 : memref<104832x16xf32, #tpu.memory_space<hbm>>) target(%dma_start3A_297 : memref<128x16xf32, #tpu.memory_space<vmem>>) offsets(%dma_start3A_298 : memref<128xi32, #tpu.memory_space<vmem>>) semaphore(%arg8 : memref<!tpu.dma_semaphore, #tpu.memory_space<semaphore_mem>>)
      %mul3A_302 = arith.constant 2048 : i32
      %mul3A_303 = arith.muli %mul3A_156, %mul3A_302 : i32
      %add3A_304 = arith.constant 1664 : i32
      %add3A_305 = arith.addi %mul3A_303, %add3A_304 : i32
      %dma_start3A_306 = arith.constant 1664 : i32
      %dma_start3A_307 = arith.constant 0 : i32
      %dma_start3A_308 = tpu.memref_slice %arg6[%dma_start3A_306, %dma_start3A_307] : memref<2048x16xf32, #tpu.memory_space<vmem>> -> memref<128x16xf32, #tpu.memory_space<vmem>>
      %dma_start3A_309 = tpu.memref_slice %arg5[%add3A_305] : memref<45864xi32, #tpu.memory_space<vmem>> -> memref<128xi32, #tpu.memory_space<vmem>>
      %dma_start3A_310 = arith.constant 0 : i32
      %dma_start3A_311 = arith.constant 0 : i32
      %dma_start3A_312 = tpu.memref_slice %arg2[%dma_start3A_310, %dma_start3A_311] : memref<104832x16xf32, #tpu.memory_space<hbm>> -> memref<104832x16xf32, #tpu.memory_space<hbm>>
      tpu.enqueue_indirect_dma source(%dma_start3A_312 : memref<104832x16xf32, #tpu.memory_space<hbm>>) target(%dma_start3A_308 : memref<128x16xf32, #tpu.memory_space<vmem>>) offsets(%dma_start3A_309 : memref<128xi32, #tpu.memory_space<vmem>>) semaphore(%arg8 : memref<!tpu.dma_semaphore, #tpu.memory_space<semaphore_mem>>)
      %mul3A_313 = arith.constant 2048 : i32
      %mul3A_314 = arith.muli %mul3A_156, %mul3A_313 : i32
      %add3A_315 = arith.constant 1792 : i32
      %add3A_316 = arith.addi %mul3A_314, %add3A_315 : i32
      %dma_start3A_317 = arith.constant 1792 : i32
      %dma_start3A_318 = arith.constant 0 : i32
      %dma_start3A_319 = tpu.memref_slice %arg6[%dma_start3A_317, %dma_start3A_318] : memref<2048x16xf32, #tpu.memory_space<vmem>> -> memref<128x16xf32, #tpu.memory_space<vmem>>
      %dma_start3A_320 = tpu.memref_slice %arg5[%add3A_316] : memref<45864xi32, #tpu.memory_space<vmem>> -> memref<128xi32, #tpu.memory_space<vmem>>
      %dma_start3A_321 = arith.constant 0 : i32
      %dma_start3A_322 = arith.constant 0 : i32
      %dma_start3A_323 = tpu.memref_slice %arg2[%dma_start3A_321, %dma_start3A_322] : memref<104832x16xf32, #tpu.memory_space<hbm>> -> memref<104832x16xf32, #tpu.memory_space<hbm>>
      tpu.enqueue_indirect_dma source(%dma_start3A_323 : memref<104832x16xf32, #tpu.memory_space<hbm>>) target(%dma_start3A_319 : memref<128x16xf32, #tpu.memory_space<vmem>>) offsets(%dma_start3A_320 : memref<128xi32, #tpu.memory_space<vmem>>) semaphore(%arg8 : memref<!tpu.dma_semaphore, #tpu.memory_space<semaphore_mem>>)
      %mul3A_324 = arith.constant 2048 : i32
      %mul3A_325 = arith.muli %mul3A_156, %mul3A_324 : i32
      %add3A_326 = arith.constant 1920 : i32
      %add3A_327 = arith.addi %mul3A_325, %add3A_326 : i32
      %dma_start3A_328 = arith.constant 1920 : i32
      %dma_start3A_329 = arith.constant 0 : i32
      %dma_start3A_330 = tpu.memref_slice %arg6[%dma_start3A_328, %dma_start3A_329] : memref<2048x16xf32, #tpu.memory_space<vmem>> -> memref<128x16xf32, #tpu.memory_space<vmem>>
      %dma_start3A_331 = tpu.memref_slice %arg5[%add3A_327] : memref<45864xi32, #tpu.memory_space<vmem>> -> memref<128xi32, #tpu.memory_space<vmem>>
      %dma_start3A_332 = arith.constant 0 : i32
      %dma_start3A_333 = arith.constant 0 : i32
      %dma_start3A_334 = tpu.memref_slice %arg2[%dma_start3A_332, %dma_start3A_333] : memref<104832x16xf32, #tpu.memory_space<hbm>> -> memref<104832x16xf32, #tpu.memory_space<hbm>>
      tpu.enqueue_indirect_dma source(%dma_start3A_334 : memref<104832x16xf32, #tpu.memory_space<hbm>>) target(%dma_start3A_330 : memref<128x16xf32, #tpu.memory_space<vmem>>) offsets(%dma_start3A_331 : memref<128xi32, #tpu.memory_space<vmem>>) semaphore(%arg8 : memref<!tpu.dma_semaphore, #tpu.memory_space<semaphore_mem>>)
      %dma_wait3A_335 = arith.constant 0 : i32
      %dma_wait3A_336 = arith.constant 0 : i32
      %dma_wait3A_337 = tpu.memref_slice %arg6[%dma_wait3A_335, %dma_wait3A_336] : memref<2048x16xf32, #tpu.memory_space<vmem>> -> memref<128x16xf32, #tpu.memory_space<vmem>>
      %dma_wait3A_338 = tpu.memref_slice %arg5[%add3A_162] : memref<45864xi32, #tpu.memory_space<vmem>> -> memref<128xi32, #tpu.memory_space<vmem>>
      %dma_wait3A_339 = arith.constant 0 : i32
      %dma_wait3A_340 = arith.constant 0 : i32
      %dma_wait3A_341 = tpu.memref_slice %arg2[%dma_wait3A_339, %dma_wait3A_340] : memref<104832x16xf32, #tpu.memory_space<hbm>> -> memref<104832x16xf32, #tpu.memory_space<hbm>>
      tpu.wait_indirect_dma semaphore(%arg8 : memref<!tpu.dma_semaphore, #tpu.memory_space<semaphore_mem>>) src(%dma_wait3A_341 : memref<104832x16xf32, #tpu.memory_space<hbm>>) dst(%dma_wait3A_337 : memref<128x16xf32, #tpu.memory_space<vmem>>)
      %dma_wait3A_342 = arith.constant 128 : i32
      %dma_wait3A_343 = arith.constant 0 : i32
      %dma_wait3A_344 = tpu.memref_slice %arg6[%dma_wait3A_342, %dma_wait3A_343] : memref<2048x16xf32, #tpu.memory_space<vmem>> -> memref<128x16xf32, #tpu.memory_space<vmem>>
      %dma_wait3A_345 = tpu.memref_slice %arg5[%add3A_173] : memref<45864xi32, #tpu.memory_space<vmem>> -> memref<128xi32, #tpu.memory_space<vmem>>
      %dma_wait3A_346 = arith.constant 0 : i32
      %dma_wait3A_347 = arith.constant 0 : i32
      %dma_wait3A_348 = tpu.memref_slice %arg2[%dma_wait3A_346, %dma_wait3A_347] : memref<104832x16xf32, #tpu.memory_space<hbm>> -> memref<104832x16xf32, #tpu.memory_space<hbm>>
      tpu.wait_indirect_dma semaphore(%arg8 : memref<!tpu.dma_semaphore, #tpu.memory_space<semaphore_mem>>) src(%dma_wait3A_348 : memref<104832x16xf32, #tpu.memory_space<hbm>>) dst(%dma_wait3A_344 : memref<128x16xf32, #tpu.memory_space<vmem>>)
      %dma_wait3A_349 = arith.constant 256 : i32
      %dma_wait3A_350 = arith.constant 0 : i32
      %dma_wait3A_351 = tpu.memref_slice %arg6[%dma_wait3A_349, %dma_wait3A_350] : memref<2048x16xf32, #tpu.memory_space<vmem>> -> memref<128x16xf32, #tpu.memory_space<vmem>>
      %dma_wait3A_352 = tpu.memref_slice %arg5[%add3A_184] : memref<45864xi32, #tpu.memory_space<vmem>> -> memref<128xi32, #tpu.memory_space<vmem>>
      %dma_wait3A_353 = arith.constant 0 : i32
      %dma_wait3A_354 = arith.constant 0 : i32
      %dma_wait3A_355 = tpu.memref_slice %arg2[%dma_wait3A_353, %dma_wait3A_354] : memref<104832x16xf32, #tpu.memory_space<hbm>> -> memref<104832x16xf32, #tpu.memory_space<hbm>>
      tpu.wait_indirect_dma semaphore(%arg8 : memref<!tpu.dma_semaphore, #tpu.memory_space<semaphore_mem>>) src(%dma_wait3A_355 : memref<104832x16xf32, #tpu.memory_space<hbm>>) dst(%dma_wait3A_351 : memref<128x16xf32, #tpu.memory_space<vmem>>)
      %dma_wait3A_356 = arith.constant 384 : i32
      %dma_wait3A_357 = arith.constant 0 : i32
      %dma_wait3A_358 = tpu.memref_slice %arg6[%dma_wait3A_356, %dma_wait3A_357] : memref<2048x16xf32, #tpu.memory_space<vmem>> -> memref<128x16xf32, #tpu.memory_space<vmem>>
      %dma_wait3A_359 = tpu.memref_slice %arg5[%add3A_195] : memref<45864xi32, #tpu.memory_space<vmem>> -> memref<128xi32, #tpu.memory_space<vmem>>
      %dma_wait3A_360 = arith.constant 0 : i32
      %dma_wait3A_361 = arith.constant 0 : i32
      %dma_wait3A_362 = tpu.memref_slice %arg2[%dma_wait3A_360, %dma_wait3A_361] : memref<104832x16xf32, #tpu.memory_space<hbm>> -> memref<104832x16xf32, #tpu.memory_space<hbm>>
      tpu.wait_indirect_dma semaphore(%arg8 : memref<!tpu.dma_semaphore, #tpu.memory_space<semaphore_mem>>) src(%dma_wait3A_362 : memref<104832x16xf32, #tpu.memory_space<hbm>>) dst(%dma_wait3A_358 : memref<128x16xf32, #tpu.memory_space<vmem>>)
      %dma_wait3A_363 = arith.constant 512 : i32
      %dma_wait3A_364 = arith.constant 0 : i32
      %dma_wait3A_365 = tpu.memref_slice %arg6[%dma_wait3A_363, %dma_wait3A_364] : memref<2048x16xf32, #tpu.memory_space<vmem>> -> memref<128x16xf32, #tpu.memory_space<vmem>>
      %dma_wait3A_366 = tpu.memref_slice %arg5[%add3A_206] : memref<45864xi32, #tpu.memory_space<vmem>> -> memref<128xi32, #tpu.memory_space<vmem>>
      %dma_wait3A_367 = arith.constant 0 : i32
      %dma_wait3A_368 = arith.constant 0 : i32
      %dma_wait3A_369 = tpu.memref_slice %arg2[%dma_wait3A_367, %dma_wait3A_368] : memref<104832x16xf32, #tpu.memory_space<hbm>> -> memref<104832x16xf32, #tpu.memory_space<hbm>>
      tpu.wait_indirect_dma semaphore(%arg8 : memref<!tpu.dma_semaphore, #tpu.memory_space<semaphore_mem>>) src(%dma_wait3A_369 : memref<104832x16xf32, #tpu.memory_space<hbm>>) dst(%dma_wait3A_365 : memref<128x16xf32, #tpu.memory_space<vmem>>)
      %dma_wait3A_370 = arith.constant 640 : i32
      %dma_wait3A_371 = arith.constant 0 : i32
      %dma_wait3A_372 = tpu.memref_slice %arg6[%dma_wait3A_370, %dma_wait3A_371] : memref<2048x16xf32, #tpu.memory_space<vmem>> -> memref<128x16xf32, #tpu.memory_space<vmem>>
      %dma_wait3A_373 = tpu.memref_slice %arg5[%add3A_217] : memref<45864xi32, #tpu.memory_space<vmem>> -> memref<128xi32, #tpu.memory_space<vmem>>
      %dma_wait3A_374 = arith.constant 0 : i32
      %dma_wait3A_375 = arith.constant 0 : i32
      %dma_wait3A_376 = tpu.memref_slice %arg2[%dma_wait3A_374, %dma_wait3A_375] : memref<104832x16xf32, #tpu.memory_space<hbm>> -> memref<104832x16xf32, #tpu.memory_space<hbm>>
      tpu.wait_indirect_dma semaphore(%arg8 : memref<!tpu.dma_semaphore, #tpu.memory_space<semaphore_mem>>) src(%dma_wait3A_376 : memref<104832x16xf32, #tpu.memory_space<hbm>>) dst(%dma_wait3A_372 : memref<128x16xf32, #tpu.memory_space<vmem>>)
      %dma_wait3A_377 = arith.constant 768 : i32
      %dma_wait3A_378 = arith.constant 0 : i32
      %dma_wait3A_379 = tpu.memref_slice %arg6[%dma_wait3A_377, %dma_wait3A_378] : memref<2048x16xf32, #tpu.memory_space<vmem>> -> memref<128x16xf32, #tpu.memory_space<vmem>>
      %dma_wait3A_380 = tpu.memref_slice %arg5[%add3A_228] : memref<45864xi32, #tpu.memory_space<vmem>> -> memref<128xi32, #tpu.memory_space<vmem>>
      %dma_wait3A_381 = arith.constant 0 : i32
      %dma_wait3A_382 = arith.constant 0 : i32
      %dma_wait3A_383 = tpu.memref_slice %arg2[%dma_wait3A_381, %dma_wait3A_382] : memref<104832x16xf32, #tpu.memory_space<hbm>> -> memref<104832x16xf32, #tpu.memory_space<hbm>>
      tpu.wait_indirect_dma semaphore(%arg8 : memref<!tpu.dma_semaphore, #tpu.memory_space<semaphore_mem>>) src(%dma_wait3A_383 : memref<104832x16xf32, #tpu.memory_space<hbm>>) dst(%dma_wait3A_379 : memref<128x16xf32, #tpu.memory_space<vmem>>)
      %dma_wait3A_384 = arith.constant 896 : i32
      %dma_wait3A_385 = arith.constant 0 : i32
      %dma_wait3A_386 = tpu.memref_slice %arg6[%dma_wait3A_384, %dma_wait3A_385] : memref<2048x16xf32, #tpu.memory_space<vmem>> -> memref<128x16xf32, #tpu.memory_space<vmem>>
      %dma_wait3A_387 = tpu.memref_slice %arg5[%add3A_239] : memref<45864xi32, #tpu.memory_space<vmem>> -> memref<128xi32, #tpu.memory_space<vmem>>
      %dma_wait3A_388 = arith.constant 0 : i32
      %dma_wait3A_389 = arith.constant 0 : i32
      %dma_wait3A_390 = tpu.memref_slice %arg2[%dma_wait3A_388, %dma_wait3A_389] : memref<104832x16xf32, #tpu.memory_space<hbm>> -> memref<104832x16xf32, #tpu.memory_space<hbm>>
      tpu.wait_indirect_dma semaphore(%arg8 : memref<!tpu.dma_semaphore, #tpu.memory_space<semaphore_mem>>) src(%dma_wait3A_390 : memref<104832x16xf32, #tpu.memory_space<hbm>>) dst(%dma_wait3A_386 : memref<128x16xf32, #tpu.memory_space<vmem>>)
      %dma_wait3A_391 = arith.constant 1024 : i32
      %dma_wait3A_392 = arith.constant 0 : i32
      %dma_wait3A_393 = tpu.memref_slice %arg6[%dma_wait3A_391, %dma_wait3A_392] : memref<2048x16xf32, #tpu.memory_space<vmem>> -> memref<128x16xf32, #tpu.memory_space<vmem>>
      %dma_wait3A_394 = tpu.memref_slice %arg5[%add3A_250] : memref<45864xi32, #tpu.memory_space<vmem>> -> memref<128xi32, #tpu.memory_space<vmem>>
      %dma_wait3A_395 = arith.constant 0 : i32
      %dma_wait3A_396 = arith.constant 0 : i32
      %dma_wait3A_397 = tpu.memref_slice %arg2[%dma_wait3A_395, %dma_wait3A_396] : memref<104832x16xf32, #tpu.memory_space<hbm>> -> memref<104832x16xf32, #tpu.memory_space<hbm>>
      tpu.wait_indirect_dma semaphore(%arg8 : memref<!tpu.dma_semaphore, #tpu.memory_space<semaphore_mem>>) src(%dma_wait3A_397 : memref<104832x16xf32, #tpu.memory_space<hbm>>) dst(%dma_wait3A_393 : memref<128x16xf32, #tpu.memory_space<vmem>>)
      %dma_wait3A_398 = arith.constant 1152 : i32
      %dma_wait3A_399 = arith.constant 0 : i32
      %dma_wait3A_400 = tpu.memref_slice %arg6[%dma_wait3A_398, %dma_wait3A_399] : memref<2048x16xf32, #tpu.memory_space<vmem>> -> memref<128x16xf32, #tpu.memory_space<vmem>>
      %dma_wait3A_401 = tpu.memref_slice %arg5[%add3A_261] : memref<45864xi32, #tpu.memory_space<vmem>> -> memref<128xi32, #tpu.memory_space<vmem>>
      %dma_wait3A_402 = arith.constant 0 : i32
      %dma_wait3A_403 = arith.constant 0 : i32
      %dma_wait3A_404 = tpu.memref_slice %arg2[%dma_wait3A_402, %dma_wait3A_403] : memref<104832x16xf32, #tpu.memory_space<hbm>> -> memref<104832x16xf32, #tpu.memory_space<hbm>>
      tpu.wait_indirect_dma semaphore(%arg8 : memref<!tpu.dma_semaphore, #tpu.memory_space<semaphore_mem>>) src(%dma_wait3A_404 : memref<104832x16xf32, #tpu.memory_space<hbm>>) dst(%dma_wait3A_400 : memref<128x16xf32, #tpu.memory_space<vmem>>)
      %dma_wait3A_405 = arith.constant 1280 : i32
      %dma_wait3A_406 = arith.constant 0 : i32
      %dma_wait3A_407 = tpu.memref_slice %arg6[%dma_wait3A_405, %dma_wait3A_406] : memref<2048x16xf32, #tpu.memory_space<vmem>> -> memref<128x16xf32, #tpu.memory_space<vmem>>
      %dma_wait3A_408 = tpu.memref_slice %arg5[%add3A_272] : memref<45864xi32, #tpu.memory_space<vmem>> -> memref<128xi32, #tpu.memory_space<vmem>>
      %dma_wait3A_409 = arith.constant 0 : i32
      %dma_wait3A_410 = arith.constant 0 : i32
      %dma_wait3A_411 = tpu.memref_slice %arg2[%dma_wait3A_409, %dma_wait3A_410] : memref<104832x16xf32, #tpu.memory_space<hbm>> -> memref<104832x16xf32, #tpu.memory_space<hbm>>
      tpu.wait_indirect_dma semaphore(%arg8 : memref<!tpu.dma_semaphore, #tpu.memory_space<semaphore_mem>>) src(%dma_wait3A_411 : memref<104832x16xf32, #tpu.memory_space<hbm>>) dst(%dma_wait3A_407 : memref<128x16xf32, #tpu.memory_space<vmem>>)
      %dma_wait3A_412 = arith.constant 1408 : i32
      %dma_wait3A_413 = arith.constant 0 : i32
      %dma_wait3A_414 = tpu.memref_slice %arg6[%dma_wait3A_412, %dma_wait3A_413] : memref<2048x16xf32, #tpu.memory_space<vmem>> -> memref<128x16xf32, #tpu.memory_space<vmem>>
      %dma_wait3A_415 = tpu.memref_slice %arg5[%add3A_283] : memref<45864xi32, #tpu.memory_space<vmem>> -> memref<128xi32, #tpu.memory_space<vmem>>
      %dma_wait3A_416 = arith.constant 0 : i32
      %dma_wait3A_417 = arith.constant 0 : i32
      %dma_wait3A_418 = tpu.memref_slice %arg2[%dma_wait3A_416, %dma_wait3A_417] : memref<104832x16xf32, #tpu.memory_space<hbm>> -> memref<104832x16xf32, #tpu.memory_space<hbm>>
      tpu.wait_indirect_dma semaphore(%arg8 : memref<!tpu.dma_semaphore, #tpu.memory_space<semaphore_mem>>) src(%dma_wait3A_418 : memref<104832x16xf32, #tpu.memory_space<hbm>>) dst(%dma_wait3A_414 : memref<128x16xf32, #tpu.memory_space<vmem>>)
      %dma_wait3A_419 = arith.constant 1536 : i32
      %dma_wait3A_420 = arith.constant 0 : i32
      %dma_wait3A_421 = tpu.memref_slice %arg6[%dma_wait3A_419, %dma_wait3A_420] : memref<2048x16xf32, #tpu.memory_space<vmem>> -> memref<128x16xf32, #tpu.memory_space<vmem>>
      %dma_wait3A_422 = tpu.memref_slice %arg5[%add3A_294] : memref<45864xi32, #tpu.memory_space<vmem>> -> memref<128xi32, #tpu.memory_space<vmem>>
      %dma_wait3A_423 = arith.constant 0 : i32
      %dma_wait3A_424 = arith.constant 0 : i32
      %dma_wait3A_425 = tpu.memref_slice %arg2[%dma_wait3A_423, %dma_wait3A_424] : memref<104832x16xf32, #tpu.memory_space<hbm>> -> memref<104832x16xf32, #tpu.memory_space<hbm>>
      tpu.wait_indirect_dma semaphore(%arg8 : memref<!tpu.dma_semaphore, #tpu.memory_space<semaphore_mem>>) src(%dma_wait3A_425 : memref<104832x16xf32, #tpu.memory_space<hbm>>) dst(%dma_wait3A_421 : memref<128x16xf32, #tpu.memory_space<vmem>>)
      %dma_wait3A_426 = arith.constant 1664 : i32
      %dma_wait3A_427 = arith.constant 0 : i32
      %dma_wait3A_428 = tpu.memref_slice %arg6[%dma_wait3A_426, %dma_wait3A_427] : memref<2048x16xf32, #tpu.memory_space<vmem>> -> memref<128x16xf32, #tpu.memory_space<vmem>>
      %dma_wait3A_429 = tpu.memref_slice %arg5[%add3A_305] : memref<45864xi32, #tpu.memory_space<vmem>> -> memref<128xi32, #tpu.memory_space<vmem>>
      %dma_wait3A_430 = arith.constant 0 : i32
      %dma_wait3A_431 = arith.constant 0 : i32
      %dma_wait3A_432 = tpu.memref_slice %arg2[%dma_wait3A_430, %dma_wait3A_431] : memref<104832x16xf32, #tpu.memory_space<hbm>> -> memref<104832x16xf32, #tpu.memory_space<hbm>>
      tpu.wait_indirect_dma semaphore(%arg8 : memref<!tpu.dma_semaphore, #tpu.memory_space<semaphore_mem>>) src(%dma_wait3A_432 : memref<104832x16xf32, #tpu.memory_space<hbm>>) dst(%dma_wait3A_428 : memref<128x16xf32, #tpu.memory_space<vmem>>)
      %dma_wait3A_433 = arith.constant 1792 : i32
      %dma_wait3A_434 = arith.constant 0 : i32
      %dma_wait3A_435 = tpu.memref_slice %arg6[%dma_wait3A_433, %dma_wait3A_434] : memref<2048x16xf32, #tpu.memory_space<vmem>> -> memref<128x16xf32, #tpu.memory_space<vmem>>
      %dma_wait3A_436 = tpu.memref_slice %arg5[%add3A_316] : memref<45864xi32, #tpu.memory_space<vmem>> -> memref<128xi32, #tpu.memory_space<vmem>>
      %dma_wait3A_437 = arith.constant 0 : i32
      %dma_wait3A_438 = arith.constant 0 : i32
      %dma_wait3A_439 = tpu.memref_slice %arg2[%dma_wait3A_437, %dma_wait3A_438] : memref<104832x16xf32, #tpu.memory_space<hbm>> -> memref<104832x16xf32, #tpu.memory_space<hbm>>
      tpu.wait_indirect_dma semaphore(%arg8 : memref<!tpu.dma_semaphore, #tpu.memory_space<semaphore_mem>>) src(%dma_wait3A_439 : memref<104832x16xf32, #tpu.memory_space<hbm>>) dst(%dma_wait3A_435 : memref<128x16xf32, #tpu.memory_space<vmem>>)
      %dma_wait3A_440 = arith.constant 1920 : i32
      %dma_wait3A_441 = arith.constant 0 : i32
      %dma_wait3A_442 = tpu.memref_slice %arg6[%dma_wait3A_440, %dma_wait3A_441] : memref<2048x16xf32, #tpu.memory_space<vmem>> -> memref<128x16xf32, #tpu.memory_space<vmem>>
      %dma_wait3A_443 = tpu.memref_slice %arg5[%add3A_327] : memref<45864xi32, #tpu.memory_space<vmem>> -> memref<128xi32, #tpu.memory_space<vmem>>
      %dma_wait3A_444 = arith.constant 0 : i32
      %dma_wait3A_445 = arith.constant 0 : i32
      %dma_wait3A_446 = tpu.memref_slice %arg2[%dma_wait3A_444, %dma_wait3A_445] : memref<104832x16xf32, #tpu.memory_space<hbm>> -> memref<104832x16xf32, #tpu.memory_space<hbm>>
      tpu.wait_indirect_dma semaphore(%arg8 : memref<!tpu.dma_semaphore, #tpu.memory_space<semaphore_mem>>) src(%dma_wait3A_446 : memref<104832x16xf32, #tpu.memory_space<hbm>>) dst(%dma_wait3A_442 : memref<128x16xf32, #tpu.memory_space<vmem>>)
      %mul3A_447 = arith.constant 2048 : i32
      %mul3A_448 = arith.muli %mul3A_156, %mul3A_447 : i32
      %add3A_449 = arith.addi %mul3A_2, %mul3A_448 : i32
      %dma_start3A_450 = arith.constant 0 : i32
      %dma_start3A_451 = tpu.memref_slice %arg4[%add3A_449, %dma_start3A_450] : memref<1467648x16xf32, #tpu.memory_space<hbm>> -> memref<2048x16xf32, #tpu.memory_space<hbm>>
      %dma_start3A_452 = arith.constant 0 : i32
      %dma_start3A_453 = tpu.memref_slice %arg4[%add3A_449, %dma_start3A_452] : memref<1467648x16xf32, #tpu.memory_space<hbm>> -> memref<2048x16xf32, #tpu.memory_space<hbm>>
      tpu.enqueue_dma source(%arg6 : memref<2048x16xf32, #tpu.memory_space<vmem>>) target(%dma_start3A_453 : memref<2048x16xf32, #tpu.memory_space<hbm>>) target_semaphore(%arg10 : memref<!tpu.dma_semaphore, #tpu.memory_space<semaphore_mem>>)
      %ge3A_454 = arith.constant 2 : i32
      %ge3A_455 = arith.cmpi sge, %mul3A_156, %ge3A_454 : i32
      %convert_element_type3A_456 = arith.extui %ge3A_455 : i1 to i32
      %cond3A_457 = arith.constant 0 : i32
      %cond3A_458 = arith.cmpi ne, %convert_element_type3A_456, %cond3A_457 : i32
      scf.if %cond3A_458 {
        %dma_wait3A_759 = arith.constant 0 : i32
        %dma_wait3A_760 = tpu.memref_slice %arg4[%mul3A_2, %dma_wait3A_759] : memref<1467648x16xf32, #tpu.memory_space<hbm>> -> memref<2048x16xf32, #tpu.memory_space<hbm>>
        %dma_wait3A_761 = arith.constant 0 : i32
        %dma_wait3A_762 = tpu.memref_slice %arg4[%mul3A_2, %dma_wait3A_761] : memref<1467648x16xf32, #tpu.memory_space<hbm>> -> memref<2048x16xf32, #tpu.memory_space<hbm>>
        tpu.wait_dma2 semaphore(%arg11 : memref<!tpu.dma_semaphore, #tpu.memory_space<semaphore_mem>>) src(%arg7 : memref<2048x16xf32, #tpu.memory_space<vmem>>) dst(%dma_wait3A_762 : memref<2048x16xf32, #tpu.memory_space<hbm>>)
      } else {
      }
      %add3A_459 = arith.constant 1 : i32
      %add3A_460 = arith.addi %mul3A_156, %add3A_459 : i32
      %mul3A_461 = arith.constant 2048 : i32
      %mul3A_462 = arith.muli %add3A_460, %mul3A_461 : i32
      %add3A_463 = arith.constant 0 : i32
      %add3A_464 = arith.addi %mul3A_462, %add3A_463 : i32
      %dma_start3A_465 = arith.constant 0 : i32
      %dma_start3A_466 = arith.constant 0 : i32
      %dma_start3A_467 = tpu.memref_slice %arg7[%dma_start3A_465, %dma_start3A_466] : memref<2048x16xf32, #tpu.memory_space<vmem>> -> memref<128x16xf32, #tpu.memory_space<vmem>>
      %dma_start3A_468 = tpu.memref_slice %arg5[%add3A_464] : memref<45864xi32, #tpu.memory_space<vmem>> -> memref<128xi32, #tpu.memory_space<vmem>>
      %dma_start3A_469 = arith.constant 0 : i32
      %dma_start3A_470 = arith.constant 0 : i32
      %dma_start3A_471 = tpu.memref_slice %arg2[%dma_start3A_469, %dma_start3A_470] : memref<104832x16xf32, #tpu.memory_space<hbm>> -> memref<104832x16xf32, #tpu.memory_space<hbm>>
      tpu.enqueue_indirect_dma source(%dma_start3A_471 : memref<104832x16xf32, #tpu.memory_space<hbm>>) target(%dma_start3A_467 : memref<128x16xf32, #tpu.memory_space<vmem>>) offsets(%dma_start3A_468 : memref<128xi32, #tpu.memory_space<vmem>>) semaphore(%arg9 : memref<!tpu.dma_semaphore, #tpu.memory_space<semaphore_mem>>)
      %mul3A_472 = arith.constant 2048 : i32
      %mul3A_473 = arith.muli %add3A_460, %mul3A_472 : i32
      %add3A_474 = arith.constant 128 : i32
      %add3A_475 = arith.addi %mul3A_473, %add3A_474 : i32
      %dma_start3A_476 = arith.constant 128 : i32
      %dma_start3A_477 = arith.constant 0 : i32
      %dma_start3A_478 = tpu.memref_slice %arg7[%dma_start3A_476, %dma_start3A_477] : memref<2048x16xf32, #tpu.memory_space<vmem>> -> memref<128x16xf32, #tpu.memory_space<vmem>>
      %dma_start3A_479 = tpu.memref_slice %arg5[%add3A_475] : memref<45864xi32, #tpu.memory_space<vmem>> -> memref<128xi32, #tpu.memory_space<vmem>>
      %dma_start3A_480 = arith.constant 0 : i32
      %dma_start3A_481 = arith.constant 0 : i32
      %dma_start3A_482 = tpu.memref_slice %arg2[%dma_start3A_480, %dma_start3A_481] : memref<104832x16xf32, #tpu.memory_space<hbm>> -> memref<104832x16xf32, #tpu.memory_space<hbm>>
      tpu.enqueue_indirect_dma source(%dma_start3A_482 : memref<104832x16xf32, #tpu.memory_space<hbm>>) target(%dma_start3A_478 : memref<128x16xf32, #tpu.memory_space<vmem>>) offsets(%dma_start3A_479 : memref<128xi32, #tpu.memory_space<vmem>>) semaphore(%arg9 : memref<!tpu.dma_semaphore, #tpu.memory_space<semaphore_mem>>)
      %mul3A_483 = arith.constant 2048 : i32
      %mul3A_484 = arith.muli %add3A_460, %mul3A_483 : i32
      %add3A_485 = arith.constant 256 : i32
      %add3A_486 = arith.addi %mul3A_484, %add3A_485 : i32
      %dma_start3A_487 = arith.constant 256 : i32
      %dma_start3A_488 = arith.constant 0 : i32
      %dma_start3A_489 = tpu.memref_slice %arg7[%dma_start3A_487, %dma_start3A_488] : memref<2048x16xf32, #tpu.memory_space<vmem>> -> memref<128x16xf32, #tpu.memory_space<vmem>>
      %dma_start3A_490 = tpu.memref_slice %arg5[%add3A_486] : memref<45864xi32, #tpu.memory_space<vmem>> -> memref<128xi32, #tpu.memory_space<vmem>>
      %dma_start3A_491 = arith.constant 0 : i32
      %dma_start3A_492 = arith.constant 0 : i32
      %dma_start3A_493 = tpu.memref_slice %arg2[%dma_start3A_491, %dma_start3A_492] : memref<104832x16xf32, #tpu.memory_space<hbm>> -> memref<104832x16xf32, #tpu.memory_space<hbm>>
      tpu.enqueue_indirect_dma source(%dma_start3A_493 : memref<104832x16xf32, #tpu.memory_space<hbm>>) target(%dma_start3A_489 : memref<128x16xf32, #tpu.memory_space<vmem>>) offsets(%dma_start3A_490 : memref<128xi32, #tpu.memory_space<vmem>>) semaphore(%arg9 : memref<!tpu.dma_semaphore, #tpu.memory_space<semaphore_mem>>)
      %mul3A_494 = arith.constant 2048 : i32
      %mul3A_495 = arith.muli %add3A_460, %mul3A_494 : i32
      %add3A_496 = arith.constant 384 : i32
      %add3A_497 = arith.addi %mul3A_495, %add3A_496 : i32
      %dma_start3A_498 = arith.constant 384 : i32
      %dma_start3A_499 = arith.constant 0 : i32
      %dma_start3A_500 = tpu.memref_slice %arg7[%dma_start3A_498, %dma_start3A_499] : memref<2048x16xf32, #tpu.memory_space<vmem>> -> memref<128x16xf32, #tpu.memory_space<vmem>>
      %dma_start3A_501 = tpu.memref_slice %arg5[%add3A_497] : memref<45864xi32, #tpu.memory_space<vmem>> -> memref<128xi32, #tpu.memory_space<vmem>>
      %dma_start3A_502 = arith.constant 0 : i32
      %dma_start3A_503 = arith.constant 0 : i32
      %dma_start3A_504 = tpu.memref_slice %arg2[%dma_start3A_502, %dma_start3A_503] : memref<104832x16xf32, #tpu.memory_space<hbm>> -> memref<104832x16xf32, #tpu.memory_space<hbm>>
      tpu.enqueue_indirect_dma source(%dma_start3A_504 : memref<104832x16xf32, #tpu.memory_space<hbm>>) target(%dma_start3A_500 : memref<128x16xf32, #tpu.memory_space<vmem>>) offsets(%dma_start3A_501 : memref<128xi32, #tpu.memory_space<vmem>>) semaphore(%arg9 : memref<!tpu.dma_semaphore, #tpu.memory_space<semaphore_mem>>)
      %mul3A_505 = arith.constant 2048 : i32
      %mul3A_506 = arith.muli %add3A_460, %mul3A_505 : i32
      %add3A_507 = arith.constant 512 : i32
      %add3A_508 = arith.addi %mul3A_506, %add3A_507 : i32
      %dma_start3A_509 = arith.constant 512 : i32
      %dma_start3A_510 = arith.constant 0 : i32
      %dma_start3A_511 = tpu.memref_slice %arg7[%dma_start3A_509, %dma_start3A_510] : memref<2048x16xf32, #tpu.memory_space<vmem>> -> memref<128x16xf32, #tpu.memory_space<vmem>>
      %dma_start3A_512 = tpu.memref_slice %arg5[%add3A_508] : memref<45864xi32, #tpu.memory_space<vmem>> -> memref<128xi32, #tpu.memory_space<vmem>>
      %dma_start3A_513 = arith.constant 0 : i32
      %dma_start3A_514 = arith.constant 0 : i32
      %dma_start3A_515 = tpu.memref_slice %arg2[%dma_start3A_513, %dma_start3A_514] : memref<104832x16xf32, #tpu.memory_space<hbm>> -> memref<104832x16xf32, #tpu.memory_space<hbm>>
      tpu.enqueue_indirect_dma source(%dma_start3A_515 : memref<104832x16xf32, #tpu.memory_space<hbm>>) target(%dma_start3A_511 : memref<128x16xf32, #tpu.memory_space<vmem>>) offsets(%dma_start3A_512 : memref<128xi32, #tpu.memory_space<vmem>>) semaphore(%arg9 : memref<!tpu.dma_semaphore, #tpu.memory_space<semaphore_mem>>)
      %mul3A_516 = arith.constant 2048 : i32
      %mul3A_517 = arith.muli %add3A_460, %mul3A_516 : i32
      %add3A_518 = arith.constant 640 : i32
      %add3A_519 = arith.addi %mul3A_517, %add3A_518 : i32
      %dma_start3A_520 = arith.constant 640 : i32
      %dma_start3A_521 = arith.constant 0 : i32
      %dma_start3A_522 = tpu.memref_slice %arg7[%dma_start3A_520, %dma_start3A_521] : memref<2048x16xf32, #tpu.memory_space<vmem>> -> memref<128x16xf32, #tpu.memory_space<vmem>>
      %dma_start3A_523 = tpu.memref_slice %arg5[%add3A_519] : memref<45864xi32, #tpu.memory_space<vmem>> -> memref<128xi32, #tpu.memory_space<vmem>>
      %dma_start3A_524 = arith.constant 0 : i32
      %dma_start3A_525 = arith.constant 0 : i32
      %dma_start3A_526 = tpu.memref_slice %arg2[%dma_start3A_524, %dma_start3A_525] : memref<104832x16xf32, #tpu.memory_space<hbm>> -> memref<104832x16xf32, #tpu.memory_space<hbm>>
      tpu.enqueue_indirect_dma source(%dma_start3A_526 : memref<104832x16xf32, #tpu.memory_space<hbm>>) target(%dma_start3A_522 : memref<128x16xf32, #tpu.memory_space<vmem>>) offsets(%dma_start3A_523 : memref<128xi32, #tpu.memory_space<vmem>>) semaphore(%arg9 : memref<!tpu.dma_semaphore, #tpu.memory_space<semaphore_mem>>)
      %mul3A_527 = arith.constant 2048 : i32
      %mul3A_528 = arith.muli %add3A_460, %mul3A_527 : i32
      %add3A_529 = arith.constant 768 : i32
      %add3A_530 = arith.addi %mul3A_528, %add3A_529 : i32
      %dma_start3A_531 = arith.constant 768 : i32
      %dma_start3A_532 = arith.constant 0 : i32
      %dma_start3A_533 = tpu.memref_slice %arg7[%dma_start3A_531, %dma_start3A_532] : memref<2048x16xf32, #tpu.memory_space<vmem>> -> memref<128x16xf32, #tpu.memory_space<vmem>>
      %dma_start3A_534 = tpu.memref_slice %arg5[%add3A_530] : memref<45864xi32, #tpu.memory_space<vmem>> -> memref<128xi32, #tpu.memory_space<vmem>>
      %dma_start3A_535 = arith.constant 0 : i32
      %dma_start3A_536 = arith.constant 0 : i32
      %dma_start3A_537 = tpu.memref_slice %arg2[%dma_start3A_535, %dma_start3A_536] : memref<104832x16xf32, #tpu.memory_space<hbm>> -> memref<104832x16xf32, #tpu.memory_space<hbm>>
      tpu.enqueue_indirect_dma source(%dma_start3A_537 : memref<104832x16xf32, #tpu.memory_space<hbm>>) target(%dma_start3A_533 : memref<128x16xf32, #tpu.memory_space<vmem>>) offsets(%dma_start3A_534 : memref<128xi32, #tpu.memory_space<vmem>>) semaphore(%arg9 : memref<!tpu.dma_semaphore, #tpu.memory_space<semaphore_mem>>)
      %mul3A_538 = arith.constant 2048 : i32
      %mul3A_539 = arith.muli %add3A_460, %mul3A_538 : i32
      %add3A_540 = arith.constant 896 : i32
      %add3A_541 = arith.addi %mul3A_539, %add3A_540 : i32
      %dma_start3A_542 = arith.constant 896 : i32
      %dma_start3A_543 = arith.constant 0 : i32
      %dma_start3A_544 = tpu.memref_slice %arg7[%dma_start3A_542, %dma_start3A_543] : memref<2048x16xf32, #tpu.memory_space<vmem>> -> memref<128x16xf32, #tpu.memory_space<vmem>>
      %dma_start3A_545 = tpu.memref_slice %arg5[%add3A_541] : memref<45864xi32, #tpu.memory_space<vmem>> -> memref<128xi32, #tpu.memory_space<vmem>>
      %dma_start3A_546 = arith.constant 0 : i32
      %dma_start3A_547 = arith.constant 0 : i32
      %dma_start3A_548 = tpu.memref_slice %arg2[%dma_start3A_546, %dma_start3A_547] : memref<104832x16xf32, #tpu.memory_space<hbm>> -> memref<104832x16xf32, #tpu.memory_space<hbm>>
      tpu.enqueue_indirect_dma source(%dma_start3A_548 : memref<104832x16xf32, #tpu.memory_space<hbm>>) target(%dma_start3A_544 : memref<128x16xf32, #tpu.memory_space<vmem>>) offsets(%dma_start3A_545 : memref<128xi32, #tpu.memory_space<vmem>>) semaphore(%arg9 : memref<!tpu.dma_semaphore, #tpu.memory_space<semaphore_mem>>)
      %mul3A_549 = arith.constant 2048 : i32
      %mul3A_550 = arith.muli %add3A_460, %mul3A_549 : i32
      %add3A_551 = arith.constant 1024 : i32
      %add3A_552 = arith.addi %mul3A_550, %add3A_551 : i32
      %dma_start3A_553 = arith.constant 1024 : i32
      %dma_start3A_554 = arith.constant 0 : i32
      %dma_start3A_555 = tpu.memref_slice %arg7[%dma_start3A_553, %dma_start3A_554] : memref<2048x16xf32, #tpu.memory_space<vmem>> -> memref<128x16xf32, #tpu.memory_space<vmem>>
      %dma_start3A_556 = tpu.memref_slice %arg5[%add3A_552] : memref<45864xi32, #tpu.memory_space<vmem>> -> memref<128xi32, #tpu.memory_space<vmem>>
      %dma_start3A_557 = arith.constant 0 : i32
      %dma_start3A_558 = arith.constant 0 : i32
      %dma_start3A_559 = tpu.memref_slice %arg2[%dma_start3A_557, %dma_start3A_558] : memref<104832x16xf32, #tpu.memory_space<hbm>> -> memref<104832x16xf32, #tpu.memory_space<hbm>>
      tpu.enqueue_indirect_dma source(%dma_start3A_559 : memref<104832x16xf32, #tpu.memory_space<hbm>>) target(%dma_start3A_555 : memref<128x16xf32, #tpu.memory_space<vmem>>) offsets(%dma_start3A_556 : memref<128xi32, #tpu.memory_space<vmem>>) semaphore(%arg9 : memref<!tpu.dma_semaphore, #tpu.memory_space<semaphore_mem>>)
      %mul3A_560 = arith.constant 2048 : i32
      %mul3A_561 = arith.muli %add3A_460, %mul3A_560 : i32
      %add3A_562 = arith.constant 1152 : i32
      %add3A_563 = arith.addi %mul3A_561, %add3A_562 : i32
      %dma_start3A_564 = arith.constant 1152 : i32
      %dma_start3A_565 = arith.constant 0 : i32
      %dma_start3A_566 = tpu.memref_slice %arg7[%dma_start3A_564, %dma_start3A_565] : memref<2048x16xf32, #tpu.memory_space<vmem>> -> memref<128x16xf32, #tpu.memory_space<vmem>>
      %dma_start3A_567 = tpu.memref_slice %arg5[%add3A_563] : memref<45864xi32, #tpu.memory_space<vmem>> -> memref<128xi32, #tpu.memory_space<vmem>>
      %dma_start3A_568 = arith.constant 0 : i32
      %dma_start3A_569 = arith.constant 0 : i32
      %dma_start3A_570 = tpu.memref_slice %arg2[%dma_start3A_568, %dma_start3A_569] : memref<104832x16xf32, #tpu.memory_space<hbm>> -> memref<104832x16xf32, #tpu.memory_space<hbm>>
      tpu.enqueue_indirect_dma source(%dma_start3A_570 : memref<104832x16xf32, #tpu.memory_space<hbm>>) target(%dma_start3A_566 : memref<128x16xf32, #tpu.memory_space<vmem>>) offsets(%dma_start3A_567 : memref<128xi32, #tpu.memory_space<vmem>>) semaphore(%arg9 : memref<!tpu.dma_semaphore, #tpu.memory_space<semaphore_mem>>)
      %mul3A_571 = arith.constant 2048 : i32
      %mul3A_572 = arith.muli %add3A_460, %mul3A_571 : i32
      %add3A_573 = arith.constant 1280 : i32
      %add3A_574 = arith.addi %mul3A_572, %add3A_573 : i32
      %dma_start3A_575 = arith.constant 1280 : i32
      %dma_start3A_576 = arith.constant 0 : i32
      %dma_start3A_577 = tpu.memref_slice %arg7[%dma_start3A_575, %dma_start3A_576] : memref<2048x16xf32, #tpu.memory_space<vmem>> -> memref<128x16xf32, #tpu.memory_space<vmem>>
      %dma_start3A_578 = tpu.memref_slice %arg5[%add3A_574] : memref<45864xi32, #tpu.memory_space<vmem>> -> memref<128xi32, #tpu.memory_space<vmem>>
      %dma_start3A_579 = arith.constant 0 : i32
      %dma_start3A_580 = arith.constant 0 : i32
      %dma_start3A_581 = tpu.memref_slice %arg2[%dma_start3A_579, %dma_start3A_580] : memref<104832x16xf32, #tpu.memory_space<hbm>> -> memref<104832x16xf32, #tpu.memory_space<hbm>>
      tpu.enqueue_indirect_dma source(%dma_start3A_581 : memref<104832x16xf32, #tpu.memory_space<hbm>>) target(%dma_start3A_577 : memref<128x16xf32, #tpu.memory_space<vmem>>) offsets(%dma_start3A_578 : memref<128xi32, #tpu.memory_space<vmem>>) semaphore(%arg9 : memref<!tpu.dma_semaphore, #tpu.memory_space<semaphore_mem>>)
      %mul3A_582 = arith.constant 2048 : i32
      %mul3A_583 = arith.muli %add3A_460, %mul3A_582 : i32
      %add3A_584 = arith.constant 1408 : i32
      %add3A_585 = arith.addi %mul3A_583, %add3A_584 : i32
      %dma_start3A_586 = arith.constant 1408 : i32
      %dma_start3A_587 = arith.constant 0 : i32
      %dma_start3A_588 = tpu.memref_slice %arg7[%dma_start3A_586, %dma_start3A_587] : memref<2048x16xf32, #tpu.memory_space<vmem>> -> memref<128x16xf32, #tpu.memory_space<vmem>>
      %dma_start3A_589 = tpu.memref_slice %arg5[%add3A_585] : memref<45864xi32, #tpu.memory_space<vmem>> -> memref<128xi32, #tpu.memory_space<vmem>>
      %dma_start3A_590 = arith.constant 0 : i32
      %dma_start3A_591 = arith.constant 0 : i32
      %dma_start3A_592 = tpu.memref_slice %arg2[%dma_start3A_590, %dma_start3A_591] : memref<104832x16xf32, #tpu.memory_space<hbm>> -> memref<104832x16xf32, #tpu.memory_space<hbm>>
      tpu.enqueue_indirect_dma source(%dma_start3A_592 : memref<104832x16xf32, #tpu.memory_space<hbm>>) target(%dma_start3A_588 : memref<128x16xf32, #tpu.memory_space<vmem>>) offsets(%dma_start3A_589 : memref<128xi32, #tpu.memory_space<vmem>>) semaphore(%arg9 : memref<!tpu.dma_semaphore, #tpu.memory_space<semaphore_mem>>)
      %mul3A_593 = arith.constant 2048 : i32
      %mul3A_594 = arith.muli %add3A_460, %mul3A_593 : i32
      %add3A_595 = arith.constant 1536 : i32
      %add3A_596 = arith.addi %mul3A_594, %add3A_595 : i32
      %dma_start3A_597 = arith.constant 1536 : i32
      %dma_start3A_598 = arith.constant 0 : i32
      %dma_start3A_599 = tpu.memref_slice %arg7[%dma_start3A_597, %dma_start3A_598] : memref<2048x16xf32, #tpu.memory_space<vmem>> -> memref<128x16xf32, #tpu.memory_space<vmem>>
      %dma_start3A_600 = tpu.memref_slice %arg5[%add3A_596] : memref<45864xi32, #tpu.memory_space<vmem>> -> memref<128xi32, #tpu.memory_space<vmem>>
      %dma_start3A_601 = arith.constant 0 : i32
      %dma_start3A_602 = arith.constant 0 : i32
      %dma_start3A_603 = tpu.memref_slice %arg2[%dma_start3A_601, %dma_start3A_602] : memref<104832x16xf32, #tpu.memory_space<hbm>> -> memref<104832x16xf32, #tpu.memory_space<hbm>>
      tpu.enqueue_indirect_dma source(%dma_start3A_603 : memref<104832x16xf32, #tpu.memory_space<hbm>>) target(%dma_start3A_599 : memref<128x16xf32, #tpu.memory_space<vmem>>) offsets(%dma_start3A_600 : memref<128xi32, #tpu.memory_space<vmem>>) semaphore(%arg9 : memref<!tpu.dma_semaphore, #tpu.memory_space<semaphore_mem>>)
      %mul3A_604 = arith.constant 2048 : i32
      %mul3A_605 = arith.muli %add3A_460, %mul3A_604 : i32
      %add3A_606 = arith.constant 1664 : i32
      %add3A_607 = arith.addi %mul3A_605, %add3A_606 : i32
      %dma_start3A_608 = arith.constant 1664 : i32
      %dma_start3A_609 = arith.constant 0 : i32
      %dma_start3A_610 = tpu.memref_slice %arg7[%dma_start3A_608, %dma_start3A_609] : memref<2048x16xf32, #tpu.memory_space<vmem>> -> memref<128x16xf32, #tpu.memory_space<vmem>>
      %dma_start3A_611 = tpu.memref_slice %arg5[%add3A_607] : memref<45864xi32, #tpu.memory_space<vmem>> -> memref<128xi32, #tpu.memory_space<vmem>>
      %dma_start3A_612 = arith.constant 0 : i32
      %dma_start3A_613 = arith.constant 0 : i32
      %dma_start3A_614 = tpu.memref_slice %arg2[%dma_start3A_612, %dma_start3A_613] : memref<104832x16xf32, #tpu.memory_space<hbm>> -> memref<104832x16xf32, #tpu.memory_space<hbm>>
      tpu.enqueue_indirect_dma source(%dma_start3A_614 : memref<104832x16xf32, #tpu.memory_space<hbm>>) target(%dma_start3A_610 : memref<128x16xf32, #tpu.memory_space<vmem>>) offsets(%dma_start3A_611 : memref<128xi32, #tpu.memory_space<vmem>>) semaphore(%arg9 : memref<!tpu.dma_semaphore, #tpu.memory_space<semaphore_mem>>)
      %mul3A_615 = arith.constant 2048 : i32
      %mul3A_616 = arith.muli %add3A_460, %mul3A_615 : i32
      %add3A_617 = arith.constant 1792 : i32
      %add3A_618 = arith.addi %mul3A_616, %add3A_617 : i32
      %dma_start3A_619 = arith.constant 1792 : i32
      %dma_start3A_620 = arith.constant 0 : i32
      %dma_start3A_621 = tpu.memref_slice %arg7[%dma_start3A_619, %dma_start3A_620] : memref<2048x16xf32, #tpu.memory_space<vmem>> -> memref<128x16xf32, #tpu.memory_space<vmem>>
      %dma_start3A_622 = tpu.memref_slice %arg5[%add3A_618] : memref<45864xi32, #tpu.memory_space<vmem>> -> memref<128xi32, #tpu.memory_space<vmem>>
      %dma_start3A_623 = arith.constant 0 : i32
      %dma_start3A_624 = arith.constant 0 : i32
      %dma_start3A_625 = tpu.memref_slice %arg2[%dma_start3A_623, %dma_start3A_624] : memref<104832x16xf32, #tpu.memory_space<hbm>> -> memref<104832x16xf32, #tpu.memory_space<hbm>>
      tpu.enqueue_indirect_dma source(%dma_start3A_625 : memref<104832x16xf32, #tpu.memory_space<hbm>>) target(%dma_start3A_621 : memref<128x16xf32, #tpu.memory_space<vmem>>) offsets(%dma_start3A_622 : memref<128xi32, #tpu.memory_space<vmem>>) semaphore(%arg9 : memref<!tpu.dma_semaphore, #tpu.memory_space<semaphore_mem>>)
      %mul3A_626 = arith.constant 2048 : i32
      %mul3A_627 = arith.muli %add3A_460, %mul3A_626 : i32
      %add3A_628 = arith.constant 1920 : i32
      %add3A_629 = arith.addi %mul3A_627, %add3A_628 : i32
      %dma_start3A_630 = arith.constant 1920 : i32
      %dma_start3A_631 = arith.constant 0 : i32
      %dma_start3A_632 = tpu.memref_slice %arg7[%dma_start3A_630, %dma_start3A_631] : memref<2048x16xf32, #tpu.memory_space<vmem>> -> memref<128x16xf32, #tpu.memory_space<vmem>>
      %dma_start3A_633 = tpu.memref_slice %arg5[%add3A_629] : memref<45864xi32, #tpu.memory_space<vmem>> -> memref<128xi32, #tpu.memory_space<vmem>>
      %dma_start3A_634 = arith.constant 0 : i32
      %dma_start3A_635 = arith.constant 0 : i32
      %dma_start3A_636 = tpu.memref_slice %arg2[%dma_start3A_634, %dma_start3A_635] : memref<104832x16xf32, #tpu.memory_space<hbm>> -> memref<104832x16xf32, #tpu.memory_space<hbm>>
      tpu.enqueue_indirect_dma source(%dma_start3A_636 : memref<104832x16xf32, #tpu.memory_space<hbm>>) target(%dma_start3A_632 : memref<128x16xf32, #tpu.memory_space<vmem>>) offsets(%dma_start3A_633 : memref<128xi32, #tpu.memory_space<vmem>>) semaphore(%arg9 : memref<!tpu.dma_semaphore, #tpu.memory_space<semaphore_mem>>)
      %dma_wait3A_637 = arith.constant 0 : i32
      %dma_wait3A_638 = arith.constant 0 : i32
      %dma_wait3A_639 = tpu.memref_slice %arg7[%dma_wait3A_637, %dma_wait3A_638] : memref<2048x16xf32, #tpu.memory_space<vmem>> -> memref<128x16xf32, #tpu.memory_space<vmem>>
      %dma_wait3A_640 = tpu.memref_slice %arg5[%add3A_464] : memref<45864xi32, #tpu.memory_space<vmem>> -> memref<128xi32, #tpu.memory_space<vmem>>
      %dma_wait3A_641 = arith.constant 0 : i32
      %dma_wait3A_642 = arith.constant 0 : i32
      %dma_wait3A_643 = tpu.memref_slice %arg2[%dma_wait3A_641, %dma_wait3A_642] : memref<104832x16xf32, #tpu.memory_space<hbm>> -> memref<104832x16xf32, #tpu.memory_space<hbm>>
      tpu.wait_indirect_dma semaphore(%arg9 : memref<!tpu.dma_semaphore, #tpu.memory_space<semaphore_mem>>) src(%dma_wait3A_643 : memref<104832x16xf32, #tpu.memory_space<hbm>>) dst(%dma_wait3A_639 : memref<128x16xf32, #tpu.memory_space<vmem>>)
      %dma_wait3A_644 = arith.constant 128 : i32
      %dma_wait3A_645 = arith.constant 0 : i32
      %dma_wait3A_646 = tpu.memref_slice %arg7[%dma_wait3A_644, %dma_wait3A_645] : memref<2048x16xf32, #tpu.memory_space<vmem>> -> memref<128x16xf32, #tpu.memory_space<vmem>>
      %dma_wait3A_647 = tpu.memref_slice %arg5[%add3A_475] : memref<45864xi32, #tpu.memory_space<vmem>> -> memref<128xi32, #tpu.memory_space<vmem>>
      %dma_wait3A_648 = arith.constant 0 : i32
      %dma_wait3A_649 = arith.constant 0 : i32
      %dma_wait3A_650 = tpu.memref_slice %arg2[%dma_wait3A_648, %dma_wait3A_649] : memref<104832x16xf32, #tpu.memory_space<hbm>> -> memref<104832x16xf32, #tpu.memory_space<hbm>>
      tpu.wait_indirect_dma semaphore(%arg9 : memref<!tpu.dma_semaphore, #tpu.memory_space<semaphore_mem>>) src(%dma_wait3A_650 : memref<104832x16xf32, #tpu.memory_space<hbm>>) dst(%dma_wait3A_646 : memref<128x16xf32, #tpu.memory_space<vmem>>)
      %dma_wait3A_651 = arith.constant 256 : i32
      %dma_wait3A_652 = arith.constant 0 : i32
      %dma_wait3A_653 = tpu.memref_slice %arg7[%dma_wait3A_651, %dma_wait3A_652] : memref<2048x16xf32, #tpu.memory_space<vmem>> -> memref<128x16xf32, #tpu.memory_space<vmem>>
      %dma_wait3A_654 = tpu.memref_slice %arg5[%add3A_486] : memref<45864xi32, #tpu.memory_space<vmem>> -> memref<128xi32, #tpu.memory_space<vmem>>
      %dma_wait3A_655 = arith.constant 0 : i32
      %dma_wait3A_656 = arith.constant 0 : i32
      %dma_wait3A_657 = tpu.memref_slice %arg2[%dma_wait3A_655, %dma_wait3A_656] : memref<104832x16xf32, #tpu.memory_space<hbm>> -> memref<104832x16xf32, #tpu.memory_space<hbm>>
      tpu.wait_indirect_dma semaphore(%arg9 : memref<!tpu.dma_semaphore, #tpu.memory_space<semaphore_mem>>) src(%dma_wait3A_657 : memref<104832x16xf32, #tpu.memory_space<hbm>>) dst(%dma_wait3A_653 : memref<128x16xf32, #tpu.memory_space<vmem>>)
      %dma_wait3A_658 = arith.constant 384 : i32
      %dma_wait3A_659 = arith.constant 0 : i32
      %dma_wait3A_660 = tpu.memref_slice %arg7[%dma_wait3A_658, %dma_wait3A_659] : memref<2048x16xf32, #tpu.memory_space<vmem>> -> memref<128x16xf32, #tpu.memory_space<vmem>>
      %dma_wait3A_661 = tpu.memref_slice %arg5[%add3A_497] : memref<45864xi32, #tpu.memory_space<vmem>> -> memref<128xi32, #tpu.memory_space<vmem>>
      %dma_wait3A_662 = arith.constant 0 : i32
      %dma_wait3A_663 = arith.constant 0 : i32
      %dma_wait3A_664 = tpu.memref_slice %arg2[%dma_wait3A_662, %dma_wait3A_663] : memref<104832x16xf32, #tpu.memory_space<hbm>> -> memref<104832x16xf32, #tpu.memory_space<hbm>>
      tpu.wait_indirect_dma semaphore(%arg9 : memref<!tpu.dma_semaphore, #tpu.memory_space<semaphore_mem>>) src(%dma_wait3A_664 : memref<104832x16xf32, #tpu.memory_space<hbm>>) dst(%dma_wait3A_660 : memref<128x16xf32, #tpu.memory_space<vmem>>)
      %dma_wait3A_665 = arith.constant 512 : i32
      %dma_wait3A_666 = arith.constant 0 : i32
      %dma_wait3A_667 = tpu.memref_slice %arg7[%dma_wait3A_665, %dma_wait3A_666] : memref<2048x16xf32, #tpu.memory_space<vmem>> -> memref<128x16xf32, #tpu.memory_space<vmem>>
      %dma_wait3A_668 = tpu.memref_slice %arg5[%add3A_508] : memref<45864xi32, #tpu.memory_space<vmem>> -> memref<128xi32, #tpu.memory_space<vmem>>
      %dma_wait3A_669 = arith.constant 0 : i32
      %dma_wait3A_670 = arith.constant 0 : i32
      %dma_wait3A_671 = tpu.memref_slice %arg2[%dma_wait3A_669, %dma_wait3A_670] : memref<104832x16xf32, #tpu.memory_space<hbm>> -> memref<104832x16xf32, #tpu.memory_space<hbm>>
      tpu.wait_indirect_dma semaphore(%arg9 : memref<!tpu.dma_semaphore, #tpu.memory_space<semaphore_mem>>) src(%dma_wait3A_671 : memref<104832x16xf32, #tpu.memory_space<hbm>>) dst(%dma_wait3A_667 : memref<128x16xf32, #tpu.memory_space<vmem>>)
      %dma_wait3A_672 = arith.constant 640 : i32
      %dma_wait3A_673 = arith.constant 0 : i32
      %dma_wait3A_674 = tpu.memref_slice %arg7[%dma_wait3A_672, %dma_wait3A_673] : memref<2048x16xf32, #tpu.memory_space<vmem>> -> memref<128x16xf32, #tpu.memory_space<vmem>>
      %dma_wait3A_675 = tpu.memref_slice %arg5[%add3A_519] : memref<45864xi32, #tpu.memory_space<vmem>> -> memref<128xi32, #tpu.memory_space<vmem>>
      %dma_wait3A_676 = arith.constant 0 : i32
      %dma_wait3A_677 = arith.constant 0 : i32
      %dma_wait3A_678 = tpu.memref_slice %arg2[%dma_wait3A_676, %dma_wait3A_677] : memref<104832x16xf32, #tpu.memory_space<hbm>> -> memref<104832x16xf32, #tpu.memory_space<hbm>>
      tpu.wait_indirect_dma semaphore(%arg9 : memref<!tpu.dma_semaphore, #tpu.memory_space<semaphore_mem>>) src(%dma_wait3A_678 : memref<104832x16xf32, #tpu.memory_space<hbm>>) dst(%dma_wait3A_674 : memref<128x16xf32, #tpu.memory_space<vmem>>)
      %dma_wait3A_679 = arith.constant 768 : i32
      %dma_wait3A_680 = arith.constant 0 : i32
      %dma_wait3A_681 = tpu.memref_slice %arg7[%dma_wait3A_679, %dma_wait3A_680] : memref<2048x16xf32, #tpu.memory_space<vmem>> -> memref<128x16xf32, #tpu.memory_space<vmem>>
      %dma_wait3A_682 = tpu.memref_slice %arg5[%add3A_530] : memref<45864xi32, #tpu.memory_space<vmem>> -> memref<128xi32, #tpu.memory_space<vmem>>
      %dma_wait3A_683 = arith.constant 0 : i32
      %dma_wait3A_684 = arith.constant 0 : i32
      %dma_wait3A_685 = tpu.memref_slice %arg2[%dma_wait3A_683, %dma_wait3A_684] : memref<104832x16xf32, #tpu.memory_space<hbm>> -> memref<104832x16xf32, #tpu.memory_space<hbm>>
      tpu.wait_indirect_dma semaphore(%arg9 : memref<!tpu.dma_semaphore, #tpu.memory_space<semaphore_mem>>) src(%dma_wait3A_685 : memref<104832x16xf32, #tpu.memory_space<hbm>>) dst(%dma_wait3A_681 : memref<128x16xf32, #tpu.memory_space<vmem>>)
      %dma_wait3A_686 = arith.constant 896 : i32
      %dma_wait3A_687 = arith.constant 0 : i32
      %dma_wait3A_688 = tpu.memref_slice %arg7[%dma_wait3A_686, %dma_wait3A_687] : memref<2048x16xf32, #tpu.memory_space<vmem>> -> memref<128x16xf32, #tpu.memory_space<vmem>>
      %dma_wait3A_689 = tpu.memref_slice %arg5[%add3A_541] : memref<45864xi32, #tpu.memory_space<vmem>> -> memref<128xi32, #tpu.memory_space<vmem>>
      %dma_wait3A_690 = arith.constant 0 : i32
      %dma_wait3A_691 = arith.constant 0 : i32
      %dma_wait3A_692 = tpu.memref_slice %arg2[%dma_wait3A_690, %dma_wait3A_691] : memref<104832x16xf32, #tpu.memory_space<hbm>> -> memref<104832x16xf32, #tpu.memory_space<hbm>>
      tpu.wait_indirect_dma semaphore(%arg9 : memref<!tpu.dma_semaphore, #tpu.memory_space<semaphore_mem>>) src(%dma_wait3A_692 : memref<104832x16xf32, #tpu.memory_space<hbm>>) dst(%dma_wait3A_688 : memref<128x16xf32, #tpu.memory_space<vmem>>)
      %dma_wait3A_693 = arith.constant 1024 : i32
      %dma_wait3A_694 = arith.constant 0 : i32
      %dma_wait3A_695 = tpu.memref_slice %arg7[%dma_wait3A_693, %dma_wait3A_694] : memref<2048x16xf32, #tpu.memory_space<vmem>> -> memref<128x16xf32, #tpu.memory_space<vmem>>
      %dma_wait3A_696 = tpu.memref_slice %arg5[%add3A_552] : memref<45864xi32, #tpu.memory_space<vmem>> -> memref<128xi32, #tpu.memory_space<vmem>>
      %dma_wait3A_697 = arith.constant 0 : i32
      %dma_wait3A_698 = arith.constant 0 : i32
      %dma_wait3A_699 = tpu.memref_slice %arg2[%dma_wait3A_697, %dma_wait3A_698] : memref<104832x16xf32, #tpu.memory_space<hbm>> -> memref<104832x16xf32, #tpu.memory_space<hbm>>
      tpu.wait_indirect_dma semaphore(%arg9 : memref<!tpu.dma_semaphore, #tpu.memory_space<semaphore_mem>>) src(%dma_wait3A_699 : memref<104832x16xf32, #tpu.memory_space<hbm>>) dst(%dma_wait3A_695 : memref<128x16xf32, #tpu.memory_space<vmem>>)
      %dma_wait3A_700 = arith.constant 1152 : i32
      %dma_wait3A_701 = arith.constant 0 : i32
      %dma_wait3A_702 = tpu.memref_slice %arg7[%dma_wait3A_700, %dma_wait3A_701] : memref<2048x16xf32, #tpu.memory_space<vmem>> -> memref<128x16xf32, #tpu.memory_space<vmem>>
      %dma_wait3A_703 = tpu.memref_slice %arg5[%add3A_563] : memref<45864xi32, #tpu.memory_space<vmem>> -> memref<128xi32, #tpu.memory_space<vmem>>
      %dma_wait3A_704 = arith.constant 0 : i32
      %dma_wait3A_705 = arith.constant 0 : i32
      %dma_wait3A_706 = tpu.memref_slice %arg2[%dma_wait3A_704, %dma_wait3A_705] : memref<104832x16xf32, #tpu.memory_space<hbm>> -> memref<104832x16xf32, #tpu.memory_space<hbm>>
      tpu.wait_indirect_dma semaphore(%arg9 : memref<!tpu.dma_semaphore, #tpu.memory_space<semaphore_mem>>) src(%dma_wait3A_706 : memref<104832x16xf32, #tpu.memory_space<hbm>>) dst(%dma_wait3A_702 : memref<128x16xf32, #tpu.memory_space<vmem>>)
      %dma_wait3A_707 = arith.constant 1280 : i32
      %dma_wait3A_708 = arith.constant 0 : i32
      %dma_wait3A_709 = tpu.memref_slice %arg7[%dma_wait3A_707, %dma_wait3A_708] : memref<2048x16xf32, #tpu.memory_space<vmem>> -> memref<128x16xf32, #tpu.memory_space<vmem>>
      %dma_wait3A_710 = tpu.memref_slice %arg5[%add3A_574] : memref<45864xi32, #tpu.memory_space<vmem>> -> memref<128xi32, #tpu.memory_space<vmem>>
      %dma_wait3A_711 = arith.constant 0 : i32
      %dma_wait3A_712 = arith.constant 0 : i32
      %dma_wait3A_713 = tpu.memref_slice %arg2[%dma_wait3A_711, %dma_wait3A_712] : memref<104832x16xf32, #tpu.memory_space<hbm>> -> memref<104832x16xf32, #tpu.memory_space<hbm>>
      tpu.wait_indirect_dma semaphore(%arg9 : memref<!tpu.dma_semaphore, #tpu.memory_space<semaphore_mem>>) src(%dma_wait3A_713 : memref<104832x16xf32, #tpu.memory_space<hbm>>) dst(%dma_wait3A_709 : memref<128x16xf32, #tpu.memory_space<vmem>>)
      %dma_wait3A_714 = arith.constant 1408 : i32
      %dma_wait3A_715 = arith.constant 0 : i32
      %dma_wait3A_716 = tpu.memref_slice %arg7[%dma_wait3A_714, %dma_wait3A_715] : memref<2048x16xf32, #tpu.memory_space<vmem>> -> memref<128x16xf32, #tpu.memory_space<vmem>>
      %dma_wait3A_717 = tpu.memref_slice %arg5[%add3A_585] : memref<45864xi32, #tpu.memory_space<vmem>> -> memref<128xi32, #tpu.memory_space<vmem>>
      %dma_wait3A_718 = arith.constant 0 : i32
      %dma_wait3A_719 = arith.constant 0 : i32
      %dma_wait3A_720 = tpu.memref_slice %arg2[%dma_wait3A_718, %dma_wait3A_719] : memref<104832x16xf32, #tpu.memory_space<hbm>> -> memref<104832x16xf32, #tpu.memory_space<hbm>>
      tpu.wait_indirect_dma semaphore(%arg9 : memref<!tpu.dma_semaphore, #tpu.memory_space<semaphore_mem>>) src(%dma_wait3A_720 : memref<104832x16xf32, #tpu.memory_space<hbm>>) dst(%dma_wait3A_716 : memref<128x16xf32, #tpu.memory_space<vmem>>)
      %dma_wait3A_721 = arith.constant 1536 : i32
      %dma_wait3A_722 = arith.constant 0 : i32
      %dma_wait3A_723 = tpu.memref_slice %arg7[%dma_wait3A_721, %dma_wait3A_722] : memref<2048x16xf32, #tpu.memory_space<vmem>> -> memref<128x16xf32, #tpu.memory_space<vmem>>
      %dma_wait3A_724 = tpu.memref_slice %arg5[%add3A_596] : memref<45864xi32, #tpu.memory_space<vmem>> -> memref<128xi32, #tpu.memory_space<vmem>>
      %dma_wait3A_725 = arith.constant 0 : i32
      %dma_wait3A_726 = arith.constant 0 : i32
      %dma_wait3A_727 = tpu.memref_slice %arg2[%dma_wait3A_725, %dma_wait3A_726] : memref<104832x16xf32, #tpu.memory_space<hbm>> -> memref<104832x16xf32, #tpu.memory_space<hbm>>
      tpu.wait_indirect_dma semaphore(%arg9 : memref<!tpu.dma_semaphore, #tpu.memory_space<semaphore_mem>>) src(%dma_wait3A_727 : memref<104832x16xf32, #tpu.memory_space<hbm>>) dst(%dma_wait3A_723 : memref<128x16xf32, #tpu.memory_space<vmem>>)
      %dma_wait3A_728 = arith.constant 1664 : i32
      %dma_wait3A_729 = arith.constant 0 : i32
      %dma_wait3A_730 = tpu.memref_slice %arg7[%dma_wait3A_728, %dma_wait3A_729] : memref<2048x16xf32, #tpu.memory_space<vmem>> -> memref<128x16xf32, #tpu.memory_space<vmem>>
      %dma_wait3A_731 = tpu.memref_slice %arg5[%add3A_607] : memref<45864xi32, #tpu.memory_space<vmem>> -> memref<128xi32, #tpu.memory_space<vmem>>
      %dma_wait3A_732 = arith.constant 0 : i32
      %dma_wait3A_733 = arith.constant 0 : i32
      %dma_wait3A_734 = tpu.memref_slice %arg2[%dma_wait3A_732, %dma_wait3A_733] : memref<104832x16xf32, #tpu.memory_space<hbm>> -> memref<104832x16xf32, #tpu.memory_space<hbm>>
      tpu.wait_indirect_dma semaphore(%arg9 : memref<!tpu.dma_semaphore, #tpu.memory_space<semaphore_mem>>) src(%dma_wait3A_734 : memref<104832x16xf32, #tpu.memory_space<hbm>>) dst(%dma_wait3A_730 : memref<128x16xf32, #tpu.memory_space<vmem>>)
      %dma_wait3A_735 = arith.constant 1792 : i32
      %dma_wait3A_736 = arith.constant 0 : i32
      %dma_wait3A_737 = tpu.memref_slice %arg7[%dma_wait3A_735, %dma_wait3A_736] : memref<2048x16xf32, #tpu.memory_space<vmem>> -> memref<128x16xf32, #tpu.memory_space<vmem>>
      %dma_wait3A_738 = tpu.memref_slice %arg5[%add3A_618] : memref<45864xi32, #tpu.memory_space<vmem>> -> memref<128xi32, #tpu.memory_space<vmem>>
      %dma_wait3A_739 = arith.constant 0 : i32
      %dma_wait3A_740 = arith.constant 0 : i32
      %dma_wait3A_741 = tpu.memref_slice %arg2[%dma_wait3A_739, %dma_wait3A_740] : memref<104832x16xf32, #tpu.memory_space<hbm>> -> memref<104832x16xf32, #tpu.memory_space<hbm>>
      tpu.wait_indirect_dma semaphore(%arg9 : memref<!tpu.dma_semaphore, #tpu.memory_space<semaphore_mem>>) src(%dma_wait3A_741 : memref<104832x16xf32, #tpu.memory_space<hbm>>) dst(%dma_wait3A_737 : memref<128x16xf32, #tpu.memory_space<vmem>>)
      %dma_wait3A_742 = arith.constant 1920 : i32
      %dma_wait3A_743 = arith.constant 0 : i32
      %dma_wait3A_744 = tpu.memref_slice %arg7[%dma_wait3A_742, %dma_wait3A_743] : memref<2048x16xf32, #tpu.memory_space<vmem>> -> memref<128x16xf32, #tpu.memory_space<vmem>>
      %dma_wait3A_745 = tpu.memref_slice %arg5[%add3A_629] : memref<45864xi32, #tpu.memory_space<vmem>> -> memref<128xi32, #tpu.memory_space<vmem>>
      %dma_wait3A_746 = arith.constant 0 : i32
      %dma_wait3A_747 = arith.constant 0 : i32
      %dma_wait3A_748 = tpu.memref_slice %arg2[%dma_wait3A_746, %dma_wait3A_747] : memref<104832x16xf32, #tpu.memory_space<hbm>> -> memref<104832x16xf32, #tpu.memory_space<hbm>>
      tpu.wait_indirect_dma semaphore(%arg9 : memref<!tpu.dma_semaphore, #tpu.memory_space<semaphore_mem>>) src(%dma_wait3A_748 : memref<104832x16xf32, #tpu.memory_space<hbm>>) dst(%dma_wait3A_744 : memref<128x16xf32, #tpu.memory_space<vmem>>)
      %add3A_749 = arith.constant 1 : i32
      %add3A_750 = arith.addi %mul3A_156, %add3A_749 : i32
      %mul3A_751 = arith.constant 2048 : i32
      %mul3A_752 = arith.muli %add3A_750, %mul3A_751 : i32
      %add3A_753 = arith.addi %mul3A_2, %mul3A_752 : i32
      %dma_start3A_754 = arith.constant 0 : i32
      %dma_start3A_755 = tpu.memref_slice %arg4[%add3A_753, %dma_start3A_754] : memref<1467648x16xf32, #tpu.memory_space<hbm>> -> memref<2048x16xf32, #tpu.memory_space<hbm>>
      %dma_start3A_756 = arith.constant 0 : i32
      %dma_start3A_757 = tpu.memref_slice %arg4[%add3A_753, %dma_start3A_756] : memref<1467648x16xf32, #tpu.memory_space<hbm>> -> memref<2048x16xf32, #tpu.memory_space<hbm>>
      tpu.enqueue_dma source(%arg7 : memref<2048x16xf32, #tpu.memory_space<vmem>>) target(%dma_start3A_757 : memref<2048x16xf32, #tpu.memory_space<hbm>>) target_semaphore(%arg11 : memref<!tpu.dma_semaphore, #tpu.memory_space<semaphore_mem>>)
      %scan3A_758 = arith.constant 0 : i32
      scf.yield %scan3A_758 : i32
    }
    %scan3A_10 = arith.constant 11 : i32
    %dma_wait3A_11 = arith.constant 0 : i32
    %dma_wait3A_12 = tpu.memref_slice %arg4[%mul3A_2, %dma_wait3A_11] : memref<1467648x16xf32, #tpu.memory_space<hbm>> -> memref<2048x16xf32, #tpu.memory_space<hbm>>
    %dma_wait3A_13 = arith.constant 0 : i32
    %dma_wait3A_14 = tpu.memref_slice %arg4[%mul3A_2, %dma_wait3A_13] : memref<1467648x16xf32, #tpu.memory_space<hbm>> -> memref<2048x16xf32, #tpu.memory_space<hbm>>
    tpu.wait_dma2 semaphore(%arg10 : memref<!tpu.dma_semaphore, #tpu.memory_space<semaphore_mem>>) src(%arg6 : memref<2048x16xf32, #tpu.memory_space<vmem>>) dst(%dma_wait3A_14 : memref<2048x16xf32, #tpu.memory_space<hbm>>)
    %dma_start3A_15 = arith.constant 0 : i32
    %dma_start3A_16 = arith.constant 0 : i32
    %dma_start3A_17 = tpu.memref_slice %arg6[%dma_start3A_15, %dma_start3A_16] : memref<2048x16xf32, #tpu.memory_space<vmem>> -> memref<128x16xf32, #tpu.memory_space<vmem>>
    %dma_start3A_18 = arith.constant 45056 : i32
    %dma_start3A_19 = tpu.memref_slice %arg5[%dma_start3A_18] : memref<45864xi32, #tpu.memory_space<vmem>> -> memref<128xi32, #tpu.memory_space<vmem>>
    %dma_start3A_20 = arith.constant 0 : i32
    %dma_start3A_21 = arith.constant 0 : i32
    %dma_start3A_22 = tpu.memref_slice %arg2[%dma_start3A_20, %dma_start3A_21] : memref<104832x16xf32, #tpu.memory_space<hbm>> -> memref<104832x16xf32, #tpu.memory_space<hbm>>
    tpu.enqueue_indirect_dma source(%dma_start3A_22 : memref<104832x16xf32, #tpu.memory_space<hbm>>) target(%dma_start3A_17 : memref<128x16xf32, #tpu.memory_space<vmem>>) offsets(%dma_start3A_19 : memref<128xi32, #tpu.memory_space<vmem>>) semaphore(%arg8 : memref<!tpu.dma_semaphore, #tpu.memory_space<semaphore_mem>>)
    %dma_start3A_23 = arith.constant 128 : i32
    %dma_start3A_24 = arith.constant 0 : i32
    %dma_start3A_25 = tpu.memref_slice %arg6[%dma_start3A_23, %dma_start3A_24] : memref<2048x16xf32, #tpu.memory_space<vmem>> -> memref<128x16xf32, #tpu.memory_space<vmem>>
    %dma_start3A_26 = arith.constant 45184 : i32
    %dma_start3A_27 = tpu.memref_slice %arg5[%dma_start3A_26] : memref<45864xi32, #tpu.memory_space<vmem>> -> memref<128xi32, #tpu.memory_space<vmem>>
    %dma_start3A_28 = arith.constant 0 : i32
    %dma_start3A_29 = arith.constant 0 : i32
    %dma_start3A_30 = tpu.memref_slice %arg2[%dma_start3A_28, %dma_start3A_29] : memref<104832x16xf32, #tpu.memory_space<hbm>> -> memref<104832x16xf32, #tpu.memory_space<hbm>>
    tpu.enqueue_indirect_dma source(%dma_start3A_30 : memref<104832x16xf32, #tpu.memory_space<hbm>>) target(%dma_start3A_25 : memref<128x16xf32, #tpu.memory_space<vmem>>) offsets(%dma_start3A_27 : memref<128xi32, #tpu.memory_space<vmem>>) semaphore(%arg8 : memref<!tpu.dma_semaphore, #tpu.memory_space<semaphore_mem>>)
    %dma_start3A_31 = arith.constant 256 : i32
    %dma_start3A_32 = arith.constant 0 : i32
    %dma_start3A_33 = tpu.memref_slice %arg6[%dma_start3A_31, %dma_start3A_32] : memref<2048x16xf32, #tpu.memory_space<vmem>> -> memref<128x16xf32, #tpu.memory_space<vmem>>
    %dma_start3A_34 = arith.constant 45312 : i32
    %dma_start3A_35 = tpu.memref_slice %arg5[%dma_start3A_34] : memref<45864xi32, #tpu.memory_space<vmem>> -> memref<128xi32, #tpu.memory_space<vmem>>
    %dma_start3A_36 = arith.constant 0 : i32
    %dma_start3A_37 = arith.constant 0 : i32
    %dma_start3A_38 = tpu.memref_slice %arg2[%dma_start3A_36, %dma_start3A_37] : memref<104832x16xf32, #tpu.memory_space<hbm>> -> memref<104832x16xf32, #tpu.memory_space<hbm>>
    tpu.enqueue_indirect_dma source(%dma_start3A_38 : memref<104832x16xf32, #tpu.memory_space<hbm>>) target(%dma_start3A_33 : memref<128x16xf32, #tpu.memory_space<vmem>>) offsets(%dma_start3A_35 : memref<128xi32, #tpu.memory_space<vmem>>) semaphore(%arg8 : memref<!tpu.dma_semaphore, #tpu.memory_space<semaphore_mem>>)
    %dma_start3A_39 = arith.constant 384 : i32
    %dma_start3A_40 = arith.constant 0 : i32
    %dma_start3A_41 = tpu.memref_slice %arg6[%dma_start3A_39, %dma_start3A_40] : memref<2048x16xf32, #tpu.memory_space<vmem>> -> memref<128x16xf32, #tpu.memory_space<vmem>>
    %dma_start3A_42 = arith.constant 45440 : i32
    %dma_start3A_43 = tpu.memref_slice %arg5[%dma_start3A_42] : memref<45864xi32, #tpu.memory_space<vmem>> -> memref<128xi32, #tpu.memory_space<vmem>>
    %dma_start3A_44 = arith.constant 0 : i32
    %dma_start3A_45 = arith.constant 0 : i32
    %dma_start3A_46 = tpu.memref_slice %arg2[%dma_start3A_44, %dma_start3A_45] : memref<104832x16xf32, #tpu.memory_space<hbm>> -> memref<104832x16xf32, #tpu.memory_space<hbm>>
    tpu.enqueue_indirect_dma source(%dma_start3A_46 : memref<104832x16xf32, #tpu.memory_space<hbm>>) target(%dma_start3A_41 : memref<128x16xf32, #tpu.memory_space<vmem>>) offsets(%dma_start3A_43 : memref<128xi32, #tpu.memory_space<vmem>>) semaphore(%arg8 : memref<!tpu.dma_semaphore, #tpu.memory_space<semaphore_mem>>)
    %dma_start3A_47 = arith.constant 512 : i32
    %dma_start3A_48 = arith.constant 0 : i32
    %dma_start3A_49 = tpu.memref_slice %arg6[%dma_start3A_47, %dma_start3A_48] : memref<2048x16xf32, #tpu.memory_space<vmem>> -> memref<128x16xf32, #tpu.memory_space<vmem>>
    %dma_start3A_50 = arith.constant 45568 : i32
    %dma_start3A_51 = tpu.memref_slice %arg5[%dma_start3A_50] : memref<45864xi32, #tpu.memory_space<vmem>> -> memref<128xi32, #tpu.memory_space<vmem>>
    %dma_start3A_52 = arith.constant 0 : i32
    %dma_start3A_53 = arith.constant 0 : i32
    %dma_start3A_54 = tpu.memref_slice %arg2[%dma_start3A_52, %dma_start3A_53] : memref<104832x16xf32, #tpu.memory_space<hbm>> -> memref<104832x16xf32, #tpu.memory_space<hbm>>
    tpu.enqueue_indirect_dma source(%dma_start3A_54 : memref<104832x16xf32, #tpu.memory_space<hbm>>) target(%dma_start3A_49 : memref<128x16xf32, #tpu.memory_space<vmem>>) offsets(%dma_start3A_51 : memref<128xi32, #tpu.memory_space<vmem>>) semaphore(%arg8 : memref<!tpu.dma_semaphore, #tpu.memory_space<semaphore_mem>>)
    %dma_start3A_55 = arith.constant 640 : i32
    %dma_start3A_56 = arith.constant 0 : i32
    %dma_start3A_57 = tpu.memref_slice %arg6[%dma_start3A_55, %dma_start3A_56] : memref<2048x16xf32, #tpu.memory_space<vmem>> -> memref<128x16xf32, #tpu.memory_space<vmem>>
    %dma_start3A_58 = arith.constant 45696 : i32
    %dma_start3A_59 = tpu.memref_slice %arg5[%dma_start3A_58] : memref<45864xi32, #tpu.memory_space<vmem>> -> memref<128xi32, #tpu.memory_space<vmem>>
    %dma_start3A_60 = arith.constant 0 : i32
    %dma_start3A_61 = arith.constant 0 : i32
    %dma_start3A_62 = tpu.memref_slice %arg2[%dma_start3A_60, %dma_start3A_61] : memref<104832x16xf32, #tpu.memory_space<hbm>> -> memref<104832x16xf32, #tpu.memory_space<hbm>>
    tpu.enqueue_indirect_dma source(%dma_start3A_62 : memref<104832x16xf32, #tpu.memory_space<hbm>>) target(%dma_start3A_57 : memref<128x16xf32, #tpu.memory_space<vmem>>) offsets(%dma_start3A_59 : memref<128xi32, #tpu.memory_space<vmem>>) semaphore(%arg8 : memref<!tpu.dma_semaphore, #tpu.memory_space<semaphore_mem>>)
    %dma_start3A_63 = arith.constant 768 : i32
    %dma_start3A_64 = arith.constant 0 : i32
    %dma_start3A_65 = tpu.memref_slice %arg6[%dma_start3A_63, %dma_start3A_64] : memref<2048x16xf32, #tpu.memory_space<vmem>> -> memref<40x16xf32, #tpu.memory_space<vmem>>
    %dma_start3A_66 = arith.constant 45824 : i32
    %dma_start3A_67 = tpu.memref_slice %arg5[%dma_start3A_66] : memref<45864xi32, #tpu.memory_space<vmem>> -> memref<40xi32, #tpu.memory_space<vmem>>
    %dma_start3A_68 = arith.constant 0 : i32
    %dma_start3A_69 = arith.constant 0 : i32
    %dma_start3A_70 = tpu.memref_slice %arg2[%dma_start3A_68, %dma_start3A_69] : memref<104832x16xf32, #tpu.memory_space<hbm>> -> memref<104832x16xf32, #tpu.memory_space<hbm>>
    tpu.enqueue_indirect_dma source(%dma_start3A_70 : memref<104832x16xf32, #tpu.memory_space<hbm>>) target(%dma_start3A_65 : memref<40x16xf32, #tpu.memory_space<vmem>>) offsets(%dma_start3A_67 : memref<40xi32, #tpu.memory_space<vmem>>) semaphore(%arg8 : memref<!tpu.dma_semaphore, #tpu.memory_space<semaphore_mem>>)
    %dma_wait3A_71 = arith.constant 0 : i32
    %dma_wait3A_72 = arith.constant 0 : i32
    %dma_wait3A_73 = tpu.memref_slice %arg6[%dma_wait3A_71, %dma_wait3A_72] : memref<2048x16xf32, #tpu.memory_space<vmem>> -> memref<128x16xf32, #tpu.memory_space<vmem>>
    %dma_wait3A_74 = arith.constant 45056 : i32
    %dma_wait3A_75 = tpu.memref_slice %arg5[%dma_wait3A_74] : memref<45864xi32, #tpu.memory_space<vmem>> -> memref<128xi32, #tpu.memory_space<vmem>>
    %dma_wait3A_76 = arith.constant 0 : i32
    %dma_wait3A_77 = arith.constant 0 : i32
    %dma_wait3A_78 = tpu.memref_slice %arg2[%dma_wait3A_76, %dma_wait3A_77] : memref<104832x16xf32, #tpu.memory_space<hbm>> -> memref<104832x16xf32, #tpu.memory_space<hbm>>
    tpu.wait_indirect_dma semaphore(%arg8 : memref<!tpu.dma_semaphore, #tpu.memory_space<semaphore_mem>>) src(%dma_wait3A_78 : memref<104832x16xf32, #tpu.memory_space<hbm>>) dst(%dma_wait3A_73 : memref<128x16xf32, #tpu.memory_space<vmem>>)
    %dma_wait3A_79 = arith.constant 128 : i32
    %dma_wait3A_80 = arith.constant 0 : i32
    %dma_wait3A_81 = tpu.memref_slice %arg6[%dma_wait3A_79, %dma_wait3A_80] : memref<2048x16xf32, #tpu.memory_space<vmem>> -> memref<128x16xf32, #tpu.memory_space<vmem>>
    %dma_wait3A_82 = arith.constant 45184 : i32
    %dma_wait3A_83 = tpu.memref_slice %arg5[%dma_wait3A_82] : memref<45864xi32, #tpu.memory_space<vmem>> -> memref<128xi32, #tpu.memory_space<vmem>>
    %dma_wait3A_84 = arith.constant 0 : i32
    %dma_wait3A_85 = arith.constant 0 : i32
    %dma_wait3A_86 = tpu.memref_slice %arg2[%dma_wait3A_84, %dma_wait3A_85] : memref<104832x16xf32, #tpu.memory_space<hbm>> -> memref<104832x16xf32, #tpu.memory_space<hbm>>
    tpu.wait_indirect_dma semaphore(%arg8 : memref<!tpu.dma_semaphore, #tpu.memory_space<semaphore_mem>>) src(%dma_wait3A_86 : memref<104832x16xf32, #tpu.memory_space<hbm>>) dst(%dma_wait3A_81 : memref<128x16xf32, #tpu.memory_space<vmem>>)
    %dma_wait3A_87 = arith.constant 256 : i32
    %dma_wait3A_88 = arith.constant 0 : i32
    %dma_wait3A_89 = tpu.memref_slice %arg6[%dma_wait3A_87, %dma_wait3A_88] : memref<2048x16xf32, #tpu.memory_space<vmem>> -> memref<128x16xf32, #tpu.memory_space<vmem>>
    %dma_wait3A_90 = arith.constant 45312 : i32
    %dma_wait3A_91 = tpu.memref_slice %arg5[%dma_wait3A_90] : memref<45864xi32, #tpu.memory_space<vmem>> -> memref<128xi32, #tpu.memory_space<vmem>>
    %dma_wait3A_92 = arith.constant 0 : i32
    %dma_wait3A_93 = arith.constant 0 : i32
    %dma_wait3A_94 = tpu.memref_slice %arg2[%dma_wait3A_92, %dma_wait3A_93] : memref<104832x16xf32, #tpu.memory_space<hbm>> -> memref<104832x16xf32, #tpu.memory_space<hbm>>
    tpu.wait_indirect_dma semaphore(%arg8 : memref<!tpu.dma_semaphore, #tpu.memory_space<semaphore_mem>>) src(%dma_wait3A_94 : memref<104832x16xf32, #tpu.memory_space<hbm>>) dst(%dma_wait3A_89 : memref<128x16xf32, #tpu.memory_space<vmem>>)
    %dma_wait3A_95 = arith.constant 384 : i32
    %dma_wait3A_96 = arith.constant 0 : i32
    %dma_wait3A_97 = tpu.memref_slice %arg6[%dma_wait3A_95, %dma_wait3A_96] : memref<2048x16xf32, #tpu.memory_space<vmem>> -> memref<128x16xf32, #tpu.memory_space<vmem>>
    %dma_wait3A_98 = arith.constant 45440 : i32
    %dma_wait3A_99 = tpu.memref_slice %arg5[%dma_wait3A_98] : memref<45864xi32, #tpu.memory_space<vmem>> -> memref<128xi32, #tpu.memory_space<vmem>>
    %dma_wait3A_100 = arith.constant 0 : i32
    %dma_wait3A_101 = arith.constant 0 : i32
    %dma_wait3A_102 = tpu.memref_slice %arg2[%dma_wait3A_100, %dma_wait3A_101] : memref<104832x16xf32, #tpu.memory_space<hbm>> -> memref<104832x16xf32, #tpu.memory_space<hbm>>
    tpu.wait_indirect_dma semaphore(%arg8 : memref<!tpu.dma_semaphore, #tpu.memory_space<semaphore_mem>>) src(%dma_wait3A_102 : memref<104832x16xf32, #tpu.memory_space<hbm>>) dst(%dma_wait3A_97 : memref<128x16xf32, #tpu.memory_space<vmem>>)
    %dma_wait3A_103 = arith.constant 512 : i32
    %dma_wait3A_104 = arith.constant 0 : i32
    %dma_wait3A_105 = tpu.memref_slice %arg6[%dma_wait3A_103, %dma_wait3A_104] : memref<2048x16xf32, #tpu.memory_space<vmem>> -> memref<128x16xf32, #tpu.memory_space<vmem>>
    %dma_wait3A_106 = arith.constant 45568 : i32
    %dma_wait3A_107 = tpu.memref_slice %arg5[%dma_wait3A_106] : memref<45864xi32, #tpu.memory_space<vmem>> -> memref<128xi32, #tpu.memory_space<vmem>>
    %dma_wait3A_108 = arith.constant 0 : i32
    %dma_wait3A_109 = arith.constant 0 : i32
    %dma_wait3A_110 = tpu.memref_slice %arg2[%dma_wait3A_108, %dma_wait3A_109] : memref<104832x16xf32, #tpu.memory_space<hbm>> -> memref<104832x16xf32, #tpu.memory_space<hbm>>
    tpu.wait_indirect_dma semaphore(%arg8 : memref<!tpu.dma_semaphore, #tpu.memory_space<semaphore_mem>>) src(%dma_wait3A_110 : memref<104832x16xf32, #tpu.memory_space<hbm>>) dst(%dma_wait3A_105 : memref<128x16xf32, #tpu.memory_space<vmem>>)
    %dma_wait3A_111 = arith.constant 640 : i32
    %dma_wait3A_112 = arith.constant 0 : i32
    %dma_wait3A_113 = tpu.memref_slice %arg6[%dma_wait3A_111, %dma_wait3A_112] : memref<2048x16xf32, #tpu.memory_space<vmem>> -> memref<128x16xf32, #tpu.memory_space<vmem>>
    %dma_wait3A_114 = arith.constant 45696 : i32
    %dma_wait3A_115 = tpu.memref_slice %arg5[%dma_wait3A_114] : memref<45864xi32, #tpu.memory_space<vmem>> -> memref<128xi32, #tpu.memory_space<vmem>>
    %dma_wait3A_116 = arith.constant 0 : i32
    %dma_wait3A_117 = arith.constant 0 : i32
    %dma_wait3A_118 = tpu.memref_slice %arg2[%dma_wait3A_116, %dma_wait3A_117] : memref<104832x16xf32, #tpu.memory_space<hbm>> -> memref<104832x16xf32, #tpu.memory_space<hbm>>
    tpu.wait_indirect_dma semaphore(%arg8 : memref<!tpu.dma_semaphore, #tpu.memory_space<semaphore_mem>>) src(%dma_wait3A_118 : memref<104832x16xf32, #tpu.memory_space<hbm>>) dst(%dma_wait3A_113 : memref<128x16xf32, #tpu.memory_space<vmem>>)
    %dma_wait3A_119 = arith.constant 768 : i32
    %dma_wait3A_120 = arith.constant 0 : i32
    %dma_wait3A_121 = tpu.memref_slice %arg6[%dma_wait3A_119, %dma_wait3A_120] : memref<2048x16xf32, #tpu.memory_space<vmem>> -> memref<40x16xf32, #tpu.memory_space<vmem>>
    %dma_wait3A_122 = arith.constant 45824 : i32
    %dma_wait3A_123 = tpu.memref_slice %arg5[%dma_wait3A_122] : memref<45864xi32, #tpu.memory_space<vmem>> -> memref<40xi32, #tpu.memory_space<vmem>>
    %dma_wait3A_124 = arith.constant 0 : i32
    %dma_wait3A_125 = arith.constant 0 : i32
    %dma_wait3A_126 = tpu.memref_slice %arg2[%dma_wait3A_124, %dma_wait3A_125] : memref<104832x16xf32, #tpu.memory_space<hbm>> -> memref<104832x16xf32, #tpu.memory_space<hbm>>
    tpu.wait_indirect_dma semaphore(%arg8 : memref<!tpu.dma_semaphore, #tpu.memory_space<semaphore_mem>>) src(%dma_wait3A_126 : memref<104832x16xf32, #tpu.memory_space<hbm>>) dst(%dma_wait3A_121 : memref<40x16xf32, #tpu.memory_space<vmem>>)
    %add3A_127 = arith.constant 45056 : i32
    %add3A_128 = arith.addi %mul3A_2, %add3A_127 : i32
    %dma_start3A_129 = arith.constant 0 : i32
    %dma_start3A_130 = arith.constant 0 : i32
    %dma_start3A_131 = tpu.memref_slice %arg6[%dma_start3A_129, %dma_start3A_130] : memref<2048x16xf32, #tpu.memory_space<vmem>> -> memref<808x16xf32, #tpu.memory_space<vmem>>
    %dma_start3A_132 = arith.constant 0 : i32
    %dma_start3A_133 = tpu.memref_slice %arg4[%add3A_128, %dma_start3A_132] : memref<1467648x16xf32, #tpu.memory_space<hbm>> -> memref<808x16xf32, #tpu.memory_space<hbm>>
    %dma_start3A_134 = arith.constant 0 : i32
    %dma_start3A_135 = tpu.memref_slice %arg4[%add3A_128, %dma_start3A_134] : memref<1467648x16xf32, #tpu.memory_space<hbm>> -> memref<808x16xf32, #tpu.memory_space<hbm>>
    %dma_start3A_136 = arith.constant 0 : i32
    %dma_start3A_137 = arith.constant 0 : i32
    %dma_start3A_138 = tpu.memref_slice %arg6[%dma_start3A_136, %dma_start3A_137] : memref<2048x16xf32, #tpu.memory_space<vmem>> -> memref<808x16xf32, #tpu.memory_space<vmem>>
    tpu.enqueue_dma source(%dma_start3A_138 : memref<808x16xf32, #tpu.memory_space<vmem>>) target(%dma_start3A_135 : memref<808x16xf32, #tpu.memory_space<hbm>>) target_semaphore(%arg10 : memref<!tpu.dma_semaphore, #tpu.memory_space<semaphore_mem>>)
    %dma_wait3A_139 = arith.constant 0 : i32
    %dma_wait3A_140 = arith.constant 0 : i32
    %dma_wait3A_141 = tpu.memref_slice %arg6[%dma_wait3A_139, %dma_wait3A_140] : memref<2048x16xf32, #tpu.memory_space<vmem>> -> memref<808x16xf32, #tpu.memory_space<vmem>>
    %dma_wait3A_142 = arith.constant 0 : i32
    %dma_wait3A_143 = tpu.memref_slice %arg4[%add3A_128, %dma_wait3A_142] : memref<1467648x16xf32, #tpu.memory_space<hbm>> -> memref<808x16xf32, #tpu.memory_space<hbm>>
    %dma_wait3A_144 = arith.constant 0 : i32
    %dma_wait3A_145 = tpu.memref_slice %arg4[%add3A_128, %dma_wait3A_144] : memref<1467648x16xf32, #tpu.memory_space<hbm>> -> memref<808x16xf32, #tpu.memory_space<hbm>>
    %dma_wait3A_146 = arith.constant 0 : i32
    %dma_wait3A_147 = arith.constant 0 : i32
    %dma_wait3A_148 = tpu.memref_slice %arg6[%dma_wait3A_146, %dma_wait3A_147] : memref<2048x16xf32, #tpu.memory_space<vmem>> -> memref<808x16xf32, #tpu.memory_space<vmem>>
    tpu.wait_dma2 semaphore(%arg10 : memref<!tpu.dma_semaphore, #tpu.memory_space<semaphore_mem>>) src(%dma_wait3A_148 : memref<808x16xf32, #tpu.memory_space<vmem>>) dst(%dma_wait3A_145 : memref<808x16xf32, #tpu.memory_space<hbm>>)
    %dma_wait3A_149 = arith.constant 0 : i32
    %dma_wait3A_150 = tpu.memref_slice %arg4[%mul3A_2, %dma_wait3A_149] : memref<1467648x16xf32, #tpu.memory_space<hbm>> -> memref<2048x16xf32, #tpu.memory_space<hbm>>
    %dma_wait3A_151 = arith.constant 0 : i32
    %dma_wait3A_152 = tpu.memref_slice %arg4[%mul3A_2, %dma_wait3A_151] : memref<1467648x16xf32, #tpu.memory_space<hbm>> -> memref<2048x16xf32, #tpu.memory_space<hbm>>
    tpu.wait_dma2 semaphore(%arg11 : memref<!tpu.dma_semaphore, #tpu.memory_space<semaphore_mem>>) src(%arg7 : memref<2048x16xf32, #tpu.memory_space<vmem>>) dst(%dma_wait3A_152 : memref<2048x16xf32, #tpu.memory_space<hbm>>)
    return
  }
}

module attributes {stable_mosaic.version = 14 : i64} {
  func.func @_idx_pe_body(%arg0: i32, %arg1: i32, %arg2: memref<4x2xi32, #tpu.memory_space<smem>>, %arg3: memref<4x6xi32, #tpu.memory_space<smem>>, %arg4: memref<1x1x273x168xi32, #tpu.memory_space<vmem>>, %arg5: memref<1x2x3276x14xf32, #tpu.memory_space<vmem>>) attributes {dimension_semantics = [#tpu.dimension_semantics<arbitrary>, #tpu.dimension_semantics<arbitrary>], iteration_bounds = array<i64: 8, 4>, scalar_prefetch = 0 : i64, scratch_operands = 0 : i64, tpu.core_type = #tpu.core_type<tc>, window_params = [{transform_indices = @transform_0, window_bounds = array<i64: 4, 2>}, {transform_indices = @transform_1, window_bounds = array<i64: 4, 6>}, {transform_indices = @transform_2, window_bounds = array<i64: 1, 1, 273, 168>}, {transform_indices = @transform_3, window_bounds = array<i64: 1, 2, 3276, 14>}]} {
    %iota3A = tpu.iota {dimensions = array<i32: 1>} : vector<273x168xi32>
    %jit3A = arith.constant 14 : i32
    %div3A = vector.broadcast %jit3A : i32 to vector<273x168xi32>
    %div3A_0 = arith.divsi %iota3A, %div3A : vector<273x168xi32>
    %sign3A = arith.constant 0 : i32
    %sign3A_1 = vector.broadcast %sign3A : i32 to vector<273x168xi32>
    %sign3A_2 = arith.cmpi sgt, %iota3A, %sign3A_1 : vector<273x168xi32>
    %sign3A_3 = arith.extui %sign3A_2 : vector<273x168xi1> to vector<273x168xi32>
    %sign3A_4 = arith.constant 0 : i32
    %sign3A_5 = vector.broadcast %sign3A_4 : i32 to vector<273x168xi32>
    %sign3A_6 = arith.cmpi slt, %iota3A, %sign3A_5 : vector<273x168xi32>
    %sign3A_7 = arith.extui %sign3A_6 : vector<273x168xi1> to vector<273x168xi32>
    %sign3A_8 = arith.subi %sign3A_3, %sign3A_7 : vector<273x168xi32>
    %sign3A_9 = arith.constant 0 : i32
    %sign3A_10 = arith.cmpi sgt, %jit3A, %sign3A_9 : i32
    %sign3A_11 = arith.extui %sign3A_10 : i1 to i32
    %sign3A_12 = arith.constant 0 : i32
    %sign3A_13 = arith.cmpi slt, %jit3A, %sign3A_12 : i32
    %sign3A_14 = arith.extui %sign3A_13 : i1 to i32
    %sign3A_15 = arith.subi %sign3A_11, %sign3A_14 : i32
    %ne3A = vector.broadcast %sign3A_15 : i32 to vector<273x168xi32>
    %ne3A_16 = arith.cmpi ne, %sign3A_8, %ne3A : vector<273x168xi32>
    %rem3A = vector.broadcast %jit3A : i32 to vector<273x168xi32>
    %rem3A_17 = arith.remsi %iota3A, %rem3A : vector<273x168xi32>
    %ne3A_18 = arith.constant 0 : i32
    %ne3A_19 = vector.broadcast %ne3A_18 : i32 to vector<273x168xi32>
    %ne3A_20 = arith.cmpi ne, %rem3A_17, %ne3A_19 : vector<273x168xi32>
    %and3A = arith.andi %ne3A_16, %ne3A_20 : vector<273x168xi1>
    %sub3A = arith.constant 1 : i32
    %sub3A_21 = vector.broadcast %sub3A : i32 to vector<273x168xi32>
    %sub3A_22 = arith.subi %div3A_0, %sub3A_21 : vector<273x168xi32>
    %select_n3A = arith.select %and3A, %sub3A_22, %div3A_0 : vector<273x168xi1>, vector<273x168xi32>
    %jit3A_23 = arith.constant 14 : i32
    %eq3A = arith.constant 0 : i32
    %eq3A_24 = arith.cmpi eq, %jit3A_23, %eq3A : i32
    %jit3A_25 = arith.constant 1 : i32
    %select_n3A_26 = arith.select %eq3A_24, %jit3A_25, %jit3A_23 : i32
    %rem3A_27 = vector.broadcast %select_n3A_26 : i32 to vector<273x168xi32>
    %rem3A_28 = arith.remsi %iota3A, %rem3A_27 : vector<273x168xi32>
    %ne3A_29 = arith.constant 0 : i32
    %ne3A_30 = vector.broadcast %ne3A_29 : i32 to vector<273x168xi32>
    %ne3A_31 = arith.cmpi ne, %rem3A_28, %ne3A_30 : vector<273x168xi32>
    %lt3A = arith.constant 0 : i32
    %lt3A_32 = vector.broadcast %lt3A : i32 to vector<273x168xi32>
    %lt3A_33 = arith.cmpi slt, %rem3A_28, %lt3A_32 : vector<273x168xi32>
    %lt3A_34 = arith.constant 0 : i32
    %lt3A_35 = arith.cmpi slt, %select_n3A_26, %lt3A_34 : i32
    %ne3A_36 = vector.broadcast %lt3A_35 : i1 to vector<273x168xi1>
    %ne3A_37 = vector.broadcast %ne3A_36 : vector<273x168xi1> to vector<273x168xi1>
    %ne3A_38 = arith.xori %lt3A_33, %ne3A_37 : vector<273x168xi1>
    %and3A_39 = arith.andi %ne3A_38, %ne3A_31 : vector<273x168xi1>
    %add3A = vector.broadcast %select_n3A_26 : i32 to vector<273x168xi32>
    %add3A_40 = arith.addi %rem3A_28, %add3A : vector<273x168xi32>
    %select_n3A_41 = arith.select %and3A_39, %add3A_40, %rem3A_28 : vector<273x168xi1>, vector<273x168xi32>
    %mul3A = arith.constant 12 : i32
    %mul3A_42 = vector.broadcast %mul3A : i32 to vector<273x168xi32>
    %mul3A_43 = arith.muli %select_n3A_41, %mul3A_42 : vector<273x168xi32>
    %add3A_44 = arith.addi %mul3A_43, %select_n3A : vector<273x168xi32>
    %jit3A_45 = arith.constant 14 : i32
    %div3A_46 = vector.broadcast %jit3A_45 : i32 to vector<273x168xi32>
    %div3A_47 = arith.divsi %add3A_44, %div3A_46 : vector<273x168xi32>
    %sign3A_48 = arith.constant 0 : i32
    %sign3A_49 = vector.broadcast %sign3A_48 : i32 to vector<273x168xi32>
    %sign3A_50 = arith.cmpi sgt, %add3A_44, %sign3A_49 : vector<273x168xi32>
    %sign3A_51 = arith.extui %sign3A_50 : vector<273x168xi1> to vector<273x168xi32>
    %sign3A_52 = arith.constant 0 : i32
    %sign3A_53 = vector.broadcast %sign3A_52 : i32 to vector<273x168xi32>
    %sign3A_54 = arith.cmpi slt, %add3A_44, %sign3A_53 : vector<273x168xi32>
    %sign3A_55 = arith.extui %sign3A_54 : vector<273x168xi1> to vector<273x168xi32>
    %sign3A_56 = arith.subi %sign3A_51, %sign3A_55 : vector<273x168xi32>
    %sign3A_57 = arith.constant 0 : i32
    %sign3A_58 = arith.cmpi sgt, %jit3A_45, %sign3A_57 : i32
    %sign3A_59 = arith.extui %sign3A_58 : i1 to i32
    %sign3A_60 = arith.constant 0 : i32
    %sign3A_61 = arith.cmpi slt, %jit3A_45, %sign3A_60 : i32
    %sign3A_62 = arith.extui %sign3A_61 : i1 to i32
    %sign3A_63 = arith.subi %sign3A_59, %sign3A_62 : i32
    %ne3A_64 = vector.broadcast %sign3A_63 : i32 to vector<273x168xi32>
    %ne3A_65 = arith.cmpi ne, %sign3A_56, %ne3A_64 : vector<273x168xi32>
    %rem3A_66 = vector.broadcast %jit3A_45 : i32 to vector<273x168xi32>
    %rem3A_67 = arith.remsi %add3A_44, %rem3A_66 : vector<273x168xi32>
    %ne3A_68 = arith.constant 0 : i32
    %ne3A_69 = vector.broadcast %ne3A_68 : i32 to vector<273x168xi32>
    %ne3A_70 = arith.cmpi ne, %rem3A_67, %ne3A_69 : vector<273x168xi32>
    %and3A_71 = arith.andi %ne3A_65, %ne3A_70 : vector<273x168xi1>
    %sub3A_72 = arith.constant 1 : i32
    %sub3A_73 = vector.broadcast %sub3A_72 : i32 to vector<273x168xi32>
    %sub3A_74 = arith.subi %div3A_47, %sub3A_73 : vector<273x168xi32>
    %select_n3A_75 = arith.select %and3A_71, %sub3A_74, %div3A_47 : vector<273x168xi1>, vector<273x168xi32>
    %jit3A_76 = arith.constant 14 : i32
    %eq3A_77 = arith.constant 0 : i32
    %eq3A_78 = arith.cmpi eq, %jit3A_76, %eq3A_77 : i32
    %jit3A_79 = arith.constant 1 : i32
    %select_n3A_80 = arith.select %eq3A_78, %jit3A_79, %jit3A_76 : i32
    %rem3A_81 = vector.broadcast %select_n3A_80 : i32 to vector<273x168xi32>
    %rem3A_82 = arith.remsi %add3A_44, %rem3A_81 : vector<273x168xi32>
    %ne3A_83 = arith.constant 0 : i32
    %ne3A_84 = vector.broadcast %ne3A_83 : i32 to vector<273x168xi32>
    %ne3A_85 = arith.cmpi ne, %rem3A_82, %ne3A_84 : vector<273x168xi32>
    %lt3A_86 = arith.constant 0 : i32
    %lt3A_87 = vector.broadcast %lt3A_86 : i32 to vector<273x168xi32>
    %lt3A_88 = arith.cmpi slt, %rem3A_82, %lt3A_87 : vector<273x168xi32>
    %lt3A_89 = arith.constant 0 : i32
    %lt3A_90 = arith.cmpi slt, %select_n3A_80, %lt3A_89 : i32
    %ne3A_91 = vector.broadcast %lt3A_90 : i1 to vector<273x168xi1>
    %ne3A_92 = vector.broadcast %ne3A_91 : vector<273x168xi1> to vector<273x168xi1>
    %ne3A_93 = arith.xori %lt3A_88, %ne3A_92 : vector<273x168xi1>
    %and3A_94 = arith.andi %ne3A_93, %ne3A_85 : vector<273x168xi1>
    %add3A_95 = vector.broadcast %select_n3A_80 : i32 to vector<273x168xi32>
    %add3A_96 = arith.addi %rem3A_82, %add3A_95 : vector<273x168xi32>
    %select_n3A_97 = arith.select %and3A_94, %add3A_96, %rem3A_82 : vector<273x168xi1>, vector<273x168xi32>
    %get3A = arith.index_cast %arg1 : i32 to index
    %get3A_98 = arith.constant 0 : index
    %get3A_99 = memref.load %arg3[%get3A, %get3A_98] : memref<4x6xi32, #tpu.memory_space<smem>>
    %get3A_100 = arith.index_cast %arg1 : i32 to index
    %get3A_101 = arith.constant 0 : index
    %get3A_102 = memref.load %arg2[%get3A_100, %get3A_101] : memref<4x2xi32, #tpu.memory_space<smem>>
    %sub3A_103 = vector.broadcast %get3A_99 : i32 to vector<273x168xi32>
    %sub3A_104 = arith.subi %select_n3A_75, %sub3A_103 : vector<273x168xi32>
    %abs3A = math.absi %sub3A_104 : vector<273x168xi32>
    %sub3A_105 = vector.broadcast %get3A_102 : i32 to vector<273x168xi32>
    %sub3A_106 = arith.subi %select_n3A_97, %sub3A_105 : vector<273x168xi32>
    %abs3A_107 = math.absi %sub3A_106 : vector<273x168xi32>
    %add3A_108 = arith.addi %abs3A, %abs3A_107 : vector<273x168xi32>
    %broadcast_in_dim3A = arith.constant 0 : i32
    %broadcast_in_dim3A_109 = vector.broadcast %broadcast_in_dim3A : i32 to vector<273x168xi32>
    %get3A_110 = arith.index_cast %arg1 : i32 to index
    %get3A_111 = arith.constant 0 : index
    %get3A_112 = memref.load %arg3[%get3A_110, %get3A_111] : memref<4x6xi32, #tpu.memory_space<smem>>
    %get3A_113 = arith.index_cast %arg1 : i32 to index
    %get3A_114 = arith.constant 1 : index
    %get3A_115 = memref.load %arg2[%get3A_113, %get3A_114] : memref<4x2xi32, #tpu.memory_space<smem>>
    %sub3A_116 = vector.broadcast %get3A_112 : i32 to vector<273x168xi32>
    %sub3A_117 = arith.subi %select_n3A_75, %sub3A_116 : vector<273x168xi32>
    %abs3A_118 = math.absi %sub3A_117 : vector<273x168xi32>
    %sub3A_119 = vector.broadcast %get3A_115 : i32 to vector<273x168xi32>
    %sub3A_120 = arith.subi %select_n3A_97, %sub3A_119 : vector<273x168xi32>
    %abs3A_121 = math.absi %sub3A_120 : vector<273x168xi32>
    %add3A_122 = arith.addi %abs3A_118, %abs3A_121 : vector<273x168xi32>
    %lt3A_123 = arith.cmpi slt, %add3A_122, %add3A_108 : vector<273x168xi32>
    %select_n3A_124 = arith.select %lt3A_123, %add3A_122, %add3A_108 : vector<273x168xi1>, vector<273x168xi32>
    %jit3A_125 = arith.constant 1 : i32
    %broadcast_in_dim3A_126 = vector.broadcast %jit3A_125 : i32 to vector<273x168xi32>
    %select_n3A_127 = arith.select %lt3A_123, %broadcast_in_dim3A_126, %broadcast_in_dim3A_109 : vector<273x168xi1>, vector<273x168xi32>
    %get3A_128 = arith.index_cast %arg1 : i32 to index
    %get3A_129 = arith.constant 1 : index
    %get3A_130 = memref.load %arg3[%get3A_128, %get3A_129] : memref<4x6xi32, #tpu.memory_space<smem>>
    %get3A_131 = arith.index_cast %arg1 : i32 to index
    %get3A_132 = arith.constant 0 : index
    %get3A_133 = memref.load %arg2[%get3A_131, %get3A_132] : memref<4x2xi32, #tpu.memory_space<smem>>
    %sub3A_134 = vector.broadcast %get3A_130 : i32 to vector<273x168xi32>
    %sub3A_135 = arith.subi %select_n3A_75, %sub3A_134 : vector<273x168xi32>
    %abs3A_136 = math.absi %sub3A_135 : vector<273x168xi32>
    %sub3A_137 = vector.broadcast %get3A_133 : i32 to vector<273x168xi32>
    %sub3A_138 = arith.subi %select_n3A_97, %sub3A_137 : vector<273x168xi32>
    %abs3A_139 = math.absi %sub3A_138 : vector<273x168xi32>
    %add3A_140 = arith.addi %abs3A_136, %abs3A_139 : vector<273x168xi32>
    %lt3A_141 = arith.cmpi slt, %add3A_140, %select_n3A_124 : vector<273x168xi32>
    %select_n3A_142 = arith.select %lt3A_141, %add3A_140, %select_n3A_124 : vector<273x168xi1>, vector<273x168xi32>
    %jit3A_143 = arith.constant 2 : i32
    %broadcast_in_dim3A_144 = vector.broadcast %jit3A_143 : i32 to vector<273x168xi32>
    %select_n3A_145 = arith.select %lt3A_141, %broadcast_in_dim3A_144, %select_n3A_127 : vector<273x168xi1>, vector<273x168xi32>
    %get3A_146 = arith.index_cast %arg1 : i32 to index
    %get3A_147 = arith.constant 1 : index
    %get3A_148 = memref.load %arg3[%get3A_146, %get3A_147] : memref<4x6xi32, #tpu.memory_space<smem>>
    %get3A_149 = arith.index_cast %arg1 : i32 to index
    %get3A_150 = arith.constant 1 : index
    %get3A_151 = memref.load %arg2[%get3A_149, %get3A_150] : memref<4x2xi32, #tpu.memory_space<smem>>
    %sub3A_152 = vector.broadcast %get3A_148 : i32 to vector<273x168xi32>
    %sub3A_153 = arith.subi %select_n3A_75, %sub3A_152 : vector<273x168xi32>
    %abs3A_154 = math.absi %sub3A_153 : vector<273x168xi32>
    %sub3A_155 = vector.broadcast %get3A_151 : i32 to vector<273x168xi32>
    %sub3A_156 = arith.subi %select_n3A_97, %sub3A_155 : vector<273x168xi32>
    %abs3A_157 = math.absi %sub3A_156 : vector<273x168xi32>
    %add3A_158 = arith.addi %abs3A_154, %abs3A_157 : vector<273x168xi32>
    %lt3A_159 = arith.cmpi slt, %add3A_158, %select_n3A_142 : vector<273x168xi32>
    %select_n3A_160 = arith.select %lt3A_159, %add3A_158, %select_n3A_142 : vector<273x168xi1>, vector<273x168xi32>
    %jit3A_161 = arith.constant 3 : i32
    %broadcast_in_dim3A_162 = vector.broadcast %jit3A_161 : i32 to vector<273x168xi32>
    %select_n3A_163 = arith.select %lt3A_159, %broadcast_in_dim3A_162, %select_n3A_145 : vector<273x168xi1>, vector<273x168xi32>
    %get3A_164 = arith.index_cast %arg1 : i32 to index
    %get3A_165 = arith.constant 2 : index
    %get3A_166 = memref.load %arg3[%get3A_164, %get3A_165] : memref<4x6xi32, #tpu.memory_space<smem>>
    %get3A_167 = arith.index_cast %arg1 : i32 to index
    %get3A_168 = arith.constant 0 : index
    %get3A_169 = memref.load %arg2[%get3A_167, %get3A_168] : memref<4x2xi32, #tpu.memory_space<smem>>
    %sub3A_170 = vector.broadcast %get3A_166 : i32 to vector<273x168xi32>
    %sub3A_171 = arith.subi %select_n3A_75, %sub3A_170 : vector<273x168xi32>
    %abs3A_172 = math.absi %sub3A_171 : vector<273x168xi32>
    %sub3A_173 = vector.broadcast %get3A_169 : i32 to vector<273x168xi32>
    %sub3A_174 = arith.subi %select_n3A_97, %sub3A_173 : vector<273x168xi32>
    %abs3A_175 = math.absi %sub3A_174 : vector<273x168xi32>
    %add3A_176 = arith.addi %abs3A_172, %abs3A_175 : vector<273x168xi32>
    %lt3A_177 = arith.cmpi slt, %add3A_176, %select_n3A_160 : vector<273x168xi32>
    %select_n3A_178 = arith.select %lt3A_177, %add3A_176, %select_n3A_160 : vector<273x168xi1>, vector<273x168xi32>
    %jit3A_179 = arith.constant 4 : i32
    %broadcast_in_dim3A_180 = vector.broadcast %jit3A_179 : i32 to vector<273x168xi32>
    %select_n3A_181 = arith.select %lt3A_177, %broadcast_in_dim3A_180, %select_n3A_163 : vector<273x168xi1>, vector<273x168xi32>
    %get3A_182 = arith.index_cast %arg1 : i32 to index
    %get3A_183 = arith.constant 2 : index
    %get3A_184 = memref.load %arg3[%get3A_182, %get3A_183] : memref<4x6xi32, #tpu.memory_space<smem>>
    %get3A_185 = arith.index_cast %arg1 : i32 to index
    %get3A_186 = arith.constant 1 : index
    %get3A_187 = memref.load %arg2[%get3A_185, %get3A_186] : memref<4x2xi32, #tpu.memory_space<smem>>
    %sub3A_188 = vector.broadcast %get3A_184 : i32 to vector<273x168xi32>
    %sub3A_189 = arith.subi %select_n3A_75, %sub3A_188 : vector<273x168xi32>
    %abs3A_190 = math.absi %sub3A_189 : vector<273x168xi32>
    %sub3A_191 = vector.broadcast %get3A_187 : i32 to vector<273x168xi32>
    %sub3A_192 = arith.subi %select_n3A_97, %sub3A_191 : vector<273x168xi32>
    %abs3A_193 = math.absi %sub3A_192 : vector<273x168xi32>
    %add3A_194 = arith.addi %abs3A_190, %abs3A_193 : vector<273x168xi32>
    %lt3A_195 = arith.cmpi slt, %add3A_194, %select_n3A_178 : vector<273x168xi32>
    %select_n3A_196 = arith.select %lt3A_195, %add3A_194, %select_n3A_178 : vector<273x168xi1>, vector<273x168xi32>
    %jit3A_197 = arith.constant 5 : i32
    %broadcast_in_dim3A_198 = vector.broadcast %jit3A_197 : i32 to vector<273x168xi32>
    %select_n3A_199 = arith.select %lt3A_195, %broadcast_in_dim3A_198, %select_n3A_181 : vector<273x168xi1>, vector<273x168xi32>
    %get3A_200 = arith.index_cast %arg1 : i32 to index
    %get3A_201 = arith.constant 3 : index
    %get3A_202 = memref.load %arg3[%get3A_200, %get3A_201] : memref<4x6xi32, #tpu.memory_space<smem>>
    %get3A_203 = arith.index_cast %arg1 : i32 to index
    %get3A_204 = arith.constant 0 : index
    %get3A_205 = memref.load %arg2[%get3A_203, %get3A_204] : memref<4x2xi32, #tpu.memory_space<smem>>
    %sub3A_206 = vector.broadcast %get3A_202 : i32 to vector<273x168xi32>
    %sub3A_207 = arith.subi %select_n3A_75, %sub3A_206 : vector<273x168xi32>
    %abs3A_208 = math.absi %sub3A_207 : vector<273x168xi32>
    %sub3A_209 = vector.broadcast %get3A_205 : i32 to vector<273x168xi32>
    %sub3A_210 = arith.subi %select_n3A_97, %sub3A_209 : vector<273x168xi32>
    %abs3A_211 = math.absi %sub3A_210 : vector<273x168xi32>
    %add3A_212 = arith.addi %abs3A_208, %abs3A_211 : vector<273x168xi32>
    %lt3A_213 = arith.cmpi slt, %add3A_212, %select_n3A_196 : vector<273x168xi32>
    %select_n3A_214 = arith.select %lt3A_213, %add3A_212, %select_n3A_196 : vector<273x168xi1>, vector<273x168xi32>
    %jit3A_215 = arith.constant 6 : i32
    %broadcast_in_dim3A_216 = vector.broadcast %jit3A_215 : i32 to vector<273x168xi32>
    %select_n3A_217 = arith.select %lt3A_213, %broadcast_in_dim3A_216, %select_n3A_199 : vector<273x168xi1>, vector<273x168xi32>
    %get3A_218 = arith.index_cast %arg1 : i32 to index
    %get3A_219 = arith.constant 3 : index
    %get3A_220 = memref.load %arg3[%get3A_218, %get3A_219] : memref<4x6xi32, #tpu.memory_space<smem>>
    %get3A_221 = arith.index_cast %arg1 : i32 to index
    %get3A_222 = arith.constant 1 : index
    %get3A_223 = memref.load %arg2[%get3A_221, %get3A_222] : memref<4x2xi32, #tpu.memory_space<smem>>
    %sub3A_224 = vector.broadcast %get3A_220 : i32 to vector<273x168xi32>
    %sub3A_225 = arith.subi %select_n3A_75, %sub3A_224 : vector<273x168xi32>
    %abs3A_226 = math.absi %sub3A_225 : vector<273x168xi32>
    %sub3A_227 = vector.broadcast %get3A_223 : i32 to vector<273x168xi32>
    %sub3A_228 = arith.subi %select_n3A_97, %sub3A_227 : vector<273x168xi32>
    %abs3A_229 = math.absi %sub3A_228 : vector<273x168xi32>
    %add3A_230 = arith.addi %abs3A_226, %abs3A_229 : vector<273x168xi32>
    %lt3A_231 = arith.cmpi slt, %add3A_230, %select_n3A_214 : vector<273x168xi32>
    %select_n3A_232 = arith.select %lt3A_231, %add3A_230, %select_n3A_214 : vector<273x168xi1>, vector<273x168xi32>
    %jit3A_233 = arith.constant 7 : i32
    %broadcast_in_dim3A_234 = vector.broadcast %jit3A_233 : i32 to vector<273x168xi32>
    %select_n3A_235 = arith.select %lt3A_231, %broadcast_in_dim3A_234, %select_n3A_217 : vector<273x168xi1>, vector<273x168xi32>
    %get3A_236 = arith.index_cast %arg1 : i32 to index
    %get3A_237 = arith.constant 4 : index
    %get3A_238 = memref.load %arg3[%get3A_236, %get3A_237] : memref<4x6xi32, #tpu.memory_space<smem>>
    %get3A_239 = arith.index_cast %arg1 : i32 to index
    %get3A_240 = arith.constant 0 : index
    %get3A_241 = memref.load %arg2[%get3A_239, %get3A_240] : memref<4x2xi32, #tpu.memory_space<smem>>
    %sub3A_242 = vector.broadcast %get3A_238 : i32 to vector<273x168xi32>
    %sub3A_243 = arith.subi %select_n3A_75, %sub3A_242 : vector<273x168xi32>
    %abs3A_244 = math.absi %sub3A_243 : vector<273x168xi32>
    %sub3A_245 = vector.broadcast %get3A_241 : i32 to vector<273x168xi32>
    %sub3A_246 = arith.subi %select_n3A_97, %sub3A_245 : vector<273x168xi32>
    %abs3A_247 = math.absi %sub3A_246 : vector<273x168xi32>
    %add3A_248 = arith.addi %abs3A_244, %abs3A_247 : vector<273x168xi32>
    %lt3A_249 = arith.cmpi slt, %add3A_248, %select_n3A_232 : vector<273x168xi32>
    %select_n3A_250 = arith.select %lt3A_249, %add3A_248, %select_n3A_232 : vector<273x168xi1>, vector<273x168xi32>
    %jit3A_251 = arith.constant 8 : i32
    %broadcast_in_dim3A_252 = vector.broadcast %jit3A_251 : i32 to vector<273x168xi32>
    %select_n3A_253 = arith.select %lt3A_249, %broadcast_in_dim3A_252, %select_n3A_235 : vector<273x168xi1>, vector<273x168xi32>
    %get3A_254 = arith.index_cast %arg1 : i32 to index
    %get3A_255 = arith.constant 4 : index
    %get3A_256 = memref.load %arg3[%get3A_254, %get3A_255] : memref<4x6xi32, #tpu.memory_space<smem>>
    %get3A_257 = arith.index_cast %arg1 : i32 to index
    %get3A_258 = arith.constant 1 : index
    %get3A_259 = memref.load %arg2[%get3A_257, %get3A_258] : memref<4x2xi32, #tpu.memory_space<smem>>
    %sub3A_260 = vector.broadcast %get3A_256 : i32 to vector<273x168xi32>
    %sub3A_261 = arith.subi %select_n3A_75, %sub3A_260 : vector<273x168xi32>
    %abs3A_262 = math.absi %sub3A_261 : vector<273x168xi32>
    %sub3A_263 = vector.broadcast %get3A_259 : i32 to vector<273x168xi32>
    %sub3A_264 = arith.subi %select_n3A_97, %sub3A_263 : vector<273x168xi32>
    %abs3A_265 = math.absi %sub3A_264 : vector<273x168xi32>
    %add3A_266 = arith.addi %abs3A_262, %abs3A_265 : vector<273x168xi32>
    %lt3A_267 = arith.cmpi slt, %add3A_266, %select_n3A_250 : vector<273x168xi32>
    %select_n3A_268 = arith.select %lt3A_267, %add3A_266, %select_n3A_250 : vector<273x168xi1>, vector<273x168xi32>
    %jit3A_269 = arith.constant 9 : i32
    %broadcast_in_dim3A_270 = vector.broadcast %jit3A_269 : i32 to vector<273x168xi32>
    %select_n3A_271 = arith.select %lt3A_267, %broadcast_in_dim3A_270, %select_n3A_253 : vector<273x168xi1>, vector<273x168xi32>
    %get3A_272 = arith.index_cast %arg1 : i32 to index
    %get3A_273 = arith.constant 5 : index
    %get3A_274 = memref.load %arg3[%get3A_272, %get3A_273] : memref<4x6xi32, #tpu.memory_space<smem>>
    %get3A_275 = arith.index_cast %arg1 : i32 to index
    %get3A_276 = arith.constant 0 : index
    %get3A_277 = memref.load %arg2[%get3A_275, %get3A_276] : memref<4x2xi32, #tpu.memory_space<smem>>
    %sub3A_278 = vector.broadcast %get3A_274 : i32 to vector<273x168xi32>
    %sub3A_279 = arith.subi %select_n3A_75, %sub3A_278 : vector<273x168xi32>
    %abs3A_280 = math.absi %sub3A_279 : vector<273x168xi32>
    %sub3A_281 = vector.broadcast %get3A_277 : i32 to vector<273x168xi32>
    %sub3A_282 = arith.subi %select_n3A_97, %sub3A_281 : vector<273x168xi32>
    %abs3A_283 = math.absi %sub3A_282 : vector<273x168xi32>
    %add3A_284 = arith.addi %abs3A_280, %abs3A_283 : vector<273x168xi32>
    %lt3A_285 = arith.cmpi slt, %add3A_284, %select_n3A_268 : vector<273x168xi32>
    %select_n3A_286 = arith.select %lt3A_285, %add3A_284, %select_n3A_268 : vector<273x168xi1>, vector<273x168xi32>
    %jit3A_287 = arith.constant 10 : i32
    %broadcast_in_dim3A_288 = vector.broadcast %jit3A_287 : i32 to vector<273x168xi32>
    %select_n3A_289 = arith.select %lt3A_285, %broadcast_in_dim3A_288, %select_n3A_271 : vector<273x168xi1>, vector<273x168xi32>
    %get3A_290 = arith.index_cast %arg1 : i32 to index
    %get3A_291 = arith.constant 5 : index
    %get3A_292 = memref.load %arg3[%get3A_290, %get3A_291] : memref<4x6xi32, #tpu.memory_space<smem>>
    %get3A_293 = arith.index_cast %arg1 : i32 to index
    %get3A_294 = arith.constant 1 : index
    %get3A_295 = memref.load %arg2[%get3A_293, %get3A_294] : memref<4x2xi32, #tpu.memory_space<smem>>
    %sub3A_296 = vector.broadcast %get3A_292 : i32 to vector<273x168xi32>
    %sub3A_297 = arith.subi %select_n3A_75, %sub3A_296 : vector<273x168xi32>
    %abs3A_298 = math.absi %sub3A_297 : vector<273x168xi32>
    %sub3A_299 = vector.broadcast %get3A_295 : i32 to vector<273x168xi32>
    %sub3A_300 = arith.subi %select_n3A_97, %sub3A_299 : vector<273x168xi32>
    %abs3A_301 = math.absi %sub3A_300 : vector<273x168xi32>
    %add3A_302 = arith.addi %abs3A_298, %abs3A_301 : vector<273x168xi32>
    %lt3A_303 = arith.cmpi slt, %add3A_302, %select_n3A_286 : vector<273x168xi32>
    %jit3A_304 = arith.constant 11 : i32
    %broadcast_in_dim3A_305 = vector.broadcast %jit3A_304 : i32 to vector<273x168xi32>
    %select_n3A_306 = arith.select %lt3A_303, %broadcast_in_dim3A_305, %select_n3A_289 : vector<273x168xi1>, vector<273x168xi32>
    %iota3A_307 = tpu.iota {dimensions = array<i32: 0>} : vector<273x168xi32>
    %mul3A_308 = arith.constant 12 : i32
    %mul3A_309 = vector.broadcast %mul3A_308 : i32 to vector<273x168xi32>
    %mul3A_310 = arith.muli %iota3A_307, %mul3A_309 : vector<273x168xi32>
    %add3A_311 = arith.addi %mul3A_310, %select_n3A_306 : vector<273x168xi32>
    %jit3A_312 = arith.constant 546 : i32
    %div3A_313 = vector.broadcast %jit3A_312 : i32 to vector<273x168xi32>
    %div3A_314 = arith.divsi %add3A_311, %div3A_313 : vector<273x168xi32>
    %sign3A_315 = arith.constant 0 : i32
    %sign3A_316 = vector.broadcast %sign3A_315 : i32 to vector<273x168xi32>
    %sign3A_317 = arith.cmpi sgt, %add3A_311, %sign3A_316 : vector<273x168xi32>
    %sign3A_318 = arith.extui %sign3A_317 : vector<273x168xi1> to vector<273x168xi32>
    %sign3A_319 = arith.constant 0 : i32
    %sign3A_320 = vector.broadcast %sign3A_319 : i32 to vector<273x168xi32>
    %sign3A_321 = arith.cmpi slt, %add3A_311, %sign3A_320 : vector<273x168xi32>
    %sign3A_322 = arith.extui %sign3A_321 : vector<273x168xi1> to vector<273x168xi32>
    %sign3A_323 = arith.subi %sign3A_318, %sign3A_322 : vector<273x168xi32>
    %sign3A_324 = arith.constant 0 : i32
    %sign3A_325 = arith.cmpi sgt, %jit3A_312, %sign3A_324 : i32
    %sign3A_326 = arith.extui %sign3A_325 : i1 to i32
    %sign3A_327 = arith.constant 0 : i32
    %sign3A_328 = arith.cmpi slt, %jit3A_312, %sign3A_327 : i32
    %sign3A_329 = arith.extui %sign3A_328 : i1 to i32
    %sign3A_330 = arith.subi %sign3A_326, %sign3A_329 : i32
    %ne3A_331 = vector.broadcast %sign3A_330 : i32 to vector<273x168xi32>
    %ne3A_332 = arith.cmpi ne, %sign3A_323, %ne3A_331 : vector<273x168xi32>
    %rem3A_333 = vector.broadcast %jit3A_312 : i32 to vector<273x168xi32>
    %rem3A_334 = arith.remsi %add3A_311, %rem3A_333 : vector<273x168xi32>
    %ne3A_335 = arith.constant 0 : i32
    %ne3A_336 = vector.broadcast %ne3A_335 : i32 to vector<273x168xi32>
    %ne3A_337 = arith.cmpi ne, %rem3A_334, %ne3A_336 : vector<273x168xi32>
    %and3A_338 = arith.andi %ne3A_332, %ne3A_337 : vector<273x168xi1>
    %sub3A_339 = arith.constant 1 : i32
    %sub3A_340 = vector.broadcast %sub3A_339 : i32 to vector<273x168xi32>
    %sub3A_341 = arith.subi %div3A_314, %sub3A_340 : vector<273x168xi32>
    %select_n3A_342 = arith.select %and3A_338, %sub3A_341, %div3A_314 : vector<273x168xi1>, vector<273x168xi32>
    %jit3A_343 = arith.constant 273 : i32
    %div3A_344 = vector.broadcast %jit3A_343 : i32 to vector<273x168xi32>
    %div3A_345 = arith.divsi %add3A_311, %div3A_344 : vector<273x168xi32>
    %sign3A_346 = arith.constant 0 : i32
    %sign3A_347 = vector.broadcast %sign3A_346 : i32 to vector<273x168xi32>
    %sign3A_348 = arith.cmpi sgt, %add3A_311, %sign3A_347 : vector<273x168xi32>
    %sign3A_349 = arith.extui %sign3A_348 : vector<273x168xi1> to vector<273x168xi32>
    %sign3A_350 = arith.constant 0 : i32
    %sign3A_351 = vector.broadcast %sign3A_350 : i32 to vector<273x168xi32>
    %sign3A_352 = arith.cmpi slt, %add3A_311, %sign3A_351 : vector<273x168xi32>
    %sign3A_353 = arith.extui %sign3A_352 : vector<273x168xi1> to vector<273x168xi32>
    %sign3A_354 = arith.subi %sign3A_349, %sign3A_353 : vector<273x168xi32>
    %sign3A_355 = arith.constant 0 : i32
    %sign3A_356 = arith.cmpi sgt, %jit3A_343, %sign3A_355 : i32
    %sign3A_357 = arith.extui %sign3A_356 : i1 to i32
    %sign3A_358 = arith.constant 0 : i32
    %sign3A_359 = arith.cmpi slt, %jit3A_343, %sign3A_358 : i32
    %sign3A_360 = arith.extui %sign3A_359 : i1 to i32
    %sign3A_361 = arith.subi %sign3A_357, %sign3A_360 : i32
    %ne3A_362 = vector.broadcast %sign3A_361 : i32 to vector<273x168xi32>
    %ne3A_363 = arith.cmpi ne, %sign3A_354, %ne3A_362 : vector<273x168xi32>
    %rem3A_364 = vector.broadcast %jit3A_343 : i32 to vector<273x168xi32>
    %rem3A_365 = arith.remsi %add3A_311, %rem3A_364 : vector<273x168xi32>
    %ne3A_366 = arith.constant 0 : i32
    %ne3A_367 = vector.broadcast %ne3A_366 : i32 to vector<273x168xi32>
    %ne3A_368 = arith.cmpi ne, %rem3A_365, %ne3A_367 : vector<273x168xi32>
    %and3A_369 = arith.andi %ne3A_363, %ne3A_368 : vector<273x168xi1>
    %sub3A_370 = arith.constant 1 : i32
    %sub3A_371 = vector.broadcast %sub3A_370 : i32 to vector<273x168xi32>
    %sub3A_372 = arith.subi %div3A_345, %sub3A_371 : vector<273x168xi32>
    %select_n3A_373 = arith.select %and3A_369, %sub3A_372, %div3A_345 : vector<273x168xi1>, vector<273x168xi32>
    %jit3A_374 = arith.constant 2 : i32
    %eq3A_375 = arith.constant 0 : i32
    %eq3A_376 = arith.cmpi eq, %jit3A_374, %eq3A_375 : i32
    %jit3A_377 = arith.constant 1 : i32
    %select_n3A_378 = arith.select %eq3A_376, %jit3A_377, %jit3A_374 : i32
    %rem3A_379 = vector.broadcast %select_n3A_378 : i32 to vector<273x168xi32>
    %rem3A_380 = arith.remsi %select_n3A_373, %rem3A_379 : vector<273x168xi32>
    %ne3A_381 = arith.constant 0 : i32
    %ne3A_382 = vector.broadcast %ne3A_381 : i32 to vector<273x168xi32>
    %ne3A_383 = arith.cmpi ne, %rem3A_380, %ne3A_382 : vector<273x168xi32>
    %lt3A_384 = arith.constant 0 : i32
    %lt3A_385 = vector.broadcast %lt3A_384 : i32 to vector<273x168xi32>
    %lt3A_386 = arith.cmpi slt, %rem3A_380, %lt3A_385 : vector<273x168xi32>
    %lt3A_387 = arith.constant 0 : i32
    %lt3A_388 = arith.cmpi slt, %select_n3A_378, %lt3A_387 : i32
    %ne3A_389 = vector.broadcast %lt3A_388 : i1 to vector<273x168xi1>
    %ne3A_390 = vector.broadcast %ne3A_389 : vector<273x168xi1> to vector<273x168xi1>
    %ne3A_391 = arith.xori %lt3A_386, %ne3A_390 : vector<273x168xi1>
    %and3A_392 = arith.andi %ne3A_391, %ne3A_383 : vector<273x168xi1>
    %add3A_393 = vector.broadcast %select_n3A_378 : i32 to vector<273x168xi32>
    %add3A_394 = arith.addi %rem3A_380, %add3A_393 : vector<273x168xi32>
    %select_n3A_395 = arith.select %and3A_392, %add3A_394, %rem3A_380 : vector<273x168xi1>, vector<273x168xi32>
    %jit3A_396 = arith.constant 273 : i32
    %eq3A_397 = arith.constant 0 : i32
    %eq3A_398 = arith.cmpi eq, %jit3A_396, %eq3A_397 : i32
    %jit3A_399 = arith.constant 1 : i32
    %select_n3A_400 = arith.select %eq3A_398, %jit3A_399, %jit3A_396 : i32
    %rem3A_401 = vector.broadcast %select_n3A_400 : i32 to vector<273x168xi32>
    %rem3A_402 = arith.remsi %add3A_311, %rem3A_401 : vector<273x168xi32>
    %ne3A_403 = arith.constant 0 : i32
    %ne3A_404 = vector.broadcast %ne3A_403 : i32 to vector<273x168xi32>
    %ne3A_405 = arith.cmpi ne, %rem3A_402, %ne3A_404 : vector<273x168xi32>
    %lt3A_406 = arith.constant 0 : i32
    %lt3A_407 = vector.broadcast %lt3A_406 : i32 to vector<273x168xi32>
    %lt3A_408 = arith.cmpi slt, %rem3A_402, %lt3A_407 : vector<273x168xi32>
    %lt3A_409 = arith.constant 0 : i32
    %lt3A_410 = arith.cmpi slt, %select_n3A_400, %lt3A_409 : i32
    %ne3A_411 = vector.broadcast %lt3A_410 : i1 to vector<273x168xi1>
    %ne3A_412 = vector.broadcast %ne3A_411 : vector<273x168xi1> to vector<273x168xi1>
    %ne3A_413 = arith.xori %lt3A_408, %ne3A_412 : vector<273x168xi1>
    %and3A_414 = arith.andi %ne3A_413, %ne3A_405 : vector<273x168xi1>
    %add3A_415 = vector.broadcast %select_n3A_400 : i32 to vector<273x168xi32>
    %add3A_416 = arith.addi %rem3A_402, %add3A_415 : vector<273x168xi32>
    %select_n3A_417 = arith.select %and3A_414, %add3A_416, %rem3A_402 : vector<273x168xi1>, vector<273x168xi32>
    %mul3A_418 = arith.constant 1638 : i32
    %mul3A_419 = vector.broadcast %mul3A_418 : i32 to vector<273x168xi32>
    %mul3A_420 = arith.muli %select_n3A_395, %mul3A_419 : vector<273x168xi32>
    %mul3A_421 = arith.constant 273 : i32
    %mul3A_422 = vector.broadcast %mul3A_421 : i32 to vector<273x168xi32>
    %mul3A_423 = arith.muli %select_n3A_342, %mul3A_422 : vector<273x168xi32>
    %add3A_424 = arith.addi %mul3A_420, %mul3A_423 : vector<273x168xi32>
    %add3A_425 = arith.addi %add3A_424, %select_n3A_417 : vector<273x168xi32>
    %mul3A_426 = arith.constant 4 : i32
    %mul3A_427 = arith.muli %arg0, %mul3A_426 : i32
    %add3A_428 = arith.addi %mul3A_427, %arg1 : i32
    %mul3A_429 = arith.constant 3276 : i32
    %mul3A_430 = arith.muli %add3A_428, %mul3A_429 : i32
    %add3A_431 = vector.broadcast %mul3A_430 : i32 to vector<273x168xi32>
    %add3A_432 = arith.addi %add3A_431, %add3A_425 : vector<273x168xi32>
    %swap3A = arith.constant 0 : index
    %swap3A_433 = arith.constant 0 : index
    %swap3A_434 = arith.constant 0 : index
    %swap3A_435 = arith.constant 0 : index
    %swap3A_436 = vector.load %arg4[%swap3A, %swap3A_433, %swap3A_434, %swap3A_435] : memref<1x1x273x168xi32, #tpu.memory_space<vmem>>, vector<1x1x273x168xi32>
    %swap3A_437 = vector.shape_cast %swap3A_436 : vector<1x1x273x168xi32> to vector<273x168xi32>
    %swap3A_438 = vector.shape_cast %add3A_432 : vector<273x168xi32> to vector<1x1x273x168xi32>
    tpu.vector_store %arg4[%swap3A, %swap3A_433, %swap3A_434, %swap3A_435], %swap3A_438 {strides = array<i32>} : memref<1x1x273x168xi32, #tpu.memory_space<vmem>>, vector<1x1x273x168xi32>,
    %iota3A_439 = tpu.iota {dimensions = array<i32: 0>} : vector<3276x14xi32>
    %iota3A_440 = tpu.iota {dimensions = array<i32: 1>} : vector<3276x14xi32>
    %jit3A_441 = arith.constant 12 : i32
    %eq3A_442 = arith.constant 0 : i32
    %eq3A_443 = arith.cmpi eq, %jit3A_441, %eq3A_442 : i32
    %jit3A_444 = arith.constant 1 : i32
    %select_n3A_445 = arith.select %eq3A_443, %jit3A_444, %jit3A_441 : i32
    %rem3A_446 = vector.broadcast %select_n3A_445 : i32 to vector<3276x14xi32>
    %rem3A_447 = arith.remsi %iota3A_439, %rem3A_446 : vector<3276x14xi32>
    %ne3A_448 = arith.constant 0 : i32
    %ne3A_449 = vector.broadcast %ne3A_448 : i32 to vector<3276x14xi32>
    %ne3A_450 = arith.cmpi ne, %rem3A_447, %ne3A_449 : vector<3276x14xi32>
    %lt3A_451 = arith.constant 0 : i32
    %lt3A_452 = vector.broadcast %lt3A_451 : i32 to vector<3276x14xi32>
    %lt3A_453 = arith.cmpi slt, %rem3A_447, %lt3A_452 : vector<3276x14xi32>
    %lt3A_454 = arith.constant 0 : i32
    %lt3A_455 = arith.cmpi slt, %select_n3A_445, %lt3A_454 : i32
    %ne3A_456 = vector.broadcast %lt3A_455 : i1 to vector<3276x14xi1>
    %ne3A_457 = vector.broadcast %ne3A_456 : vector<3276x14xi1> to vector<3276x14xi1>
    %ne3A_458 = arith.xori %lt3A_453, %ne3A_457 : vector<3276x14xi1>
    %and3A_459 = arith.andi %ne3A_458, %ne3A_450 : vector<3276x14xi1>
    %add3A_460 = vector.broadcast %select_n3A_445 : i32 to vector<3276x14xi32>
    %add3A_461 = arith.addi %rem3A_447, %add3A_460 : vector<3276x14xi32>
    %select_n3A_462 = arith.select %and3A_459, %add3A_461, %rem3A_447 : vector<3276x14xi1>, vector<3276x14xi32>
    %mul3A_463 = arith.constant 12 : i32
    %mul3A_464 = vector.broadcast %mul3A_463 : i32 to vector<3276x14xi32>
    %mul3A_465 = arith.muli %iota3A_440, %mul3A_464 : vector<3276x14xi32>
    %add3A_466 = arith.addi %mul3A_465, %select_n3A_462 : vector<3276x14xi32>
    %jit3A_467 = arith.constant 14 : i32
    %div3A_468 = vector.broadcast %jit3A_467 : i32 to vector<3276x14xi32>
    %div3A_469 = arith.divsi %add3A_466, %div3A_468 : vector<3276x14xi32>
    %sign3A_470 = arith.constant 0 : i32
    %sign3A_471 = vector.broadcast %sign3A_470 : i32 to vector<3276x14xi32>
    %sign3A_472 = arith.cmpi sgt, %add3A_466, %sign3A_471 : vector<3276x14xi32>
    %sign3A_473 = arith.extui %sign3A_472 : vector<3276x14xi1> to vector<3276x14xi32>
    %sign3A_474 = arith.constant 0 : i32
    %sign3A_475 = vector.broadcast %sign3A_474 : i32 to vector<3276x14xi32>
    %sign3A_476 = arith.cmpi slt, %add3A_466, %sign3A_475 : vector<3276x14xi32>
    %sign3A_477 = arith.extui %sign3A_476 : vector<3276x14xi1> to vector<3276x14xi32>
    %sign3A_478 = arith.subi %sign3A_473, %sign3A_477 : vector<3276x14xi32>
    %sign3A_479 = arith.constant 0 : i32
    %sign3A_480 = arith.cmpi sgt, %jit3A_467, %sign3A_479 : i32
    %sign3A_481 = arith.extui %sign3A_480 : i1 to i32
    %sign3A_482 = arith.constant 0 : i32
    %sign3A_483 = arith.cmpi slt, %jit3A_467, %sign3A_482 : i32
    %sign3A_484 = arith.extui %sign3A_483 : i1 to i32
    %sign3A_485 = arith.subi %sign3A_481, %sign3A_484 : i32
    %ne3A_486 = vector.broadcast %sign3A_485 : i32 to vector<3276x14xi32>
    %ne3A_487 = arith.cmpi ne, %sign3A_478, %ne3A_486 : vector<3276x14xi32>
    %rem3A_488 = vector.broadcast %jit3A_467 : i32 to vector<3276x14xi32>
    %rem3A_489 = arith.remsi %add3A_466, %rem3A_488 : vector<3276x14xi32>
    %ne3A_490 = arith.constant 0 : i32
    %ne3A_491 = vector.broadcast %ne3A_490 : i32 to vector<3276x14xi32>
    %ne3A_492 = arith.cmpi ne, %rem3A_489, %ne3A_491 : vector<3276x14xi32>
    %and3A_493 = arith.andi %ne3A_487, %ne3A_492 : vector<3276x14xi1>
    %sub3A_494 = arith.constant 1 : i32
    %sub3A_495 = vector.broadcast %sub3A_494 : i32 to vector<3276x14xi32>
    %sub3A_496 = arith.subi %div3A_469, %sub3A_495 : vector<3276x14xi32>
    %select_n3A_497 = arith.select %and3A_493, %sub3A_496, %div3A_469 : vector<3276x14xi1>, vector<3276x14xi32>
    %jit3A_498 = arith.constant 14 : i32
    %eq3A_499 = arith.constant 0 : i32
    %eq3A_500 = arith.cmpi eq, %jit3A_498, %eq3A_499 : i32
    %jit3A_501 = arith.constant 1 : i32
    %select_n3A_502 = arith.select %eq3A_500, %jit3A_501, %jit3A_498 : i32
    %rem3A_503 = vector.broadcast %select_n3A_502 : i32 to vector<3276x14xi32>
    %rem3A_504 = arith.remsi %add3A_466, %rem3A_503 : vector<3276x14xi32>
    %ne3A_505 = arith.constant 0 : i32
    %ne3A_506 = vector.broadcast %ne3A_505 : i32 to vector<3276x14xi32>
    %ne3A_507 = arith.cmpi ne, %rem3A_504, %ne3A_506 : vector<3276x14xi32>
    %lt3A_508 = arith.constant 0 : i32
    %lt3A_509 = vector.broadcast %lt3A_508 : i32 to vector<3276x14xi32>
    %lt3A_510 = arith.cmpi slt, %rem3A_504, %lt3A_509 : vector<3276x14xi32>
    %lt3A_511 = arith.constant 0 : i32
    %lt3A_512 = arith.cmpi slt, %select_n3A_502, %lt3A_511 : i32
    %ne3A_513 = vector.broadcast %lt3A_512 : i1 to vector<3276x14xi1>
    %ne3A_514 = vector.broadcast %ne3A_513 : vector<3276x14xi1> to vector<3276x14xi1>
    %ne3A_515 = arith.xori %lt3A_510, %ne3A_514 : vector<3276x14xi1>
    %and3A_516 = arith.andi %ne3A_515, %ne3A_507 : vector<3276x14xi1>
    %add3A_517 = vector.broadcast %select_n3A_502 : i32 to vector<3276x14xi32>
    %add3A_518 = arith.addi %rem3A_504, %add3A_517 : vector<3276x14xi32>
    %select_n3A_519 = arith.select %and3A_516, %add3A_518, %rem3A_504 : vector<3276x14xi1>, vector<3276x14xi32>
    %get3A_520 = arith.index_cast %arg1 : i32 to index
    %get3A_521 = arith.constant 0 : index
    %get3A_522 = memref.load %arg3[%get3A_520, %get3A_521] : memref<4x6xi32, #tpu.memory_space<smem>>
    %sub3A_523 = vector.broadcast %get3A_522 : i32 to vector<3276x14xi32>
    %sub3A_524 = arith.subi %select_n3A_497, %sub3A_523 : vector<3276x14xi32>
    %abs3A_525 = math.absi %sub3A_524 : vector<3276x14xi32>
    %get3A_526 = arith.index_cast %arg1 : i32 to index
    %get3A_527 = arith.constant 0 : index
    %get3A_528 = memref.load %arg2[%get3A_526, %get3A_527] : memref<4x2xi32, #tpu.memory_space<smem>>
    %sub3A_529 = vector.broadcast %get3A_528 : i32 to vector<3276x14xi32>
    %sub3A_530 = arith.subi %select_n3A_519, %sub3A_529 : vector<3276x14xi32>
    %abs3A_531 = math.absi %sub3A_530 : vector<3276x14xi32>
    %get3A_532 = arith.index_cast %arg1 : i32 to index
    %get3A_533 = arith.constant 0 : index
    %get3A_534 = memref.load %arg3[%get3A_532, %get3A_533] : memref<4x6xi32, #tpu.memory_space<smem>>
    %sub3A_535 = vector.broadcast %get3A_534 : i32 to vector<3276x14xi32>
    %sub3A_536 = arith.subi %select_n3A_497, %sub3A_535 : vector<3276x14xi32>
    %abs3A_537 = math.absi %sub3A_536 : vector<3276x14xi32>
    %get3A_538 = arith.index_cast %arg1 : i32 to index
    %get3A_539 = arith.constant 1 : index
    %get3A_540 = memref.load %arg2[%get3A_538, %get3A_539] : memref<4x2xi32, #tpu.memory_space<smem>>
    %sub3A_541 = vector.broadcast %get3A_540 : i32 to vector<3276x14xi32>
    %sub3A_542 = arith.subi %select_n3A_519, %sub3A_541 : vector<3276x14xi32>
    %abs3A_543 = math.absi %sub3A_542 : vector<3276x14xi32>
    %min3A = arith.minsi %abs3A_525, %abs3A_537 : vector<3276x14xi32>
    %min3A_544 = arith.minsi %abs3A_531, %abs3A_543 : vector<3276x14xi32>
    %get3A_545 = arith.index_cast %arg1 : i32 to index
    %get3A_546 = arith.constant 1 : index
    %get3A_547 = memref.load %arg3[%get3A_545, %get3A_546] : memref<4x6xi32, #tpu.memory_space<smem>>
    %sub3A_548 = vector.broadcast %get3A_547 : i32 to vector<3276x14xi32>
    %sub3A_549 = arith.subi %select_n3A_497, %sub3A_548 : vector<3276x14xi32>
    %abs3A_550 = math.absi %sub3A_549 : vector<3276x14xi32>
    %get3A_551 = arith.index_cast %arg1 : i32 to index
    %get3A_552 = arith.constant 0 : index
    %get3A_553 = memref.load %arg2[%get3A_551, %get3A_552] : memref<4x2xi32, #tpu.memory_space<smem>>
    %sub3A_554 = vector.broadcast %get3A_553 : i32 to vector<3276x14xi32>
    %sub3A_555 = arith.subi %select_n3A_519, %sub3A_554 : vector<3276x14xi32>
    %abs3A_556 = math.absi %sub3A_555 : vector<3276x14xi32>
    %min3A_557 = arith.minsi %min3A, %abs3A_550 : vector<3276x14xi32>
    %min3A_558 = arith.minsi %min3A_544, %abs3A_556 : vector<3276x14xi32>
    %get3A_559 = arith.index_cast %arg1 : i32 to index
    %get3A_560 = arith.constant 1 : index
    %get3A_561 = memref.load %arg3[%get3A_559, %get3A_560] : memref<4x6xi32, #tpu.memory_space<smem>>
    %sub3A_562 = vector.broadcast %get3A_561 : i32 to vector<3276x14xi32>
    %sub3A_563 = arith.subi %select_n3A_497, %sub3A_562 : vector<3276x14xi32>
    %abs3A_564 = math.absi %sub3A_563 : vector<3276x14xi32>
    %get3A_565 = arith.index_cast %arg1 : i32 to index
    %get3A_566 = arith.constant 1 : index
    %get3A_567 = memref.load %arg2[%get3A_565, %get3A_566] : memref<4x2xi32, #tpu.memory_space<smem>>
    %sub3A_568 = vector.broadcast %get3A_567 : i32 to vector<3276x14xi32>
    %sub3A_569 = arith.subi %select_n3A_519, %sub3A_568 : vector<3276x14xi32>
    %abs3A_570 = math.absi %sub3A_569 : vector<3276x14xi32>
    %min3A_571 = arith.minsi %min3A_557, %abs3A_564 : vector<3276x14xi32>
    %min3A_572 = arith.minsi %min3A_558, %abs3A_570 : vector<3276x14xi32>
    %get3A_573 = arith.index_cast %arg1 : i32 to index
    %get3A_574 = arith.constant 2 : index
    %get3A_575 = memref.load %arg3[%get3A_573, %get3A_574] : memref<4x6xi32, #tpu.memory_space<smem>>
    %sub3A_576 = vector.broadcast %get3A_575 : i32 to vector<3276x14xi32>
    %sub3A_577 = arith.subi %select_n3A_497, %sub3A_576 : vector<3276x14xi32>
    %abs3A_578 = math.absi %sub3A_577 : vector<3276x14xi32>
    %get3A_579 = arith.index_cast %arg1 : i32 to index
    %get3A_580 = arith.constant 0 : index
    %get3A_581 = memref.load %arg2[%get3A_579, %get3A_580] : memref<4x2xi32, #tpu.memory_space<smem>>
    %sub3A_582 = vector.broadcast %get3A_581 : i32 to vector<3276x14xi32>
    %sub3A_583 = arith.subi %select_n3A_519, %sub3A_582 : vector<3276x14xi32>
    %abs3A_584 = math.absi %sub3A_583 : vector<3276x14xi32>
    %min3A_585 = arith.minsi %min3A_571, %abs3A_578 : vector<3276x14xi32>
    %min3A_586 = arith.minsi %min3A_572, %abs3A_584 : vector<3276x14xi32>
    %get3A_587 = arith.index_cast %arg1 : i32 to index
    %get3A_588 = arith.constant 2 : index
    %get3A_589 = memref.load %arg3[%get3A_587, %get3A_588] : memref<4x6xi32, #tpu.memory_space<smem>>
    %sub3A_590 = vector.broadcast %get3A_589 : i32 to vector<3276x14xi32>
    %sub3A_591 = arith.subi %select_n3A_497, %sub3A_590 : vector<3276x14xi32>
    %abs3A_592 = math.absi %sub3A_591 : vector<3276x14xi32>
    %get3A_593 = arith.index_cast %arg1 : i32 to index
    %get3A_594 = arith.constant 1 : index
    %get3A_595 = memref.load %arg2[%get3A_593, %get3A_594] : memref<4x2xi32, #tpu.memory_space<smem>>
    %sub3A_596 = vector.broadcast %get3A_595 : i32 to vector<3276x14xi32>
    %sub3A_597 = arith.subi %select_n3A_519, %sub3A_596 : vector<3276x14xi32>
    %abs3A_598 = math.absi %sub3A_597 : vector<3276x14xi32>
    %min3A_599 = arith.minsi %min3A_585, %abs3A_592 : vector<3276x14xi32>
    %min3A_600 = arith.minsi %min3A_586, %abs3A_598 : vector<3276x14xi32>
    %get3A_601 = arith.index_cast %arg1 : i32 to index
    %get3A_602 = arith.constant 3 : index
    %get3A_603 = memref.load %arg3[%get3A_601, %get3A_602] : memref<4x6xi32, #tpu.memory_space<smem>>
    %sub3A_604 = vector.broadcast %get3A_603 : i32 to vector<3276x14xi32>
    %sub3A_605 = arith.subi %select_n3A_497, %sub3A_604 : vector<3276x14xi32>
    %abs3A_606 = math.absi %sub3A_605 : vector<3276x14xi32>
    %get3A_607 = arith.index_cast %arg1 : i32 to index
    %get3A_608 = arith.constant 0 : index
    %get3A_609 = memref.load %arg2[%get3A_607, %get3A_608] : memref<4x2xi32, #tpu.memory_space<smem>>
    %sub3A_610 = vector.broadcast %get3A_609 : i32 to vector<3276x14xi32>
    %sub3A_611 = arith.subi %select_n3A_519, %sub3A_610 : vector<3276x14xi32>
    %abs3A_612 = math.absi %sub3A_611 : vector<3276x14xi32>
    %min3A_613 = arith.minsi %min3A_599, %abs3A_606 : vector<3276x14xi32>
    %min3A_614 = arith.minsi %min3A_600, %abs3A_612 : vector<3276x14xi32>
    %get3A_615 = arith.index_cast %arg1 : i32 to index
    %get3A_616 = arith.constant 3 : index
    %get3A_617 = memref.load %arg3[%get3A_615, %get3A_616] : memref<4x6xi32, #tpu.memory_space<smem>>
    %sub3A_618 = vector.broadcast %get3A_617 : i32 to vector<3276x14xi32>
    %sub3A_619 = arith.subi %select_n3A_497, %sub3A_618 : vector<3276x14xi32>
    %abs3A_620 = math.absi %sub3A_619 : vector<3276x14xi32>
    %get3A_621 = arith.index_cast %arg1 : i32 to index
    %get3A_622 = arith.constant 1 : index
    %get3A_623 = memref.load %arg2[%get3A_621, %get3A_622] : memref<4x2xi32, #tpu.memory_space<smem>>
    %sub3A_624 = vector.broadcast %get3A_623 : i32 to vector<3276x14xi32>
    %sub3A_625 = arith.subi %select_n3A_519, %sub3A_624 : vector<3276x14xi32>
    %abs3A_626 = math.absi %sub3A_625 : vector<3276x14xi32>
    %min3A_627 = arith.minsi %min3A_613, %abs3A_620 : vector<3276x14xi32>
    %min3A_628 = arith.minsi %min3A_614, %abs3A_626 : vector<3276x14xi32>
    %get3A_629 = arith.index_cast %arg1 : i32 to index
    %get3A_630 = arith.constant 4 : index
    %get3A_631 = memref.load %arg3[%get3A_629, %get3A_630] : memref<4x6xi32, #tpu.memory_space<smem>>
    %sub3A_632 = vector.broadcast %get3A_631 : i32 to vector<3276x14xi32>
    %sub3A_633 = arith.subi %select_n3A_497, %sub3A_632 : vector<3276x14xi32>
    %abs3A_634 = math.absi %sub3A_633 : vector<3276x14xi32>
    %get3A_635 = arith.index_cast %arg1 : i32 to index
    %get3A_636 = arith.constant 0 : index
    %get3A_637 = memref.load %arg2[%get3A_635, %get3A_636] : memref<4x2xi32, #tpu.memory_space<smem>>
    %sub3A_638 = vector.broadcast %get3A_637 : i32 to vector<3276x14xi32>
    %sub3A_639 = arith.subi %select_n3A_519, %sub3A_638 : vector<3276x14xi32>
    %abs3A_640 = math.absi %sub3A_639 : vector<3276x14xi32>
    %min3A_641 = arith.minsi %min3A_627, %abs3A_634 : vector<3276x14xi32>
    %min3A_642 = arith.minsi %min3A_628, %abs3A_640 : vector<3276x14xi32>
    %get3A_643 = arith.index_cast %arg1 : i32 to index
    %get3A_644 = arith.constant 4 : index
    %get3A_645 = memref.load %arg3[%get3A_643, %get3A_644] : memref<4x6xi32, #tpu.memory_space<smem>>
    %sub3A_646 = vector.broadcast %get3A_645 : i32 to vector<3276x14xi32>
    %sub3A_647 = arith.subi %select_n3A_497, %sub3A_646 : vector<3276x14xi32>
    %abs3A_648 = math.absi %sub3A_647 : vector<3276x14xi32>
    %get3A_649 = arith.index_cast %arg1 : i32 to index
    %get3A_650 = arith.constant 1 : index
    %get3A_651 = memref.load %arg2[%get3A_649, %get3A_650] : memref<4x2xi32, #tpu.memory_space<smem>>
    %sub3A_652 = vector.broadcast %get3A_651 : i32 to vector<3276x14xi32>
    %sub3A_653 = arith.subi %select_n3A_519, %sub3A_652 : vector<3276x14xi32>
    %abs3A_654 = math.absi %sub3A_653 : vector<3276x14xi32>
    %min3A_655 = arith.minsi %min3A_641, %abs3A_648 : vector<3276x14xi32>
    %min3A_656 = arith.minsi %min3A_642, %abs3A_654 : vector<3276x14xi32>
    %get3A_657 = arith.index_cast %arg1 : i32 to index
    %get3A_658 = arith.constant 5 : index
    %get3A_659 = memref.load %arg3[%get3A_657, %get3A_658] : memref<4x6xi32, #tpu.memory_space<smem>>
    %sub3A_660 = vector.broadcast %get3A_659 : i32 to vector<3276x14xi32>
    %sub3A_661 = arith.subi %select_n3A_497, %sub3A_660 : vector<3276x14xi32>
    %abs3A_662 = math.absi %sub3A_661 : vector<3276x14xi32>
    %get3A_663 = arith.index_cast %arg1 : i32 to index
    %get3A_664 = arith.constant 0 : index
    %get3A_665 = memref.load %arg2[%get3A_663, %get3A_664] : memref<4x2xi32, #tpu.memory_space<smem>>
    %sub3A_666 = vector.broadcast %get3A_665 : i32 to vector<3276x14xi32>
    %sub3A_667 = arith.subi %select_n3A_519, %sub3A_666 : vector<3276x14xi32>
    %abs3A_668 = math.absi %sub3A_667 : vector<3276x14xi32>
    %min3A_669 = arith.minsi %min3A_655, %abs3A_662 : vector<3276x14xi32>
    %min3A_670 = arith.minsi %min3A_656, %abs3A_668 : vector<3276x14xi32>
    %get3A_671 = arith.index_cast %arg1 : i32 to index
    %get3A_672 = arith.constant 5 : index
    %get3A_673 = memref.load %arg3[%get3A_671, %get3A_672] : memref<4x6xi32, #tpu.memory_space<smem>>
    %sub3A_674 = vector.broadcast %get3A_673 : i32 to vector<3276x14xi32>
    %sub3A_675 = arith.subi %select_n3A_497, %sub3A_674 : vector<3276x14xi32>
    %abs3A_676 = math.absi %sub3A_675 : vector<3276x14xi32>
    %get3A_677 = arith.index_cast %arg1 : i32 to index
    %get3A_678 = arith.constant 1 : index
    %get3A_679 = memref.load %arg2[%get3A_677, %get3A_678] : memref<4x2xi32, #tpu.memory_space<smem>>
    %sub3A_680 = vector.broadcast %get3A_679 : i32 to vector<3276x14xi32>
    %sub3A_681 = arith.subi %select_n3A_519, %sub3A_680 : vector<3276x14xi32>
    %abs3A_682 = math.absi %sub3A_681 : vector<3276x14xi32>
    %min3A_683 = arith.minsi %min3A_669, %abs3A_676 : vector<3276x14xi32>
    %min3A_684 = arith.minsi %min3A_670, %abs3A_682 : vector<3276x14xi32>
    %convert_element_type3A = arith.sitofp %min3A_684 : vector<3276x14xi32> to vector<3276x14xf32>
    %reduce_sum3A = vector.shape_cast %convert_element_type3A : vector<3276x14xf32> to vector<1x3276x14xf32>
    %reduce_sum3A_685 = arith.constant dense<0.000000e+00> : vector<1xf32>
    %reduce_sum3A_686 = vector.multi_reduction <add>, %reduce_sum3A, %reduce_sum3A_685 [1, 2] : vector<1x3276x14xf32> to vector<1xf32>
    %reduce_sum3A_687 = vector.shape_cast %reduce_sum3A_686 : vector<1xf32> to vector<1x1x1xf32>
    %reduce_sum3A_688 = vector.extract %reduce_sum3A_687[0, 0, 0] : f32 from vector<1x1x1xf32>
    %div3A_689 = arith.constant 4.586400e+04 : f32
    %div3A_690 = arith.divf %reduce_sum3A_688, %div3A_689 : f32
    %sub3A_691 = vector.broadcast %div3A_690 : f32 to vector<3276x14xf32>
    %sub3A_692 = arith.subf %convert_element_type3A, %sub3A_691 : vector<3276x14xf32>
    %mul3A_693 = arith.mulf %sub3A_692, %sub3A_692 : vector<3276x14xf32>
    %reduce_sum3A_694 = vector.shape_cast %mul3A_693 : vector<3276x14xf32> to vector<1x3276x14xf32>
    %reduce_sum3A_695 = arith.constant dense<0.000000e+00> : vector<1xf32>
    %reduce_sum3A_696 = vector.multi_reduction <add>, %reduce_sum3A_694, %reduce_sum3A_695 [1, 2] : vector<1x3276x14xf32> to vector<1xf32>
    %reduce_sum3A_697 = vector.shape_cast %reduce_sum3A_696 : vector<1xf32> to vector<1x1x1xf32>
    %reduce_sum3A_698 = vector.extract %reduce_sum3A_697[0, 0, 0] : f32 from vector<1x1x1xf32>
    %div3A_699 = arith.constant 2.730000e+02 : f32
    %div3A_700 = arith.divf %reduce_sum3A_698, %div3A_699 : f32
    %div3A_701 = arith.constant 1.670000e+02 : f32
    %div3A_702 = arith.divf %div3A_700, %div3A_701 : f32
    %sqrt3A = math.sqrt %div3A_702 : f32
    %gt3A = arith.constant 0.000000e+00 : f32
    %gt3A_703 = arith.cmpf ogt, %sqrt3A, %gt3A : f32
    %div3A_704 = vector.broadcast %sqrt3A : f32 to vector<3276x14xf32>
    %div3A_705 = arith.divf %sub3A_692, %div3A_704 : vector<3276x14xf32>
    %select_n3A_706 = arith.select %gt3A_703, %div3A_705, %sub3A_692 : vector<3276x14xf32>
    %swap3A_707 = arith.constant 0 : index
    %swap3A_708 = arith.constant 0 : index
    %swap3A_709 = arith.constant 0 : index
    %swap3A_710 = arith.constant 0 : index
    %swap3A_711 = vector.load %arg5[%swap3A_707, %swap3A_708, %swap3A_709, %swap3A_710] : memref<1x2x3276x14xf32, #tpu.memory_space<vmem>>, vector<1x1x3276x14xf32>
    %swap3A_712 = vector.shape_cast %swap3A_711 : vector<1x1x3276x14xf32> to vector<3276x14xf32>
    %swap3A_713 = vector.shape_cast %select_n3A_706 : vector<3276x14xf32> to vector<1x1x3276x14xf32>
    tpu.vector_store %arg5[%swap3A_707, %swap3A_708, %swap3A_709, %swap3A_710], %swap3A_713 {strides = array<i32>} : memref<1x2x3276x14xf32, #tpu.memory_space<vmem>>, vector<1x1x3276x14xf32>,
    %convert_element_type3A_714 = arith.sitofp %min3A_683 : vector<3276x14xi32> to vector<3276x14xf32>
    %reduce_sum3A_715 = vector.shape_cast %convert_element_type3A_714 : vector<3276x14xf32> to vector<1x3276x14xf32>
    %reduce_sum3A_716 = arith.constant dense<0.000000e+00> : vector<1xf32>
    %reduce_sum3A_717 = vector.multi_reduction <add>, %reduce_sum3A_715, %reduce_sum3A_716 [1, 2] : vector<1x3276x14xf32> to vector<1xf32>
    %reduce_sum3A_718 = vector.shape_cast %reduce_sum3A_717 : vector<1xf32> to vector<1x1x1xf32>
    %reduce_sum3A_719 = vector.extract %reduce_sum3A_718[0, 0, 0] : f32 from vector<1x1x1xf32>
    %div3A_720 = arith.constant 4.586400e+04 : f32
    %div3A_721 = arith.divf %reduce_sum3A_719, %div3A_720 : f32
    %sub3A_722 = vector.broadcast %div3A_721 : f32 to vector<3276x14xf32>
    %sub3A_723 = arith.subf %convert_element_type3A_714, %sub3A_722 : vector<3276x14xf32>
    %mul3A_724 = arith.mulf %sub3A_723, %sub3A_723 : vector<3276x14xf32>
    %reduce_sum3A_725 = vector.shape_cast %mul3A_724 : vector<3276x14xf32> to vector<1x3276x14xf32>
    %reduce_sum3A_726 = arith.constant dense<0.000000e+00> : vector<1xf32>
    %reduce_sum3A_727 = vector.multi_reduction <add>, %reduce_sum3A_725, %reduce_sum3A_726 [1, 2] : vector<1x3276x14xf32> to vector<1xf32>
    %reduce_sum3A_728 = vector.shape_cast %reduce_sum3A_727 : vector<1xf32> to vector<1x1x1xf32>
    %reduce_sum3A_729 = vector.extract %reduce_sum3A_728[0, 0, 0] : f32 from vector<1x1x1xf32>
    %div3A_730 = arith.constant 2.730000e+02 : f32
    %div3A_731 = arith.divf %reduce_sum3A_729, %div3A_730 : f32
    %div3A_732 = arith.constant 1.670000e+02 : f32
    %div3A_733 = arith.divf %div3A_731, %div3A_732 : f32
    %sqrt3A_734 = math.sqrt %div3A_733 : f32
    %gt3A_735 = arith.constant 0.000000e+00 : f32
    %gt3A_736 = arith.cmpf ogt, %sqrt3A_734, %gt3A_735 : f32
    %div3A_737 = vector.broadcast %sqrt3A_734 : f32 to vector<3276x14xf32>
    %div3A_738 = arith.divf %sub3A_723, %div3A_737 : vector<3276x14xf32>
    %select_n3A_739 = arith.select %gt3A_736, %div3A_738, %sub3A_723 : vector<3276x14xf32>
    %swap3A_740 = arith.constant 0 : index
    %swap3A_741 = arith.constant 1 : index
    %swap3A_742 = arith.constant 0 : index
    %swap3A_743 = arith.constant 0 : index
    %swap3A_744 = vector.load %arg5[%swap3A_740, %swap3A_741, %swap3A_742, %swap3A_743] : memref<1x2x3276x14xf32, #tpu.memory_space<vmem>>, vector<1x1x3276x14xf32>
    %swap3A_745 = vector.shape_cast %swap3A_744 : vector<1x1x3276x14xf32> to vector<3276x14xf32>
    %swap3A_746 = vector.shape_cast %select_n3A_739 : vector<3276x14xf32> to vector<1x1x3276x14xf32>
    tpu.vector_store %arg5[%swap3A_740, %swap3A_741, %swap3A_742, %swap3A_743], %swap3A_746 {strides = array<i32>} : memref<1x2x3276x14xf32, #tpu.memory_space<vmem>>, vector<1x1x3276x14xf32>,
    return
  }
  func.func @transform_0(%arg0: i32, %arg1: i32) -> (i32, i32) {
    %c0_i32 = arith.constant 0 : i32
    %c0_i32_0 = arith.constant 0 : i32
    %c0_i32_1 = arith.constant 0 : i32
    return %c0_i32, %c0_i32_0 : i32, i32
  }
  func.func @transform_1(%arg0: i32, %arg1: i32) -> (i32, i32) {
    %c0_i32 = arith.constant 0 : i32
    %c0_i32_0 = arith.constant 0 : i32
    %c0_i32_1 = arith.constant 0 : i32
    return %c0_i32, %c0_i32_0 : i32, i32
  }
  func.func @transform_2(%arg0: i32, %arg1: i32) -> (i32, i32, i32, i32) {
    %c0_i32 = arith.constant 0 : i32
    %c0_i32_0 = arith.constant 0 : i32
    %c0_i32_1 = arith.constant 0 : i32
    return %arg0, %arg1, %c0_i32, %c0_i32_0 : i32, i32, i32, i32
  }
  func.func @transform_3(%arg0: i32, %arg1: i32) -> (i32, i32, i32, i32) {
    %c0_i32 = arith.constant 0 : i32
    %c0_i32_0 = arith.constant 0 : i32
    %c0_i32_1 = arith.constant 0 : i32
    %c0_i32_2 = arith.constant 0 : i32
    return %arg1, %c0_i32, %c0_i32_0, %c0_i32_1 : i32, i32, i32, i32
  }
}

module attributes {stable_mosaic.version = 14 : i64} {
  func.func @_focc_body(%arg0: i32, %arg1: memref<1x3276x4x16xf32, #tpu.memory_space<vmem>>, %arg2: memref<1x4x3276x16xf32, #tpu.memory_space<vmem>>) attributes {dimension_semantics = [#tpu.dimension_semantics<arbitrary>], iteration_bounds = array<i64: 8>, scalar_prefetch = 0 : i64, scratch_operands = 0 : i64, tpu.core_type = #tpu.core_type<tc>, window_params = [{transform_indices = @transform_0, window_bounds = array<i64: 1, 3276, 4, 16>}, {transform_indices = @transform_1, window_bounds = array<i64: 1, 4, 3276, 16>}]} {
    %iota3A = tpu.iota {dimensions = array<i32: 0>} : vector<3276x16xi32>
    %jit3A = arith.constant 2 : i32
    %eq3A = arith.constant 0 : i32
    %eq3A_0 = arith.cmpi eq, %jit3A, %eq3A : i32
    %jit3A_1 = arith.constant 1 : i32
    %select_n3A = arith.select %eq3A_0, %jit3A_1, %jit3A : i32
    %rem3A = vector.broadcast %select_n3A : i32 to vector<3276x16xi32>
    %rem3A_2 = arith.remsi %iota3A, %rem3A : vector<3276x16xi32>
    %ne3A = arith.constant 0 : i32
    %ne3A_3 = vector.broadcast %ne3A : i32 to vector<3276x16xi32>
    %ne3A_4 = arith.cmpi ne, %rem3A_2, %ne3A_3 : vector<3276x16xi32>
    %lt3A = arith.constant 0 : i32
    %lt3A_5 = vector.broadcast %lt3A : i32 to vector<3276x16xi32>
    %lt3A_6 = arith.cmpi slt, %rem3A_2, %lt3A_5 : vector<3276x16xi32>
    %lt3A_7 = arith.constant 0 : i32
    %lt3A_8 = arith.cmpi slt, %select_n3A, %lt3A_7 : i32
    %ne3A_9 = vector.broadcast %lt3A_8 : i1 to vector<3276x16xi1>
    %ne3A_10 = vector.broadcast %ne3A_9 : vector<3276x16xi1> to vector<3276x16xi1>
    %ne3A_11 = arith.xori %lt3A_6, %ne3A_10 : vector<3276x16xi1>
    %and3A = arith.andi %ne3A_11, %ne3A_4 : vector<3276x16xi1>
    %add3A = vector.broadcast %select_n3A : i32 to vector<3276x16xi32>
    %add3A_12 = arith.addi %rem3A_2, %add3A : vector<3276x16xi32>
    %select_n3A_13 = arith.select %and3A, %add3A_12, %rem3A_2 : vector<3276x16xi1>, vector<3276x16xi32>
    %eq3A_14 = arith.constant 0 : i32
    %eq3A_15 = vector.broadcast %eq3A_14 : i32 to vector<3276x16xi32>
    %eq3A_16 = arith.cmpi eq, %select_n3A_13, %eq3A_15 : vector<3276x16xi32>
    %get3A = arith.constant 0 : index
    %get3A_17 = arith.constant 0 : index
    %get3A_18 = arith.constant 0 : index
    %get3A_19 = arith.constant 0 : index
    %get3A_20 = vector.load %arg1[%get3A, %get3A_17, %get3A_18, %get3A_19] : memref<1x3276x4x16xf32, #tpu.memory_space<vmem>>, vector<1x3276x1x16xf32>
    %get3A_21 = vector.shape_cast %get3A_20 : vector<1x3276x1x16xf32> to vector<3276x16xf32>
    %roll3A = arith.constant 3275 : i32
    %roll3A_22 = tpu.dynamic_rotate %get3A_21 by %roll3A dim 0 : vector<3276x16xf32>, i32 -> vector<3276x16xf32>
    %roll3A_23 = arith.constant 1 : i32
    %roll3A_24 = tpu.dynamic_rotate %get3A_21 by %roll3A_23 dim 0 : vector<3276x16xf32>, i32 -> vector<3276x16xf32>
    %select_n3A_25 = arith.select %eq3A_16, %roll3A_22, %roll3A_24 : vector<3276x16xi1>, vector<3276x16xf32>
    %add3A_26 = arith.addf %get3A_21, %select_n3A_25 : vector<3276x16xf32>
    %mul3A = arith.constant 5.000000e-01 : f32
    %mul3A_27 = vector.broadcast %mul3A : f32 to vector<3276x16xf32>
    %mul3A_28 = arith.mulf %add3A_26, %mul3A_27 : vector<3276x16xf32>
    %swap3A = arith.constant 0 : index
    %swap3A_29 = arith.constant 0 : index
    %swap3A_30 = arith.constant 0 : index
    %swap3A_31 = arith.constant 0 : index
    %swap3A_32 = vector.load %arg2[%swap3A, %swap3A_29, %swap3A_30, %swap3A_31] : memref<1x4x3276x16xf32, #tpu.memory_space<vmem>>, vector<1x1x3276x16xf32>
    %swap3A_33 = vector.shape_cast %swap3A_32 : vector<1x1x3276x16xf32> to vector<3276x16xf32>
    %swap3A_34 = vector.shape_cast %mul3A_28 : vector<3276x16xf32> to vector<1x1x3276x16xf32>
    tpu.vector_store %arg2[%swap3A, %swap3A_29, %swap3A_30, %swap3A_31], %swap3A_34 {strides = array<i32>} : memref<1x4x3276x16xf32, #tpu.memory_space<vmem>>, vector<1x1x3276x16xf32>,
    %get3A_35 = arith.constant 0 : index
    %get3A_36 = arith.constant 0 : index
    %get3A_37 = arith.constant 1 : index
    %get3A_38 = arith.constant 0 : index
    %get3A_39 = vector.load %arg1[%get3A_35, %get3A_36, %get3A_37, %get3A_38] : memref<1x3276x4x16xf32, #tpu.memory_space<vmem>>, vector<1x3276x1x16xf32>
    %get3A_40 = vector.shape_cast %get3A_39 : vector<1x3276x1x16xf32> to vector<3276x16xf32>
    %roll3A_41 = arith.constant 3275 : i32
    %roll3A_42 = tpu.dynamic_rotate %get3A_40 by %roll3A_41 dim 0 : vector<3276x16xf32>, i32 -> vector<3276x16xf32>
    %roll3A_43 = arith.constant 1 : i32
    %roll3A_44 = tpu.dynamic_rotate %get3A_40 by %roll3A_43 dim 0 : vector<3276x16xf32>, i32 -> vector<3276x16xf32>
    %select_n3A_45 = arith.select %eq3A_16, %roll3A_42, %roll3A_44 : vector<3276x16xi1>, vector<3276x16xf32>
    %add3A_46 = arith.addf %get3A_40, %select_n3A_45 : vector<3276x16xf32>
    %mul3A_47 = arith.constant 5.000000e-01 : f32
    %mul3A_48 = vector.broadcast %mul3A_47 : f32 to vector<3276x16xf32>
    %mul3A_49 = arith.mulf %add3A_46, %mul3A_48 : vector<3276x16xf32>
    %swap3A_50 = arith.constant 0 : index
    %swap3A_51 = arith.constant 1 : index
    %swap3A_52 = arith.constant 0 : index
    %swap3A_53 = arith.constant 0 : index
    %swap3A_54 = vector.load %arg2[%swap3A_50, %swap3A_51, %swap3A_52, %swap3A_53] : memref<1x4x3276x16xf32, #tpu.memory_space<vmem>>, vector<1x1x3276x16xf32>
    %swap3A_55 = vector.shape_cast %swap3A_54 : vector<1x1x3276x16xf32> to vector<3276x16xf32>
    %swap3A_56 = vector.shape_cast %mul3A_49 : vector<3276x16xf32> to vector<1x1x3276x16xf32>
    tpu.vector_store %arg2[%swap3A_50, %swap3A_51, %swap3A_52, %swap3A_53], %swap3A_56 {strides = array<i32>} : memref<1x4x3276x16xf32, #tpu.memory_space<vmem>>, vector<1x1x3276x16xf32>,
    %get3A_57 = arith.constant 0 : index
    %get3A_58 = arith.constant 0 : index
    %get3A_59 = arith.constant 2 : index
    %get3A_60 = arith.constant 0 : index
    %get3A_61 = vector.load %arg1[%get3A_57, %get3A_58, %get3A_59, %get3A_60] : memref<1x3276x4x16xf32, #tpu.memory_space<vmem>>, vector<1x3276x1x16xf32>
    %get3A_62 = vector.shape_cast %get3A_61 : vector<1x3276x1x16xf32> to vector<3276x16xf32>
    %roll3A_63 = arith.constant 3275 : i32
    %roll3A_64 = tpu.dynamic_rotate %get3A_62 by %roll3A_63 dim 0 : vector<3276x16xf32>, i32 -> vector<3276x16xf32>
    %roll3A_65 = arith.constant 1 : i32
    %roll3A_66 = tpu.dynamic_rotate %get3A_62 by %roll3A_65 dim 0 : vector<3276x16xf32>, i32 -> vector<3276x16xf32>
    %select_n3A_67 = arith.select %eq3A_16, %roll3A_64, %roll3A_66 : vector<3276x16xi1>, vector<3276x16xf32>
    %add3A_68 = arith.addf %get3A_62, %select_n3A_67 : vector<3276x16xf32>
    %mul3A_69 = arith.constant 5.000000e-01 : f32
    %mul3A_70 = vector.broadcast %mul3A_69 : f32 to vector<3276x16xf32>
    %mul3A_71 = arith.mulf %add3A_68, %mul3A_70 : vector<3276x16xf32>
    %swap3A_72 = arith.constant 0 : index
    %swap3A_73 = arith.constant 2 : index
    %swap3A_74 = arith.constant 0 : index
    %swap3A_75 = arith.constant 0 : index
    %swap3A_76 = vector.load %arg2[%swap3A_72, %swap3A_73, %swap3A_74, %swap3A_75] : memref<1x4x3276x16xf32, #tpu.memory_space<vmem>>, vector<1x1x3276x16xf32>
    %swap3A_77 = vector.shape_cast %swap3A_76 : vector<1x1x3276x16xf32> to vector<3276x16xf32>
    %swap3A_78 = vector.shape_cast %mul3A_71 : vector<3276x16xf32> to vector<1x1x3276x16xf32>
    tpu.vector_store %arg2[%swap3A_72, %swap3A_73, %swap3A_74, %swap3A_75], %swap3A_78 {strides = array<i32>} : memref<1x4x3276x16xf32, #tpu.memory_space<vmem>>, vector<1x1x3276x16xf32>,
    %get3A_79 = arith.constant 0 : index
    %get3A_80 = arith.constant 0 : index
    %get3A_81 = arith.constant 3 : index
    %get3A_82 = arith.constant 0 : index
    %get3A_83 = vector.load %arg1[%get3A_79, %get3A_80, %get3A_81, %get3A_82] : memref<1x3276x4x16xf32, #tpu.memory_space<vmem>>, vector<1x3276x1x16xf32>
    %get3A_84 = vector.shape_cast %get3A_83 : vector<1x3276x1x16xf32> to vector<3276x16xf32>
    %roll3A_85 = arith.constant 3275 : i32
    %roll3A_86 = tpu.dynamic_rotate %get3A_84 by %roll3A_85 dim 0 : vector<3276x16xf32>, i32 -> vector<3276x16xf32>
    %roll3A_87 = arith.constant 1 : i32
    %roll3A_88 = tpu.dynamic_rotate %get3A_84 by %roll3A_87 dim 0 : vector<3276x16xf32>, i32 -> vector<3276x16xf32>
    %select_n3A_89 = arith.select %eq3A_16, %roll3A_86, %roll3A_88 : vector<3276x16xi1>, vector<3276x16xf32>
    %add3A_90 = arith.addf %get3A_84, %select_n3A_89 : vector<3276x16xf32>
    %mul3A_91 = arith.constant 5.000000e-01 : f32
    %mul3A_92 = vector.broadcast %mul3A_91 : f32 to vector<3276x16xf32>
    %mul3A_93 = arith.mulf %add3A_90, %mul3A_92 : vector<3276x16xf32>
    %swap3A_94 = arith.constant 0 : index
    %swap3A_95 = arith.constant 3 : index
    %swap3A_96 = arith.constant 0 : index
    %swap3A_97 = arith.constant 0 : index
    %swap3A_98 = vector.load %arg2[%swap3A_94, %swap3A_95, %swap3A_96, %swap3A_97] : memref<1x4x3276x16xf32, #tpu.memory_space<vmem>>, vector<1x1x3276x16xf32>
    %swap3A_99 = vector.shape_cast %swap3A_98 : vector<1x1x3276x16xf32> to vector<3276x16xf32>
    %swap3A_100 = vector.shape_cast %mul3A_93 : vector<3276x16xf32> to vector<1x1x3276x16xf32>
    tpu.vector_store %arg2[%swap3A_94, %swap3A_95, %swap3A_96, %swap3A_97], %swap3A_100 {strides = array<i32>} : memref<1x4x3276x16xf32, #tpu.memory_space<vmem>>, vector<1x1x3276x16xf32>,
    return
  }
  func.func @transform_0(%arg0: i32) -> (i32, i32, i32, i32) {
    %c0_i32 = arith.constant 0 : i32
    %c0_i32_0 = arith.constant 0 : i32
    %c0_i32_1 = arith.constant 0 : i32
    %c0_i32_2 = arith.constant 0 : i32
    return %arg0, %c0_i32, %c0_i32_0, %c0_i32_1 : i32, i32, i32, i32
  }
  func.func @transform_1(%arg0: i32) -> (i32, i32, i32, i32) {
    %c0_i32 = arith.constant 0 : i32
    %c0_i32_0 = arith.constant 0 : i32
    %c0_i32_1 = arith.constant 0 : i32
    %c0_i32_2 = arith.constant 0 : i32
    return %arg0, %c0_i32, %c0_i32_0, %c0_i32_1 : i32, i32, i32, i32
  }
}

</mosaic_0001>

<sc_bundles>
// kernel: kernel.5.cloned.1.call-start
scs
__scs_entry_jumppad:
0x0: {  	(pc) =	sbr.rel $0x88, $3  }
0x1: {  	(tag) =	ssettag $0x0;
	lr =	simm.s32 $0x1  }
0x2: {  	[smem:$0x3F9E] =	sst lr;
	_ =	strace $0xD0000000  }
0x3: {  	_ = 	snop  }
0x4: {  	_ = 	snop  }
0x5: {  	_ = 	snop  }
0x6: {  	_ = 	snop  }
0x7: {  	_ = 	snop  }
__scs_overlays_trampoline_lowered:
0x8: {  	[smem:$0x3FAD] =	sst s0  }
0x9: {  	[smem:$0x3FAE] =	sst s1  }
0xa: {  	[smem:$0x3FAF] =	sst s2  }
0xb: {  	[smem:$0x3FB0] =	sst s3  }
0xc: {  	[smem:$0x3FB1] =	sst s4  }
0xd: {  	[smem:$0x3FB2] =	sst s5  }
0xe: {  	[smem:$0x3FB3] =	sst s6  }
0xf: {  	[smem:$0x3FB4] =	sst s7  }
0x10: {  	[smem:$0x3FB5] =	sst s8  }
0x11: {  	[smem:$0x3FB6] =	sst s9;
	s0 =	simm.s32 @!p0 $0x0  }
0x12: {  	s1 =	sld [smem:$0x3F9C];
	s0 =	simm.s32 @p0 $0x1  }
0x13: {  	[smem:$0x3FB7] =	sst s0;
	s0 =	simm.s32 @!p1 $0x0  }
0x14: {  	s2 =	sld [smem:$0x3F9B];
	s0 =	simm.s32 @p1 $0x1  }
0x15: {  	[smem:$0x3FB8] =	sst s0;
	s0 =	simm.s32 @!p2 $0x0  }
0x16: {  	s3 =	sld [smem:$0x3FDB];
	s0 =	simm.s32 @p2 $0x1  }
0x17: {  	s4 =	simm.s32 $0x1BF5;
	[smem:$0x3FBA] =	sst s0  }
0x18: {  	s0 =	sld [smem:$0x3F9D];
	_ =	swait.ge [sflag:s4], $0x0  }
0x19: {  	s7 =	sld [smem:$0x3F9E]  }
0x1a: {  	s8 =	sadd.s32 $0xFFFFE003, lr  }
0x1b: {  	s9 =	sadd.s32 $0xFFFFFEF7, lr;
	s5 =	simm.s32 $0xFFFFFFFF;
	p2 =	slt.u32 s8, $0xFFFFF086  }
0x1c: {  	p1 =	slt.u32 s9, $0xF7A;
	s5 =	simm.s32 @!p2 $0x0  }
0x1d: {  	s5 =	simm.s32 @p1 $0x1;
	p0 =	seq.s32 s7, s2  }
0x1e: {  	s7 =	smul.u32 @!p0 $0xF7A, s2;
	p2 =	seq.s32 @!p0 s5, $0x0  }
0x1f: {  	s9 =	smul.u32 $0xF7A, s1;
	s8 =	simm.s32 @!p0 $0x1BF5;
	p2 =	por !p2, p0  }
0x20: {  	[sflag:s8] =	ssyncset.s32 @!p0 $0xFFFFF086;
	s6 =	sadd.s32 @!p0 s3, s7;
	s7 =	simm.s32 @!p0 $0x108  }
0x21: {  	s3 =	sadd.s32 s3, s9;
	s6 =	sadd.s32 @!p0 $0x88, s6;
	s7 =	simm.s32 @p2 $0x1082  }
0x22: {  	[simem:s7], [sflag:s8] =	dma.local @!p0 [hbm:s6], $0xF7A  }
0x23: {  	s9 =	sor.u32 $0xD0000000, s2;
	s6 =	simm.s32 $0x108;
	_ =	swait.ge @!p0 [sflag:s8], $0x0  }
0x24: {  	s3 =	sadd.s32 $0x88, s3;
	s6 =	simm.s32 @!p1 $0x1082;
	[sflag:s4] =	ssyncset.s32 $0xFFFFF086  }
0x25: {  	[simem:s6], [sflag:s4] =	dma.local [hbm:s3], $0xF7A  }
0x26: {  	[smem:$0x3F9E] =	sst s1;
	(tag) =	ssettag s2;
	_ =	strace s9  }
0x27: {  	s1 =	sld [smem:$0x3FAE]  }
0x28: {  	s2 =	sld [smem:$0x3FAF]  }
0x29: {  	s4 =	sld [smem:$0x3FB1]  }
0x2a: {  	p0 =	seq.s32 s5, $0x0;
	s5 =	sld [smem:$0x3FB2]  }
0x2b: {  	s6 =	sld [smem:$0x3FB3]  }
0x2c: {  	s7 =	sld [smem:$0x3FB4]  }
0x2d: {  	s3 =	simm.s32 $0x108;
	s8 =	sld [smem:$0x3FB5]  }
0x2e: {  	s3 =	simm.s32 @!p0 $0x1082;
	s9 =	sld [smem:$0x3FB6]  }
0x2f: {  	lr =	sadd.s32 s0, s3;
	s0 =	sld [smem:$0x3FAD]  }
0x30: {  	s3 =	sld [smem:$0x3FB0]  }
0x31: {  	[smem:$0x3FB9] =	sst s10  }
0x32: {  	s10 =	sld [smem:$0x3FB7];
	_ =	sdelay $0x3  }
0x33: {  	p0 =	seq.s32 s10, $0x1;
	s10 =	sld [smem:$0x3FB9];
	_ =	sdelay $0x3  }
0x34: {  	[smem:$0x3FB9] =	sst s10  }
0x35: {  	s10 =	sld [smem:$0x3FB8];
	_ =	sdelay $0x3  }
0x36: {  	p1 =	seq.s32 s10, $0x1;
	s10 =	sld [smem:$0x3FB9];
	_ =	sdelay $0x3  }
0x37: {  	[smem:$0x3FB9] =	sst s10  }
0x38: {  	s10 =	sld [smem:$0x3FBA]  }
0x39: {  	_ = 	snop;
	(pc) =	sbr.ind lr, $3  }
0x3a: {  	_ = 	snop  }
0x3b: {  	_ = 	snop  }
0x3c: {  	p2 =	seq.s32 s10, $0x1;
	s10 =	sld [smem:$0x3FB9]  }
0x3d: {  	_ =	shalt  }
0x3e: {  	_ =	shalt  }
0x3f: {  	_ =	shalt  }
0x40: {  	_ =	shalt  }
0x41: {  	_ =	shalt  }
0x42: {  	_ =	shalt  }
0x43: {  	_ =	shalt  }
0x44: {  	_ =	shalt  }
0x45: {  	_ =	shalt  }
0x46: {  	_ =	shalt  }
0x47: {  	_ =	shalt  }
0x48: {  	_ =	shalt  }
0x49: {  	_ =	shalt  }
0x4a: {  	_ =	shalt  }
0x4b: {  	_ =	shalt  }
0x4c: {  	_ =	shalt  }
0x4d: {  	_ =	shalt  }
0x4e: {  	_ =	shalt  }
0x4f: {  	_ =	shalt  }
0x50: {  	_ =	shalt  }
0x51: {  	_ =	shalt  }
0x52: {  	_ =	shalt  }
0x53: {  	_ =	shalt  }
0x54: {  	_ =	shalt  }
0x55: {  	_ =	shalt  }
0x56: {  	_ =	shalt  }
0x57: {  	_ =	shalt  }
0x58: {  	_ =	shalt  }
0x59: {  	_ =	shalt  }
0x5a: {  	_ =	shalt  }
0x5b: {  	_ =	shalt  }
0x5c: {  	_ =	shalt  }
0x5d: {  	_ =	shalt  }
0x5e: {  	_ =	shalt  }
0x5f: {  	_ =	shalt  }
0x60: {  	_ =	shalt  }
0x61: {  	_ =	shalt  }
0x62: {  	_ =	shalt  }
0x63: {  	_ =	shalt  }
0x64: {  	_ =	shalt  }
0x65: {  	_ =	shalt  }
0x66: {  	_ =	shalt  }
0x67: {  	_ =	shalt  }
0x68: {  	_ =	shalt  }
0x69: {  	_ =	shalt  }
0x6a: {  	_ =	shalt  }
0x6b: {  	_ =	shalt  }
0x6c: {  	_ =	shalt  }
0x6d: {  	_ =	shalt  }
0x6e: {  	_ =	shalt  }
0x6f: {  	_ =	shalt  }
0x70: {  	_ =	shalt  }
0x71: {  	_ =	shalt  }
0x72: {  	_ =	shalt  }
0x73: {  	_ =	shalt  }
0x74: {  	_ =	shalt  }
0x75: {  	_ =	shalt  }
0x76: {  	_ =	shalt  }
0x77: {  	_ =	shalt  }
0x78: {  	_ =	shalt  }
0x79: {  	_ =	shalt  }
0x7a: {  	_ =	shalt  }
0x7b: {  	_ =	shalt  }
0x7c: {  	_ =	shalt  }
0x7d: {  	_ =	shalt  }
0x7e: {  	_ =	shalt  }
0x7f: {  	_ =	shalt  }
0x80: {  	_ =	shalt  }
0x81: {  	_ =	shalt  }
0x82: {  	_ =	shalt  }
0x83: {  	_ =	shalt  }
0x84: {  	_ =	shalt  }
0x85: {  	_ =	shalt  }
0x86: {  	_ =	shalt  }
0x87: {  	_ =	shalt  }
.Lfunc_end0:
.L_simem_size_0:
called_computation.1_lowered:
.L_overlay_start_0:
0x88: {  	s2 =	sld [smem:$0x3FD9]  }
0x89: {  	s3 =	sld [smem:$0x3FFE];
	_ =	sdelay $0x1  }
0x8a: {  	s1 =	srdreg.scid  }
0x8b: {  	s0 =	sand.u32 $0x1, s1  }
0x8c: {  	s14 =	sshll.u32 s0, $0xA;
	s2 =	sadd.s32 s3, s2  }
0x8d: {  	s2 =	sadd.s32 s2, s14  }
0x8e: {  	[smem:$0x3FC5] =	sst s2  }
0x8f: {  	_ = 	snop  }
0x90: {  	s2 =	sld [smem:$0x3FD0];
	_ =	sdelay $0x2  }
0x91: {  	s15 =	simm.s32 $0xA;
	s4 =	simm.s32 $0x10  }
0x92: {  	[smem:s4], [sflag:s15] =	dma.local [hbm:s2], $0x1  }
0x93: {  	_ =	swait.eq [sflag:s15], $0x1  }
0x94: {  	[sflag:s15] =	ssyncset.done $0x0  }
0x95: {  	[sflag:s15] =	ssyncadd.s32 $0xFFFFFFFF  }
0x96: {  	s16 =	sld [smem:$0x10];
	(tm) =	ssettm $0x1  }
0x97: {  	s17 =	sld [smem:$0x3FFB];
	_ =	sdelay $0x3  }
0x98: {  	_ =	strace s17  }
0x99: {  	s3 =	sld [smem:$0x3FFC];
	_ =	sdelay $0x3  }
0x9a: {  	_ =	strace s3  }
0x9b: {  	s3 =	sld [smem:$0x3FFD];
	_ =	sdelay $0x3  }
0x9c: {  	_ =	strace s3  }
0x9d: {  	_ =	strace $0x8FFFFFFF  }
0x9e: {  	s18 =	sld [smem:$0x3FDB];
	_ =	sdelay $0x1  }
0x9f: {  	s19 =	simm.s32 $_scs_section_size  }
0xa0: {  	s5 =	simm.s32 $_size__tile_overlayer_lowered;
	s6 =	simm.s32 $_tile_overlayer_lowered  }
0xa1: {  	s22 =	simm.s32 $0x1BFF;
	s21 =	sshll.u32 s6, $0x1;
	s3 =	sadd.s32 s19, s18  }
0xa2: {  	s7 =	simm.s32 $0x0;
	s20 =	sshll.u32 s5, $0x1;
	s5 =	sadd.s32 s21, s3  }
0xa3: {  	[timem:s7], [sflag:s22] =	dma.local [hbm:s5], s20  }
0xa4: {  	_ =	swait.ge [sflag:s22], s20  }
0xa5: {  	s4 =	ssub.s32 $0x0, s20;
	[sflag:s22] =	ssyncset.done $0x0  }
0xa6: {  	[sflag:s22] =	ssyncadd.s32 s4;
	_ =	sdelay $0x1  }
0xa7: {  	s23 =	simm.s32 $0x1B8B  }
0xa8: {  	_ =	swait.ge [sflag:s23], $0x1  }
0xa9: {  	[sflag:s23] =	ssyncset.done $0x0  }
0xaa: {  	s25 =	simm.s32 $0x1B8E;
	s24 =	sld [smem:$0x3FFE];
	[sflag:s23] =	ssyncadd.s32 $0xFFFFFFFF  }
0xab: {  	s26 =	simm.s32 $execute0_lowered;
	[smem:$0x3FD2] =	sst s25  }
0xac: {  	s5 =	sshll.u32 s26, $0x1;
	_ =	strace $0x80000046;
	[dreg:$0x1] =	wrdreg $0xFFFFFFFF  }
0xad: {  	s28 =	simm.s32 $_size_execute0_lowered;
	s3 =	sadd.s32 s3, s5;
	[dreg:$0x0] =	wrdreg $0x0  }
0xae: {  	s5 =	sshll.u32 s28, $0x1;
	[dreg:$0x2] =	wrdreg s3  }
0xaf: {  	[dreg:$0x3] =	wrdreg s5  }
0xb0: {  	[dreg:$0x4] =	wrdreg $0xC0  }
0xb1: {  	_ =	task [dreg:s7], $0x5FFFF  }
0xb2: {  	[dreg:$0x1] =	wrdreg $0xFFFFFFFF  }
0xb3: {  	[dreg:$0x0] =	wrdreg $0x60  }
0xb4: {  	[dreg:$0x2] =	wrdreg s24  }
0xb5: {  	[dreg:$0x3] =	wrdreg s16  }
0xb6: {  	[dreg:$0x4] =	wrdreg $0x9  }
0xb7: {  	_ =	task.clear_ibuf [dreg:s7], $0x5FFFF;
	_ =	strace $0x90000046  }
0xb8: {  	s29 =	simm.s32 $0x9;
	_ =	strace $0x80000048  }
0xb9: {  	_ =	swait.ge [sflag:s29], $0x1  }
0xba: {  	[sflag:s29] =	ssyncadd.s32 $0xFFFFFFFF  }
0xbb: {  	_ =	strace $0x90000048  }
0xbc: {  	_ =	sfence  }
0xbd: {  	s30 =	sld [smem:$0x0];
	_ =	sdelay $0x2  }
0xbe: {  	s31 =	sshll.u32 s1, $0xD;
	s1 =	sshrl.u32 s1, $0x2  }
0xbf: {  	s3 =	sand.u32 $0x4000, s31;
	s1 =	sadd.s32 s1, s30  }
0xc0: {  	s0 =	sor.u32 s3, s0;
	s1 =	sshll.u32 s1, $0x11  }
0xc1: {  	s0 =	sor.u32 s1, s0  }
0xc2: {  	s0 =	sadd.s32 $0x8F2B, s0  }
0xc3: {  	[sflag:s0] =	ssyncadd.remote.s32 $0x1  }
0xc4: {  	_ =	sfence.sel $0xFFFF  }
0xc5: {  	[dreg:$0x0] =	wrdreg $0xFFFFFFFF;
	(pc) =	sbr.abs _section_cstart, $3  }
0xc6: {  	[dreg:$0x1] =	wrdreg $0xFFFFFFFF  }
0xc7: {  	_ =	task.clear_ibuf [dreg:s7], $0x2FFFF;
	_ =	strace $0x9FFFFFFF  }
0xc8: {  	(tm) =	ssettm $0x7FFFFFFF  }
0xc9: {  	_ =	shalt  }
tec
execute0_lowered:
.L_overlay_start_1:
0x0: {  	(tag) =	ssettag $0x1  }
0x1: {  	s0 =	rddreg [dreg:$0x0]  }
0x2: {  	s7 =	rddreg [dreg:$0x1];
	s2 =	simm.s32 $0x0  }
0x3: {  	s21 =	simm.s32 $0xEB28;
	[smem:$0x7FF] =	sst s2  }
0x4: {  	s23 =	simm.s32 $0xF328;
	_ =	strace $0x80000047;
	[dreg:$0x3] =	wrdreg s21  }
0x5: {  	s24 =	simm.s32 $0xFB28;
	[dreg:$0x4] =	wrdreg s23  }
0x6: {  	s25 =	simm.s32 $0x10328;
	[dreg:$0x5] =	wrdreg s24  }
0x7: {  	s1 =	srdreg.scid;
	s28 =	simm.s32 $0x10B28;
	[dreg:$0x6] =	wrdreg s25  }
0x8: {  	s10 =	stileid.u32;
	s29 =	simm.s32 $0x11328;
	[dreg:$0x7] =	wrdreg s28  }
0x9: {  	s30 =	simm.s32 $0x11B28;
	s11 =	simm.s32 $0x12328;
	[dreg:$0x8] =	wrdreg s29  }
0xa: {  	s12 =	simm.s32 $0x12B28;
	s13 =	simm.s32 $0x13B28;
	[dreg:$0x9] =	wrdreg s30  }
0xb: {  	s14 =	simm.s32 $0x14328;
	s16 =	simm.s32 $0x14B28;
	[dreg:$0xa] =	wrdreg s11  }
0xc: {  	s17 =	simm.s32 $0x15328;
	s18 =	simm.s32 $0x15B28;
	[dreg:$0xb] =	wrdreg s12  }
0xd: {  	s19 =	simm.s32 $0x16328;
	s31 =	simm.s32 $0x4;
	[dreg:$0xc] =	wrdreg s13  }
0xe: {  	s1 =	sand.u32 $0x1, s1;
	s26 =	smul.u32 $0x16650, s10;
	[dreg:$0xd] =	wrdreg s14  }
0xf: {  	s3 =	sshll.u32 s10, $0x1;
	s15 =	smul.u32 $0x2CCA0, s10;
	[dreg:$0xe] =	wrdreg s16  }
0x10: {  	s10 =	simm.s32 $0x80;
	s4 =	sor.u32 s1, s3;
	[dreg:$0xf] =	wrdreg s17  }
0x11: {  	s3 =	sadd.s32 $0x94E00, s0;
	s9 =	smul.u32 $0xB328, s1;
	[dreg:$0x10] =	wrdreg s18  }
0x12: {  	s6 =	ssub.s32 $0x2, s1;
	s1 =	smul.u32 $0x16650, s1;
	[dreg:$0x11] =	wrdreg s19  }
0x13: {  	s21 =	simm.s32 $0x17328;
	s11 =	simm.s32 $0xB328;
	s12 =	simm.s32 $0xBB28  }
0x14: {  	s23 =	simm.s32 $0x18328;
	s13 =	simm.s32 $0xC328;
	s24 =	simm.s32 $0x18B28  }
0x15: {  	s14 =	simm.s32 $0xCB28;
	s28 =	simm.s32 $0x19B28;
	[dreg:$0x13] =	wrdreg s21  }
0x16: {  	s16 =	simm.s32 $0xDB28;
	s29 =	simm.s32 $0x1A328;
	[dreg:$0x15] =	wrdreg s23  }
0x17: {  	s17 =	simm.s32 $0xE328;
	s30 =	simm.s32 $0x1AB28;
	[dreg:$0x16] =	wrdreg s24  }
0x18: {  	s18 =	simm.s32 $0x1;
	s19 =	simm.s32 $0x13328;
	[dreg:$0x18] =	wrdreg s28  }
0x19: {  	s5 =	smul.u32 $0xB328, s4;
	s20 =	sshrl.u32 s6, $0x1;
	[dreg:$0x19] =	wrdreg s29  }
0x1a: {  	s8 =	smul.u32 $0xB3280, s4;
	[dreg:$0x1a] =	wrdreg s30;
	s21 =	simm.s32 $0x3  }
0x1b: {  	s6 =	ssub.s32 s6, s20;
	s20 =	simm.s32 $0x16B28;
	s5 =	sshrl.u32 s5, $0x3  }
0x1c: {  	s22 =	sshrl.u32 s8, $0x3;
	s6 =	smax.u32 s6, $0x1;
	s8 =	sadd.s32 s9, s26  }
0x1d: {  	s9 =	simm.s32 $0x5;
	[dreg:$0x12] =	wrdreg s20;
	s26 =	simm.s32 $0x19328  }
0x1e: {  	s20 =	simm.s32 $0x2;
	s0 =	sadd.s32 s5, s0;
	s5 =	sadd.s32 s7, s22  }
0x1f: {  	s8 =	sshll.u32 s8, $0x1;
	s22 =	simm.s32 $0x17B28;
	[dreg:$0x17] =	wrdreg s26  }
0x20: {  	s4 =	sadd.s32 $0x68000, s0;
	s5 =	sadd.s32 $0x16000, s5;
	s8 =	sadd.s32 s7, s8  }
0x21: {  	s7 =	sadd.s32 s15, s7;
	[dreg:$0x14] =	wrdreg s22;
	s15 =	simm.s32 $0xD328  }
0x22: {  	s25 =	sadd.s32 $0x1000, s8;
	s8 =	sadd.s32 s1, s7;
	s1 =	simm.s32 $0x0  }
.LBB2_1:
0x23: {  	[tilespmem:s2], [sflag:$0x5] =	stream.linear.gather [hbm4b:s4+s2], $0xB328, $0x38;
	[tilespmem:$0x1B328] =	vst v63  }
0x24: {  	_ =	swait.ge [sflag:s9], $0xB328  }
0x25: {  	p0 =	por $0x1, $0x1;
	[sflag:s9] =	ssyncset.done $0x0  }
0x26: {  	s0 =	simm.s32 @!p0 $0x3;
	[sflag:s9] =	ssyncadd.s32 $0xFFFF4CD8  }
0x27: {  	_ =	swait.ge @!p0 [sflag:s0], $0x8000  }
0x28: {  	[sflag:s0] =	ssyncset.done @!p0 $0x0  }
0x29: {  	s29 =	simm.s32 $0x0;
	[sflag:s0] =	ssyncadd.s32 @!p0 $0xFFFF8000  }
0x2a: {  	[tilespmem:s11], [sflag:$0x1] =	stream.indirect.gather [hbm4b:s3+s10], $0x10, s29, s10, $0xb8;
	[tilespmem:$0x1B328] =	vst v63  }
0x2b: {  	s30 =	simm.s32 $0x80  }
0x2c: {  	[tilespmem:s12], [sflag:$0x1] =	stream.indirect.gather [hbm4b:s3+s10], $0x10, s30, s10, $0xb8;
	[tilespmem:$0x1B328] =	vst v63  }
0x2d: {  	s7 =	simm.s32 $0x100  }
0x2e: {  	[tilespmem:s13], [sflag:$0x1] =	stream.indirect.gather [hbm4b:s3+s10], $0x10, s7, s10, $0xb8;
	[tilespmem:$0x1B328] =	vst v63  }
0x2f: {  	s22 =	simm.s32 $0x180  }
0x30: {  	[tilespmem:s14], [sflag:$0x1] =	stream.indirect.gather [hbm4b:s3+s10], $0x10, s22, s10, $0xb8;
	[tilespmem:$0x1B328] =	vst v63  }
0x31: {  	s23 =	simm.s32 $0x200  }
0x32: {  	[tilespmem:s15], [sflag:$0x1] =	stream.indirect.gather [hbm4b:s3+s10], $0x10, s23, s10, $0xb8;
	[tilespmem:$0x1B328] =	vst v63  }
0x33: {  	s24 =	simm.s32 $0x280  }
0x34: {  	[tilespmem:s16], [sflag:$0x1] =	stream.indirect.gather [hbm4b:s3+s10], $0x10, s24, s10, $0xb8;
	[tilespmem:$0x1B328] =	vst v63  }
0x35: {  	s26 =	simm.s32 $0x300  }
0x36: {  	[tilespmem:s17], [sflag:$0x1] =	stream.indirect.gather [hbm4b:s3+s10], $0x10, s26, s10, $0xb8;
	[tilespmem:$0x1B328] =	vst v63  }
0x37: {  	s28 =	simm.s32 $0x380;
	s7 =	rddreg [dreg:$0x3]  }
0x38: {  	[tilespmem:s7], [sflag:$0x1] =	stream.indirect.gather [hbm4b:s3+s10], $0x10, s28, s10, $0xb8;
	[tilespmem:$0x1B328] =	vst v63  }
0x39: {  	s29 =	simm.s32 $0x400;
	s22 =	rddreg [dreg:$0x4]  }
0x3a: {  	[tilespmem:s22], [sflag:$0x1] =	stream.indirect.gather [hbm4b:s3+s10], $0x10, s29, s10, $0xb8;
	[tilespmem:$0x1B328] =	vst v63  }
0x3b: {  	s30 =	rddreg [dreg:$0x5];
	s23 =	simm.s32 $0x480  }
0x3c: {  	[tilespmem:s30], [sflag:$0x1] =	stream.indirect.gather [hbm4b:s3+s10], $0x10, s23, s10, $0xb8;
	[tilespmem:$0x1B328] =	vst v63  }
0x3d: {  	s24 =	rddreg [dreg:$0x6];
	s26 =	simm.s32 $0x500  }
0x3e: {  	[tilespmem:s24], [sflag:$0x1] =	stream.indirect.gather [hbm4b:s3+s10], $0x10, s26, s10, $0xb8;
	[tilespmem:$0x1B328] =	vst v63  }
0x3f: {  	s28 =	rddreg [dreg:$0x7];
	s29 =	simm.s32 $0x580  }
0x40: {  	[tilespmem:s28], [sflag:$0x1] =	stream.indirect.gather [hbm4b:s3+s10], $0x10, s29, s10, $0xb8;
	[tilespmem:$0x1B328] =	vst v63  }
0x41: {  	s30 =	rddreg [dreg:$0x8];
	s23 =	simm.s32 $0x600  }
0x42: {  	[tilespmem:s30], [sflag:$0x1] =	stream.indirect.gather [hbm4b:s3+s10], $0x10, s23, s10, $0xb8;
	[tilespmem:$0x1B328] =	vst v63  }
0x43: {  	s24 =	rddreg [dreg:$0x9];
	s26 =	simm.s32 $0x680  }
0x44: {  	[tilespmem:s24], [sflag:$0x1] =	stream.indirect.gather [hbm4b:s3+s10], $0x10, s26, s10, $0xb8;
	[tilespmem:$0x1B328] =	vst v63  }
0x45: {  	s28 =	rddreg [dreg:$0xa];
	s29 =	simm.s32 $0x700  }
0x46: {  	[tilespmem:s28], [sflag:$0x1] =	stream.indirect.gather [hbm4b:s3+s10], $0x10, s29, s10, $0xb8;
	[tilespmem:$0x1B328] =	vst v63  }
0x47: {  	s22 =	simm.s32 $0x780;
	s30 =	rddreg [dreg:$0xb]  }
0x48: {  	[tilespmem:s30], [sflag:$0x1] =	stream.indirect.gather [hbm4b:s3+s10], $0x10, s22, s10, $0xb8;
	[tilespmem:$0x1B328] =	vst v63  }
0x49: {  	_ =	swait.ge [sflag:s18], $0x800  }
0x4a: {  	[sflag:s18] =	ssyncset.done $0x0  }
0x4b: {  	[sflag:s18] =	ssyncadd.s32 $0xFFFFF800  }
0x4c: {  	_ =	swait.ge [sflag:s18], $0x800  }
0x4d: {  	[sflag:s18] =	ssyncset.done $0x0  }
0x4e: {  	[sflag:s18] =	ssyncadd.s32 $0xFFFFF800  }
0x4f: {  	_ =	swait.ge [sflag:s18], $0x800  }
0x50: {  	[sflag:s18] =	ssyncset.done $0x0  }
0x51: {  	[sflag:s18] =	ssyncadd.s32 $0xFFFFF800  }
0x52: {  	_ =	swait.ge [sflag:s18], $0x800  }
0x53: {  	[sflag:s18] =	ssyncset.done $0x0  }
0x54: {  	[sflag:s18] =	ssyncadd.s32 $0xFFFFF800  }
0x55: {  	_ =	swait.ge [sflag:s18], $0x800  }
0x56: {  	[sflag:s18] =	ssyncset.done $0x0  }
0x57: {  	[sflag:s18] =	ssyncadd.s32 $0xFFFFF800  }
0x58: {  	_ =	swait.ge [sflag:s18], $0x800  }
0x59: {  	[sflag:s18] =	ssyncset.done $0x0  }
0x5a: {  	[sflag:s18] =	ssyncadd.s32 $0xFFFFF800  }
0x5b: {  	_ =	swait.ge [sflag:s18], $0x800  }
0x5c: {  	[sflag:s18] =	ssyncset.done $0x0  }
0x5d: {  	[sflag:s18] =	ssyncadd.s32 $0xFFFFF800  }
0x5e: {  	_ =	swait.ge [sflag:s18], $0x800  }
0x5f: {  	[sflag:s18] =	ssyncset.done $0x0  }
0x60: {  	[sflag:s18] =	ssyncadd.s32 $0xFFFFF800  }
0x61: {  	_ =	swait.ge [sflag:s18], $0x800  }
0x62: {  	[sflag:s18] =	ssyncset.done $0x0  }
0x63: {  	[sflag:s18] =	ssyncadd.s32 $0xFFFFF800  }
0x64: {  	_ =	swait.ge [sflag:s18], $0x800  }
0x65: {  	[sflag:s18] =	ssyncset.done $0x0  }
0x66: {  	[sflag:s18] =	ssyncadd.s32 $0xFFFFF800  }
0x67: {  	_ =	swait.ge [sflag:s18], $0x800  }
0x68: {  	[sflag:s18] =	ssyncset.done $0x0  }
0x69: {  	[sflag:s18] =	ssyncadd.s32 $0xFFFFF800  }
0x6a: {  	_ =	swait.ge [sflag:s18], $0x800  }
0x6b: {  	[sflag:s18] =	ssyncset.done $0x0  }
0x6c: {  	[sflag:s18] =	ssyncadd.s32 $0xFFFFF800  }
0x6d: {  	_ =	swait.ge [sflag:s18], $0x800  }
0x6e: {  	[sflag:s18] =	ssyncset.done $0x0  }
0x6f: {  	[sflag:s18] =	ssyncadd.s32 $0xFFFFF800  }
0x70: {  	_ =	swait.ge [sflag:s18], $0x800  }
0x71: {  	[sflag:s18] =	ssyncset.done $0x0  }
0x72: {  	[sflag:s18] =	ssyncadd.s32 $0xFFFFF800  }
0x73: {  	_ =	swait.ge [sflag:s18], $0x800  }
0x74: {  	[sflag:s18] =	ssyncset.done $0x0  }
0x75: {  	[sflag:s18] =	ssyncadd.s32 $0xFFFFF800  }
0x76: {  	_ =	swait.ge [sflag:s18], $0x800  }
0x77: {  	[sflag:s18] =	ssyncset.done $0x0  }
0x78: {  	s0 =	simm.s32 @!p0 $0x4;
	[sflag:s18] =	ssyncadd.s32 $0xFFFFF800  }
0x79: {  	[hbm4b:s8+s2] =	stream.linear.scatter [tilespmem:s11], [sflag:$0x3], $0x8000, $0x38;
	[tilespmem:$0x1B328] =	vst v63  }
0x7a: {  	_ =	swait.ge @!p0 [sflag:s0], $0x8000  }
0x7b: {  	[sflag:s0] =	ssyncset.done @!p0 $0x0  }
0x7c: {  	s23 =	simm.s32 $0x800;
	[sflag:s0] =	ssyncadd.s32 @!p0 $0xFFFF8000  }
0x7d: {  	[tilespmem:s19], [sflag:$0x2] =	stream.indirect.gather [hbm4b:s3+s10], $0x10, s23, s10, $0xb8;
	[tilespmem:$0x1B328] =	vst v63  }
0x7e: {  	s26 =	simm.s32 $0x880;
	s24 =	rddreg [dreg:$0xc]  }
0x7f: {  	[tilespmem:s24], [sflag:$0x2] =	stream.indirect.gather [hbm4b:s3+s10], $0x10, s26, s10, $0xb8;
	[tilespmem:$0x1B328] =	vst v63  }
0x80: {  	s29 =	simm.s32 $0x900;
	s28 =	rddreg [dreg:$0xd]  }
0x81: {  	[tilespmem:s28], [sflag:$0x2] =	stream.indirect.gather [hbm4b:s3+s10], $0x10, s29, s10, $0xb8;
	[tilespmem:$0x1B328] =	vst v63  }
0x82: {  	s30 =	rddreg [dreg:$0xe];
	s23 =	simm.s32 $0x980  }
0x83: {  	[tilespmem:s30], [sflag:$0x2] =	stream.indirect.gather [hbm4b:s3+s10], $0x10, s23, s10, $0xb8;
	[tilespmem:$0x1B328] =	vst v63  }
0x84: {  	s24 =	rddreg [dreg:$0xf];
	s26 =	simm.s32 $0xA00  }
0x85: {  	[tilespmem:s24], [sflag:$0x2] =	stream.indirect.gather [hbm4b:s3+s10], $0x10, s26, s10, $0xb8;
	[tilespmem:$0x1B328] =	vst v63  }
0x86: {  	s28 =	rddreg [dreg:$0x10];
	s29 =	simm.s32 $0xA80  }
0x87: {  	[tilespmem:s28], [sflag:$0x2] =	stream.indirect.gather [hbm4b:s3+s10], $0x10, s29, s10, $0xb8;
	[tilespmem:$0x1B328] =	vst v63  }
0x88: {  	s30 =	rddreg [dreg:$0x11];
	s23 =	simm.s32 $0xB00  }
0x89: {  	[tilespmem:s30], [sflag:$0x2] =	stream.indirect.gather [hbm4b:s3+s10], $0x10, s23, s10, $0xb8;
	[tilespmem:$0x1B328] =	vst v63  }
0x8a: {  	s24 =	rddreg [dreg:$0x12];
	s26 =	simm.s32 $0xB80  }
0x8b: {  	[tilespmem:s24], [sflag:$0x2] =	stream.indirect.gather [hbm4b:s3+s10], $0x10, s26, s10, $0xb8;
	[tilespmem:$0x1B328] =	vst v63  }
0x8c: {  	s28 =	rddreg [dreg:$0x13];
	s29 =	simm.s32 $0xC00  }
0x8d: {  	[tilespmem:s28], [sflag:$0x2] =	stream.indirect.gather [hbm4b:s3+s10], $0x10, s29, s10, $0xb8;
	[tilespmem:$0x1B328] =	vst v63  }
0x8e: {  	s30 =	rddreg [dreg:$0x14];
	s23 =	simm.s32 $0xC80  }
0x8f: {  	[tilespmem:s30], [sflag:$0x2] =	stream.indirect.gather [hbm4b:s3+s10], $0x10, s23, s10, $0xb8;
	[tilespmem:$0x1B328] =	vst v63  }
0x90: {  	s24 =	rddreg [dreg:$0x15];
	s26 =	simm.s32 $0xD00  }
0x91: {  	[tilespmem:s24], [sflag:$0x2] =	stream.indirect.gather [hbm4b:s3+s10], $0x10, s26, s10, $0xb8;
	[tilespmem:$0x1B328] =	vst v63  }
0x92: {  	s28 =	rddreg [dreg:$0x16];
	s29 =	simm.s32 $0xD80  }
0x93: {  	[tilespmem:s28], [sflag:$0x2] =	stream.indirect.gather [hbm4b:s3+s10], $0x10, s29, s10, $0xb8;
	[tilespmem:$0x1B328] =	vst v63  }
0x94: {  	s7 =	simm.s32 $0xE00;
	s30 =	rddreg [dreg:$0x17]  }
0x95: {  	[tilespmem:s30], [sflag:$0x2] =	stream.indirect.gather [hbm4b:s3+s10], $0x10, s7, s10, $0xb8;
	[tilespmem:$0x1B328] =	vst v63  }
0x96: {  	s23 =	rddreg [dreg:$0x18];
	s24 =	simm.s32 $0xE80  }
0x97: {  	[tilespmem:s23], [sflag:$0x2] =	stream.indirect.gather [hbm4b:s3+s10], $0x10, s24, s10, $0xb8;
	[tilespmem:$0x1B328] =	vst v63  }
0x98: {  	s26 =	rddreg [dreg:$0x19];
	s28 =	simm.s32 $0xF00  }
0x99: {  	[tilespmem:s26], [sflag:$0x2] =	stream.indirect.gather [hbm4b:s3+s10], $0x10, s28, s10, $0xb8;
	[tilespmem:$0x1B328] =	vst v63  }
0x9a: {  	s29 =	rddreg [dreg:$0x1a];
	s30 =	simm.s32 $0xF80  }
0x9b: {  	[tilespmem:s29], [sflag:$0x2] =	stream.indirect.gather [hbm4b:s3+s10], $0x10, s30, s10, $0xb8;
	[tilespmem:$0x1B328] =	vst v63  }
0x9c: {  	_ =	swait.ge [sflag:s20], $0x800  }
0x9d: {  	[sflag:s20] =	ssyncset.done $0x0  }
0x9e: {  	[sflag:s20] =	ssyncadd.s32 $0xFFFFF800  }
0x9f: {  	_ =	swait.ge [sflag:s20], $0x800  }
0xa0: {  	[sflag:s20] =	ssyncset.done $0x0  }
0xa1: {  	[sflag:s20] =	ssyncadd.s32 $0xFFFFF800  }
0xa2: {  	_ =	swait.ge [sflag:s20], $0x800  }
0xa3: {  	[sflag:s20] =	ssyncset.done $0x0  }
0xa4: {  	[sflag:s20] =	ssyncadd.s32 $0xFFFFF800  }
0xa5: {  	_ =	swait.ge [sflag:s20], $0x800  }
0xa6: {  	[sflag:s20] =	ssyncset.done $0x0  }
0xa7: {  	[sflag:s20] =	ssyncadd.s32 $0xFFFFF800  }
0xa8: {  	_ =	swait.ge [sflag:s20], $0x800  }
0xa9: {  	[sflag:s20] =	ssyncset.done $0x0  }
0xaa: {  	[sflag:s20] =	ssyncadd.s32 $0xFFFFF800  }
0xab: {  	_ =	swait.ge [sflag:s20], $0x800  }
0xac: {  	[sflag:s20] =	ssyncset.done $0x0  }
0xad: {  	[sflag:s20] =	ssyncadd.s32 $0xFFFFF800  }
0xae: {  	_ =	swait.ge [sflag:s20], $0x800  }
0xaf: {  	[sflag:s20] =	ssyncset.done $0x0  }
0xb0: {  	[sflag:s20] =	ssyncadd.s32 $0xFFFFF800  }
0xb1: {  	_ =	swait.ge [sflag:s20], $0x800  }
0xb2: {  	[sflag:s20] =	ssyncset.done $0x0  }
0xb3: {  	[sflag:s20] =	ssyncadd.s32 $0xFFFFF800  }
0xb4: {  	_ =	swait.ge [sflag:s20], $0x800  }
0xb5: {  	[sflag:s20] =	ssyncset.done $0x0  }
0xb6: {  	[sflag:s20] =	ssyncadd.s32 $0xFFFFF800  }
0xb7: {  	_ =	swait.ge [sflag:s20], $0x800  }
0xb8: {  	[sflag:s20] =	ssyncset.done $0x0  }
0xb9: {  	[sflag:s20] =	ssyncadd.s32 $0xFFFFF800  }
0xba: {  	_ =	swait.ge [sflag:s20], $0x800  }
0xbb: {  	[sflag:s20] =	ssyncset.done $0x0  }
0xbc: {  	[sflag:s20] =	ssyncadd.s32 $0xFFFFF800  }
0xbd: {  	_ =	swait.ge [sflag:s20], $0x800  }
0xbe: {  	[sflag:s20] =	ssyncset.done $0x0  }
0xbf: {  	[sflag:s20] =	ssyncadd.s32 $0xFFFFF800  }
0xc0: {  	_ =	swait.ge [sflag:s20], $0x800  }
0xc1: {  	[sflag:s20] =	ssyncset.done $0x0  }
0xc2: {  	[sflag:s20] =	ssyncadd.s32 $0xFFFFF800  }
0xc3: {  	_ =	swait.ge [sflag:s20], $0x800  }
0xc4: {  	[sflag:s20] =	ssyncset.done $0x0  }
0xc5: {  	[sflag:s20] =	ssyncadd.s32 $0xFFFFF800  }
0xc6: {  	_ =	swait.ge [sflag:s20], $0x800  }
0xc7: {  	[sflag:s20] =	ssyncset.done $0x0  }
0xc8: {  	p1 =	por $0x0, $0x0;
	s22 =	sadd.s32 $0x2000, s8;
	[sflag:s20] =	ssyncadd.s32 $0xFFFFF800  }
0xc9: {  	s0 =	sadd.s32 $0x2000, s25;
	s7 =	smov.u32 s25;
	_ =	swait.ge [sflag:s20], $0x800  }
0xca: {  	s23 =	simm.s32 $0x4000;
	s24 =	simm.s32 $0x8000;
	[sflag:s20] =	ssyncset.done $0x0  }
.LBB2_2:
0xcb: {  	s26 =	simm.s32 @!p1 $0x3;
	[sflag:s20] =	ssyncadd.s32 $0xFFFFF800  }
0xcc: {  	[hbm4b:s7+s2] =	stream.linear.scatter [tilespmem:s19], [sflag:$0x4], $0x8000, $0x38;
	[tilespmem:$0x1B328] =	vst v63  }
0xcd: {  	_ =	swait.ge @!p1 [sflag:s26], $0x8000  }
0xce: {  	[sflag:s26] =	ssyncset.done @!p1 $0x0  }
0xcf: {  	[sflag:s26] =	ssyncadd.s32 @!p1 $0xFFFF8000;
	s26 =	sshra.s32 s23, $0x2  }
0xd0: {  	[tilespmem:s11], [sflag:$0x1] =	stream.indirect.gather [hbm4b:s3+s10], $0x10, s26, s10, $0xb8;
	[tilespmem:$0x1B328] =	vst v63  }
0xd1: {  	s29 =	sadd.s32 $0x80, s26  }
0xd2: {  	[tilespmem:s12], [sflag:$0x1] =	stream.indirect.gather [hbm4b:s3+s10], $0x10, s29, s10, $0xb8;
	[tilespmem:$0x1B328] =	vst v63  }
0xd3: {  	s30 =	sadd.s32 $0x100, s26  }
0xd4: {  	[tilespmem:s13], [sflag:$0x1] =	stream.indirect.gather [hbm4b:s3+s10], $0x10, s30, s10, $0xb8;
	[tilespmem:$0x1B328] =	vst v63  }
0xd5: {  	s29 =	sadd.s32 $0x180, s26  }
0xd6: {  	[tilespmem:s14], [sflag:$0x1] =	stream.indirect.gather [hbm4b:s3+s10], $0x10, s29, s10, $0xb8;
	[tilespmem:$0x1B328] =	vst v63  }
0xd7: {  	s30 =	sadd.s32 $0x200, s26  }
0xd8: {  	[tilespmem:s15], [sflag:$0x1] =	stream.indirect.gather [hbm4b:s3+s10], $0x10, s30, s10, $0xb8;
	[tilespmem:$0x1B328] =	vst v63  }
0xd9: {  	s29 =	sadd.s32 $0x280, s26  }
0xda: {  	[tilespmem:s16], [sflag:$0x1] =	stream.indirect.gather [hbm4b:s3+s10], $0x10, s29, s10, $0xb8;
	[tilespmem:$0x1B328] =	vst v63  }
0xdb: {  	s28 =	smov.u32 s24;
	s30 =	sadd.s32 $0x300, s26  }
0xdc: {  	[tilespmem:s17], [sflag:$0x1] =	stream.indirect.gather [hbm4b:s3+s10], $0x10, s30, s10, $0xb8;
	[tilespmem:$0x1B328] =	vst v63  }
0xdd: {  	s23 =	smov.u32 s28;
	s28 =	sadd.s32 $0x380, s26;
	s29 =	rddreg [dreg:$0x3]  }
0xde: {  	[tilespmem:s29], [sflag:$0x1] =	stream.indirect.gather [hbm4b:s3+s10], $0x10, s28, s10, $0xb8;
	[tilespmem:$0x1B328] =	vst v63  }
0xdf: {  	s30 =	rddreg [dreg:$0x4];
	s28 =	sadd.s32 $0x400, s26  }
0xe0: {  	[tilespmem:s30], [sflag:$0x1] =	stream.indirect.gather [hbm4b:s3+s10], $0x10, s28, s10, $0xb8;
	[tilespmem:$0x1B328] =	vst v63  }
0xe1: {  	s29 =	rddreg [dreg:$0x5];
	s28 =	sadd.s32 $0x480, s26  }
0xe2: {  	[tilespmem:s29], [sflag:$0x1] =	stream.indirect.gather [hbm4b:s3+s10], $0x10, s28, s10, $0xb8;
	[tilespmem:$0x1B328] =	vst v63  }
0xe3: {  	s30 =	rddreg [dreg:$0x6];
	s28 =	sadd.s32 $0x500, s26  }
0xe4: {  	[tilespmem:s30], [sflag:$0x1] =	stream.indirect.gather [hbm4b:s3+s10], $0x10, s28, s10, $0xb8;
	[tilespmem:$0x1B328] =	vst v63  }
0xe5: {  	s29 =	rddreg [dreg:$0x7];
	s28 =	sadd.s32 $0x580, s26  }
0xe6: {  	[tilespmem:s29], [sflag:$0x1] =	stream.indirect.gather [hbm4b:s3+s10], $0x10, s28, s10, $0xb8;
	[tilespmem:$0x1B328] =	vst v63  }
0xe7: {  	s30 =	rddreg [dreg:$0x8];
	s28 =	sadd.s32 $0x600, s26  }
0xe8: {  	[tilespmem:s30], [sflag:$0x1] =	stream.indirect.gather [hbm4b:s3+s10], $0x10, s28, s10, $0xb8;
	[tilespmem:$0x1B328] =	vst v63  }
0xe9: {  	s29 =	rddreg [dreg:$0x9];
	s28 =	sadd.s32 $0x680, s26  }
0xea: {  	[tilespmem:s29], [sflag:$0x1] =	stream.indirect.gather [hbm4b:s3+s10], $0x10, s28, s10, $0xb8;
	[tilespmem:$0x1B328] =	vst v63  }
0xeb: {  	s30 =	rddreg [dreg:$0xa];
	s28 =	sadd.s32 $0x700, s26  }
0xec: {  	[tilespmem:s30], [sflag:$0x1] =	stream.indirect.gather [hbm4b:s3+s10], $0x10, s28, s10, $0xb8;
	[tilespmem:$0x1B328] =	vst v63  }
0xed: {  	s29 =	rddreg [dreg:$0xb];
	s30 =	sadd.s32 $0x780, s26  }
0xee: {  	[tilespmem:s29], [sflag:$0x1] =	stream.indirect.gather [hbm4b:s3+s10], $0x10, s30, s10, $0xb8;
	[tilespmem:$0x1B328] =	vst v63  }
0xef: {  	_ =	swait.ge [sflag:s18], $0x800  }
0xf0: {  	[sflag:s18] =	ssyncset.done $0x0  }
0xf1: {  	[sflag:s18] =	ssyncadd.s32 $0xFFFFF800  }
0xf2: {  	_ =	swait.ge [sflag:s18], $0x800  }
0xf3: {  	[sflag:s18] =	ssyncset.done $0x0  }
0xf4: {  	[sflag:s18] =	ssyncadd.s32 $0xFFFFF800  }
0xf5: {  	_ =	swait.ge [sflag:s18], $0x800  }
0xf6: {  	[sflag:s18] =	ssyncset.done $0x0  }
0xf7: {  	[sflag:s18] =	ssyncadd.s32 $0xFFFFF800  }
0xf8: {  	_ =	swait.ge [sflag:s18], $0x800  }
0xf9: {  	[sflag:s18] =	ssyncset.done $0x0  }
0xfa: {  	[sflag:s18] =	ssyncadd.s32 $0xFFFFF800  }
0xfb: {  	_ =	swait.ge [sflag:s18], $0x800  }
0xfc: {  	[sflag:s18] =	ssyncset.done $0x0  }
0xfd: {  	[sflag:s18] =	ssyncadd.s32 $0xFFFFF800  }
0xfe: {  	_ =	swait.ge [sflag:s18], $0x800  }
0xff: {  	[sflag:s18] =	ssyncset.done $0x0  }
0x100: {  	[sflag:s18] =	ssyncadd.s32 $0xFFFFF800  }
0x101: {  	_ =	swait.ge [sflag:s18], $0x800  }
0x102: {  	[sflag:s18] =	ssyncset.done $0x0  }
0x103: {  	[sflag:s18] =	ssyncadd.s32 $0xFFFFF800  }
0x104: {  	_ =	swait.ge [sflag:s18], $0x800  }
0x105: {  	[sflag:s18] =	ssyncset.done $0x0  }
0x106: {  	[sflag:s18] =	ssyncadd.s32 $0xFFFFF800  }
0x107: {  	_ =	swait.ge [sflag:s18], $0x800  }
0x108: {  	[sflag:s18] =	ssyncset.done $0x0  }
0x109: {  	[sflag:s18] =	ssyncadd.s32 $0xFFFFF800  }
0x10a: {  	_ =	swait.ge [sflag:s18], $0x800  }
0x10b: {  	[sflag:s18] =	ssyncset.done $0x0  }
0x10c: {  	[sflag:s18] =	ssyncadd.s32 $0xFFFFF800  }
0x10d: {  	_ =	swait.ge [sflag:s18], $0x800  }
0x10e: {  	[sflag:s18] =	ssyncset.done $0x0  }
0x10f: {  	[sflag:s18] =	ssyncadd.s32 $0xFFFFF800  }
0x110: {  	_ =	swait.ge [sflag:s18], $0x800  }
0x111: {  	[sflag:s18] =	ssyncset.done $0x0  }
0x112: {  	[sflag:s18] =	ssyncadd.s32 $0xFFFFF800  }
0x113: {  	_ =	swait.ge [sflag:s18], $0x800  }
0x114: {  	[sflag:s18] =	ssyncset.done $0x0  }
0x115: {  	[sflag:s18] =	ssyncadd.s32 $0xFFFFF800  }
0x116: {  	_ =	swait.ge [sflag:s18], $0x800  }
0x117: {  	[sflag:s18] =	ssyncset.done $0x0  }
0x118: {  	[sflag:s18] =	ssyncadd.s32 $0xFFFFF800  }
0x119: {  	_ =	swait.ge [sflag:s18], $0x800  }
0x11a: {  	[sflag:s18] =	ssyncset.done $0x0  }
0x11b: {  	[sflag:s18] =	ssyncadd.s32 $0xFFFFF800  }
0x11c: {  	_ =	swait.ge [sflag:s18], $0x800  }
0x11d: {  	[sflag:s18] =	ssyncset.done $0x0  }
0x11e: {  	s28 =	simm.s32 @!p1 $0x4;
	[sflag:s18] =	ssyncadd.s32 $0xFFFFF800  }
0x11f: {  	[hbm4b:s22+s2] =	stream.linear.scatter [tilespmem:s11], [sflag:$0x3], $0x8000, $0x38;
	[tilespmem:$0x1B328] =	vst v63  }
0x120: {  	_ =	swait.ge @!p1 [sflag:s28], $0x8000  }
0x121: {  	[sflag:s28] =	ssyncset.done @!p1 $0x0  }
0x122: {  	s30 =	sadd.s32 $0x800, s26;
	[sflag:s28] =	ssyncadd.s32 @!p1 $0xFFFF8000  }
0x123: {  	[tilespmem:s19], [sflag:$0x2] =	stream.indirect.gather [hbm4b:s3+s10], $0x10, s30, s10, $0xb8;
	[tilespmem:$0x1B328] =	vst v63  }
0x124: {  	s29 =	rddreg [dreg:$0xc];
	s28 =	sadd.s32 $0x880, s26  }
0x125: {  	[tilespmem:s29], [sflag:$0x2] =	stream.indirect.gather [hbm4b:s3+s10], $0x10, s28, s10, $0xb8;
	[tilespmem:$0x1B328] =	vst v63  }
0x126: {  	s30 =	rddreg [dreg:$0xd];
	s28 =	sadd.s32 $0x900, s26  }
0x127: {  	[tilespmem:s30], [sflag:$0x2] =	stream.indirect.gather [hbm4b:s3+s10], $0x10, s28, s10, $0xb8;
	[tilespmem:$0x1B328] =	vst v63  }
0x128: {  	s29 =	rddreg [dreg:$0xe];
	s28 =	sadd.s32 $0x980, s26  }
0x129: {  	[tilespmem:s29], [sflag:$0x2] =	stream.indirect.gather [hbm4b:s3+s10], $0x10, s28, s10, $0xb8;
	[tilespmem:$0x1B328] =	vst v63  }
0x12a: {  	s30 =	rddreg [dreg:$0xf];
	s28 =	sadd.s32 $0xA00, s26  }
0x12b: {  	[tilespmem:s30], [sflag:$0x2] =	stream.indirect.gather [hbm4b:s3+s10], $0x10, s28, s10, $0xb8;
	[tilespmem:$0x1B328] =	vst v63  }
0x12c: {  	s29 =	rddreg [dreg:$0x10];
	s28 =	sadd.s32 $0xA80, s26  }
0x12d: {  	[tilespmem:s29], [sflag:$0x2] =	stream.indirect.gather [hbm4b:s3+s10], $0x10, s28, s10, $0xb8;
	[tilespmem:$0x1B328] =	vst v63  }
0x12e: {  	s30 =	rddreg [dreg:$0x11];
	s28 =	sadd.s32 $0xB00, s26  }
0x12f: {  	[tilespmem:s30], [sflag:$0x2] =	stream.indirect.gather [hbm4b:s3+s10], $0x10, s28, s10, $0xb8;
	[tilespmem:$0x1B328] =	vst v63  }
0x130: {  	s29 =	rddreg [dreg:$0x12];
	s28 =	sadd.s32 $0xB80, s26  }
0x131: {  	[tilespmem:s29], [sflag:$0x2] =	stream.indirect.gather [hbm4b:s3+s10], $0x10, s28, s10, $0xb8;
	[tilespmem:$0x1B328] =	vst v63  }
0x132: {  	s30 =	rddreg [dreg:$0x13];
	s28 =	sadd.s32 $0xC00, s26  }
0x133: {  	[tilespmem:s30], [sflag:$0x2] =	stream.indirect.gather [hbm4b:s3+s10], $0x10, s28, s10, $0xb8;
	[tilespmem:$0x1B328] =	vst v63  }
0x134: {  	s29 =	rddreg [dreg:$0x14];
	s28 =	sadd.s32 $0xC80, s26  }
0x135: {  	[tilespmem:s29], [sflag:$0x2] =	stream.indirect.gather [hbm4b:s3+s10], $0x10, s28, s10, $0xb8;
	[tilespmem:$0x1B328] =	vst v63  }
0x136: {  	s30 =	rddreg [dreg:$0x15];
	s28 =	sadd.s32 $0xD00, s26  }
0x137: {  	[tilespmem:s30], [sflag:$0x2] =	stream.indirect.gather [hbm4b:s3+s10], $0x10, s28, s10, $0xb8;
	[tilespmem:$0x1B328] =	vst v63  }
0x138: {  	s29 =	rddreg [dreg:$0x16];
	s28 =	sadd.s32 $0xD80, s26  }
0x139: {  	[tilespmem:s29], [sflag:$0x2] =	stream.indirect.gather [hbm4b:s3+s10], $0x10, s28, s10, $0xb8;
	[tilespmem:$0x1B328] =	vst v63  }
0x13a: {  	s30 =	rddreg [dreg:$0x17];
	s28 =	sadd.s32 $0xE00, s26  }
0x13b: {  	[tilespmem:s30], [sflag:$0x2] =	stream.indirect.gather [hbm4b:s3+s10], $0x10, s28, s10, $0xb8;
	[tilespmem:$0x1B328] =	vst v63  }
0x13c: {  	s29 =	rddreg [dreg:$0x18];
	s28 =	sadd.s32 $0xE80, s26  }
0x13d: {  	[tilespmem:s29], [sflag:$0x2] =	stream.indirect.gather [hbm4b:s3+s10], $0x10, s28, s10, $0xb8;
	[tilespmem:$0x1B328] =	vst v63  }
0x13e: {  	s30 =	rddreg [dreg:$0x19];
	s28 =	sadd.s32 $0xF00, s26  }
0x13f: {  	[tilespmem:s30], [sflag:$0x2] =	stream.indirect.gather [hbm4b:s3+s10], $0x10, s28, s10, $0xb8;
	[tilespmem:$0x1B328] =	vst v63  }
0x140: {  	s29 =	rddreg [dreg:$0x1a];
	s26 =	sadd.s32 $0xF80, s26  }
0x141: {  	[tilespmem:s29], [sflag:$0x2] =	stream.indirect.gather [hbm4b:s3+s10], $0x10, s26, s10, $0xb8;
	[tilespmem:$0x1B328] =	vst v63  }
0x142: {  	_ =	swait.ge [sflag:s20], $0x800  }
0x143: {  	[sflag:s20] =	ssyncset.done $0x0  }
0x144: {  	[sflag:s20] =	ssyncadd.s32 $0xFFFFF800  }
0x145: {  	_ =	swait.ge [sflag:s20], $0x800  }
0x146: {  	[sflag:s20] =	ssyncset.done $0x0  }
0x147: {  	[sflag:s20] =	ssyncadd.s32 $0xFFFFF800  }
0x148: {  	_ =	swait.ge [sflag:s20], $0x800  }
0x149: {  	[sflag:s20] =	ssyncset.done $0x0  }
0x14a: {  	[sflag:s20] =	ssyncadd.s32 $0xFFFFF800  }
0x14b: {  	_ =	swait.ge [sflag:s20], $0x800  }
0x14c: {  	[sflag:s20] =	ssyncset.done $0x0  }
0x14d: {  	[sflag:s20] =	ssyncadd.s32 $0xFFFFF800  }
0x14e: {  	_ =	swait.ge [sflag:s20], $0x800  }
0x14f: {  	[sflag:s20] =	ssyncset.done $0x0  }
0x150: {  	[sflag:s20] =	ssyncadd.s32 $0xFFFFF800  }
0x151: {  	_ =	swait.ge [sflag:s20], $0x800  }
0x152: {  	[sflag:s20] =	ssyncset.done $0x0  }
0x153: {  	[sflag:s20] =	ssyncadd.s32 $0xFFFFF800  }
0x154: {  	_ =	swait.ge [sflag:s20], $0x800  }
0x155: {  	[sflag:s20] =	ssyncset.done $0x0  }
0x156: {  	[sflag:s20] =	ssyncadd.s32 $0xFFFFF800  }
0x157: {  	_ =	swait.ge [sflag:s20], $0x800  }
0x158: {  	[sflag:s20] =	ssyncset.done $0x0  }
0x159: {  	[sflag:s20] =	ssyncadd.s32 $0xFFFFF800  }
0x15a: {  	_ =	swait.ge [sflag:s20], $0x800  }
0x15b: {  	[sflag:s20] =	ssyncset.done $0x0  }
0x15c: {  	[sflag:s20] =	ssyncadd.s32 $0xFFFFF800  }
0x15d: {  	_ =	swait.ge [sflag:s20], $0x800  }
0x15e: {  	[sflag:s20] =	ssyncset.done $0x0  }
0x15f: {  	[sflag:s20] =	ssyncadd.s32 $0xFFFFF800  }
0x160: {  	_ =	swait.ge [sflag:s20], $0x800  }
0x161: {  	[sflag:s20] =	ssyncset.done $0x0  }
0x162: {  	[sflag:s20] =	ssyncadd.s32 $0xFFFFF800  }
0x163: {  	_ =	swait.ge [sflag:s20], $0x800  }
0x164: {  	[sflag:s20] =	ssyncset.done $0x0  }
0x165: {  	[sflag:s20] =	ssyncadd.s32 $0xFFFFF800  }
0x166: {  	_ =	swait.ge [sflag:s20], $0x800  }
0x167: {  	[sflag:s20] =	ssyncset.done $0x0  }
0x168: {  	[sflag:s20] =	ssyncadd.s32 $0xFFFFF800  }
0x169: {  	_ =	swait.ge [sflag:s20], $0x800  }
0x16a: {  	s24 =	sadd.s32 $0x4000, s24;
	[sflag:s20] =	ssyncset.done $0x0  }
0x16b: {  	p0 =	sne.s32 s24, $0x2C000;
	[sflag:s20] =	ssyncadd.s32 $0xFFFFF800  }
.Ltmp0:
0x16c: {  	_ =	swait.ge [sflag:s20], $0x800;
	(pc) =	sbr.rel @p0 .LBB2_2-.Ltmp0, $4  }
0x16d: {  	[sflag:s20] =	ssyncset.done $0x0  }
0x16e: {  	[sflag:s20] =	ssyncadd.s32 $0xFFFFF800  }
0x16f: {  	s7 =	smov.u32 s0;
	s0 =	sadd.s32 $0x2000, s0;
	_ =	swait.ge [sflag:s20], $0x800  }
0x170: {  	s22 =	sadd.s32 $0x2000, s22;
	p1 =	seq.s32 s23, $0x0;
	[sflag:s20] =	ssyncset.done $0x0  }
0x171: {  	s24 =	simm.s32 @!p1 $0x3;
	[sflag:s20] =	ssyncadd.s32 $0xFFFFF800  }
0x172: {  	[hbm4b:s7+s2] =	stream.linear.scatter [tilespmem:s19], [sflag:$0x4], $0x8000, $0x38;
	[tilespmem:$0x1B328] =	vst v63  }
0x173: {  	_ =	swait.ge @!p1 [sflag:s24], $0x8000  }
0x174: {  	[sflag:s24] =	ssyncset.done @!p1 $0x0  }
0x175: {  	s7 =	sshra.s32 s23, $0x2;
	[sflag:s24] =	ssyncadd.s32 @!p1 $0xFFFF8000  }
0x176: {  	[tilespmem:s11], [sflag:$0x1] =	stream.indirect.gather [hbm4b:s3+s10], $0x10, s7, s10, $0xb8;
	[tilespmem:$0x1B328] =	vst v63  }
0x177: {  	s23 =	sadd.s32 $0x80, s7  }
0x178: {  	[tilespmem:s12], [sflag:$0x1] =	stream.indirect.gather [hbm4b:s3+s10], $0x10, s23, s10, $0xb8;
	[tilespmem:$0x1B328] =	vst v63  }
0x179: {  	s29 =	sadd.s32 $0x100, s7  }
0x17a: {  	[tilespmem:s13], [sflag:$0x1] =	stream.indirect.gather [hbm4b:s3+s10], $0x10, s29, s10, $0xb8;
	[tilespmem:$0x1B328] =	vst v63  }
0x17b: {  	s30 =	sadd.s32 $0x180, s7  }
0x17c: {  	[tilespmem:s14], [sflag:$0x1] =	stream.indirect.gather [hbm4b:s3+s10], $0x10, s30, s10, $0xb8;
	[tilespmem:$0x1B328] =	vst v63  }
0x17d: {  	s24 =	sadd.s32 $0x200, s7  }
0x17e: {  	[tilespmem:s15], [sflag:$0x1] =	stream.indirect.gather [hbm4b:s3+s10], $0x10, s24, s10, $0xb8;
	[tilespmem:$0x1B328] =	vst v63  }
0x17f: {  	s26 =	sadd.s32 $0x280, s7  }
0x180: {  	[tilespmem:s16], [sflag:$0x1] =	stream.indirect.gather [hbm4b:s3+s10], $0x10, s26, s10, $0xb8;
	[tilespmem:$0x1B328] =	vst v63  }
0x181: {  	s28 =	sadd.s32 $0x300, s7  }
0x182: {  	[tilespmem:s17], [sflag:$0x1] =	stream.indirect.gather [hbm4b:s3+s10], $0x10, s28, s10, $0xb8;
	[tilespmem:$0x1B328] =	vst v63  }
0x183: {  	s29 =	rddreg [dreg:$0x3];
	s30 =	sadd.s32 $0x380, s7  }
0x184: {  	[tilespmem:s29], [sflag:$0x1] =	stream.indirect.gather [hbm4b:s3+s10], $0x10, s30, s10, $0xb8;
	[tilespmem:$0x1B328] =	vst v63  }
0x185: {  	s24 =	sadd.s32 $0x400, s7;
	s26 =	rddreg [dreg:$0x4]  }
0x186: {  	[tilespmem:s26], [sflag:$0x1] =	stream.indirect.gather [hbm4b:s3+s10], $0x10, s24, s10, $0xb8;
	[tilespmem:$0x1B328] =	vst v63  }
0x187: {  	s28 =	rddreg [dreg:$0x5];
	s29 =	sadd.s32 $0x480, s7  }
0x188: {  	[tilespmem:s28], [sflag:$0x1] =	stream.indirect.gather [hbm4b:s3+s10], $0x10, s29, s10, $0xb8;
	[tilespmem:$0x1B328] =	vst v63  }
0x189: {  	s30 =	rddreg [dreg:$0x6];
	s24 =	sadd.s32 $0x500, s7  }
0x18a: {  	[tilespmem:s30], [sflag:$0x1] =	stream.indirect.gather [hbm4b:s3+s10], $0x10, s24, s10, $0xb8;
	[tilespmem:$0x1B328] =	vst v63  }
0x18b: {  	s28 =	rddreg [dreg:$0x7];
	s29 =	sadd.s32 $0x580, s7  }
0x18c: {  	[tilespmem:s28], [sflag:$0x1] =	stream.indirect.gather [hbm4b:s3+s10], $0x10, s29, s10, $0xb8;
	[tilespmem:$0x1B328] =	vst v63  }
0x18d: {  	s30 =	rddreg [dreg:$0x8];
	s24 =	sadd.s32 $0x600, s7  }
0x18e: {  	[tilespmem:s30], [sflag:$0x1] =	stream.indirect.gather [hbm4b:s3+s10], $0x10, s24, s10, $0xb8;
	[tilespmem:$0x1B328] =	vst v63  }
0x18f: {  	s28 =	rddreg [dreg:$0x9];
	s29 =	sadd.s32 $0x680, s7  }
0x190: {  	[tilespmem:s28], [sflag:$0x1] =	stream.indirect.gather [hbm4b:s3+s10], $0x10, s29, s10, $0xb8;
	[tilespmem:$0x1B328] =	vst v63  }
0x191: {  	s30 =	rddreg [dreg:$0xa];
	s28 =	sadd.s32 $0x700, s7  }
0x192: {  	[tilespmem:s30], [sflag:$0x1] =	stream.indirect.gather [hbm4b:s3+s10], $0x10, s28, s10, $0xb8;
	[tilespmem:$0x1B328] =	vst v63  }
0x193: {  	s29 =	rddreg [dreg:$0xb];
	s30 =	sadd.s32 $0x780, s7  }
0x194: {  	[tilespmem:s29], [sflag:$0x1] =	stream.indirect.gather [hbm4b:s3+s10], $0x10, s30, s10, $0xb8;
	[tilespmem:$0x1B328] =	vst v63  }
0x195: {  	_ =	swait.ge [sflag:s18], $0x800  }
0x196: {  	[sflag:s18] =	ssyncset.done $0x0  }
0x197: {  	[sflag:s18] =	ssyncadd.s32 $0xFFFFF800  }
0x198: {  	_ =	swait.ge [sflag:s18], $0x800  }
0x199: {  	[sflag:s18] =	ssyncset.done $0x0  }
0x19a: {  	[sflag:s18] =	ssyncadd.s32 $0xFFFFF800  }
0x19b: {  	_ =	swait.ge [sflag:s18], $0x800  }
0x19c: {  	[sflag:s18] =	ssyncset.done $0x0  }
0x19d: {  	[sflag:s18] =	ssyncadd.s32 $0xFFFFF800  }
0x19e: {  	_ =	swait.ge [sflag:s18], $0x800  }
0x19f: {  	[sflag:s18] =	ssyncset.done $0x0  }
0x1a0: {  	[sflag:s18] =	ssyncadd.s32 $0xFFFFF800  }
0x1a1: {  	_ =	swait.ge [sflag:s18], $0x800  }
0x1a2: {  	[sflag:s18] =	ssyncset.done $0x0  }
0x1a3: {  	[sflag:s18] =	ssyncadd.s32 $0xFFFFF800  }
0x1a4: {  	_ =	swait.ge [sflag:s18], $0x800  }
0x1a5: {  	[sflag:s18] =	ssyncset.done $0x0  }
0x1a6: {  	[sflag:s18] =	ssyncadd.s32 $0xFFFFF800  }
0x1a7: {  	_ =	swait.ge [sflag:s18], $0x800  }
0x1a8: {  	[sflag:s18] =	ssyncset.done $0x0  }
0x1a9: {  	[sflag:s18] =	ssyncadd.s32 $0xFFFFF800  }
0x1aa: {  	_ =	swait.ge [sflag:s18], $0x800  }
0x1ab: {  	[sflag:s18] =	ssyncset.done $0x0  }
0x1ac: {  	[sflag:s18] =	ssyncadd.s32 $0xFFFFF800  }
0x1ad: {  	_ =	swait.ge [sflag:s18], $0x800  }
0x1ae: {  	[sflag:s18] =	ssyncset.done $0x0  }
0x1af: {  	[sflag:s18] =	ssyncadd.s32 $0xFFFFF800  }
0x1b0: {  	_ =	swait.ge [sflag:s18], $0x800  }
0x1b1: {  	[sflag:s18] =	ssyncset.done $0x0  }
0x1b2: {  	[sflag:s18] =	ssyncadd.s32 $0xFFFFF800  }
0x1b3: {  	_ =	swait.ge [sflag:s18], $0x800  }
0x1b4: {  	[sflag:s18] =	ssyncset.done $0x0  }
0x1b5: {  	[sflag:s18] =	ssyncadd.s32 $0xFFFFF800  }
0x1b6: {  	_ =	swait.ge [sflag:s18], $0x800  }
0x1b7: {  	[sflag:s18] =	ssyncset.done $0x0  }
0x1b8: {  	[sflag:s18] =	ssyncadd.s32 $0xFFFFF800  }
0x1b9: {  	_ =	swait.ge [sflag:s18], $0x800  }
0x1ba: {  	[sflag:s18] =	ssyncset.done $0x0  }
0x1bb: {  	[sflag:s18] =	ssyncadd.s32 $0xFFFFF800  }
0x1bc: {  	_ =	swait.ge [sflag:s18], $0x800  }
0x1bd: {  	[sflag:s18] =	ssyncset.done $0x0  }
0x1be: {  	[sflag:s18] =	ssyncadd.s32 $0xFFFFF800  }
0x1bf: {  	_ =	swait.ge [sflag:s18], $0x800  }
0x1c0: {  	[sflag:s18] =	ssyncset.done $0x0  }
0x1c1: {  	[sflag:s18] =	ssyncadd.s32 $0xFFFFF800  }
0x1c2: {  	_ =	swait.ge [sflag:s18], $0x800  }
0x1c3: {  	[sflag:s18] =	ssyncset.done $0x0  }
0x1c4: {  	s23 =	simm.s32 @!p1 $0x4;
	[sflag:s18] =	ssyncadd.s32 $0xFFFFF800  }
0x1c5: {  	[hbm4b:s22+s2] =	stream.linear.scatter [tilespmem:s11], [sflag:$0x3], $0x8000, $0x38;
	[tilespmem:$0x1B328] =	vst v63  }
0x1c6: {  	_ =	swait.ge @!p1 [sflag:s23], $0x8000  }
0x1c7: {  	[sflag:s23] =	ssyncset.done @!p1 $0x0  }
0x1c8: {  	[sflag:s23] =	ssyncadd.s32 @!p1 $0xFFFF8000;
	s23 =	sadd.s32 $0x800, s7  }
0x1c9: {  	[tilespmem:s19], [sflag:$0x2] =	stream.indirect.gather [hbm4b:s3+s10], $0x10, s23, s10, $0xb8;
	[tilespmem:$0x1B328] =	vst v63  }
0x1ca: {  	s26 =	sadd.s32 $0x880, s7;
	s24 =	rddreg [dreg:$0xc]  }
0x1cb: {  	[tilespmem:s24], [sflag:$0x2] =	stream.indirect.gather [hbm4b:s3+s10], $0x10, s26, s10, $0xb8;
	[tilespmem:$0x1B328] =	vst v63  }
0x1cc: {  	s29 =	sadd.s32 $0x900, s7;
	s28 =	rddreg [dreg:$0xd]  }
0x1cd: {  	[tilespmem:s28], [sflag:$0x2] =	stream.indirect.gather [hbm4b:s3+s10], $0x10, s29, s10, $0xb8;
	[tilespmem:$0x1B328] =	vst v63  }
0x1ce: {  	s30 =	rddreg [dreg:$0xe];
	s26 =	sadd.s32 $0x980, s7  }
0x1cf: {  	[tilespmem:s30], [sflag:$0x2] =	stream.indirect.gather [hbm4b:s3+s10], $0x10, s26, s10, $0xb8;
	[tilespmem:$0x1B328] =	vst v63  }
0x1d0: {  	s28 =	rddreg [dreg:$0xf];
	s29 =	sadd.s32 $0xA00, s7  }
0x1d1: {  	[tilespmem:s28], [sflag:$0x2] =	stream.indirect.gather [hbm4b:s3+s10], $0x10, s29, s10, $0xb8;
	[tilespmem:$0x1B328] =	vst v63  }
0x1d2: {  	s30 =	rddreg [dreg:$0x10];
	s26 =	sadd.s32 $0xA80, s7  }
0x1d3: {  	[tilespmem:s30], [sflag:$0x2] =	stream.indirect.gather [hbm4b:s3+s10], $0x10, s26, s10, $0xb8;
	[tilespmem:$0x1B328] =	vst v63  }
0x1d4: {  	s28 =	rddreg [dreg:$0x11];
	s29 =	sadd.s32 $0xB00, s7  }
0x1d5: {  	[tilespmem:s28], [sflag:$0x2] =	stream.indirect.gather [hbm4b:s3+s10], $0x10, s29, s10, $0xb8;
	[tilespmem:$0x1B328] =	vst v63  }
0x1d6: {  	s30 =	rddreg [dreg:$0x12];
	s26 =	sadd.s32 $0xB80, s7  }
0x1d7: {  	[tilespmem:s30], [sflag:$0x2] =	stream.indirect.gather [hbm4b:s3+s10], $0x10, s26, s10, $0xb8;
	[tilespmem:$0x1B328] =	vst v63  }
0x1d8: {  	s28 =	rddreg [dreg:$0x13];
	s29 =	sadd.s32 $0xC00, s7  }
0x1d9: {  	[tilespmem:s28], [sflag:$0x2] =	stream.indirect.gather [hbm4b:s3+s10], $0x10, s29, s10, $0xb8;
	[tilespmem:$0x1B328] =	vst v63  }
0x1da: {  	s30 =	rddreg [dreg:$0x14];
	s26 =	sadd.s32 $0xC80, s7  }
0x1db: {  	[tilespmem:s30], [sflag:$0x2] =	stream.indirect.gather [hbm4b:s3+s10], $0x10, s26, s10, $0xb8;
	[tilespmem:$0x1B328] =	vst v63  }
0x1dc: {  	s28 =	rddreg [dreg:$0x15];
	s29 =	sadd.s32 $0xD00, s7  }
0x1dd: {  	[tilespmem:s28], [sflag:$0x2] =	stream.indirect.gather [hbm4b:s3+s10], $0x10, s29, s10, $0xb8;
	[tilespmem:$0x1B328] =	vst v63  }
0x1de: {  	s30 =	rddreg [dreg:$0x16];
	s26 =	sadd.s32 $0xD80, s7  }
0x1df: {  	[tilespmem:s30], [sflag:$0x2] =	stream.indirect.gather [hbm4b:s3+s10], $0x10, s26, s10, $0xb8;
	[tilespmem:$0x1B328] =	vst v63  }
0x1e0: {  	s28 =	rddreg [dreg:$0x17];
	s29 =	sadd.s32 $0xE00, s7  }
0x1e1: {  	[tilespmem:s28], [sflag:$0x2] =	stream.indirect.gather [hbm4b:s3+s10], $0x10, s29, s10, $0xb8;
	[tilespmem:$0x1B328] =	vst v63  }
0x1e2: {  	s30 =	rddreg [dreg:$0x18];
	s26 =	sadd.s32 $0xE80, s7  }
0x1e3: {  	[tilespmem:s30], [sflag:$0x2] =	stream.indirect.gather [hbm4b:s3+s10], $0x10, s26, s10, $0xb8;
	[tilespmem:$0x1B328] =	vst v63  }
0x1e4: {  	s28 =	rddreg [dreg:$0x19];
	s29 =	sadd.s32 $0xF00, s7  }
0x1e5: {  	[tilespmem:s28], [sflag:$0x2] =	stream.indirect.gather [hbm4b:s3+s10], $0x10, s29, s10, $0xb8;
	[tilespmem:$0x1B328] =	vst v63  }
0x1e6: {  	s7 =	sadd.s32 $0xF80, s7;
	s30 =	rddreg [dreg:$0x1a]  }
0x1e7: {  	[tilespmem:s30], [sflag:$0x2] =	stream.indirect.gather [hbm4b:s3+s10], $0x10, s7, s10, $0xb8;
	[tilespmem:$0x1B328] =	vst v63  }
0x1e8: {  	_ =	swait.ge [sflag:s20], $0x800  }
0x1e9: {  	[sflag:s20] =	ssyncset.done $0x0  }
0x1ea: {  	[sflag:s20] =	ssyncadd.s32 $0xFFFFF800  }
0x1eb: {  	_ =	swait.ge [sflag:s20], $0x800  }
0x1ec: {  	[sflag:s20] =	ssyncset.done $0x0  }
0x1ed: {  	[sflag:s20] =	ssyncadd.s32 $0xFFFFF800  }
0x1ee: {  	_ =	swait.ge [sflag:s20], $0x800  }
0x1ef: {  	[sflag:s20] =	ssyncset.done $0x0  }
0x1f0: {  	[sflag:s20] =	ssyncadd.s32 $0xFFFFF800  }
0x1f1: {  	_ =	swait.ge [sflag:s20], $0x800  }
0x1f2: {  	[sflag:s20] =	ssyncset.done $0x0  }
0x1f3: {  	[sflag:s20] =	ssyncadd.s32 $0xFFFFF800  }
0x1f4: {  	_ =	swait.ge [sflag:s20], $0x800  }
0x1f5: {  	[sflag:s20] =	ssyncset.done $0x0  }
0x1f6: {  	[sflag:s20] =	ssyncadd.s32 $0xFFFFF800  }
0x1f7: {  	_ =	swait.ge [sflag:s20], $0x800  }
0x1f8: {  	[sflag:s20] =	ssyncset.done $0x0  }
0x1f9: {  	[sflag:s20] =	ssyncadd.s32 $0xFFFFF800  }
0x1fa: {  	_ =	swait.ge [sflag:s20], $0x800  }
0x1fb: {  	[sflag:s20] =	ssyncset.done $0x0  }
0x1fc: {  	[sflag:s20] =	ssyncadd.s32 $0xFFFFF800  }
0x1fd: {  	_ =	swait.ge [sflag:s20], $0x800  }
0x1fe: {  	[sflag:s20] =	ssyncset.done $0x0  }
0x1ff: {  	[sflag:s20] =	ssyncadd.s32 $0xFFFFF800  }
0x200: {  	_ =	swait.ge [sflag:s20], $0x800  }
0x201: {  	[sflag:s20] =	ssyncset.done $0x0  }
0x202: {  	[sflag:s20] =	ssyncadd.s32 $0xFFFFF800  }
0x203: {  	_ =	swait.ge [sflag:s20], $0x800  }
0x204: {  	[sflag:s20] =	ssyncset.done $0x0  }
0x205: {  	[sflag:s20] =	ssyncadd.s32 $0xFFFFF800  }
0x206: {  	_ =	swait.ge [sflag:s20], $0x800  }
0x207: {  	[sflag:s20] =	ssyncset.done $0x0  }
0x208: {  	[sflag:s20] =	ssyncadd.s32 $0xFFFFF800  }
0x209: {  	_ =	swait.ge [sflag:s20], $0x800  }
0x20a: {  	[sflag:s20] =	ssyncset.done $0x0  }
0x20b: {  	[sflag:s20] =	ssyncadd.s32 $0xFFFFF800  }
0x20c: {  	_ =	swait.ge [sflag:s20], $0x800  }
0x20d: {  	[sflag:s20] =	ssyncset.done $0x0  }
0x20e: {  	[sflag:s20] =	ssyncadd.s32 $0xFFFFF800  }
0x20f: {  	_ =	swait.ge [sflag:s20], $0x800  }
0x210: {  	[sflag:s20] =	ssyncset.done $0x0  }
0x211: {  	[sflag:s20] =	ssyncadd.s32 $0xFFFFF800  }
0x212: {  	_ =	swait.ge [sflag:s20], $0x800  }
0x213: {  	[sflag:s20] =	ssyncset.done $0x0  }
0x214: {  	[sflag:s20] =	ssyncadd.s32 $0xFFFFF800  }
0x215: {  	_ =	swait.ge [sflag:s20], $0x800  }
0x216: {  	[sflag:s20] =	ssyncset.done $0x0  }
0x217: {  	[sflag:s20] =	ssyncadd.s32 $0xFFFFF800  }
0x218: {  	[hbm4b:s0+s2] =	stream.linear.scatter [tilespmem:s19], [sflag:$0x4], $0x8000, $0x38;
	[tilespmem:$0x1B328] =	vst v63  }
0x219: {  	_ =	swait.ge [sflag:s21], $0x8000  }
0x21a: {  	[sflag:s21] =	ssyncset.done $0x0  }
0x21b: {  	s7 =	simm.s32 $0xB000;
	[sflag:s21] =	ssyncadd.s32 $0xFFFF8000  }
0x21c: {  	[tilespmem:s11], [sflag:$0x1] =	stream.indirect.gather [hbm4b:s3+s10], $0x10, s7, s10, $0xb8;
	[tilespmem:$0x1B328] =	vst v63  }
0x21d: {  	s22 =	simm.s32 $0xB080  }
0x21e: {  	[tilespmem:s12], [sflag:$0x1] =	stream.indirect.gather [hbm4b:s3+s10], $0x10, s22, s10, $0xb8;
	[tilespmem:$0x1B328] =	vst v63  }
0x21f: {  	s23 =	simm.s32 $0xB100  }
0x220: {  	[tilespmem:s13], [sflag:$0x1] =	stream.indirect.gather [hbm4b:s3+s10], $0x10, s23, s10, $0xb8;
	[tilespmem:$0x1B328] =	vst v63  }
0x221: {  	s24 =	simm.s32 $0xB180  }
0x222: {  	[tilespmem:s14], [sflag:$0x1] =	stream.indirect.gather [hbm4b:s3+s10], $0x10, s24, s10, $0xb8;
	[tilespmem:$0x1B328] =	vst v63  }
0x223: {  	s26 =	simm.s32 $0xB200  }
0x224: {  	[tilespmem:s15], [sflag:$0x1] =	stream.indirect.gather [hbm4b:s3+s10], $0x10, s26, s10, $0xb8;
	[tilespmem:$0x1B328] =	vst v63  }
0x225: {  	s28 =	simm.s32 $0xB280  }
0x226: {  	[tilespmem:s16], [sflag:$0x1] =	stream.indirect.gather [hbm4b:s3+s10], $0x10, s28, s10, $0xb8;
	[tilespmem:$0x1B328] =	vst v63  }
0x227: {  	s29 =	simm.s32 $0x28;
	s30 =	simm.s32 $0xB300  }
0x228: {  	[tilespmem:s17], [sflag:$0x1] =	stream.indirect.gather [hbm4b:s3+s29], $0x10, s30, s29, $0xb8;
	[tilespmem:$0x1B328] =	vst v63  }
0x229: {  	_ =	swait.ge [sflag:s18], $0x800  }
0x22a: {  	[sflag:s18] =	ssyncset.done $0x0  }
0x22b: {  	[sflag:s18] =	ssyncadd.s32 $0xFFFFF800  }
0x22c: {  	_ =	swait.ge [sflag:s18], $0x800  }
0x22d: {  	[sflag:s18] =	ssyncset.done $0x0  }
0x22e: {  	[sflag:s18] =	ssyncadd.s32 $0xFFFFF800  }
0x22f: {  	_ =	swait.ge [sflag:s18], $0x800  }
0x230: {  	[sflag:s18] =	ssyncset.done $0x0  }
0x231: {  	[sflag:s18] =	ssyncadd.s32 $0xFFFFF800  }
0x232: {  	_ =	swait.ge [sflag:s18], $0x800  }
0x233: {  	[sflag:s18] =	ssyncset.done $0x0  }
0x234: {  	[sflag:s18] =	ssyncadd.s32 $0xFFFFF800  }
0x235: {  	_ =	swait.ge [sflag:s18], $0x800  }
0x236: {  	[sflag:s18] =	ssyncset.done $0x0  }
0x237: {  	[sflag:s18] =	ssyncadd.s32 $0xFFFFF800  }
0x238: {  	_ =	swait.ge [sflag:s18], $0x800  }
0x239: {  	[sflag:s18] =	ssyncset.done $0x0  }
0x23a: {  	[sflag:s18] =	ssyncadd.s32 $0xFFFFF800  }
0x23b: {  	_ =	swait.ge [sflag:s18], $0x280  }
0x23c: {  	[sflag:s18] =	ssyncset.done $0x0  }
0x23d: {  	s1 =	sadd.s32 $0x1, s1;
	[sflag:s18] =	ssyncadd.s32 $0xFFFFFD80  }
0x23e: {  	[hbm4b:s5+s2] =	stream.linear.scatter [tilespmem:s11], [sflag:$0x3], $0x3280, $0x38;
	[tilespmem:$0x1B328] =	vst v63  }
0x23f: {  	p0 =	sne.s32 s1, s6;
	_ =	swait.ge [sflag:s21], $0x3280  }
.Ltmp1:
0x240: {  	[sflag:s21] =	ssyncset.done $0x0;
	(pc) =	sbr.rel @p0 .LBB2_1-.Ltmp1, $4  }
0x241: {  	[sflag:s21] =	ssyncadd.s32 $0xFFFFCD80  }
0x242: {  	_ =	swait.ge [sflag:s31], $0x8000  }
0x243: {  	[sflag:s31] =	ssyncset.done $0x0  }
0x244: {  	[sflag:s31] =	ssyncadd.s32 $0xFFFF8000  }
0x245: {  	_ =	sfence.sel $0x180000  }
0x246: {  	[bflag:$0x0] =	sbarrier.arrive $0xFFFF  }
0x247: {  	_ =	strace $0x90000047  }
0x248: {  	s0 =	stileid.u32;
	[bflag:$0x2] =	sbarrier.arrive $0xFFFF  }
0x249: {  	p0 =	sne.s32 s0, $0x0;
	s0 =	rddreg [dreg:$0x2]  }
0x24a: {  	s0 =	sadd.s32 @!p0 $0x100000, s0  }
0x24b: {  	[sflag:s0] =	ssyncadd.tile.s32 @!p0 $0x1;
	_ =	shalt  }
.Lfunc_end2:
_tile_overlayer_lowered:
.L_overlay_start_2:
0x24c: {  	(tag) =	ssettag $0x2  }
0x24d: {  	s0 =	rddreg [dreg:$0x0];
	s2 =	stileid.u32  }
0x24e: {  	s1 =	rddreg [dreg:$0x1];
	p0 =	sne.s32 s2, $0x0  }
0x24f: {  	s3 =	rddreg [dreg:$0x2];
	[bflag:$0x3] =	sbarrier.arrive $0xFFFF;
	s2 =	simm.s32 @!p0 $0x1C06  }
0x250: {  	[timem:s3], [sflag:s2] =	dma.local @!p0 [hbm:s0], s1  }
0x251: {  	s0 =	simm.s32 @!p0 $0x6  }
0x252: {  	_ =	swait.ge @!p0 [sflag:s0], s1  }
0x253: {  	s1 =	ssub.s32 @!p0 $0x0, s1;
	[sflag:s0] =	ssyncset.done @!p0 $0x0  }
0x254: {  	[sflag:s0] =	ssyncadd.s32 @!p0 s1  }
0x255: {  	[bflag:$0x3] =	sbarrier.arrive $0xFFFF  }
0x256: {  	_ =	shalt  }

// kernel: sparse-core-data-format-call.cloned.1.call-start
scs
called_computation_lowered:
.L_overlay_start_0:
0x0: {  	s2 =	sld [smem:$0x3FD9]  }
0x1: {  	s3 =	sld [smem:$0x3FFE];
	_ =	sdelay $0x1  }
0x2: {  	s1 =	srdreg.scid  }
0x3: {  	s0 =	sand.u32 $0x1, s1  }
0x4: {  	s15 =	sshll.u32 s0, $0xA;
	s2 =	sadd.s32 s3, s2  }
0x5: {  	s2 =	sadd.s32 s2, s15  }
0x6: {  	[smem:$0x3FC5] =	sst s2  }
0x7: {  	_ = 	snop  }
0x8: {  	s2 =	sld [smem:$0x3FD0];
	_ =	sdelay $0x2  }
0x9: {  	s16 =	simm.s32 $0xA;
	s4 =	simm.s32 $0x10  }
0xa: {  	[smem:s4], [sflag:s16] =	dma.local [hbm:s2], $0x1  }
0xb: {  	_ =	swait.eq [sflag:s16], $0x1  }
0xc: {  	[sflag:s16] =	ssyncset.done $0x0  }
0xd: {  	[sflag:s16] =	ssyncadd.s32 $0xFFFFFFFF  }
0xe: {  	s17 =	sld [smem:$0x10];
	(tm) =	ssettm $0x1  }
0xf: {  	s18 =	sld [smem:$0x3FFB];
	_ =	sdelay $0x3  }
0x10: {  	_ =	strace s18  }
0x11: {  	s3 =	sld [smem:$0x3FFC];
	_ =	sdelay $0x3  }
0x12: {  	_ =	strace s3  }
0x13: {  	s3 =	sld [smem:$0x3FFD];
	_ =	sdelay $0x3  }
0x14: {  	_ =	strace s3  }
0x15: {  	_ =	strace $0x8FFFFFFF  }
0x16: {  	s19 =	sld [smem:$0x3FDB];
	_ =	sdelay $0x1  }
0x17: {  	s20 =	simm.s32 $_scs_section_size  }
0x18: {  	s5 =	simm.s32 $_size__tile_overlayer_lowered;
	s6 =	simm.s32 $_tile_overlayer_lowered  }
0x19: {  	s23 =	simm.s32 $0x1BFF;
	s22 =	sshll.u32 s6, $0x1;
	s3 =	sadd.s32 s20, s19  }
0x1a: {  	s7 =	simm.s32 $0x0;
	s21 =	sshll.u32 s5, $0x1;
	s5 =	sadd.s32 s22, s3  }
0x1b: {  	[timem:s7], [sflag:s23] =	dma.local [hbm:s5], s21  }
0x1c: {  	_ =	swait.ge [sflag:s23], s21  }
0x1d: {  	s4 =	ssub.s32 $0x0, s21;
	[sflag:s23] =	ssyncset.done $0x0  }
0x1e: {  	[sflag:s23] =	ssyncadd.s32 s4;
	_ =	sdelay $0x1  }
0x1f: {  	s24 =	simm.s32 $0x1B8B  }
0x20: {  	_ =	swait.ge [sflag:s24], $0x1  }
0x21: {  	[sflag:s24] =	ssyncset.done $0x0  }
0x22: {  	s26 =	simm.s32 $0x1B8E;
	s25 =	sld [smem:$0x3FFE];
	[sflag:s24] =	ssyncadd.s32 $0xFFFFFFFF  }
0x23: {  	s27 =	simm.s32 $execute0_lowered;
	[smem:$0x3FD2] =	sst s26  }
0x24: {  	s5 =	sshll.u32 s27, $0x1;
	_ =	strace $0x80000049;
	[dreg:$0x1] =	wrdreg $0xFFFFFFFF  }
0x25: {  	s28 =	simm.s32 $_size_execute0_lowered;
	s3 =	sadd.s32 s3, s5;
	[dreg:$0x0] =	wrdreg $0x0  }
0x26: {  	s5 =	sshll.u32 s28, $0x1;
	[dreg:$0x2] =	wrdreg s3  }
0x27: {  	[dreg:$0x3] =	wrdreg s5  }
0x28: {  	[dreg:$0x4] =	wrdreg $0xC0  }
0x29: {  	_ =	task [dreg:s7], $0x5FFFF  }
0x2a: {  	[dreg:$0x1] =	wrdreg $0xFFFFFFFF  }
0x2b: {  	[dreg:$0x0] =	wrdreg $0x60  }
0x2c: {  	[dreg:$0x2] =	wrdreg s25  }
0x2d: {  	[dreg:$0x3] =	wrdreg s17  }
0x2e: {  	[dreg:$0x4] =	wrdreg $0x9  }
0x2f: {  	_ =	task.clear_ibuf [dreg:s7], $0x5FFFF;
	_ =	strace $0x90000049  }
0x30: {  	s29 =	simm.s32 $0x9;
	_ =	strace $0x8000004B  }
0x31: {  	_ =	swait.ge [sflag:s29], $0x1  }
0x32: {  	[sflag:s29] =	ssyncadd.s32 $0xFFFFFFFF  }
0x33: {  	_ =	strace $0x9000004B  }
0x34: {  	_ =	sfence  }
0x35: {  	s30 =	sld [smem:$0x0];
	_ =	sdelay $0x2  }
0x36: {  	s31 =	sshll.u32 s1, $0xD;
	s1 =	sshrl.u32 s1, $0x2  }
0x37: {  	s3 =	sand.u32 $0x4000, s31;
	s1 =	sadd.s32 s1, s30  }
0x38: {  	s0 =	sor.u32 s3, s0;
	s1 =	sshll.u32 s1, $0x11  }
0x39: {  	s0 =	sor.u32 s1, s0  }
0x3a: {  	s0 =	sadd.s32 $0x8F2B, s0  }
0x3b: {  	[sflag:s0] =	ssyncadd.remote.s32 $0x1  }
0x3c: {  	_ =	sfence.sel $0xFFFF  }
0x3d: {  	[dreg:$0x0] =	wrdreg $0xFFFFFFFF;
	(pc) =	sbr.abs _section_cstart, $3  }
0x3e: {  	[dreg:$0x1] =	wrdreg $0xFFFFFFFF  }
0x3f: {  	_ =	task.clear_ibuf [dreg:s7], $0x2FFFF;
	_ =	strace $0x9FFFFFFF  }
0x40: {  	(tm) =	ssettm $0x7FFFFFFF  }
0x41: {  	_ =	shalt  }
tec
execute0_lowered:
.L_overlay_start_1:
0x0: {  	(tag) =	ssettag $0x1  }
0x1: {  	s0 =	rddreg [dreg:$0x0]  }
0x2: {  	s1 =	srdreg.scid;
	_ =	strace $0x8000004A;
	s2 =	stileid.u32  }
0x3: {  	s30 =	simm.s32 $0x1;
	s31 =	simm.s32 $0x2;
	s20 =	simm.s32 $0x0  }
0x4: {  	s22 =	simm.s32 $0x0;
	s21 =	simm.s32 $0x0;
	s23 =	simm.s32 $0x0  }
0x5: {  	s24 =	simm.s32 $0x0;
	s9 =	simm.s32 $0x0;
	s10 =	simm.s32 $0x0  }
0x6: {  	s11 =	simm.s32 $0x0;
	s12 =	simm.s32 $0x0;
	s14 =	simm.s32 $0x0  }
0x7: {  	s13 =	simm.s32 $0x0;
	vm1 =	vmxor vm1, vm1;
	s16 =	simm.s32 $0x0;
	s17 =	simm.s32 $0x0  }
.Ltmp0:
0x8: {  	s15 =	simm.s32 $0x0;
	s1 =	sshll.u32 s1, $0x4;
	(pc) =	sbr.rel .LBB1_1-.Ltmp0, $4  }
0x9: {  	s0 =	sadd.s32 $0x68000, s0;
	s7 =	sand.u32 $0x7, s2;
	s1 =	sand.u32 $0x10, s1  }
0xa: {  	[sflag:s30] =	ssyncpa.u1 $0x0;
	[dreg:$0x3] =	wrdreg s0;
	s29 =	sor.u32 s2, s1  }
0xb: {  	[sflag:s31] =	ssyncpa.u1 $0x0;
	[dreg:$0x4] =	wrdreg s7;
	s8 =	sshrl.u32 s29, $0x3  }
0xc: {  	v0 =	vlaneseq.u32;
	vm0 =	vmmov $0xff;
	s19 =	smov.u32 s7;
	s18 =	smov.u32 s8;
	[dreg:$0x5] =	wrdreg s8  }
.LBB1_80:
0xd: {  	s9 =	rddreg [dreg:$0x6]  }
0xe: {  	s11 =	rddreg [dreg:$0x8]  }
0xf: {  	s10 =	rddreg [dreg:$0x7]  }
0x10: {  	s4 =	rddreg [dreg:$0x17]  }
0x11: {  	s6 =	rddreg [dreg:$0x18]  }
0x12: {  	s22 =	rddreg [dreg:$0x19]  }
0x13: {  	s23 =	rddreg [dreg:$0x16]  }
0x14: {  	s14 =	rddreg [dreg:$0xb]  }
0x15: {  	s12 =	rddreg [dreg:$0x9]  }
0x16: {  	s7 =	rddreg [dreg:$0x1]  }
0x17: {  	s29 =	rddreg [dreg:$0x1a]  }
0x18: {  	s8 =	rddreg [dreg:$0x5]  }
0x19: {  	s13 =	rddreg [dreg:$0xa]  }
0x1a: {  	s15 =	rddreg [dreg:$0xc]  }
0x1b: {  	s16 =	rddreg [dreg:$0xd]  }
0x1c: {  	s17 =	rddreg [dreg:$0xe]  }
0x1d: {  	s31 =	simm.s32 $0xD000;
	s18 =	rddreg [dreg:$0xf]  }
0x1e: {  	s0 =	sshrl.u32 s9, $0x3;
	s1 =	sshll.u32 s11, $0x3;
	s2 =	sshll.u32 s9, $0x7  }
0x1f: {  	p0 =	sgt.s32 s11, $0xC80;
	s3 =	sand.u32 $0x7F, s11;
	s25 =	smul.u32 $0x5B000, s14  }
0x20: {  	s0 =	smul.u32 $0x6800, s0;
	s19 =	sand.u32 $0x380, s2;
	s2 =	smov.u32 s11  }
0x21: {  	s26 =	smul.u32 $0x16C00, s12;
	s1 =	sand.u32 $0xFFFFFC00, s1;
	s2 =	simm.s32 @!p0 $0xC80  }
0x22: {  	s27 =	smul.u32 $0x1A00, s10;
	s0 =	sadd.s32 s1, s0;
	s2 =	sadd.s32 s4, s2  }
0x23: {  	p0 =	sgt.s32 s10, $0xFFFFFFFE;
	s0 =	sor.u32 s19, s0;
	s5 =	sadd.s32 $0xFFFFF380, s2  }
0x24: {  	s2 =	ssub.s32 $0xD00, s2;
	s19 =	rddreg [dreg:$0x10];
	s1 =	sor.u32 s3, s0  }
0x25: {  	s3 =	smov.u32 s10;
	p1 =	sgt.s32 s5, $0x7F;
	s0 =	smulhi.u32 $0x4EC4EC4F, s0  }
0x26: {  	s20 =	smulhi.u32 $0x4EC4EC4F, s1;
	s3 =	simm.s32 @!p0 $0xFFFFFFFE;
	p0 =	sgt.s32 s9, $0x8  }
0x27: {  	s2 =	simm.s32 @p1 $0x0;
	s3 =	sadd.s32 s6, s3;
	s6 =	smov.u32 s9  }
0x28: {  	s2 =	smul.u32 s23, s2;
	s0 =	sshrl.u32 s0, $0xA;
	s23 =	rddreg [dreg:$0x14]  }
0x29: {  	s21 =	sadd.s32 $0x2, s3;
	s6 =	simm.s32 @!p0 $0x8;
	s4 =	sshrl.u32 s20, $0xA  }
0x2a: {  	s3 =	ssub.s32 $0xE, s3;
	s0 =	sand.u32 $0xF, s0;
	s20 =	rddreg [dreg:$0x11]  }
0x2b: {  	p0 =	sgt.s32 s21, $0xF;
	s4 =	smul.u32 $0xD00, s4;
	s21 =	rddreg [dreg:$0x12]  }
0x2c: {  	s5 =	sadd.s32 s22, s6;
	s0 =	smul.u32 $0x1A0, s0;
	s22 =	rddreg [dreg:$0x13]  }
0x2d: {  	s3 =	simm.s32 @p0 $0x0;
	s24 =	sadd.s32 $0xFFFFFFF8, s5;
	s5 =	ssub.s32 $0x10, s5  }
0x2e: {  	s2 =	smul.u32 s3, s2;
	s3 =	sadd.s32 s7, s25;
	s7 =	rddreg [dreg:$0x4]  }
0x2f: {  	p0 =	sgt.s32 s24, $0x7;
	s1 =	ssub.s32 s1, s4;
	s24 =	rddreg [dreg:$0x15]  }
0x30: {  	s5 =	simm.s32 @p0 $0x0;
	s3 =	sadd.s32 s26, s3;
	s4 =	sand.u32 $0x7, s1  }
0x31: {  	s1 =	sshrl.u32 s1, $0x3;
	s2 =	smul.u32 s5, s2;
	s3 =	sadd.s32 s27, s3  }
0x32: {  	s28 =	sshll.u32 s4, $0x12;
	s4 =	sor.u32 $0x8000, s29;
	s0 =	sadd.s32 s0, s3  }
0x33: {  	s30 =	sor.u32 $0x400, s28;
	s2 =	sand.u32 $0x3FFFFFFF, s2;
	s0 =	sadd.s32 s1, s0  }
0x34: {  	[hbm4b:s0+s30] =	stream.strided.scatter [tilespmem:s4], [sflag:$0x2], s2, s31, s30, $0x20;
	[tilespmem:$0x10100] =	vst v63  }
.LBB1_81:
0x35: {  	p0 =	slt.u32 s15, $0x2  }
0x36: {  	s0 =	smov.u32 s24;
	s4 =	smov.u32 s21;
	s6 =	smov.u32 s16  }
0x37: {  	s15 =	sadd.s32 $0x1, s15;
	p1 =	sgt.s32 @!p0 s24, $0x7;
	s1 =	sshra.s32 @!p0 s24, $0x1F  }
0x38: {  	s2 =	sshra.s32 @!p0 s23, $0x1F;
	p2 =	sgt.s32 @!p0 s22, $0xFFFFFFFE;
	s5 =	sshra.s32 @!p0 s21, $0x1F  }
0x39: {  	p1 =	por !p1, p0;
	s1 =	sand.u32 @!p0 s1, s24;
	s2 =	sand.u32 @!p0 s2, s23  }
0x3a: {  	p2 =	por !p2, p0;
	s5 =	sand.u32 @!p0 s5, s21;
	s24 =	smov.u32 s14  }
0x3b: {  	s14 =	smov.u32 s19;
	s0 =	simm.s32 @p1 $0x7;
	p1 =	sgt.s32 @!p0 s23, $0x3  }
0x3c: {  	s0 =	ssub.s32 @!p0 s0, s1;
	p1 =	por !p1, p0;
	s1 =	smov.u32 s23  }
0x3d: {  	s23 =	smov.u32 s12;
	s12 =	smov.u32 s18;
	s1 =	simm.s32 @p1 $0x3  }
0x3e: {  	s3 =	sadd.s32 @!p0 $0xFFFFFFF9, s0;
	s0 =	ssub.s32 @!p0 $0x8, s0;
	s1 =	ssub.s32 @!p0 s1, s2  }
0x3f: {  	p1 =	sgt.s32 @!p0 s3, $0x0;
	s3 =	sshra.s32 @!p0 s22, $0x1F;
	s2 =	sadd.s32 @!p0 $0xFFFFFFFD, s1  }
0x40: {  	p1 =	por !p1, p0;
	p3 =	sgt.s32 @!p0 s2, $0x0;
	s2 =	smov.u32 s22  }
0x41: {  	s3 =	sand.u32 @!p0 s3, s22;
	s1 =	ssub.s32 @!p0 $0x4, s1;
	s2 =	simm.s32 @p2 $0xFFFFFFFE  }
0x42: {  	s0 =	simm.s32 @!p1 $0x0;
	p1 =	por !p3, p0;
	s2 =	ssub.s32 @!p0 s2, s3  }
0x43: {  	s1 =	simm.s32 @!p1 $0x0;
	p1 =	sgt.s32 @!p0 s20, $0x8;
	s3 =	sadd.s32 @!p0 $0x2, s2  }
0x44: {  	s0 =	smul.u32 @!p0 s0, s1;
	p1 =	por !p1, p0;
	s1 =	smov.u32 s20  }
0x45: {  	s2 =	ssub.s32 @!p0 $0xE, s2;
	s1 =	simm.s32 @p1 $0x8;
	p1 =	sgt.s32 @!p0 s21, $0xC80  }
0x46: {  	p2 =	sgt.s32 @!p0 s3, $0xF;
	s3 =	sshra.s32 @!p0 s20, $0x1F;
	p1 =	por !p1, p0  }
0x47: {  	s3 =	sand.u32 @!p0 s3, s20;
	s4 =	simm.s32 @p1 $0xC80;
	p1 =	por !p2, p0  }
0x48: {  	s1 =	ssub.s32 @!p0 s1, s3;
	s3 =	ssub.s32 @!p0 s4, s5;
	s2 =	simm.s32 @!p1 $0x0  }
0x49: {  	s4 =	sadd.s32 @!p0 $0xFFFFFFF8, s1;
	s1 =	ssub.s32 @!p0 $0x10, s1;
	s5 =	sadd.s32 @!p0 $0xFFFFF380, s3  }
0x4a: {  	p1 =	sgt.s32 @!p0 s4, $0x7;
	s3 =	ssub.s32 @!p0 $0xD00, s3;
	p2 =	sgt.s32 @!p0 s5, $0x7F  }
0x4b: {  	s4 =	sadd.s32 $0x8, s13;
	s5 =	sadd.s32 $0x10, s16;
	p2 =	por !p2, p0  }
0x4c: {  	p1 =	por !p1, p0;
	s3 =	simm.s32 @!p2 $0x0;
	p2 =	sgt.s32 s4, $0xF  }
0x4d: {  	s1 =	simm.s32 @!p1 $0x0;
	s0 =	smul.u32 @!p0 s3, s0;
	s6 =	smov.u32 @p2 s5  }
0x4e: {  	s3 =	sadd.s32 $0x80, s17;
	s5 =	smov.u32 s17;
	p1 =	sgt.s32 s6, $0xD  }
0x4f: {  	s4 =	simm.s32 @p2 $0x0;
	s0 =	smul.u32 @!p0 s2, s0;
	s5 =	smov.u32 @p1 s3  }
0x50: {  	s2 =	sadd.s32 $0x4, s18;
	s3 =	smov.u32 s18;
	p2 =	sgt.s32 s5, $0xCCB  }
0x51: {  	s6 =	simm.s32 @p1 $0x0;
	s0 =	smul.u32 @!p0 s1, s0;
	s3 =	smov.u32 @p2 s2  }
0x52: {  	s1 =	sadd.s32 $0x8, s19;
	s2 =	smov.u32 s19;
	p1 =	sgt.s32 s3, $0x3  }
0x53: {  	s22 =	smov.u32 s10;
	s10 =	smov.u32 s16;
	s2 =	smov.u32 @p1 s1  }
0x54: {  	s21 =	smov.u32 s11;
	s3 =	smov.u32 @p1 s8;
	p1 =	sgt.s32 s2, $0x7  }
0x55: {  	s11 =	smov.u32 s17;
	s2 =	smov.u32 @p1 s7;
	p1 =	sne.s32 s15, $0x36  }
.Ltmp1:
0x56: {  	s20 =	smov.u32 s9;
	s9 =	smov.u32 s13;
	(pc) =	sbr.rel @!p1 .LBB1_82-.Ltmp1, $4  }
0x57: {  	s13 =	smov.u32 s4;
	s0 =	sand.u32 @!p0 $0x3FFFFFFF, s0;
	s1 =	simm.s32 @!p0 $0x2  }
0x58: {  	s16 =	smov.u32 s6;
	s5 =	simm.s32 @p2 $0x0;
	_ =	swait.ge @!p0 [sflag:s1], s0  }
0x59: {  	s17 =	smov.u32 s5;
	s0 =	ssub.s32 @!p0 $0x0, s0;
	[sflag:s1] =	ssyncset.done @!p0 $0x0  }
0x5a: {  	s18 =	smov.u32 s3;
	[sflag:s1] =	ssyncadd.s32 @!p0 s0;
	s19 =	smov.u32 s2  }
.LBB1_1:
0x5b: {  	p0 =	sgt.u32 s15, $0x33  }
.Ltmp2:
0x5c: {  	_ = 	snop;
	(pc) =	sbr.rel @p0 .LBB1_3-.Ltmp2, $1  }
0x5d: {  	_ =	sdelay $0x3  }
0x5e: {  	p0 =	sgt.s32 s19, $0x7;
	s0 =	smov.u32 s19  }
0x5f: {  	s1 =	sshra.s32 s19, $0x1F;
	s2 =	sxor.u32 $0xFFFFFFFF, s15;
	s3 =	sshll.u32 s16, $0x7  }
0x60: {  	s5 =	sshra.s32 s18, $0x1F;
	s6 =	sshra.s32 s17, $0x1F;
	s31 =	sshll.u32 s13, $0x3  }
0x61: {  	s0 =	simm.s32 @!p0 $0x7;
	s1 =	sand.u32 s1, s19;
	p0 =	sgt.s32 s18, $0x3  }
0x62: {  	s27 =	sand.u32 s5, s18;
	s29 =	sand.u32 s6, s17;
	s30 =	sand.u32 $0x400, s3  }
0x63: {  	s5 =	sand.u32 $0x400, s31;
	s2 =	sshll.u32 s2, $0xE;
	s3 =	sand.u32 $0x380, s3  }
0x64: {  	s31 =	smul.u32 $0xCCC00, s18;
	s0 =	ssub.s32 s0, s1;
	s1 =	smov.u32 s18  }
0x65: {  	s26 =	sadd.s32 s30, s5;
	s5 =	smov.u32 s13;
	s2 =	sand.u32 $0x4000, s2  }
0x66: {  	s30 =	smul.u32 $0x333000, s19;
	s4 =	sadd.s32 $0xFFFFFFF9, s0;
	s1 =	simm.s32 @!p0 $0x3  }
0x67: {  	s0 =	ssub.s32 $0x8, s0;
	p0 =	sgt.s32 s4, $0x0;
	s1 =	ssub.s32 s1, s27  }
0x68: {  	s4 =	smov.u32 s17;
	s0 =	simm.s32 @p0 $0x0;
	p0 =	sgt.s32 s17, $0xC4C  }
0x69: {  	s27 =	ssub.s32 $0x0, s16;
	s28 =	sadd.s32 $0xFFFFFFFD, s1;
	s4 =	simm.s32 @!p0 $0xC4C  }
0x6a: {  	s1 =	ssub.s32 $0x4, s1;
	p0 =	sgt.s32 s28, $0x0;
	s4 =	ssub.s32 s4, s29  }
0x6b: {  	s28 =	sshra.s32 s13, $0x1F;
	s1 =	simm.s32 @p0 $0x0;
	s25 =	sadd.s32 $0xFFFFF3B4, s4  }
0x6c: {  	s0 =	smul.u32 s0, s1;
	s1 =	ssub.s32 $0xCCC, s4;
	p0 =	sgt.s32 s25, $0x7F  }
0x6d: {  	s6 =	sand.u32 s28, s13;
	s1 =	simm.s32 @p0 $0x0;
	p0 =	sgt.s32 s13, $0x78  }
0x6e: {  	s0 =	smul.u32 s1, s0;
	s1 =	smin.u32 s16, s27;
	s5 =	simm.s32 @!p0 $0x78  }
0x6f: {  	p0 =	sgt.s32 s1, $0xF;
	s1 =	ssub.s32 $0x10, s1;
	s5 =	ssub.s32 s5, s6  }
0x70: {  	s3 =	sor.u32 s3, s26;
	s1 =	simm.s32 @p0 $0x0;
	s29 =	sadd.s32 $0xFFFFFF88, s5  }
0x71: {  	s0 =	smul.u32 s1, s0;
	p0 =	sgt.s32 s29, $0x7;
	s1 =	ssub.s32 $0x80, s5  }
0x72: {  	s26 =	sshrl.u32 s13, $0x3;
	s6 =	rddreg [dreg:$0x3];
	s1 =	simm.s32 @p0 $0x0  }
0x73: {  	s3 =	sshrl.u32 s3, $0x3;
	s0 =	smul.u32 s1, s0;
	s1 =	sadd.s32 s6, s30  }
0x74: {  	s28 =	sand.u32 $0x7, s13;
	s25 =	sshll.u32 s17, $0x8;
	s1 =	sadd.s32 s31, s1  }
0x75: {  	s27 =	sand.u32 $0xF, s26;
	s29 =	sshll.u32 s28, $0x12;
	s1 =	sadd.s32 s25, s1  }
0x76: {  	s3 =	sand.u32 $0xF0, s3;
	s30 =	sor.u32 $0x8, s29;
	s1 =	sadd.s32 s27, s1  }
0x77: {  	s31 =	simm.s32 $0x80;
	s0 =	sand.u32 $0x3FFFFFFF, s0;
	s1 =	sadd.s32 s3, s1  }
0x78: {  	[tilespmem:s2], [sflag:$0x1] =	stream.strided.gather [hbm4b:s1+s30], s0, s31, s30, $0x38;
	[tilespmem:$0x10100] =	vst v63  }
.LBB1_3:
0x79: {  	p0 =	seq.s32 s15, $0x0  }
0x7a: {  	p1 =	seq.s32 @!p0 s15, $0x35  }
0x7b: {  	p0 =	por p0, p1  }
.Ltmp3:
0x7c: {  	_ = 	snop;
	(pc) =	sbr.rel @p0 .LBB1_81-.Ltmp3, $1  }
0x7d: {  	_ =	sdelay $0x3  }
0x7e: {  	[dreg:$0x15] =	wrdreg s24  }
0x7f: {  	[dreg:$0x14] =	wrdreg s23  }
0x80: {  	[dreg:$0x13] =	wrdreg s22  }
0x81: {  	[dreg:$0x12] =	wrdreg s21  }
0x82: {  	[dreg:$0x11] =	wrdreg s20  }
0x83: {  	[dreg:$0x10] =	wrdreg s19  }
0x84: {  	[dreg:$0xf] =	wrdreg s18  }
0x85: {  	[dreg:$0xe] =	wrdreg s17  }
0x86: {  	[dreg:$0xd] =	wrdreg s16  }
0x87: {  	[dreg:$0xa] =	wrdreg s13  }
0x88: {  	p0 =	sgt.s32 s14, $0x7;
	s0 =	smov.u32 s14;
	s1 =	sshra.s32 s14, $0x1F  }
0x89: {  	s2 =	sshra.s32 s12, $0x1F;
	s16 =	ssub.s32 $0x0, s11;
	s17 =	sshra.s32 s11, $0x1F  }
0x8a: {  	p1 =	sgt.s32 s11, $0xC4C;
	s4 =	smov.u32 s11;
	s20 =	ssub.s32 $0x0, s10  }
0x8b: {  	s21 =	sshra.s32 s10, $0x1F;
	[dreg:$0x7] =	wrdreg s10;
	s23 =	ssub.s32 $0x0, s9  }
0x8c: {  	s24 =	sshra.s32 s9, $0x1F;
	s0 =	simm.s32 @!p0 $0x7;
	s1 =	sand.u32 s1, s14  }
0x8d: {  	p0 =	sgt.s32 s12, $0x3;
	s2 =	sand.u32 s2, s12;
	s0 =	ssub.s32 s0, s1  }
0x8e: {  	s4 =	simm.s32 @!p1 $0xC4C;
	s1 =	smov.u32 s12;
	s3 =	sadd.s32 $0xFFFFFFF9, s0  }
0x8f: {  	s1 =	simm.s32 @!p0 $0x3;
	s0 =	ssub.s32 $0x8, s0;
	p0 =	sgt.s32 s3, $0x0  }
0x90: {  	s1 =	ssub.s32 s1, s2;
	s2 =	sand.u32 s16, s17;
	s3 =	smov.u32 s10  }
0x91: {  	s5 =	sadd.s32 $0xFFFFFFFD, s1;
	s1 =	ssub.s32 $0x4, s1;
	[dreg:$0x17] =	wrdreg s2  }
0x92: {  	s2 =	sadd.s32 s2, s4;
	s0 =	simm.s32 @p0 $0x0;
	s4 =	smov.u32 s9  }
0x93: {  	p1 =	sgt.s32 s5, $0x0;
	s18 =	sadd.s32 $0xFFFFF3B4, s2;
	s2 =	ssub.s32 $0xCCC, s2  }
0x94: {  	s1 =	simm.s32 @p1 $0x0;
	p0 =	sgt.s32 s18, $0x7F;
	p1 =	sgt.s32 s10, $0x0  }
0x95: {  	s19 =	smul.u32 s0, s1;
	s0 =	sand.u32 s20, s21;
	s3 =	simm.s32 @!p1 $0x0  }
0x96: {  	s2 =	simm.s32 @p0 $0x0;
	p1 =	sgt.s32 s9, $0x78;
	[dreg:$0x18] =	wrdreg s0  }
0x97: {  	s0 =	sadd.s32 s3, s0;
	s4 =	simm.s32 @!p1 $0x78;
	s22 =	smul.u32 s2, s19  }
0x98: {  	p0 =	sgt.s32 s0, $0xF;
	s0 =	ssub.s32 $0x10, s0;
	s2 =	sand.u32 s23, s24  }
0x99: {  	s0 =	simm.s32 @p0 $0x0;
	[dreg:$0x19] =	wrdreg s2;
	s2 =	sadd.s32 s2, s4  }
0x9a: {  	[dreg:$0x6] =	wrdreg s9;
	s0 =	smul.u32 s0, s22;
	s25 =	sadd.s32 $0xFFFFFF88, s2  }
0x9b: {  	s1 =	ssub.s32 $0x80, s2;
	s2 =	sadd.s32 $0x1, s14;
	p0 =	sgt.s32 s25, $0x7  }
0x9c: {  	s3 =	sadd.s32 $0x1, s12;
	s1 =	simm.s32 @p0 $0x0;
	p0 =	slt.s32 s2, $0x8  }
0x9d: {  	s0 =	smul.u32 s1, s0;
	s2 =	simm.s32 @!p0 $0x8;
	p0 =	slt.s32 s3, $0x4  }
0x9e: {  	s1 =	sadd.s32 $0x80, s11;
	s30 =	ssub.s32 s2, s14;
	s3 =	simm.s32 @!p0 $0x4  }
0x9f: {  	p1 =	slt.s32 s1, $0xCCC;
	s31 =	ssub.s32 s3, s12;
	p0 =	slt.s32 s30, $0x1  }
0xa0: {  	[dreg:$0xb] =	wrdreg s14;
	s1 =	simm.s32 @!p1 $0xCCC;
	p1 =	slt.s32 @!p0 s31, $0x1  }
0xa1: {  	s26 =	sand.u32 $0x3FFFFFFF, s0;
	s0 =	ssub.s32 s1, s11;
	p1 =	por p0, p1  }
0xa2: {  	[dreg:$0x9] =	wrdreg s12;
	p2 =	slt.s32 @!p1 s0, $0x1  }
0xa3: {  	[dreg:$0x8] =	wrdreg s11;
	p1 =	por p1, p2  }
.Ltmp4:
0xa4: {  	[dreg:$0xc] =	wrdreg s15;
	(pc) =	sbr.rel @p1 .LBB1_80-.Ltmp4, $4  }
0xa5: {  	s27 =	simm.s32 $0x1;
	[dreg:$0x16] =	wrdreg s19;
	s3 =	sand.u32 $0x1, s15  }
0xa6: {  	_ =	swait.ge [sflag:s27], s26;
	s29 =	smul.u32 $0x4080, s3  }
0xa7: {  	s28 =	ssub.s32 $0x0, s26;
	[sflag:s27] =	ssyncset.done $0x0  }
0xa8: {  	[sflag:s27] =	ssyncadd.s32 s28;
	[dreg:$0x1a] =	wrdreg s29  }
0xa9: {  	s4 =	rddreg [dreg:$0x7]  }
0xaa: {  	s5 =	rddreg [dreg:$0x6];
	s1 =	sadd.s32 $0x10, s4  }
0xab: {  	s2 =	sadd.s32 $0x8, s5;
	p1 =	slt.s32 s1, $0xE  }
0xac: {  	s1 =	simm.s32 @!p1 $0xE;
	p1 =	slt.s32 s2, $0x10  }
0xad: {  	s3 =	sshll.u32 @!p0 s3, $0xE;
	s1 =	ssub.s32 s1, s4;
	s2 =	simm.s32 @!p1 $0x10  }
0xae: {  	s6 =	simm.s32 $0x0;
	s4 =	sshra.s32 @!p0 s1, $0x1F;
	s2 =	ssub.s32 s2, s5  }
.Ltmp5:
0xaf: {  	s4 =	sshrl.u32 @!p0 s4, $0x1D;
	s9 =	sadd.s32 $0xF, s2;
	(pc) =	sbr.rel .LBB1_6-.Ltmp5, $4  }
0xb0: {  	s4 =	sadd.s32 @!p0 s4, s1;
	s2 =	sand.u32 $0xFFFFFFF0, s9;
	s8 =	sand.u32 @!p0 $0xFFFFFF00, s9  }
0xb1: {  	s29 =	sshll.u32 s9, $0x3;
	p1 =	slt.s32 s9, $0x100;
	s7 =	sand.u32 @!p0 $0xFFFFFFF8, s4  }
0xb2: {  	s4 =	rddreg [dreg:$0x1a];
	s5 =	sand.u32 $0xFFFFF800, s29;
	p2 =	sge.s32 s8, s2  }
0xb3: {  	s4 =	sor.u32 @!p0 $0x8000, s4;
	p0 =	slt.s32 s7, $0x1;
	p3 =	sge.s32 s7, s1  }
.LBB1_79:
0xb4: {  	s6 =	sadd.s32 $0x1, s6  }
0xb5: {  	p4 =	sne.s32 s6, s30  }
.Ltmp6:
0xb6: {  	_ = 	snop;
	(pc) =	sbr.rel @!p4 .LBB1_80-.Ltmp6, $1  }
0xb7: {  	_ =	sdelay $0x3  }
.LBB1_6:
.Ltmp7:
0xb8: {  	(pc) =	sbr.rel .LBB1_7-.Ltmp7, $2  }
0xb9: {  	_ =	sdelay $0x2  }
0xba: {  	s29 =	simm.s32 $0x0  }
.LBB1_78:
0xbb: {  	s29 =	sadd.s32 $0x1, s29  }
0xbc: {  	p4 =	sne.s32 s29, s31  }
.Ltmp8:
0xbd: {  	_ = 	snop;
	(pc) =	sbr.rel @!p4 .LBB1_79-.Ltmp8, $1  }
0xbe: {  	_ =	sdelay $0x3  }
.LBB1_7:
.Ltmp9:
0xbf: {  	s9 =	sadd.s32 s6, s29;
	(pc) =	sbr.rel .LBB1_8-.Ltmp9, $4  }
0xc0: {  	s10 =	smul.u32 $0x10200, s9  }
0xc1: {  	s11 =	sshll.u32 s9, $0x10  }
0xc2: {  	s28 =	simm.s32 $0x0;
	s24 =	sshra.s32 s11, $0x2;
	s23 =	sshra.s32 s10, $0x2  }
0xc3: {  	s25 =	sshll.u32 s9, $0xE;
	s27 =	sadd.s32 s24, s3;
	s26 =	sadd.s32 s23, s4  }
.LBB1_77:
0xc4: {  	s28 =	sadd.s32 $0x1, s28  }
0xc5: {  	p4 =	sne.s32 s28, s0  }
.Ltmp10:
0xc6: {  	_ = 	snop;
	(pc) =	sbr.rel @!p4 .LBB1_78-.Ltmp10, $1  }
0xc7: {  	_ =	sdelay $0x3  }
.LBB1_8:
.Ltmp11:
0xc8: {  	(pc) =	sbr.rel @p0 .LBB1_67-.Ltmp11, $3  }
0xc9: {  	_ =	sdelay $0x1  }
0xca: {  	s9 =	sshll.u32 s28, $0x7;
	s10 =	sand.u32 $0x7F, s28  }
0xcb: {  	s22 =	sshll.u32 s28, $0x9;
	s20 =	sadd.s32 s25, s9;
	s21 =	sadd.s32 s10, s26  }
.Ltmp12:
0xcc: {  	(pc) =	sbr.rel .LBB1_10-.Ltmp12, $3  }
0xcd: {  	_ =	sdelay $0x1  }
0xce: {  	s9 =	sshra.s32 s22, $0x2  }
0xcf: {  	s23 =	sadd.s32 s20, s3;
	s12 =	simm.s32 $0x0;
	s24 =	sadd.s32 s9, s27  }
.LBB1_66:
0xd0: {  	s12 =	sadd.s32 $0x8, s12  }
0xd1: {  	p4 =	slt.s32 s12, s7  }
.Ltmp13:
0xd2: {  	_ = 	snop;
	(pc) =	sbr.rel @!p4 .LBB1_67-.Ltmp13, $1  }
0xd3: {  	_ =	sdelay $0x3  }
.LBB1_10:
.Ltmp14:
0xd4: {  	(pc) =	sbr.rel @p1 .LBB1_14-.Ltmp14, $2  }
0xd5: {  	_ =	sdelay $0x2  }
0xd6: {  	s14 =	sshll.u32 s12, $0x3;
	s16 =	smul.u32 $0x1020, s12  }
0xd7: {  	s9 =	sand.u32 $0x40, s14  }
0xd8: {  	s13 =	sadd.s32 s9, s23  }
0xd9: {  	s11 =	sor.u32 s20, s9;
	v9 =	vld.msk [tilespmem:s13+$0x70], vm1  }
0xda: {  	s17 =	sshra.s32 s16, $0x2;
	s15 =	sxor.u32 $0x40, s11;
	v10 =	vld.msk [tilespmem:s13+$0x60], vm1  }
0xdb: {  	s10 =	sadd.s32 s17, s21;
	v11 =	vld.msk [tilespmem:s13+$0x50], vm1;
	s17 =	sadd.s32 s15, s3  }
0xdc: {  	v1 =	vld.msk [tilespmem:s17+$0x70], vm1  }
0xdd: {  	v2 =	vld.msk [tilespmem:s17+$0x60], vm1  }
0xde: {  	s18 =	sxor.u32 $0x50, s11;
	s19 =	sxor.u32 $0x60, s11;
	s11 =	sxor.u32 $0x70, s11;
	v3 =	vld.msk [tilespmem:s17+$0x50], vm1;
	[tilespmem:s10+$0x0 ss:$0x81] =	vst.msk vm1, v9  }
0xdf: {  	s9 =	sadd.s32 s11, s3;
	v4 =	vld.msk [tilespmem:s17+$0x40], vm1;
	[tilespmem:s10+$0x0 ss:$0x81] =	vst.msk vm1, v10  }
0xe0: {  	s19 =	sadd.s32 s19, s3;
	v5 =	vld.msk [tilespmem:s9+$0x0], vm1;
	[tilespmem:s10+$0x0 ss:$0x81] =	vst.msk vm1, v11  }
0xe1: {  	s18 =	sadd.s32 s18, s3;
	v6 =	vld.msk [tilespmem:s19+$0x0], vm1;
	[tilespmem:s10+$0x0 ss:$0x81] =	vst.msk vm1, v1  }
0xe2: {  	v7 =	vld.msk [tilespmem:s18+$0x0], vm1;
	[tilespmem:s10+$0x0 ss:$0x81] =	vst.msk vm1, v2  }
0xe3: {  	p4 =	sgt.s32 s8, $0x100;
	v8 =	vld.msk [tilespmem:s17+$0x0], vm1;
	[tilespmem:s10+$0x0 ss:$0x81] =	vst.msk vm1, v3  }
.Ltmp15:
0xe4: {  	s15 =	simm.s32 $0x0;
	[tilespmem:s10+$0x0 ss:$0x81] =	vst.msk vm1, v4;
	v1 =	vld.msk [tilespmem:s13+$0x40], vm1;
	(pc) =	sbr.rel @!p4 .LBB1_13-.Ltmp15, $4  }
0xe5: {  	[tilespmem:s10+$0x0 ss:$0x81] =	vst.msk vm1, v5;
	v2 =	vld.msk [tilespmem:s13+$0x30], vm1;
	v4 =	vor.u32 s15, v0  }
0xe6: {  	[tilespmem:s10+$0x0 ss:$0x81] =	vst.msk vm1, v6;
	v3 =	vld.msk [tilespmem:s13+$0x20], vm1;
	vm3 =	vlt.u32 v4, $0x8  }
0xe7: {  	[tilespmem:s10+$0x0 ss:$0x81] =	vst.msk vm1, v7;
	v4 =	vld.msk [tilespmem:s13+$0x10], vm1;
	vm2 =	vmand vm3, vm0  }
0xe8: {  	s11 =	simm.s32 $0x100;
	[tilespmem:s10+$0x0 ss:$0x81] =	vst.msk vm1, v8;
	v5 =	vld.msk [tilespmem:s13+$0x0], vm3  }
.LBB1_12:
0xe9: {  	v6 =	vld.msk [tilespmem:s17+$0x70], vm1;
	[tilespmem:s10+$0x0 ss:$0x81] =	vst.msk vm1, v1  }
0xea: {  	v1 =	vld.msk [tilespmem:s17+$0x60], vm1;
	[tilespmem:s10+$0x0 ss:$0x81] =	vst.msk vm1, v2  }
0xeb: {  	v2 =	vld.msk [tilespmem:s17+$0x50], vm1;
	[tilespmem:s10+$0x0 ss:$0x81] =	vst.msk vm1, v3  }
0xec: {  	v3 =	vld.msk [tilespmem:s17+$0x40], vm1;
	[tilespmem:s10+$0x0 ss:$0x81] =	vst.msk vm1, v4  }
0xed: {  	v4 =	vld.msk [tilespmem:s9+$0x0], vm1;
	[tilespmem:s10+$0x0 ss:$0x81] =	vst.msk vm2, v5  }
0xee: {  	v5 =	vld.msk [tilespmem:s19+$0x0], vm1;
	[tilespmem:s10+$0x0 ss:$0x81] =	vst.msk vm1, v6  }
0xef: {  	v6 =	vld.msk [tilespmem:s18+$0x0], vm1;
	[tilespmem:s10+$0x0 ss:$0x81] =	vst.msk vm1, v1  }
0xf0: {  	v7 =	vld.msk [tilespmem:s17+$0x0], vm1;
	[tilespmem:s10+$0x0 ss:$0x81] =	vst.msk vm1, v2  }
0xf1: {  	v8 =	vld.msk [tilespmem:s13+$0x70], vm1;
	[tilespmem:s10+$0x0 ss:$0x81] =	vst.msk vm1, v3  }
0xf2: {  	v3 =	vor.u32 s11, v0;
	s11 =	sadd.s32 $0x100, s11;
	v9 =	vld.msk [tilespmem:s13+$0x60], vm1;
	[tilespmem:s10+$0x0 ss:$0x81] =	vst.msk vm1, v4  }
0xf3: {  	p4 =	slt.s32 s11, s8;
	v10 =	vld.msk [tilespmem:s13+$0x50], vm1;
	[tilespmem:s10+$0x0 ss:$0x81] =	vst.msk vm1, v5  }
.Ltmp16:
0xf4: {  	v1 =	vld.msk [tilespmem:s13+$0x40], vm1;
	[tilespmem:s10+$0x0 ss:$0x81] =	vst.msk vm1, v6;
	(pc) =	sbr.rel @p4 .LBB1_12-.Ltmp16, $4  }
0xf5: {  	v2 =	vld.msk [tilespmem:s13+$0x30], vm1;
	[tilespmem:s10+$0x0 ss:$0x81] =	vst.msk vm1, v7  }
0xf6: {  	vm3 =	vlt.u32 v3, $0x8;
	v3 =	vld.msk [tilespmem:s13+$0x20], vm1;
	[tilespmem:s10+$0x0 ss:$0x81] =	vst.msk vm1, v8  }
0xf7: {  	vm2 =	vmand vm3, vm0;
	v4 =	vld.msk [tilespmem:s13+$0x10], vm1;
	[tilespmem:s10+$0x0 ss:$0x81] =	vst.msk vm1, v9  }
0xf8: {  	v5 =	vld.msk [tilespmem:s13+$0x0], vm3;
	[tilespmem:s10+$0x0 ss:$0x81] =	vst.msk vm1, v10  }
.LBB1_13:
0xf9: {  	_ =	sdelay $0x4  }
0xfa: {  	[tilespmem:s10+$0x0 ss:$0x81] =	vst.msk vm1, v1  }
0xfb: {  	[tilespmem:s10+$0x0 ss:$0x81] =	vst.msk vm1, v2  }
0xfc: {  	[tilespmem:s10+$0x0 ss:$0x81] =	vst.msk vm1, v3  }
0xfd: {  	[tilespmem:s10+$0x0 ss:$0x81] =	vst.msk vm1, v4  }
0xfe: {  	[tilespmem:s10+$0x0 ss:$0x81] =	vst.msk vm2, v5  }
.LBB1_14:
.Ltmp17:
0xff: {  	(pc) =	sbr.rel @p2 .LBB1_17-.Ltmp17, $1  }
0x100: {  	_ =	sdelay $0x3  }
0x101: {  	s9 =	sshra.s32 s16, $0x2  }
0x102: {  	s10 =	smov.u32 s8;
	s9 =	sadd.s32 s9, s21  }
.LBB1_16:
0x103: {  	s11 =	sshrl.u32 s10, $0x4  }
0x104: {  	s11 =	sadd.s32 s12, s11  }
0x105: {  	s11 =	sshll.u32 s11, $0x3  }
0x106: {  	v1 =	vor.u32 s10, v0;
	s11 =	sand.u32 $0x40, s11  }
0x107: {  	s13 =	sand.u32 $0x70, s10;
	vm2 =	vlt.u32 v1, $0x8;
	s11 =	sadd.s32 s11, s24  }
0x108: {  	s10 =	sadd.s32 $0x10, s10;
	vm3 =	vmand vm2, vm0;
	s11 =	sadd.s32 s13, s11  }
0x109: {  	p4 =	slt.s32 s10, s2;
	v1 =	vld.msk [tilespmem:s11+$0x0], vm2  }
.Ltmp18:
0x10a: {  	_ = 	snop;
	(pc) =	sbr.rel @p4 .LBB1_16-.Ltmp18, $2  }
0x10b: {  	_ =	sdelay $0x2  }
0x10c: {  	[tilespmem:s9+$0x0 ss:$0x81] =	vst.msk vm3, v1  }
.LBB1_17:
.Ltmp19:
0x10d: {  	(pc) =	sbr.rel @p1 .LBB1_21-.Ltmp19, $3  }
0x10e: {  	_ =	sdelay $0x1  }
0x10f: {  	s9 =	sor.u32 $0x1, s12  }
0x110: {  	s16 =	smul.u32 $0x1020, s9  }
0x111: {  	s9 =	sand.u32 $0x40, s14;
	s10 =	sxor.u32 $0xFFFFFFFF, s12  }
0x112: {  	s13 =	sadd.s32 s9, s23;
	s11 =	sshra.s32 s16, $0x2;
	s15 =	sshll.u32 s10, $0x3  }
0x113: {  	s9 =	sor.u32 s20, s9;
	s10 =	sadd.s32 s11, s21;
	s17 =	sand.u32 $0x48, s15;
	v9 =	vld.msk [tilespmem:s13+$0x78], vm1  }
0x114: {  	s18 =	sxor.u32 $0x58, s9;
	s11 =	sxor.u32 $0x78, s9;
	s15 =	sxor.u32 $0x48, s9;
	v10 =	vld.msk [tilespmem:s13+$0x68], vm1  }
0x115: {  	s19 =	sxor.u32 $0x68, s9;
	v11 =	vld.msk [tilespmem:s13+$0x58], vm1;
	s9 =	sadd.s32 s11, s3;
	s11 =	sadd.s32 s15, s3  }
0x116: {  	v1 =	vld.msk [tilespmem:s11+$0x70], vm1  }
0x117: {  	v2 =	vld.msk [tilespmem:s11+$0x60], vm1  }
0x118: {  	v3 =	vld.msk [tilespmem:s11+$0x50], vm1;
	[tilespmem:s10+$0x0 ss:$0x81] =	vst.msk vm1, v9  }
0x119: {  	v4 =	vld.msk [tilespmem:s11+$0x40], vm1;
	[tilespmem:s10+$0x0 ss:$0x81] =	vst.msk vm1, v10  }
0x11a: {  	s19 =	sadd.s32 s19, s3;
	v5 =	vld.msk [tilespmem:s9+$0x0], vm1;
	[tilespmem:s10+$0x0 ss:$0x81] =	vst.msk vm1, v11  }
0x11b: {  	s18 =	sadd.s32 s18, s3;
	v6 =	vld.msk [tilespmem:s19+$0x0], vm1;
	[tilespmem:s10+$0x0 ss:$0x81] =	vst.msk vm1, v1  }
0x11c: {  	s17 =	sadd.s32 s17, s23;
	v7 =	vld.msk [tilespmem:s18+$0x0], vm1;
	[tilespmem:s10+$0x0 ss:$0x81] =	vst.msk vm1, v2  }
0x11d: {  	p4 =	sgt.s32 s8, $0x100;
	v8 =	vld.msk [tilespmem:s17+$0x0], vm1;
	[tilespmem:s10+$0x0 ss:$0x81] =	vst.msk vm1, v3  }
.Ltmp20:
0x11e: {  	s15 =	simm.s32 $0x0;
	[tilespmem:s10+$0x0 ss:$0x81] =	vst.msk vm1, v4;
	v1 =	vld.msk [tilespmem:s13+$0x48], vm1;
	(pc) =	sbr.rel @!p4 .LBB1_20-.Ltmp20, $4  }
0x11f: {  	[tilespmem:s10+$0x0 ss:$0x81] =	vst.msk vm1, v5;
	v2 =	vld.msk [tilespmem:s13+$0x38], vm1;
	v4 =	vor.u32 s15, v0  }
0x120: {  	[tilespmem:s10+$0x0 ss:$0x81] =	vst.msk vm1, v6;
	v3 =	vld.msk [tilespmem:s13+$0x28], vm1;
	vm3 =	vlt.u32 v4, $0x8  }
0x121: {  	[tilespmem:s10+$0x0 ss:$0x81] =	vst.msk vm1, v7;
	v4 =	vld.msk [tilespmem:s13+$0x18], vm1;
	vm2 =	vmand vm3, vm0  }
0x122: {  	[tilespmem:s10+$0x0 ss:$0x81] =	vst.msk vm1, v8;
	s15 =	simm.s32 $0x100;
	v5 =	vld.msk [tilespmem:s13+$0x8], vm3  }
.LBB1_19:
0x123: {  	v6 =	vld.msk [tilespmem:s11+$0x70], vm1;
	[tilespmem:s10+$0x0 ss:$0x81] =	vst.msk vm1, v1  }
0x124: {  	v1 =	vld.msk [tilespmem:s11+$0x60], vm1;
	[tilespmem:s10+$0x0 ss:$0x81] =	vst.msk vm1, v2  }
0x125: {  	v2 =	vld.msk [tilespmem:s11+$0x50], vm1;
	[tilespmem:s10+$0x0 ss:$0x81] =	vst.msk vm1, v3  }
0x126: {  	v3 =	vld.msk [tilespmem:s11+$0x40], vm1;
	[tilespmem:s10+$0x0 ss:$0x81] =	vst.msk vm1, v4  }
0x127: {  	v4 =	vld.msk [tilespmem:s9+$0x0], vm1;
	[tilespmem:s10+$0x0 ss:$0x81] =	vst.msk vm2, v5  }
0x128: {  	v5 =	vld.msk [tilespmem:s19+$0x0], vm1;
	[tilespmem:s10+$0x0 ss:$0x81] =	vst.msk vm1, v6  }
0x129: {  	v6 =	vld.msk [tilespmem:s18+$0x0], vm1;
	[tilespmem:s10+$0x0 ss:$0x81] =	vst.msk vm1, v1  }
0x12a: {  	v7 =	vld.msk [tilespmem:s17+$0x0], vm1;
	[tilespmem:s10+$0x0 ss:$0x81] =	vst.msk vm1, v2  }
0x12b: {  	v8 =	vld.msk [tilespmem:s13+$0x78], vm1;
	[tilespmem:s10+$0x0 ss:$0x81] =	vst.msk vm1, v3  }
0x12c: {  	v3 =	vor.u32 s15, v0;
	s15 =	sadd.s32 $0x100, s15;
	v9 =	vld.msk [tilespmem:s13+$0x68], vm1;
	[tilespmem:s10+$0x0 ss:$0x81] =	vst.msk vm1, v4  }
0x12d: {  	p4 =	slt.s32 s15, s8;
	v10 =	vld.msk [tilespmem:s13+$0x58], vm1;
	[tilespmem:s10+$0x0 ss:$0x81] =	vst.msk vm1, v5  }
.Ltmp21:
0x12e: {  	v1 =	vld.msk [tilespmem:s13+$0x48], vm1;
	[tilespmem:s10+$0x0 ss:$0x81] =	vst.msk vm1, v6;
	(pc) =	sbr.rel @p4 .LBB1_19-.Ltmp21, $4  }
0x12f: {  	v2 =	vld.msk [tilespmem:s13+$0x38], vm1;
	[tilespmem:s10+$0x0 ss:$0x81] =	vst.msk vm1, v7  }
0x130: {  	vm3 =	vlt.u32 v3, $0x8;
	v3 =	vld.msk [tilespmem:s13+$0x28], vm1;
	[tilespmem:s10+$0x0 ss:$0x81] =	vst.msk vm1, v8  }
0x131: {  	vm2 =	vmand vm3, vm0;
	v4 =	vld.msk [tilespmem:s13+$0x18], vm1;
	[tilespmem:s10+$0x0 ss:$0x81] =	vst.msk vm1, v9  }
0x132: {  	v5 =	vld.msk [tilespmem:s13+$0x8], vm3;
	[tilespmem:s10+$0x0 ss:$0x81] =	vst.msk vm1, v10  }
.LBB1_20:
0x133: {  	_ =	sdelay $0x4  }
0x134: {  	[tilespmem:s10+$0x0 ss:$0x81] =	vst.msk vm1, v1  }
0x135: {  	[tilespmem:s10+$0x0 ss:$0x81] =	vst.msk vm1, v2  }
0x136: {  	[tilespmem:s10+$0x0 ss:$0x81] =	vst.msk vm1, v3  }
0x137: {  	[tilespmem:s10+$0x0 ss:$0x81] =	vst.msk vm1, v4  }
0x138: {  	[tilespmem:s10+$0x0 ss:$0x81] =	vst.msk vm2, v5  }
.LBB1_21:
.Ltmp22:
0x139: {  	(pc) =	sbr.rel @p2 .LBB1_24-.Ltmp22, $1  }
0x13a: {  	_ =	sdelay $0x3  }
0x13b: {  	s9 =	sshra.s32 s16, $0x2  }
0x13c: {  	s10 =	smov.u32 s8;
	s9 =	sadd.s32 s9, s21  }
.LBB1_23:
0x13d: {  	s11 =	sshrl.u32 s10, $0x4  }
0x13e: {  	s11 =	sadd.s32 s12, s11  }
0x13f: {  	s11 =	sshll.u32 s11, $0x3  }
0x140: {  	v1 =	vor.u32 s10, v0;
	s11 =	sand.u32 $0x40, s11  }
0x141: {  	s13 =	sand.u32 $0x70, s10;
	vm2 =	vlt.u32 v1, $0x8;
	s11 =	sadd.s32 s11, s24  }
0x142: {  	s10 =	sadd.s32 $0x10, s10;
	vm3 =	vmand vm2, vm0;
	s11 =	sadd.s32 s13, s11  }
0x143: {  	p4 =	slt.s32 s10, s2;
	v1 =	vld.msk [tilespmem:s11+$0x8], vm2  }
.Ltmp23:
0x144: {  	_ = 	snop;
	(pc) =	sbr.rel @p4 .LBB1_23-.Ltmp23, $2  }
0x145: {  	_ =	sdelay $0x2  }
0x146: {  	[tilespmem:s9+$0x0 ss:$0x81] =	vst.msk vm3, v1  }
.LBB1_24:
.Ltmp24:
0x147: {  	(pc) =	sbr.rel @p1 .LBB1_28-.Ltmp24, $3  }
0x148: {  	_ =	sdelay $0x1  }
0x149: {  	s9 =	sor.u32 $0x2, s12  }
0x14a: {  	s16 =	smul.u32 $0x1020, s9  }
0x14b: {  	s9 =	sand.u32 $0x40, s14  }
0x14c: {  	s10 =	sxor.u32 $0xFFFFFFFF, s12;
	s13 =	sadd.s32 s9, s23  }
0x14d: {  	s15 =	sshll.u32 s10, $0x3;
	s9 =	sor.u32 s20, s9;
	v9 =	vld.msk [tilespmem:s13+$0x80], vm1  }
0x14e: {  	s19 =	sand.u32 $0x50, s15;
	s15 =	sxor.u32 $0x50, s9;
	v10 =	vld.msk [tilespmem:s13+$0x70], vm1  }
0x14f: {  	s18 =	sxor.u32 $0x70, s9;
	v11 =	vld.msk [tilespmem:s13+$0x60], vm1;
	s9 =	sadd.s32 s15, s3  }
0x150: {  	s11 =	sshra.s32 s16, $0x2;
	v1 =	vld.msk [tilespmem:s9+$0x70], vm1  }
0x151: {  	s10 =	sadd.s32 s11, s21;
	v2 =	vld.msk [tilespmem:s9+$0x60], vm1  }
0x152: {  	v3 =	vld.msk [tilespmem:s9+$0x50], vm1;
	[tilespmem:s10+$0x0 ss:$0x81] =	vst.msk vm1, v9  }
0x153: {  	v4 =	vld.msk [tilespmem:s9+$0x40], vm1;
	[tilespmem:s10+$0x0 ss:$0x81] =	vst.msk vm1, v10  }
0x154: {  	s18 =	sadd.s32 s18, s3;
	v5 =	vld.msk [tilespmem:s9+$0x30], vm1;
	[tilespmem:s10+$0x0 ss:$0x81] =	vst.msk vm1, v11  }
0x155: {  	v6 =	vld.msk [tilespmem:s18+$0x0], vm1;
	[tilespmem:s10+$0x0 ss:$0x81] =	vst.msk vm1, v1  }
0x156: {  	s17 =	sadd.s32 s19, s23;
	v7 =	vld.msk [tilespmem:s9+$0x10], vm1;
	[tilespmem:s10+$0x0 ss:$0x81] =	vst.msk vm1, v2  }
0x157: {  	p4 =	sgt.s32 s8, $0x100;
	v8 =	vld.msk [tilespmem:s17+$0x0], vm1;
	[tilespmem:s10+$0x0 ss:$0x81] =	vst.msk vm1, v3  }
.Ltmp25:
0x158: {  	s19 =	simm.s32 $0x0;
	[tilespmem:s10+$0x0 ss:$0x81] =	vst.msk vm1, v4;
	v1 =	vld.msk [tilespmem:s13+$0x50], vm1;
	(pc) =	sbr.rel @!p4 .LBB1_27-.Ltmp25, $4  }
0x159: {  	[tilespmem:s10+$0x0 ss:$0x81] =	vst.msk vm1, v5;
	v2 =	vld.msk [tilespmem:s13+$0x40], vm1;
	v4 =	vor.u32 s19, v0  }
0x15a: {  	[tilespmem:s10+$0x0 ss:$0x81] =	vst.msk vm1, v6;
	v3 =	vld.msk [tilespmem:s13+$0x30], vm1;
	vm3 =	vlt.u32 v4, $0x8  }
0x15b: {  	[tilespmem:s10+$0x0 ss:$0x81] =	vst.msk vm1, v7;
	v4 =	vld.msk [tilespmem:s13+$0x20], vm1;
	vm2 =	vmand vm3, vm0  }
0x15c: {  	s11 =	simm.s32 $0x100;
	[tilespmem:s10+$0x0 ss:$0x81] =	vst.msk vm1, v8;
	v5 =	vld.msk [tilespmem:s13+$0x10], vm3  }
.LBB1_26:
0x15d: {  	v6 =	vld.msk [tilespmem:s9+$0x70], vm1;
	[tilespmem:s10+$0x0 ss:$0x81] =	vst.msk vm1, v1  }
0x15e: {  	v1 =	vld.msk [tilespmem:s9+$0x60], vm1;
	[tilespmem:s10+$0x0 ss:$0x81] =	vst.msk vm1, v2  }
0x15f: {  	v2 =	vld.msk [tilespmem:s9+$0x50], vm1;
	[tilespmem:s10+$0x0 ss:$0x81] =	vst.msk vm1, v3  }
0x160: {  	v3 =	vld.msk [tilespmem:s9+$0x40], vm1;
	[tilespmem:s10+$0x0 ss:$0x81] =	vst.msk vm1, v4  }
0x161: {  	v4 =	vld.msk [tilespmem:s9+$0x30], vm1;
	[tilespmem:s10+$0x0 ss:$0x81] =	vst.msk vm2, v5  }
0x162: {  	v5 =	vld.msk [tilespmem:s18+$0x0], vm1;
	[tilespmem:s10+$0x0 ss:$0x81] =	vst.msk vm1, v6  }
0x163: {  	v6 =	vld.msk [tilespmem:s9+$0x10], vm1;
	[tilespmem:s10+$0x0 ss:$0x81] =	vst.msk vm1, v1  }
0x164: {  	v7 =	vld.msk [tilespmem:s17+$0x0], vm1;
	[tilespmem:s10+$0x0 ss:$0x81] =	vst.msk vm1, v2  }
0x165: {  	v8 =	vld.msk [tilespmem:s13+$0x80], vm1;
	[tilespmem:s10+$0x0 ss:$0x81] =	vst.msk vm1, v3  }
0x166: {  	v3 =	vor.u32 s11, v0;
	s11 =	sadd.s32 $0x100, s11;
	v9 =	vld.msk [tilespmem:s13+$0x70], vm1;
	[tilespmem:s10+$0x0 ss:$0x81] =	vst.msk vm1, v4  }
0x167: {  	p4 =	slt.s32 s11, s8;
	v10 =	vld.msk [tilespmem:s13+$0x60], vm1;
	[tilespmem:s10+$0x0 ss:$0x81] =	vst.msk vm1, v5  }
.Ltmp26:
0x168: {  	v1 =	vld.msk [tilespmem:s13+$0x50], vm1;
	[tilespmem:s10+$0x0 ss:$0x81] =	vst.msk vm1, v6;
	(pc) =	sbr.rel @p4 .LBB1_26-.Ltmp26, $4  }
0x169: {  	v2 =	vld.msk [tilespmem:s13+$0x40], vm1;
	[tilespmem:s10+$0x0 ss:$0x81] =	vst.msk vm1, v7  }
0x16a: {  	vm3 =	vlt.u32 v3, $0x8;
	v3 =	vld.msk [tilespmem:s13+$0x30], vm1;
	[tilespmem:s10+$0x0 ss:$0x81] =	vst.msk vm1, v8  }
0x16b: {  	vm2 =	vmand vm3, vm0;
	v4 =	vld.msk [tilespmem:s13+$0x20], vm1;
	[tilespmem:s10+$0x0 ss:$0x81] =	vst.msk vm1, v9  }
0x16c: {  	v5 =	vld.msk [tilespmem:s13+$0x10], vm3;
	[tilespmem:s10+$0x0 ss:$0x81] =	vst.msk vm1, v10  }
.LBB1_27:
0x16d: {  	_ =	sdelay $0x4  }
0x16e: {  	[tilespmem:s10+$0x0 ss:$0x81] =	vst.msk vm1, v1  }
0x16f: {  	[tilespmem:s10+$0x0 ss:$0x81] =	vst.msk vm1, v2  }
0x170: {  	[tilespmem:s10+$0x0 ss:$0x81] =	vst.msk vm1, v3  }
0x171: {  	[tilespmem:s10+$0x0 ss:$0x81] =	vst.msk vm1, v4  }
0x172: {  	[tilespmem:s10+$0x0 ss:$0x81] =	vst.msk vm2, v5  }
.LBB1_28:
.Ltmp27:
0x173: {  	(pc) =	sbr.rel @p2 .LBB1_31-.Ltmp27, $1  }
0x174: {  	_ =	sdelay $0x3  }
0x175: {  	s9 =	sshra.s32 s16, $0x2  }
0x176: {  	s10 =	smov.u32 s8;
	s9 =	sadd.s32 s9, s21  }
.LBB1_30:
0x177: {  	s11 =	sshrl.u32 s10, $0x4  }
0x178: {  	s11 =	sadd.s32 s12, s11  }
0x179: {  	s11 =	sshll.u32 s11, $0x3  }
0x17a: {  	v1 =	vor.u32 s10, v0;
	s11 =	sand.u32 $0x40, s11  }
0x17b: {  	s13 =	sand.u32 $0x70, s10;
	vm2 =	vlt.u32 v1, $0x8;
	s11 =	sadd.s32 s11, s24  }
0x17c: {  	s10 =	sadd.s32 $0x10, s10;
	vm3 =	vmand vm2, vm0;
	s11 =	sadd.s32 s13, s11  }
0x17d: {  	p4 =	slt.s32 s10, s2;
	v1 =	vld.msk [tilespmem:s11+$0x10], vm2  }
.Ltmp28:
0x17e: {  	_ = 	snop;
	(pc) =	sbr.rel @p4 .LBB1_30-.Ltmp28, $2  }
0x17f: {  	_ =	sdelay $0x2  }
0x180: {  	[tilespmem:s9+$0x0 ss:$0x81] =	vst.msk vm3, v1  }
.LBB1_31:
.Ltmp29:
0x181: {  	(pc) =	sbr.rel @p1 .LBB1_35-.Ltmp29, $3  }
0x182: {  	_ =	sdelay $0x1  }
0x183: {  	s9 =	sor.u32 $0x3, s12  }
0x184: {  	s16 =	smul.u32 $0x1020, s9  }
0x185: {  	s9 =	sand.u32 $0x40, s14  }
0x186: {  	s10 =	sxor.u32 $0xFFFFFFFF, s12;
	s13 =	sadd.s32 s9, s23  }
0x187: {  	s15 =	sshll.u32 s10, $0x3;
	s9 =	sor.u32 s20, s9;
	v9 =	vld.msk [tilespmem:s13+$0x88], vm1  }
0x188: {  	s19 =	sand.u32 $0x58, s15;
	s15 =	sxor.u32 $0x58, s9;
	v10 =	vld.msk [tilespmem:s13+$0x78], vm1  }
0x189: {  	s18 =	sxor.u32 $0x78, s9;
	v11 =	vld.msk [tilespmem:s13+$0x68], vm1;
	s9 =	sadd.s32 s15, s3  }
0x18a: {  	s11 =	sshra.s32 s16, $0x2;
	v1 =	vld.msk [tilespmem:s9+$0x70], vm1  }
0x18b: {  	s10 =	sadd.s32 s11, s21;
	v2 =	vld.msk [tilespmem:s9+$0x60], vm1  }
0x18c: {  	v3 =	vld.msk [tilespmem:s9+$0x50], vm1;
	[tilespmem:s10+$0x0 ss:$0x81] =	vst.msk vm1, v9  }
0x18d: {  	v4 =	vld.msk [tilespmem:s9+$0x40], vm1;
	[tilespmem:s10+$0x0 ss:$0x81] =	vst.msk vm1, v10  }
0x18e: {  	s18 =	sadd.s32 s18, s3;
	v5 =	vld.msk [tilespmem:s9+$0x30], vm1;
	[tilespmem:s10+$0x0 ss:$0x81] =	vst.msk vm1, v11  }
0x18f: {  	v6 =	vld.msk [tilespmem:s18+$0x0], vm1;
	[tilespmem:s10+$0x0 ss:$0x81] =	vst.msk vm1, v1  }
0x190: {  	s17 =	sadd.s32 s19, s23;
	v7 =	vld.msk [tilespmem:s9+$0x10], vm1;
	[tilespmem:s10+$0x0 ss:$0x81] =	vst.msk vm1, v2  }
0x191: {  	p4 =	sgt.s32 s8, $0x100;
	v8 =	vld.msk [tilespmem:s17+$0x0], vm1;
	[tilespmem:s10+$0x0 ss:$0x81] =	vst.msk vm1, v3  }
.Ltmp30:
0x192: {  	s19 =	simm.s32 $0x0;
	[tilespmem:s10+$0x0 ss:$0x81] =	vst.msk vm1, v4;
	v1 =	vld.msk [tilespmem:s13+$0x58], vm1;
	(pc) =	sbr.rel @!p4 .LBB1_34-.Ltmp30, $4  }
0x193: {  	[tilespmem:s10+$0x0 ss:$0x81] =	vst.msk vm1, v5;
	v2 =	vld.msk [tilespmem:s13+$0x48], vm1;
	v4 =	vor.u32 s19, v0  }
0x194: {  	[tilespmem:s10+$0x0 ss:$0x81] =	vst.msk vm1, v6;
	v3 =	vld.msk [tilespmem:s13+$0x38], vm1;
	vm3 =	vlt.u32 v4, $0x8  }
0x195: {  	[tilespmem:s10+$0x0 ss:$0x81] =	vst.msk vm1, v7;
	v4 =	vld.msk [tilespmem:s13+$0x28], vm1;
	vm2 =	vmand vm3, vm0  }
0x196: {  	s11 =	simm.s32 $0x100;
	[tilespmem:s10+$0x0 ss:$0x81] =	vst.msk vm1, v8;
	v5 =	vld.msk [tilespmem:s13+$0x18], vm3  }
.LBB1_33:
0x197: {  	v6 =	vld.msk [tilespmem:s9+$0x70], vm1;
	[tilespmem:s10+$0x0 ss:$0x81] =	vst.msk vm1, v1  }
0x198: {  	v1 =	vld.msk [tilespmem:s9+$0x60], vm1;
	[tilespmem:s10+$0x0 ss:$0x81] =	vst.msk vm1, v2  }
0x199: {  	v2 =	vld.msk [tilespmem:s9+$0x50], vm1;
	[tilespmem:s10+$0x0 ss:$0x81] =	vst.msk vm1, v3  }
0x19a: {  	v3 =	vld.msk [tilespmem:s9+$0x40], vm1;
	[tilespmem:s10+$0x0 ss:$0x81] =	vst.msk vm1, v4  }
0x19b: {  	v4 =	vld.msk [tilespmem:s9+$0x30], vm1;
	[tilespmem:s10+$0x0 ss:$0x81] =	vst.msk vm2, v5  }
0x19c: {  	v5 =	vld.msk [tilespmem:s18+$0x0], vm1;
	[tilespmem:s10+$0x0 ss:$0x81] =	vst.msk vm1, v6  }
0x19d: {  	v6 =	vld.msk [tilespmem:s9+$0x10], vm1;
	[tilespmem:s10+$0x0 ss:$0x81] =	vst.msk vm1, v1  }
0x19e: {  	v7 =	vld.msk [tilespmem:s17+$0x0], vm1;
	[tilespmem:s10+$0x0 ss:$0x81] =	vst.msk vm1, v2  }
0x19f: {  	v8 =	vld.msk [tilespmem:s13+$0x88], vm1;
	[tilespmem:s10+$0x0 ss:$0x81] =	vst.msk vm1, v3  }
0x1a0: {  	v3 =	vor.u32 s11, v0;
	s11 =	sadd.s32 $0x100, s11;
	v9 =	vld.msk [tilespmem:s13+$0x78], vm1;
	[tilespmem:s10+$0x0 ss:$0x81] =	vst.msk vm1, v4  }
0x1a1: {  	p4 =	slt.s32 s11, s8;
	v10 =	vld.msk [tilespmem:s13+$0x68], vm1;
	[tilespmem:s10+$0x0 ss:$0x81] =	vst.msk vm1, v5  }
.Ltmp31:
0x1a2: {  	v1 =	vld.msk [tilespmem:s13+$0x58], vm1;
	[tilespmem:s10+$0x0 ss:$0x81] =	vst.msk vm1, v6;
	(pc) =	sbr.rel @p4 .LBB1_33-.Ltmp31, $4  }
0x1a3: {  	v2 =	vld.msk [tilespmem:s13+$0x48], vm1;
	[tilespmem:s10+$0x0 ss:$0x81] =	vst.msk vm1, v7  }
0x1a4: {  	vm3 =	vlt.u32 v3, $0x8;
	v3 =	vld.msk [tilespmem:s13+$0x38], vm1;
	[tilespmem:s10+$0x0 ss:$0x81] =	vst.msk vm1, v8  }
0x1a5: {  	vm2 =	vmand vm3, vm0;
	v4 =	vld.msk [tilespmem:s13+$0x28], vm1;
	[tilespmem:s10+$0x0 ss:$0x81] =	vst.msk vm1, v9  }
0x1a6: {  	v5 =	vld.msk [tilespmem:s13+$0x18], vm3;
	[tilespmem:s10+$0x0 ss:$0x81] =	vst.msk vm1, v10  }
.LBB1_34:
0x1a7: {  	_ =	sdelay $0x4  }
0x1a8: {  	[tilespmem:s10+$0x0 ss:$0x81] =	vst.msk vm1, v1  }
0x1a9: {  	[tilespmem:s10+$0x0 ss:$0x81] =	vst.msk vm1, v2  }
0x1aa: {  	[tilespmem:s10+$0x0 ss:$0x81] =	vst.msk vm1, v3  }
0x1ab: {  	[tilespmem:s10+$0x0 ss:$0x81] =	vst.msk vm1, v4  }
0x1ac: {  	[tilespmem:s10+$0x0 ss:$0x81] =	vst.msk vm2, v5  }
.LBB1_35:
.Ltmp32:
0x1ad: {  	(pc) =	sbr.rel @p2 .LBB1_38-.Ltmp32, $1  }
0x1ae: {  	_ =	sdelay $0x3  }
0x1af: {  	s9 =	sshra.s32 s16, $0x2  }
0x1b0: {  	s10 =	smov.u32 s8;
	s9 =	sadd.s32 s9, s21  }
.LBB1_37:
0x1b1: {  	s11 =	sshrl.u32 s10, $0x4  }
0x1b2: {  	s11 =	sadd.s32 s12, s11  }
0x1b3: {  	s11 =	sshll.u32 s11, $0x3  }
0x1b4: {  	v1 =	vor.u32 s10, v0;
	s11 =	sand.u32 $0x40, s11  }
0x1b5: {  	s13 =	sand.u32 $0x70, s10;
	vm2 =	vlt.u32 v1, $0x8;
	s11 =	sadd.s32 s11, s24  }
0x1b6: {  	s10 =	sadd.s32 $0x10, s10;
	vm3 =	vmand vm2, vm0;
	s11 =	sadd.s32 s13, s11  }
0x1b7: {  	p4 =	slt.s32 s10, s2;
	v1 =	vld.msk [tilespmem:s11+$0x18], vm2  }
.Ltmp33:
0x1b8: {  	_ = 	snop;
	(pc) =	sbr.rel @p4 .LBB1_37-.Ltmp33, $2  }
0x1b9: {  	_ =	sdelay $0x2  }
0x1ba: {  	[tilespmem:s9+$0x0 ss:$0x81] =	vst.msk vm3, v1  }
.LBB1_38:
.Ltmp34:
0x1bb: {  	(pc) =	sbr.rel @p1 .LBB1_42-.Ltmp34, $3  }
0x1bc: {  	_ =	sdelay $0x1  }
0x1bd: {  	s9 =	sor.u32 $0x4, s12  }
0x1be: {  	s16 =	smul.u32 $0x1020, s9  }
0x1bf: {  	s9 =	sand.u32 $0x40, s14  }
0x1c0: {  	s13 =	sadd.s32 s9, s23  }
0x1c1: {  	s9 =	sor.u32 s20, s9;
	v9 =	vld.msk [tilespmem:s13+$0x90], vm1  }
0x1c2: {  	s10 =	sxor.u32 $0xFFFFFFFF, s12;
	s11 =	sshra.s32 s16, $0x2;
	s18 =	sxor.u32 $0x60, s9;
	v10 =	vld.msk [tilespmem:s13+$0x80], vm1  }
0x1c3: {  	s15 =	sshll.u32 s10, $0x3;
	s10 =	sadd.s32 s11, s21;
	v11 =	vld.msk [tilespmem:s13+$0x70], vm1;
	s11 =	sadd.s32 s18, s3  }
0x1c4: {  	v1 =	vld.msk [tilespmem:s11+$0x70], vm1  }
0x1c5: {  	v2 =	vld.msk [tilespmem:s11+$0x60], vm1  }
0x1c6: {  	v3 =	vld.msk [tilespmem:s11+$0x50], vm1;
	[tilespmem:s10+$0x0 ss:$0x81] =	vst.msk vm1, v9  }
0x1c7: {  	v4 =	vld.msk [tilespmem:s11+$0x40], vm1;
	[tilespmem:s10+$0x0 ss:$0x81] =	vst.msk vm1, v10  }
0x1c8: {  	s19 =	sand.u32 $0x60, s15;
	s15 =	sxor.u32 $0x70, s9;
	v5 =	vld.msk [tilespmem:s11+$0x30], vm1;
	[tilespmem:s10+$0x0 ss:$0x81] =	vst.msk vm1, v11  }
0x1c9: {  	s9 =	sadd.s32 s15, s3;
	v6 =	vld.msk [tilespmem:s11+$0x20], vm1;
	[tilespmem:s10+$0x0 ss:$0x81] =	vst.msk vm1, v1  }
0x1ca: {  	s17 =	sadd.s32 s19, s23;
	v7 =	vld.msk [tilespmem:s9+$0x0], vm1;
	[tilespmem:s10+$0x0 ss:$0x81] =	vst.msk vm1, v2  }
0x1cb: {  	p4 =	sgt.s32 s8, $0x100;
	v8 =	vld.msk [tilespmem:s17+$0x0], vm1;
	[tilespmem:s10+$0x0 ss:$0x81] =	vst.msk vm1, v3  }
.Ltmp35:
0x1cc: {  	s19 =	simm.s32 $0x0;
	[tilespmem:s10+$0x0 ss:$0x81] =	vst.msk vm1, v4;
	v1 =	vld.msk [tilespmem:s13+$0x60], vm1;
	(pc) =	sbr.rel @!p4 .LBB1_41-.Ltmp35, $4  }
0x1cd: {  	[tilespmem:s10+$0x0 ss:$0x81] =	vst.msk vm1, v5;
	v2 =	vld.msk [tilespmem:s13+$0x50], vm1;
	v4 =	vor.u32 s19, v0  }
0x1ce: {  	[tilespmem:s10+$0x0 ss:$0x81] =	vst.msk vm1, v6;
	v3 =	vld.msk [tilespmem:s13+$0x40], vm1;
	vm3 =	vlt.u32 v4, $0x8  }
0x1cf: {  	[tilespmem:s10+$0x0 ss:$0x81] =	vst.msk vm1, v7;
	v4 =	vld.msk [tilespmem:s13+$0x30], vm1;
	vm2 =	vmand vm3, vm0  }
0x1d0: {  	s15 =	simm.s32 $0x100;
	[tilespmem:s10+$0x0 ss:$0x81] =	vst.msk vm1, v8;
	v5 =	vld.msk [tilespmem:s13+$0x20], vm3  }
.LBB1_40:
0x1d1: {  	v6 =	vld.msk [tilespmem:s11+$0x70], vm1;
	[tilespmem:s10+$0x0 ss:$0x81] =	vst.msk vm1, v1  }
0x1d2: {  	v1 =	vld.msk [tilespmem:s11+$0x60], vm1;
	[tilespmem:s10+$0x0 ss:$0x81] =	vst.msk vm1, v2  }
0x1d3: {  	v2 =	vld.msk [tilespmem:s11+$0x50], vm1;
	[tilespmem:s10+$0x0 ss:$0x81] =	vst.msk vm1, v3  }
0x1d4: {  	v3 =	vld.msk [tilespmem:s11+$0x40], vm1;
	[tilespmem:s10+$0x0 ss:$0x81] =	vst.msk vm1, v4  }
0x1d5: {  	v4 =	vld.msk [tilespmem:s11+$0x30], vm1;
	[tilespmem:s10+$0x0 ss:$0x81] =	vst.msk vm2, v5  }
0x1d6: {  	v5 =	vld.msk [tilespmem:s11+$0x20], vm1;
	[tilespmem:s10+$0x0 ss:$0x81] =	vst.msk vm1, v6  }
0x1d7: {  	v6 =	vld.msk [tilespmem:s9+$0x0], vm1;
	[tilespmem:s10+$0x0 ss:$0x81] =	vst.msk vm1, v1  }
0x1d8: {  	v7 =	vld.msk [tilespmem:s17+$0x0], vm1;
	[tilespmem:s10+$0x0 ss:$0x81] =	vst.msk vm1, v2  }
0x1d9: {  	v8 =	vld.msk [tilespmem:s13+$0x90], vm1;
	[tilespmem:s10+$0x0 ss:$0x81] =	vst.msk vm1, v3  }
0x1da: {  	v3 =	vor.u32 s15, v0;
	s15 =	sadd.s32 $0x100, s15;
	v9 =	vld.msk [tilespmem:s13+$0x80], vm1;
	[tilespmem:s10+$0x0 ss:$0x81] =	vst.msk vm1, v4  }
0x1db: {  	p4 =	slt.s32 s15, s8;
	v10 =	vld.msk [tilespmem:s13+$0x70], vm1;
	[tilespmem:s10+$0x0 ss:$0x81] =	vst.msk vm1, v5  }
.Ltmp36:
0x1dc: {  	v1 =	vld.msk [tilespmem:s13+$0x60], vm1;
	[tilespmem:s10+$0x0 ss:$0x81] =	vst.msk vm1, v6;
	(pc) =	sbr.rel @p4 .LBB1_40-.Ltmp36, $4  }
0x1dd: {  	v2 =	vld.msk [tilespmem:s13+$0x50], vm1;
	[tilespmem:s10+$0x0 ss:$0x81] =	vst.msk vm1, v7  }
0x1de: {  	vm3 =	vlt.u32 v3, $0x8;
	v3 =	vld.msk [tilespmem:s13+$0x40], vm1;
	[tilespmem:s10+$0x0 ss:$0x81] =	vst.msk vm1, v8  }
0x1df: {  	vm2 =	vmand vm3, vm0;
	v4 =	vld.msk [tilespmem:s13+$0x30], vm1;
	[tilespmem:s10+$0x0 ss:$0x81] =	vst.msk vm1, v9  }
0x1e0: {  	v5 =	vld.msk [tilespmem:s13+$0x20], vm3;
	[tilespmem:s10+$0x0 ss:$0x81] =	vst.msk vm1, v10  }
.LBB1_41:
0x1e1: {  	_ =	sdelay $0x4  }
0x1e2: {  	[tilespmem:s10+$0x0 ss:$0x81] =	vst.msk vm1, v1  }
0x1e3: {  	[tilespmem:s10+$0x0 ss:$0x81] =	vst.msk vm1, v2  }
0x1e4: {  	[tilespmem:s10+$0x0 ss:$0x81] =	vst.msk vm1, v3  }
0x1e5: {  	[tilespmem:s10+$0x0 ss:$0x81] =	vst.msk vm1, v4  }
0x1e6: {  	[tilespmem:s10+$0x0 ss:$0x81] =	vst.msk vm2, v5  }
.LBB1_42:
.Ltmp37:
0x1e7: {  	(pc) =	sbr.rel @p2 .LBB1_45-.Ltmp37, $1  }
0x1e8: {  	_ =	sdelay $0x3  }
0x1e9: {  	s9 =	sshra.s32 s16, $0x2  }
0x1ea: {  	s10 =	smov.u32 s8;
	s9 =	sadd.s32 s9, s21  }
.LBB1_44:
0x1eb: {  	s11 =	sshrl.u32 s10, $0x4  }
0x1ec: {  	s11 =	sadd.s32 s12, s11  }
0x1ed: {  	s11 =	sshll.u32 s11, $0x3  }
0x1ee: {  	v1 =	vor.u32 s10, v0;
	s11 =	sand.u32 $0x40, s11  }
0x1ef: {  	s13 =	sand.u32 $0x70, s10;
	vm2 =	vlt.u32 v1, $0x8;
	s11 =	sadd.s32 s11, s24  }
0x1f0: {  	s10 =	sadd.s32 $0x10, s10;
	vm3 =	vmand vm2, vm0;
	s11 =	sadd.s32 s13, s11  }
0x1f1: {  	p4 =	slt.s32 s10, s2;
	v1 =	vld.msk [tilespmem:s11+$0x20], vm2  }
.Ltmp38:
0x1f2: {  	_ = 	snop;
	(pc) =	sbr.rel @p4 .LBB1_44-.Ltmp38, $2  }
0x1f3: {  	_ =	sdelay $0x2  }
0x1f4: {  	[tilespmem:s9+$0x0 ss:$0x81] =	vst.msk vm3, v1  }
.LBB1_45:
.Ltmp39:
0x1f5: {  	(pc) =	sbr.rel @p1 .LBB1_49-.Ltmp39, $3  }
0x1f6: {  	_ =	sdelay $0x1  }
0x1f7: {  	s9 =	sor.u32 $0x5, s12  }
0x1f8: {  	s16 =	smul.u32 $0x1020, s9  }
0x1f9: {  	s9 =	sand.u32 $0x40, s14  }
0x1fa: {  	s13 =	sadd.s32 s9, s23  }
0x1fb: {  	s9 =	sor.u32 s20, s9;
	v9 =	vld.msk [tilespmem:s13+$0x98], vm1  }
0x1fc: {  	s10 =	sxor.u32 $0xFFFFFFFF, s12;
	s11 =	sshra.s32 s16, $0x2;
	s18 =	sxor.u32 $0x68, s9;
	v10 =	vld.msk [tilespmem:s13+$0x88], vm1  }
0x1fd: {  	s15 =	sshll.u32 s10, $0x3;
	s10 =	sadd.s32 s11, s21;
	v11 =	vld.msk [tilespmem:s13+$0x78], vm1;
	s11 =	sadd.s32 s18, s3  }
0x1fe: {  	v1 =	vld.msk [tilespmem:s11+$0x70], vm1  }
0x1ff: {  	v2 =	vld.msk [tilespmem:s11+$0x60], vm1  }
0x200: {  	v3 =	vld.msk [tilespmem:s11+$0x50], vm1;
	[tilespmem:s10+$0x0 ss:$0x81] =	vst.msk vm1, v9  }
0x201: {  	v4 =	vld.msk [tilespmem:s11+$0x40], vm1;
	[tilespmem:s10+$0x0 ss:$0x81] =	vst.msk vm1, v10  }
0x202: {  	s19 =	sand.u32 $0x68, s15;
	s15 =	sxor.u32 $0x78, s9;
	v5 =	vld.msk [tilespmem:s11+$0x30], vm1;
	[tilespmem:s10+$0x0 ss:$0x81] =	vst.msk vm1, v11  }
0x203: {  	s9 =	sadd.s32 s15, s3;
	v6 =	vld.msk [tilespmem:s11+$0x20], vm1;
	[tilespmem:s10+$0x0 ss:$0x81] =	vst.msk vm1, v1  }
0x204: {  	s17 =	sadd.s32 s19, s23;
	v7 =	vld.msk [tilespmem:s9+$0x0], vm1;
	[tilespmem:s10+$0x0 ss:$0x81] =	vst.msk vm1, v2  }
0x205: {  	p4 =	sgt.s32 s8, $0x100;
	v8 =	vld.msk [tilespmem:s17+$0x0], vm1;
	[tilespmem:s10+$0x0 ss:$0x81] =	vst.msk vm1, v3  }
.Ltmp40:
0x206: {  	s19 =	simm.s32 $0x0;
	[tilespmem:s10+$0x0 ss:$0x81] =	vst.msk vm1, v4;
	v1 =	vld.msk [tilespmem:s13+$0x68], vm1;
	(pc) =	sbr.rel @!p4 .LBB1_48-.Ltmp40, $4  }
0x207: {  	[tilespmem:s10+$0x0 ss:$0x81] =	vst.msk vm1, v5;
	v2 =	vld.msk [tilespmem:s13+$0x58], vm1;
	v4 =	vor.u32 s19, v0  }
0x208: {  	[tilespmem:s10+$0x0 ss:$0x81] =	vst.msk vm1, v6;
	v3 =	vld.msk [tilespmem:s13+$0x48], vm1;
	vm3 =	vlt.u32 v4, $0x8  }
0x209: {  	[tilespmem:s10+$0x0 ss:$0x81] =	vst.msk vm1, v7;
	v4 =	vld.msk [tilespmem:s13+$0x38], vm1;
	vm2 =	vmand vm3, vm0  }
0x20a: {  	s15 =	simm.s32 $0x100;
	[tilespmem:s10+$0x0 ss:$0x81] =	vst.msk vm1, v8;
	v5 =	vld.msk [tilespmem:s13+$0x28], vm3  }
.LBB1_47:
0x20b: {  	v6 =	vld.msk [tilespmem:s11+$0x70], vm1;
	[tilespmem:s10+$0x0 ss:$0x81] =	vst.msk vm1, v1  }
0x20c: {  	v1 =	vld.msk [tilespmem:s11+$0x60], vm1;
	[tilespmem:s10+$0x0 ss:$0x81] =	vst.msk vm1, v2  }
0x20d: {  	v2 =	vld.msk [tilespmem:s11+$0x50], vm1;
	[tilespmem:s10+$0x0 ss:$0x81] =	vst.msk vm1, v3  }
0x20e: {  	v3 =	vld.msk [tilespmem:s11+$0x40], vm1;
	[tilespmem:s10+$0x0 ss:$0x81] =	vst.msk vm1, v4  }
0x20f: {  	v4 =	vld.msk [tilespmem:s11+$0x30], vm1;
	[tilespmem:s10+$0x0 ss:$0x81] =	vst.msk vm2, v5  }
0x210: {  	v5 =	vld.msk [tilespmem:s11+$0x20], vm1;
	[tilespmem:s10+$0x0 ss:$0x81] =	vst.msk vm1, v6  }
0x211: {  	v6 =	vld.msk [tilespmem:s9+$0x0], vm1;
	[tilespmem:s10+$0x0 ss:$0x81] =	vst.msk vm1, v1  }
0x212: {  	v7 =	vld.msk [tilespmem:s17+$0x0], vm1;
	[tilespmem:s10+$0x0 ss:$0x81] =	vst.msk vm1, v2  }
0x213: {  	v8 =	vld.msk [tilespmem:s13+$0x98], vm1;
	[tilespmem:s10+$0x0 ss:$0x81] =	vst.msk vm1, v3  }
0x214: {  	v3 =	vor.u32 s15, v0;
	s15 =	sadd.s32 $0x100, s15;
	v9 =	vld.msk [tilespmem:s13+$0x88], vm1;
	[tilespmem:s10+$0x0 ss:$0x81] =	vst.msk vm1, v4  }
0x215: {  	p4 =	slt.s32 s15, s8;
	v10 =	vld.msk [tilespmem:s13+$0x78], vm1;
	[tilespmem:s10+$0x0 ss:$0x81] =	vst.msk vm1, v5  }
.Ltmp41:
0x216: {  	v1 =	vld.msk [tilespmem:s13+$0x68], vm1;
	[tilespmem:s10+$0x0 ss:$0x81] =	vst.msk vm1, v6;
	(pc) =	sbr.rel @p4 .LBB1_47-.Ltmp41, $4  }
0x217: {  	v2 =	vld.msk [tilespmem:s13+$0x58], vm1;
	[tilespmem:s10+$0x0 ss:$0x81] =	vst.msk vm1, v7  }
0x218: {  	vm3 =	vlt.u32 v3, $0x8;
	v3 =	vld.msk [tilespmem:s13+$0x48], vm1;
	[tilespmem:s10+$0x0 ss:$0x81] =	vst.msk vm1, v8  }
0x219: {  	vm2 =	vmand vm3, vm0;
	v4 =	vld.msk [tilespmem:s13+$0x38], vm1;
	[tilespmem:s10+$0x0 ss:$0x81] =	vst.msk vm1, v9  }
0x21a: {  	v5 =	vld.msk [tilespmem:s13+$0x28], vm3;
	[tilespmem:s10+$0x0 ss:$0x81] =	vst.msk vm1, v10  }
.LBB1_48:
0x21b: {  	_ =	sdelay $0x4  }
0x21c: {  	[tilespmem:s10+$0x0 ss:$0x81] =	vst.msk vm1, v1  }
0x21d: {  	[tilespmem:s10+$0x0 ss:$0x81] =	vst.msk vm1, v2  }
0x21e: {  	[tilespmem:s10+$0x0 ss:$0x81] =	vst.msk vm1, v3  }
0x21f: {  	[tilespmem:s10+$0x0 ss:$0x81] =	vst.msk vm1, v4  }
0x220: {  	[tilespmem:s10+$0x0 ss:$0x81] =	vst.msk vm2, v5  }
.LBB1_49:
.Ltmp42:
0x221: {  	(pc) =	sbr.rel @p2 .LBB1_52-.Ltmp42, $1  }
0x222: {  	_ =	sdelay $0x3  }
0x223: {  	s9 =	sshra.s32 s16, $0x2  }
0x224: {  	s10 =	smov.u32 s8;
	s9 =	sadd.s32 s9, s21  }
.LBB1_51:
0x225: {  	s11 =	sshrl.u32 s10, $0x4  }
0x226: {  	s11 =	sadd.s32 s12, s11  }
0x227: {  	s11 =	sshll.u32 s11, $0x3  }
0x228: {  	v1 =	vor.u32 s10, v0;
	s11 =	sand.u32 $0x40, s11  }
0x229: {  	s13 =	sand.u32 $0x70, s10;
	vm2 =	vlt.u32 v1, $0x8;
	s11 =	sadd.s32 s11, s24  }
0x22a: {  	s10 =	sadd.s32 $0x10, s10;
	vm3 =	vmand vm2, vm0;
	s11 =	sadd.s32 s13, s11  }
0x22b: {  	p4 =	slt.s32 s10, s2;
	v1 =	vld.msk [tilespmem:s11+$0x28], vm2  }
.Ltmp43:
0x22c: {  	_ = 	snop;
	(pc) =	sbr.rel @p4 .LBB1_51-.Ltmp43, $2  }
0x22d: {  	_ =	sdelay $0x2  }
0x22e: {  	[tilespmem:s9+$0x0 ss:$0x81] =	vst.msk vm3, v1  }
.LBB1_52:
.Ltmp44:
0x22f: {  	(pc) =	sbr.rel @p1 .LBB1_56-.Ltmp44, $3  }
0x230: {  	_ =	sdelay $0x1  }
0x231: {  	s9 =	sor.u32 $0x6, s12  }
0x232: {  	s16 =	smul.u32 $0x1020, s9  }
0x233: {  	s9 =	sand.u32 $0x40, s14  }
0x234: {  	s13 =	sadd.s32 s9, s23  }
0x235: {  	s9 =	sor.u32 s20, s9;
	v9 =	vld.msk [tilespmem:s13+$0xA0], vm1  }
0x236: {  	s10 =	sxor.u32 $0xFFFFFFFF, s12;
	s11 =	sshra.s32 s16, $0x2;
	s18 =	sxor.u32 $0x70, s9;
	v10 =	vld.msk [tilespmem:s13+$0x90], vm1  }
0x237: {  	s15 =	sshll.u32 s10, $0x3;
	s10 =	sadd.s32 s11, s21;
	v11 =	vld.msk [tilespmem:s13+$0x80], vm1;
	s11 =	sadd.s32 s18, s3  }
0x238: {  	v1 =	vld.msk [tilespmem:s11+$0x70], vm1  }
0x239: {  	v2 =	vld.msk [tilespmem:s11+$0x60], vm1  }
0x23a: {  	v3 =	vld.msk [tilespmem:s11+$0x50], vm1;
	[tilespmem:s10+$0x0 ss:$0x81] =	vst.msk vm1, v9  }
0x23b: {  	v4 =	vld.msk [tilespmem:s11+$0x40], vm1;
	[tilespmem:s10+$0x0 ss:$0x81] =	vst.msk vm1, v10  }
0x23c: {  	v5 =	vld.msk [tilespmem:s11+$0x30], vm1;
	[tilespmem:s10+$0x0 ss:$0x81] =	vst.msk vm1, v11  }
0x23d: {  	s17 =	sand.u32 $0x70, s15;
	v6 =	vld.msk [tilespmem:s11+$0x20], vm1;
	[tilespmem:s10+$0x0 ss:$0x81] =	vst.msk vm1, v1  }
0x23e: {  	s9 =	sadd.s32 s17, s23;
	v7 =	vld.msk [tilespmem:s11+$0x10], vm1;
	[tilespmem:s10+$0x0 ss:$0x81] =	vst.msk vm1, v2  }
0x23f: {  	p4 =	sgt.s32 s8, $0x100;
	v8 =	vld.msk [tilespmem:s9+$0x0], vm1;
	[tilespmem:s10+$0x0 ss:$0x81] =	vst.msk vm1, v3  }
.Ltmp45:
0x240: {  	s19 =	simm.s32 $0x0;
	[tilespmem:s10+$0x0 ss:$0x81] =	vst.msk vm1, v4;
	v1 =	vld.msk [tilespmem:s13+$0x70], vm1;
	(pc) =	sbr.rel @!p4 .LBB1_55-.Ltmp45, $4  }
0x241: {  	[tilespmem:s10+$0x0 ss:$0x81] =	vst.msk vm1, v5;
	v2 =	vld.msk [tilespmem:s13+$0x60], vm1;
	v4 =	vor.u32 s19, v0  }
0x242: {  	[tilespmem:s10+$0x0 ss:$0x81] =	vst.msk vm1, v6;
	v3 =	vld.msk [tilespmem:s13+$0x50], vm1;
	vm3 =	vlt.u32 v4, $0x8  }
0x243: {  	[tilespmem:s10+$0x0 ss:$0x81] =	vst.msk vm1, v7;
	v4 =	vld.msk [tilespmem:s13+$0x40], vm1;
	vm2 =	vmand vm3, vm0  }
0x244: {  	s15 =	simm.s32 $0x100;
	[tilespmem:s10+$0x0 ss:$0x81] =	vst.msk vm1, v8;
	v5 =	vld.msk [tilespmem:s13+$0x30], vm3  }
.LBB1_54:
0x245: {  	v6 =	vld.msk [tilespmem:s11+$0x70], vm1;
	[tilespmem:s10+$0x0 ss:$0x81] =	vst.msk vm1, v1  }
0x246: {  	v1 =	vld.msk [tilespmem:s11+$0x60], vm1;
	[tilespmem:s10+$0x0 ss:$0x81] =	vst.msk vm1, v2  }
0x247: {  	v2 =	vld.msk [tilespmem:s11+$0x50], vm1;
	[tilespmem:s10+$0x0 ss:$0x81] =	vst.msk vm1, v3  }
0x248: {  	v3 =	vld.msk [tilespmem:s11+$0x40], vm1;
	[tilespmem:s10+$0x0 ss:$0x81] =	vst.msk vm1, v4  }
0x249: {  	v4 =	vld.msk [tilespmem:s11+$0x30], vm1;
	[tilespmem:s10+$0x0 ss:$0x81] =	vst.msk vm2, v5  }
0x24a: {  	v5 =	vld.msk [tilespmem:s11+$0x20], vm1;
	[tilespmem:s10+$0x0 ss:$0x81] =	vst.msk vm1, v6  }
0x24b: {  	v6 =	vld.msk [tilespmem:s11+$0x10], vm1;
	[tilespmem:s10+$0x0 ss:$0x81] =	vst.msk vm1, v1  }
0x24c: {  	v7 =	vld.msk [tilespmem:s9+$0x0], vm1;
	[tilespmem:s10+$0x0 ss:$0x81] =	vst.msk vm1, v2  }
0x24d: {  	v8 =	vld.msk [tilespmem:s13+$0xA0], vm1;
	[tilespmem:s10+$0x0 ss:$0x81] =	vst.msk vm1, v3  }
0x24e: {  	v3 =	vor.u32 s15, v0;
	s15 =	sadd.s32 $0x100, s15;
	v9 =	vld.msk [tilespmem:s13+$0x90], vm1;
	[tilespmem:s10+$0x0 ss:$0x81] =	vst.msk vm1, v4  }
0x24f: {  	p4 =	slt.s32 s15, s8;
	v10 =	vld.msk [tilespmem:s13+$0x80], vm1;
	[tilespmem:s10+$0x0 ss:$0x81] =	vst.msk vm1, v5  }
.Ltmp46:
0x250: {  	v1 =	vld.msk [tilespmem:s13+$0x70], vm1;
	[tilespmem:s10+$0x0 ss:$0x81] =	vst.msk vm1, v6;
	(pc) =	sbr.rel @p4 .LBB1_54-.Ltmp46, $4  }
0x251: {  	v2 =	vld.msk [tilespmem:s13+$0x60], vm1;
	[tilespmem:s10+$0x0 ss:$0x81] =	vst.msk vm1, v7  }
0x252: {  	vm3 =	vlt.u32 v3, $0x8;
	v3 =	vld.msk [tilespmem:s13+$0x50], vm1;
	[tilespmem:s10+$0x0 ss:$0x81] =	vst.msk vm1, v8  }
0x253: {  	vm2 =	vmand vm3, vm0;
	v4 =	vld.msk [tilespmem:s13+$0x40], vm1;
	[tilespmem:s10+$0x0 ss:$0x81] =	vst.msk vm1, v9  }
0x254: {  	v5 =	vld.msk [tilespmem:s13+$0x30], vm3;
	[tilespmem:s10+$0x0 ss:$0x81] =	vst.msk vm1, v10  }
.LBB1_55:
0x255: {  	_ =	sdelay $0x4  }
0x256: {  	[tilespmem:s10+$0x0 ss:$0x81] =	vst.msk vm1, v1  }
0x257: {  	[tilespmem:s10+$0x0 ss:$0x81] =	vst.msk vm1, v2  }
0x258: {  	[tilespmem:s10+$0x0 ss:$0x81] =	vst.msk vm1, v3  }
0x259: {  	[tilespmem:s10+$0x0 ss:$0x81] =	vst.msk vm1, v4  }
0x25a: {  	[tilespmem:s10+$0x0 ss:$0x81] =	vst.msk vm2, v5  }
.LBB1_56:
.Ltmp47:
0x25b: {  	(pc) =	sbr.rel @p2 .LBB1_59-.Ltmp47, $1  }
0x25c: {  	_ =	sdelay $0x3  }
0x25d: {  	s9 =	sshra.s32 s16, $0x2  }
0x25e: {  	s10 =	smov.u32 s8;
	s9 =	sadd.s32 s9, s21  }
.LBB1_58:
0x25f: {  	s11 =	sshrl.u32 s10, $0x4  }
0x260: {  	s11 =	sadd.s32 s12, s11  }
0x261: {  	s11 =	sshll.u32 s11, $0x3  }
0x262: {  	v1 =	vor.u32 s10, v0;
	s11 =	sand.u32 $0x40, s11  }
0x263: {  	s13 =	sand.u32 $0x70, s10;
	vm2 =	vlt.u32 v1, $0x8;
	s11 =	sadd.s32 s11, s24  }
0x264: {  	s10 =	sadd.s32 $0x10, s10;
	vm3 =	vmand vm2, vm0;
	s11 =	sadd.s32 s13, s11  }
0x265: {  	p4 =	slt.s32 s10, s2;
	v1 =	vld.msk [tilespmem:s11+$0x30], vm2  }
.Ltmp48:
0x266: {  	_ = 	snop;
	(pc) =	sbr.rel @p4 .LBB1_58-.Ltmp48, $2  }
0x267: {  	_ =	sdelay $0x2  }
0x268: {  	[tilespmem:s9+$0x0 ss:$0x81] =	vst.msk vm3, v1  }
.LBB1_59:
.Ltmp49:
0x269: {  	(pc) =	sbr.rel @p1 .LBB1_63-.Ltmp49, $3  }
0x26a: {  	_ =	sdelay $0x1  }
0x26b: {  	s9 =	sor.u32 $0x7, s12  }
0x26c: {  	s16 =	smul.u32 $0x1020, s9  }
0x26d: {  	s9 =	sand.u32 $0x40, s14  }
0x26e: {  	s13 =	sadd.s32 s9, s23  }
0x26f: {  	s9 =	sor.u32 s20, s9;
	v9 =	vld.msk [tilespmem:s13+$0xA8], vm1  }
0x270: {  	s10 =	sxor.u32 $0xFFFFFFFF, s12;
	s11 =	sshra.s32 s16, $0x2;
	s18 =	sxor.u32 $0x78, s9;
	v10 =	vld.msk [tilespmem:s13+$0x98], vm1  }
0x271: {  	s15 =	sshll.u32 s10, $0x3;
	s10 =	sadd.s32 s11, s21;
	v11 =	vld.msk [tilespmem:s13+$0x88], vm1;
	s11 =	sadd.s32 s18, s3  }
0x272: {  	v1 =	vld.msk [tilespmem:s11+$0x70], vm1  }
0x273: {  	v2 =	vld.msk [tilespmem:s11+$0x60], vm1  }
0x274: {  	v3 =	vld.msk [tilespmem:s11+$0x50], vm1;
	[tilespmem:s10+$0x0 ss:$0x81] =	vst.msk vm1, v9  }
0x275: {  	v4 =	vld.msk [tilespmem:s11+$0x40], vm1;
	[tilespmem:s10+$0x0 ss:$0x81] =	vst.msk vm1, v10  }
0x276: {  	v5 =	vld.msk [tilespmem:s11+$0x30], vm1;
	[tilespmem:s10+$0x0 ss:$0x81] =	vst.msk vm1, v11  }
0x277: {  	s17 =	sand.u32 $0x78, s15;
	v6 =	vld.msk [tilespmem:s11+$0x20], vm1;
	[tilespmem:s10+$0x0 ss:$0x81] =	vst.msk vm1, v1  }
0x278: {  	s9 =	sadd.s32 s17, s23;
	v7 =	vld.msk [tilespmem:s11+$0x10], vm1;
	[tilespmem:s10+$0x0 ss:$0x81] =	vst.msk vm1, v2  }
0x279: {  	p4 =	sgt.s32 s8, $0x100;
	v8 =	vld.msk [tilespmem:s9+$0x0], vm1;
	[tilespmem:s10+$0x0 ss:$0x81] =	vst.msk vm1, v3  }
.Ltmp50:
0x27a: {  	s19 =	simm.s32 $0x0;
	[tilespmem:s10+$0x0 ss:$0x81] =	vst.msk vm1, v4;
	v1 =	vld.msk [tilespmem:s13+$0x78], vm1;
	(pc) =	sbr.rel @!p4 .LBB1_62-.Ltmp50, $4  }
0x27b: {  	[tilespmem:s10+$0x0 ss:$0x81] =	vst.msk vm1, v5;
	v2 =	vld.msk [tilespmem:s13+$0x68], vm1;
	v4 =	vor.u32 s19, v0  }
0x27c: {  	[tilespmem:s10+$0x0 ss:$0x81] =	vst.msk vm1, v6;
	v3 =	vld.msk [tilespmem:s13+$0x58], vm1;
	vm3 =	vlt.u32 v4, $0x8  }
0x27d: {  	[tilespmem:s10+$0x0 ss:$0x81] =	vst.msk vm1, v7;
	v4 =	vld.msk [tilespmem:s13+$0x48], vm1;
	vm2 =	vmand vm3, vm0  }
0x27e: {  	s14 =	simm.s32 $0x100;
	[tilespmem:s10+$0x0 ss:$0x81] =	vst.msk vm1, v8;
	v5 =	vld.msk [tilespmem:s13+$0x38], vm3  }
.LBB1_61:
0x27f: {  	v6 =	vld.msk [tilespmem:s11+$0x70], vm1;
	[tilespmem:s10+$0x0 ss:$0x81] =	vst.msk vm1, v1  }
0x280: {  	v1 =	vld.msk [tilespmem:s11+$0x60], vm1;
	[tilespmem:s10+$0x0 ss:$0x81] =	vst.msk vm1, v2  }
0x281: {  	v2 =	vld.msk [tilespmem:s11+$0x50], vm1;
	[tilespmem:s10+$0x0 ss:$0x81] =	vst.msk vm1, v3  }
0x282: {  	v3 =	vld.msk [tilespmem:s11+$0x40], vm1;
	[tilespmem:s10+$0x0 ss:$0x81] =	vst.msk vm1, v4  }
0x283: {  	v4 =	vld.msk [tilespmem:s11+$0x30], vm1;
	[tilespmem:s10+$0x0 ss:$0x81] =	vst.msk vm2, v5  }
0x284: {  	v5 =	vld.msk [tilespmem:s11+$0x20], vm1;
	[tilespmem:s10+$0x0 ss:$0x81] =	vst.msk vm1, v6  }
0x285: {  	v6 =	vld.msk [tilespmem:s11+$0x10], vm1;
	[tilespmem:s10+$0x0 ss:$0x81] =	vst.msk vm1, v1  }
0x286: {  	v7 =	vld.msk [tilespmem:s9+$0x0], vm1;
	[tilespmem:s10+$0x0 ss:$0x81] =	vst.msk vm1, v2  }
0x287: {  	v8 =	vld.msk [tilespmem:s13+$0xA8], vm1;
	[tilespmem:s10+$0x0 ss:$0x81] =	vst.msk vm1, v3  }
0x288: {  	v3 =	vor.u32 s14, v0;
	s14 =	sadd.s32 $0x100, s14;
	v9 =	vld.msk [tilespmem:s13+$0x98], vm1;
	[tilespmem:s10+$0x0 ss:$0x81] =	vst.msk vm1, v4  }
0x289: {  	p4 =	slt.s32 s14, s8;
	v10 =	vld.msk [tilespmem:s13+$0x88], vm1;
	[tilespmem:s10+$0x0 ss:$0x81] =	vst.msk vm1, v5  }
.Ltmp51:
0x28a: {  	v1 =	vld.msk [tilespmem:s13+$0x78], vm1;
	[tilespmem:s10+$0x0 ss:$0x81] =	vst.msk vm1, v6;
	(pc) =	sbr.rel @p4 .LBB1_61-.Ltmp51, $4  }
0x28b: {  	v2 =	vld.msk [tilespmem:s13+$0x68], vm1;
	[tilespmem:s10+$0x0 ss:$0x81] =	vst.msk vm1, v7  }
0x28c: {  	vm3 =	vlt.u32 v3, $0x8;
	v3 =	vld.msk [tilespmem:s13+$0x58], vm1;
	[tilespmem:s10+$0x0 ss:$0x81] =	vst.msk vm1, v8  }
0x28d: {  	vm2 =	vmand vm3, vm0;
	v4 =	vld.msk [tilespmem:s13+$0x48], vm1;
	[tilespmem:s10+$0x0 ss:$0x81] =	vst.msk vm1, v9  }
0x28e: {  	v5 =	vld.msk [tilespmem:s13+$0x38], vm3;
	[tilespmem:s10+$0x0 ss:$0x81] =	vst.msk vm1, v10  }
.LBB1_62:
0x28f: {  	_ =	sdelay $0x4  }
0x290: {  	[tilespmem:s10+$0x0 ss:$0x81] =	vst.msk vm1, v1  }
0x291: {  	[tilespmem:s10+$0x0 ss:$0x81] =	vst.msk vm1, v2  }
0x292: {  	[tilespmem:s10+$0x0 ss:$0x81] =	vst.msk vm1, v3  }
0x293: {  	[tilespmem:s10+$0x0 ss:$0x81] =	vst.msk vm1, v4  }
0x294: {  	[tilespmem:s10+$0x0 ss:$0x81] =	vst.msk vm2, v5  }
.LBB1_63:
.Ltmp52:
0x295: {  	(pc) =	sbr.rel @p2 .LBB1_66-.Ltmp52, $1  }
0x296: {  	_ =	sdelay $0x3  }
0x297: {  	s9 =	sshra.s32 s16, $0x2  }
0x298: {  	s10 =	smov.u32 s8;
	s9 =	sadd.s32 s9, s21  }
.LBB1_65:
0x299: {  	s11 =	sshrl.u32 s10, $0x4  }
0x29a: {  	s11 =	sadd.s32 s12, s11  }
0x29b: {  	s11 =	sshll.u32 s11, $0x3  }
0x29c: {  	v1 =	vor.u32 s10, v0;
	s11 =	sand.u32 $0x40, s11  }
0x29d: {  	s13 =	sand.u32 $0x70, s10;
	vm2 =	vlt.u32 v1, $0x8;
	s11 =	sadd.s32 s11, s24  }
0x29e: {  	s10 =	sadd.s32 $0x10, s10;
	vm3 =	vmand vm2, vm0;
	s11 =	sadd.s32 s13, s11  }
0x29f: {  	p4 =	slt.s32 s10, s2;
	v1 =	vld.msk [tilespmem:s11+$0x38], vm2  }
.Ltmp53:
0x2a0: {  	_ = 	snop;
	(pc) =	sbr.rel @p4 .LBB1_65-.Ltmp53, $2  }
0x2a1: {  	_ =	sdelay $0x2  }
0x2a2: {  	[tilespmem:s9+$0x0 ss:$0x81] =	vst.msk vm3, v1  }
.Ltmp54:
0x2a3: {  	_ = 	snop;
	(pc) =	sbr.rel .LBB1_66-.Ltmp54, $1  }
0x2a4: {  	_ =	sdelay $0x3  }
.LBB1_67:
.Ltmp55:
0x2a5: {  	(pc) =	sbr.rel @p3 .LBB1_77-.Ltmp55, $1  }
0x2a6: {  	_ =	sdelay $0x3  }
.Ltmp56:
0x2a7: {  	(pc) =	sbr.rel .LBB1_69-.Ltmp56, $3  }
0x2a8: {  	_ =	sdelay $0x1  }
0x2a9: {  	s9 =	sshra.s32 s22, $0x2  }
0x2aa: {  	s12 =	sadd.s32 s20, s3;
	s22 =	smov.u32 s7;
	s14 =	sadd.s32 s9, s27  }
.LBB1_76:
0x2ab: {  	s22 =	sadd.s32 $0x1, s22  }
0x2ac: {  	p4 =	sne.s32 s22, s1  }
.Ltmp57:
0x2ad: {  	_ = 	snop;
	(pc) =	sbr.rel @!p4 .LBB1_77-.Ltmp57, $1  }
0x2ae: {  	_ =	sdelay $0x3  }
.LBB1_69:
.Ltmp58:
0x2af: {  	(pc) =	sbr.rel @p1 .LBB1_73-.Ltmp58, $2  }
0x2b0: {  	_ =	sdelay $0x2  }
0x2b1: {  	s16 =	smul.u32 $0x1020, s22  }
0x2b2: {  	s9 =	sshll.u32 s22, $0x3  }
0x2b3: {  	s9 =	sand.u32 $0x78, s9  }
0x2b4: {  	s13 =	sadd.s32 s9, s12  }
0x2b5: {  	v9 =	vld.msk [tilespmem:s13+$0x70], vm1  }
0x2b6: {  	s11 =	sor.u32 s20, s9;
	s15 =	sxor.u32 $0x40, s9;
	v10 =	vld.msk [tilespmem:s13+$0x60], vm1  }
0x2b7: {  	s11 =	sxor.u32 $0x40, s11;
	s17 =	sadd.s32 s15, s12;
	v11 =	vld.msk [tilespmem:s13+$0x50], vm1  }
0x2b8: {  	s10 =	sshra.s32 s16, $0x2;
	s9 =	sadd.s32 s11, s3;
	v8 =	vld.msk [tilespmem:s17+$0x0], vm1  }
0x2b9: {  	s10 =	sadd.s32 s10, s21;
	v1 =	vld.msk [tilespmem:s9+$0x70], vm1  }
0x2ba: {  	v2 =	vld.msk [tilespmem:s9+$0x60], vm1;
	[tilespmem:s10+$0x0 ss:$0x81] =	vst.msk vm1, v9  }
0x2bb: {  	v3 =	vld.msk [tilespmem:s9+$0x50], vm1;
	[tilespmem:s10+$0x0 ss:$0x81] =	vst.msk vm1, v10  }
0x2bc: {  	v4 =	vld.msk [tilespmem:s9+$0x40], vm1;
	[tilespmem:s10+$0x0 ss:$0x81] =	vst.msk vm1, v11  }
0x2bd: {  	v5 =	vld.msk [tilespmem:s9+$0x30], vm1;
	[tilespmem:s10+$0x0 ss:$0x81] =	vst.msk vm1, v8  }
0x2be: {  	v6 =	vld.msk [tilespmem:s9+$0x20], vm1;
	[tilespmem:s10+$0x0 ss:$0x81] =	vst.msk vm1, v1  }
0x2bf: {  	p4 =	sgt.s32 s8, $0x100;
	v7 =	vld.msk [tilespmem:s9+$0x10], vm1;
	[tilespmem:s10+$0x0 ss:$0x81] =	vst.msk vm1, v2  }
.Ltmp59:
0x2c0: {  	s24 =	simm.s32 $0x0;
	[tilespmem:s10+$0x0 ss:$0x81] =	vst.msk vm1, v3;
	v1 =	vld.msk [tilespmem:s13+$0x40], vm1;
	(pc) =	sbr.rel @!p4 .LBB1_72-.Ltmp59, $4  }
0x2c1: {  	[tilespmem:s10+$0x0 ss:$0x81] =	vst.msk vm1, v4;
	v2 =	vld.msk [tilespmem:s13+$0x30], vm1;
	v4 =	vor.u32 s24, v0  }
0x2c2: {  	[tilespmem:s10+$0x0 ss:$0x81] =	vst.msk vm1, v5;
	v3 =	vld.msk [tilespmem:s13+$0x20], vm1;
	vm3 =	vlt.u32 v4, $0x8  }
0x2c3: {  	[tilespmem:s10+$0x0 ss:$0x81] =	vst.msk vm1, v6;
	v4 =	vld.msk [tilespmem:s13+$0x10], vm1;
	vm2 =	vmand vm3, vm0  }
0x2c4: {  	s11 =	simm.s32 $0x100;
	[tilespmem:s10+$0x0 ss:$0x81] =	vst.msk vm1, v7;
	v5 =	vld.msk [tilespmem:s13+$0x0], vm3  }
.LBB1_71:
0x2c5: {  	v6 =	vld.msk [tilespmem:s9+$0x70], vm1;
	[tilespmem:s10+$0x0 ss:$0x81] =	vst.msk vm1, v1  }
0x2c6: {  	v1 =	vld.msk [tilespmem:s9+$0x60], vm1;
	[tilespmem:s10+$0x0 ss:$0x81] =	vst.msk vm1, v2  }
0x2c7: {  	v2 =	vld.msk [tilespmem:s9+$0x50], vm1;
	[tilespmem:s10+$0x0 ss:$0x81] =	vst.msk vm1, v3  }
0x2c8: {  	v3 =	vld.msk [tilespmem:s9+$0x40], vm1;
	[tilespmem:s10+$0x0 ss:$0x81] =	vst.msk vm1, v4  }
0x2c9: {  	v4 =	vld.msk [tilespmem:s9+$0x30], vm1;
	[tilespmem:s10+$0x0 ss:$0x81] =	vst.msk vm2, v5  }
0x2ca: {  	v5 =	vld.msk [tilespmem:s9+$0x20], vm1;
	[tilespmem:s10+$0x0 ss:$0x81] =	vst.msk vm1, v6  }
0x2cb: {  	v6 =	vld.msk [tilespmem:s9+$0x10], vm1;
	[tilespmem:s10+$0x0 ss:$0x81] =	vst.msk vm1, v1  }
0x2cc: {  	v7 =	vld.msk [tilespmem:s17+$0x0], vm1;
	[tilespmem:s10+$0x0 ss:$0x81] =	vst.msk vm1, v2  }
0x2cd: {  	v8 =	vld.msk [tilespmem:s13+$0x70], vm1;
	[tilespmem:s10+$0x0 ss:$0x81] =	vst.msk vm1, v3  }
0x2ce: {  	v3 =	vor.u32 s11, v0;
	s11 =	sadd.s32 $0x100, s11;
	v9 =	vld.msk [tilespmem:s13+$0x60], vm1;
	[tilespmem:s10+$0x0 ss:$0x81] =	vst.msk vm1, v4  }
0x2cf: {  	p4 =	slt.s32 s11, s8;
	v10 =	vld.msk [tilespmem:s13+$0x50], vm1;
	[tilespmem:s10+$0x0 ss:$0x81] =	vst.msk vm1, v5  }
.Ltmp60:
0x2d0: {  	v1 =	vld.msk [tilespmem:s13+$0x40], vm1;
	[tilespmem:s10+$0x0 ss:$0x81] =	vst.msk vm1, v6;
	(pc) =	sbr.rel @p4 .LBB1_71-.Ltmp60, $4  }
0x2d1: {  	v2 =	vld.msk [tilespmem:s13+$0x30], vm1;
	[tilespmem:s10+$0x0 ss:$0x81] =	vst.msk vm1, v7  }
0x2d2: {  	vm3 =	vlt.u32 v3, $0x8;
	v3 =	vld.msk [tilespmem:s13+$0x20], vm1;
	[tilespmem:s10+$0x0 ss:$0x81] =	vst.msk vm1, v8  }
0x2d3: {  	vm2 =	vmand vm3, vm0;
	v4 =	vld.msk [tilespmem:s13+$0x10], vm1;
	[tilespmem:s10+$0x0 ss:$0x81] =	vst.msk vm1, v9  }
0x2d4: {  	v5 =	vld.msk [tilespmem:s13+$0x0], vm3;
	[tilespmem:s10+$0x0 ss:$0x81] =	vst.msk vm1, v10  }
.LBB1_72:
0x2d5: {  	_ =	sdelay $0x4  }
0x2d6: {  	[tilespmem:s10+$0x0 ss:$0x81] =	vst.msk vm1, v1  }
0x2d7: {  	[tilespmem:s10+$0x0 ss:$0x81] =	vst.msk vm1, v2  }
0x2d8: {  	[tilespmem:s10+$0x0 ss:$0x81] =	vst.msk vm1, v3  }
0x2d9: {  	[tilespmem:s10+$0x0 ss:$0x81] =	vst.msk vm1, v4  }
0x2da: {  	[tilespmem:s10+$0x0 ss:$0x81] =	vst.msk vm2, v5  }
.LBB1_73:
.Ltmp61:
0x2db: {  	(pc) =	sbr.rel @p2 .LBB1_76-.Ltmp61, $1  }
0x2dc: {  	_ =	sdelay $0x3  }
0x2dd: {  	s10 =	sshra.s32 s16, $0x2;
	s9 =	sshll.u32 s22, $0x7  }
0x2de: {  	s11 =	smov.u32 s5;
	s13 =	smov.u32 s8;
	s10 =	sadd.s32 s10, s21  }
.LBB1_75:
0x2df: {  	s15 =	sand.u32 $0x400, s11  }
0x2e0: {  	s15 =	sadd.s32 s9, s15  }
0x2e1: {  	s15 =	sshrl.u32 s15, $0x4  }
0x2e2: {  	v1 =	vor.u32 s13, v0;
	s15 =	sand.u32 $0x78, s15  }
0x2e3: {  	s16 =	sand.u32 $0x70, s13;
	vm2 =	vlt.u32 v1, $0x8;
	s15 =	sadd.s32 s15, s14  }
0x2e4: {  	s13 =	sadd.s32 $0x10, s13;
	vm3 =	vmand vm2, vm0;
	s15 =	sadd.s32 s16, s15  }
0x2e5: {  	p4 =	slt.s32 s13, s2;
	v1 =	vld.msk [tilespmem:s15+$0x0], vm2  }
.Ltmp62:
0x2e6: {  	_ = 	snop;
	(pc) =	sbr.rel @p4 .LBB1_75-.Ltmp62, $2  }
0x2e7: {  	_ =	sdelay $0x2  }
0x2e8: {  	s11 =	sadd.s32 $0x80, s11;
	[tilespmem:s10+$0x0 ss:$0x81] =	vst.msk vm3, v1  }
.Ltmp63:
0x2e9: {  	_ = 	snop;
	(pc) =	sbr.rel .LBB1_76-.Ltmp63, $1  }
0x2ea: {  	_ =	sdelay $0x3  }
.LBB1_82:
0x2eb: {  	_ =	sfence.sel $0x180000  }
0x2ec: {  	s0 =	simm.s32 $0x1;
	[bflag:$0x0] =	sbarrier.arrive $0xFFFF  }
0x2ed: {  	s30 =	simm.s32 $0x2;
	[sflag:s0] =	ssyncpa.u1 $0x1  }
0x2ee: {  	[sflag:s30] =	ssyncpa.u1 $0x1  }
0x2ef: {  	_ =	strace $0x9000004A  }
0x2f0: {  	s31 =	stileid.u32;
	[bflag:$0x2] =	sbarrier.arrive $0xFFFF  }
0x2f1: {  	p0 =	sne.s32 s31, $0x0;
	s0 =	rddreg [dreg:$0x2]  }
0x2f2: {  	s0 =	sadd.s32 @!p0 $0x100000, s0  }
0x2f3: {  	[sflag:s0] =	ssyncadd.tile.s32 @!p0 $0x1;
	_ =	shalt  }
.Lfunc_end1:
_tile_overlayer_lowered:
.L_overlay_start_2:
0x2f4: {  	(tag) =	ssettag $0x2  }
0x2f5: {  	s0 =	rddreg [dreg:$0x0];
	s2 =	stileid.u32  }
0x2f6: {  	s1 =	rddreg [dreg:$0x1];
	p0 =	sne.s32 s2, $0x0  }
0x2f7: {  	s3 =	rddreg [dreg:$0x2];
	[bflag:$0x3] =	sbarrier.arrive $0xFFFF;
	s2 =	simm.s32 @!p0 $0x1C01  }
0x2f8: {  	[timem:s3], [sflag:s2] =	dma.local @!p0 [hbm:s0], s1  }
0x2f9: {  	s0 =	simm.s32 @!p0 $0x1  }
0x2fa: {  	_ =	swait.ge @!p0 [sflag:s0], s1  }
0x2fb: {  	s1 =	ssub.s32 @!p0 $0x0, s1;
	[sflag:s0] =	ssyncset.done @!p0 $0x0  }
0x2fc: {  	[sflag:s0] =	ssyncadd.s32 @!p0 s1  }
0x2fd: {  	[bflag:$0x3] =	sbarrier.arrive $0xFFFF  }
0x2fe: {  	_ =	shalt  }

</sc_bundles>
